<compile_context>
chip_gen: v7x
topology: tpu7x:2x2x1
jax: 0.10.2.dev20260603
libtpu: 0.0.44.dev20260713+nightly
codegen_flags: <defaults>
</compile_context>

<pallas_src>
import functools

import jax
import jax.numpy as jnp
from jax import lax
from jax.experimental import pallas as pl
from jax.experimental.pallas import tpu as pltpu
from jax.experimental.pallas import tpu_sc as plsc

N = 10000
E = 320000
NC = 2
NS = 16
NT = NC * NS
K = 80
TROWS = E // (NT * K)
F = 64
WB = 624
WCH = 48
DEGF = 16

_mesh = plsc.VectorSubcoreMesh(core_axis_name="c", subcore_axis_name="s")


def _zero_fill(buf, rows, width):
  def body(i, carry):
    for j in range(width // 16):
      buf[i, pl.ds(j * 16, 16)] = jnp.zeros((16,), jnp.float32)
    return carry
  lax.fori_loop(0, rows, body, 0)


def _init_acc(acc, zbuf, s):
  for k in range(WB // WCH):
    pltpu.sync_copy(zbuf, acc.at[pl.ds(s * WB + k * WCH, WCH)])

  @pl.when(s == NS - 1)
  def _():
    pltpu.sync_copy(zbuf.at[pl.ds(0, 16)], acc.at[pl.ds(NS * WB, 16)])


def _write_out(acc, out_hbm, c, s):
  for k in range(WB // WCH):
    r = s * WB + k * WCH
    pltpu.sync_copy(acc.at[pl.ds(r, WCH)], out_hbm.at[c, pl.ds(r, WCH)])

  @pl.when(s == NS - 1)
  def _():
    pltpu.sync_copy(acc.at[pl.ds(NS * WB, 16)],
                    out_hbm.at[c, pl.ds(NS * WB, 16)])


def _sc_prop(npass):

  @functools.partial(
      pl.kernel,
      out_type=tuple(
          jax.ShapeDtypeStruct((NC, N, F), jnp.float32) for _ in range(npass)),
      mesh=_mesh,
      compiler_params=pltpu.CompilerParams(use_tc_tiling_on_sc=False),
      scratch_types=[
          pltpu.VMEM_SHARED((N, F), jnp.float32),
          pltpu.VMEM((TROWS, K), jnp.int32),
          pltpu.VMEM((TROWS, K), jnp.int32),
          pltpu.VMEM((2, K, F), jnp.float32),
          pltpu.VMEM((WCH, F), jnp.float32),
          pltpu.SemaphoreType.DMA,
      ],
  )
  def prop(*args):
    gs = args[:npass]
    row_hbm, col_hbm = args[npass], args[npass + 1]
    outs = args[npass + 2:npass + 2 + npass]
    acc, row_v, col_v, gbuf, zbuf, gsem = args[npass + 2 + npass:]

    c = lax.axis_index("c")
    s = lax.axis_index("s")
    t = c * NS + s

    _zero_fill(zbuf, WCH, F)
    pltpu.sync_copy(row_hbm.at[t], row_v)
    pltpu.sync_copy(col_hbm.at[t], col_v)

    for p in range(npass):
      g_hbm, out_hbm = gs[p], outs[p]
      _init_acc(acc, zbuf, s)
      plsc.subcore_barrier()

      pltpu.async_copy(g_hbm.at[row_v.at[0]], gbuf.at[0], gsem)

      def chunk(j, carry):
        slot = lax.rem(j, 2)
        nxt = lax.rem(j + 1, 2)

        @pl.when(j + 1 < TROWS)
        def _():
          pltpu.async_copy(g_hbm.at[row_v.at[j + 1]], gbuf.at[nxt], gsem)

        pltpu.make_async_copy(
            g_hbm.at[row_v.at[j]], gbuf.at[slot], gsem).wait()
        pltpu.sync_copy(gbuf.at[slot], acc.at[col_v.at[j]], add=True)
        return carry

      lax.fori_loop(0, TROWS, chunk, 0)

      plsc.subcore_barrier()
      _write_out(acc, out_hbm, c, s)

  return prop


_prop2 = _sc_prop(2)
_prop1 = _sc_prop(1)


@functools.partial(
    pl.kernel,
    out_type=jax.ShapeDtypeStruct((NC, N, DEGF), jnp.float32),
    mesh=_mesh,
    compiler_params=pltpu.CompilerParams(use_tc_tiling_on_sc=False),
    scratch_types=[
        pltpu.VMEM_SHARED((N, DEGF), jnp.float32),
        pltpu.VMEM((TROWS, K), jnp.int32),
        pltpu.VMEM((K, DEGF), jnp.float32),
        pltpu.VMEM((WCH, DEGF), jnp.float32),
    ],
)
def _sc_degree(col_hbm, out_hbm, acc, col_v, ones_v, zbuf):
  c = lax.axis_index("c")
  s = lax.axis_index("s")
  t = c * NS + s

  _zero_fill(zbuf, WCH, DEGF)

  def fill_ones(i, carry):
    ones_v[i, pl.ds(0, 16)] = jnp.ones((16,), jnp.float32)
    return carry
  lax.fori_loop(0, K, fill_ones, 0)

  _init_acc(acc, zbuf, s)
  pltpu.sync_copy(col_hbm.at[t], col_v)
  plsc.subcore_barrier()

  def chunk(j, carry):
    pltpu.sync_copy(ones_v, acc.at[col_v.at[j]], add=True)
    return carry
  lax.fori_loop(0, TROWS, chunk, 0)

  plsc.subcore_barrier()
  _write_out(acc, out_hbm, c, s)


_BLK = 1000


def _dinv_of(degp_ref):
  deg = degp_ref[0, :, 0] + degp_ref[1, :, 0] + 1.0
  return lax.rsqrt(deg)


def _tc_pre_body(x_ref, w_ref, degp_ref, ga_ref, gb_ref):
  dinv = _dinv_of(degp_ref)
  h = jnp.dot(x_ref[...], w_ref[...], preferred_element_type=jnp.float32)
  g = h * dinv[:, None]
  ga_ref[...] = g[:, :F]
  gb_ref[...] = g[:, F:]


def _tc_mid_body(acca_ref, accb_ref, ga_ref, gb_ref, degp_ref, b_ref, w_ref,
                 out_ref):
  dinv = _dinv_of(degp_ref)
  ha = acca_ref[0] + acca_ref[1] + ga_ref[...]
  hb = accb_ref[0] + accb_ref[1] + gb_ref[...]
  h = jnp.concatenate([ha, hb], axis=1) * dinv[:, None] + b_ref[...][None, :]
  h = jnp.maximum(h, 0.0)
  out_ref[...] = jnp.dot(
      h, w_ref[...], preferred_element_type=jnp.float32) * dinv[:, None]


def _tc_post_body(acc_ref, g_ref, degp_ref, b_ref, out_ref):
  dinv = _dinv_of(degp_ref)
  out_ref[...] = (acc_ref[0] + acc_ref[1] + g_ref[...]) * dinv[:, None] \
      + b_ref[...][None, :]


def _row_blocked(feat):
  return pl.BlockSpec((_BLK, feat), lambda i: (i, 0))


def _acc_blocked(feat):
  return pl.BlockSpec((NC, _BLK, feat), lambda i: (0, i, 0))


_degp_spec = pl.BlockSpec((NC, _BLK, DEGF), lambda i: (0, i, 0))


def _full(shape):
  return pl.BlockSpec(shape, lambda i: tuple(0 for _ in shape))


def kernel(x, edge_index, W1, b1, W2, b2):
  row = edge_index[0].astype(jnp.int32).reshape(NT, TROWS, K)
  col = edge_index[1].astype(jnp.int32).reshape(NT, TROWS, K)

  degp = _sc_degree(col)

  ga, gb = pl.pallas_call(
      _tc_pre_body,
      grid=(N // _BLK,),
      in_specs=[_row_blocked(128), _full((128, 128)), _degp_spec],
      out_specs=[_row_blocked(F), _row_blocked(F)],
      out_shape=[jax.ShapeDtypeStruct((N, F), jnp.float32)] * 2,
  )(x, W1, degp)

  acca, accb = _prop2(ga, gb, row, col)

  g2 = pl.pallas_call(
      _tc_mid_body,
      grid=(N // _BLK,),
      in_specs=[_acc_blocked(F), _acc_blocked(F), _row_blocked(F),
                _row_blocked(F), _degp_spec, _full((128,)), _full((128, 64))],
      out_specs=_row_blocked(64),
      out_shape=jax.ShapeDtypeStruct((N, 64), jnp.float32),
  )(acca, accb, ga, gb, degp, b1, W2)

  (acc2,) = _prop1(g2, row, col)

  out = pl.pallas_call(
      _tc_post_body,
      grid=(N // _BLK,),
      in_specs=[_acc_blocked(64), _row_blocked(64), _degp_spec, _full((64,))],
      out_specs=_row_blocked(64),
      out_shape=jax.ShapeDtypeStruct((N, 64), jnp.float32),
  )(acc2, g2, degp, b2)

  return out

# --- scband reference (transcript-rebuilt; emitter-appended) ---
"""Pipeline reference for scband-gcn-9483287789581 (READ-ONLY COPY).

The authoritative reference and input builder live on the scoring server;
editing this copy changes nothing except your own understanding.
"""

import jax, jax.numpy as jnp
import numpy as np

N_NODES = 10000
N_EDGES = 320000
IN_CH = 128
HID_CH = 128
OUT_CH = 64


def setup_inputs(seed: int = 0) -> dict:
    key = jax.random.key(seed)
    k1, k2, k3, k4, k5, k6 = jax.random.split(key, 6)
    x = jax.random.normal(k1, (N_NODES, IN_CH), dtype=jnp.float32)
    edge_index = jax.random.randint(k2, (2, N_EDGES), 0, N_NODES, dtype=jnp.int64)
    # Glorot-style init for GCNConv weights, zeros for bias (PyG defaults)
    W1 = jax.random.normal(k3, (IN_CH, HID_CH), dtype=jnp.float32) * (1.0 / np.sqrt(IN_CH))
    b1 = jnp.zeros((HID_CH,), dtype=jnp.float32)
    W2 = jax.random.normal(k4, (HID_CH, OUT_CH), dtype=jnp.float32) * (1.0 / np.sqrt(HID_CH))
    b2 = jnp.zeros((OUT_CH,), dtype=jnp.float32)
    return {"x": x, "edge_index": edge_index, "W1": W1, "b1": b1, "W2": W2, "b2": b2}


def _gcn_conv(x, edge_index, W, b):
    # GCNConv with normalize=True, add_self_loops=True (PyG defaults)
    n = x.shape[0]
    h = x @ W
    loop = jnp.arange(n, dtype=edge_index.dtype)
    row = jnp.concatenate([edge_index[0], loop])
    col = jnp.concatenate([edge_index[1], loop])
    deg = jnp.zeros((n,), dtype=h.dtype).at[col].add(1.0)
    dinv = jnp.where(deg > 0, deg ** -0.5, 0.0)
    norm = dinv[row] * dinv[col]
    msg = h[row] * norm[:, None]
    out = jnp.zeros((n, h.shape[1]), dtype=h.dtype).at[col].add(msg)
    return out + b


def reference(x, edge_index, W1, b1, W2, b2):
    h = _gcn_conv(x, edge_index, W1, b1)
    h = jax.nn.relu(h)
    # dropout is identity in eval mode (training=False)
    out = _gcn_conv(h, edge_index, W2, b2)
    return out

if __name__ == "__main__":
    import jax
    _d = setup_inputs()
    print(jax.jit(kernel)(*tuple(_d.values())))

</pallas_src>

<mosaic_0001>
#map = affine_map<(d0, d1) -> (0, 0)>
#map1 = affine_map<(d0, d1) -> (0, 0, 0)>
module attributes {stable_mosaic.version = 14 : i64} {
  func.func @prop(%arg0: i32, %arg1: i32, %arg2: memref<10000x64xf32, #tpu.memory_space<hbm>>, %arg3: memref<32x125x80xi32, #tpu.memory_space<hbm>>, %arg4: memref<32x125x80xi32, #tpu.memory_space<hbm>>, %arg5: memref<2x10000x64xf32, #tpu.memory_space<hbm>>, %arg6: memref<10000x64xf32, #tpu.memory_space<vmem_shared>>, %arg7: memref<125x80xi32, #tpu.memory_space<vmem>>, %arg8: memref<125x80xi32, #tpu.memory_space<vmem>>, %arg9: memref<2x80x64xf32, #tpu.memory_space<vmem>>, %arg10: memref<48x64xf32, #tpu.memory_space<vmem>>, %arg11: memref<!tpu.dma_semaphore, #tpu.memory_space<semaphore_mem>>) attributes {dimension_semantics = [#tpu.dimension_semantics<core_parallel>, #tpu.dimension_semantics<subcore_parallel>], iteration_bounds = array<i64: 2, 16>, scalar_prefetch = 0 : i64, scratch_operands = 6 : i64, tpu.core_type = #tpu.core_type<sc_vector_subcore>, window_params = [{transform_indices = #map}, {transform_indices = #map1}, {transform_indices = #map1}, {transform_indices = #map1}]} {
    %mul3A = arith.constant 16 : i32
    %mul3A_0 = arith.muli %arg0, %mul3A : i32
    %add3A = arith.addi %mul3A_0, %arg1 : i32
    %scan3A = arith.constant 0 : i32
    %scan3A_1 = arith.constant 0 : i32
    %scan3A_2 = arith.constant 48 : i32
    %scan3A_3 = arith.addi %scan3A_1, %scan3A_2 : i32
    %scan3A_4 = arith.constant 1 : i32
    scf.for %scan3A_135 = %scan3A_1 to %scan3A_3 step %scan3A_4  : i32 {
      %broadcast_in_dim3A = arith.constant 0.000000e+00 : f32
      %broadcast_in_dim3A_136 = vector.broadcast %broadcast_in_dim3A : f32 to vector<16xf32>
      %swap3A = arith.index_cast %scan3A_135 : i32 to index
      %swap3A_137 = arith.constant 0 : index
      %swap3A_138 = tpu.vector_load %arg10[%swap3A, %swap3A_137] {strides = array<i32>} : memref<48x64xf32, #tpu.memory_space<vmem>>, vector<1x16xf32>,
      %swap3A_139 = vector.shape_cast %swap3A_138 : vector<1x16xf32> to vector<16xf32>
      %swap3A_140 = vector.shape_cast %broadcast_in_dim3A_136 : vector<16xf32> to vector<1x16xf32>
      tpu.vector_store %arg10[%swap3A, %swap3A_137], %swap3A_140 {strides = array<i32>} : memref<48x64xf32, #tpu.memory_space<vmem>>, vector<1x16xf32>,
      %broadcast_in_dim3A_141 = arith.constant 0.000000e+00 : f32
      %broadcast_in_dim3A_142 = vector.broadcast %broadcast_in_dim3A_141 : f32 to vector<16xf32>
      %swap3A_143 = arith.index_cast %scan3A_135 : i32 to index
      %swap3A_144 = arith.constant 16 : index
      %swap3A_145 = tpu.vector_load %arg10[%swap3A_143, %swap3A_144] {strides = array<i32>} : memref<48x64xf32, #tpu.memory_space<vmem>>, vector<1x16xf32>,
      %swap3A_146 = vector.shape_cast %swap3A_145 : vector<1x16xf32> to vector<16xf32>
      %swap3A_147 = vector.shape_cast %broadcast_in_dim3A_142 : vector<16xf32> to vector<1x16xf32>
      tpu.vector_store %arg10[%swap3A_143, %swap3A_144], %swap3A_147 {strides = array<i32>} : memref<48x64xf32, #tpu.memory_space<vmem>>, vector<1x16xf32>,
      %broadcast_in_dim3A_148 = arith.constant 0.000000e+00 : f32
      %broadcast_in_dim3A_149 = vector.broadcast %broadcast_in_dim3A_148 : f32 to vector<16xf32>
      %swap3A_150 = arith.index_cast %scan3A_135 : i32 to index
      %swap3A_151 = arith.constant 32 : index
      %swap3A_152 = tpu.vector_load %arg10[%swap3A_150, %swap3A_151] {strides = array<i32>} : memref<48x64xf32, #tpu.memory_space<vmem>>, vector<1x16xf32>,
      %swap3A_153 = vector.shape_cast %swap3A_152 : vector<1x16xf32> to vector<16xf32>
      %swap3A_154 = vector.shape_cast %broadcast_in_dim3A_149 : vector<16xf32> to vector<1x16xf32>
      tpu.vector_store %arg10[%swap3A_150, %swap3A_151], %swap3A_154 {strides = array<i32>} : memref<48x64xf32, #tpu.memory_space<vmem>>, vector<1x16xf32>,
      %broadcast_in_dim3A_155 = arith.constant 0.000000e+00 : f32
      %broadcast_in_dim3A_156 = vector.broadcast %broadcast_in_dim3A_155 : f32 to vector<16xf32>
      %swap3A_157 = arith.index_cast %scan3A_135 : i32 to index
      %swap3A_158 = arith.constant 48 : index
      %swap3A_159 = tpu.vector_load %arg10[%swap3A_157, %swap3A_158] {strides = array<i32>} : memref<48x64xf32, #tpu.memory_space<vmem>>, vector<1x16xf32>,
      %swap3A_160 = vector.shape_cast %swap3A_159 : vector<1x16xf32> to vector<16xf32>
      %swap3A_161 = vector.shape_cast %broadcast_in_dim3A_156 : vector<16xf32> to vector<1x16xf32>
      tpu.vector_store %arg10[%swap3A_157, %swap3A_158], %swap3A_161 {strides = array<i32>} : memref<48x64xf32, #tpu.memory_space<vmem>>, vector<1x16xf32>,
    }
    %scan3A_5 = arith.constant 48 : i32
    "tpu.region"() ({
      %run_scoped3A = tpu.sem_alloc : memref<!tpu.dma_semaphore, #tpu.memory_space<semaphore_mem>>
      %dma_start3A_135 = arith.constant 0 : i32
      %dma_start3A_136 = arith.constant 0 : i32
      %dma_start3A_137 = tpu.memref_slice %arg3[%add3A, %dma_start3A_135, %dma_start3A_136] : memref<32x125x80xi32, #tpu.memory_space<hbm>> -> memref<1x125x80xi32, #tpu.memory_space<hbm>>
      %dma_start3A_138 = tpu.memref_squeeze %dma_start3A_137 : memref<1x125x80xi32, #tpu.memory_space<hbm>> -> memref<125x80xi32, #tpu.memory_space<hbm>>
      %dma_start3A_139 = arith.constant 0 : i32
      %dma_start3A_140 = arith.constant 0 : i32
      %dma_start3A_141 = tpu.memref_slice %arg3[%add3A, %dma_start3A_139, %dma_start3A_140] : memref<32x125x80xi32, #tpu.memory_space<hbm>> -> memref<1x125x80xi32, #tpu.memory_space<hbm>>
      %dma_start3A_142 = tpu.memref_squeeze %dma_start3A_141 : memref<1x125x80xi32, #tpu.memory_space<hbm>> -> memref<125x80xi32, #tpu.memory_space<hbm>>
      tpu.enqueue_dma source(%dma_start3A_142 : memref<125x80xi32, #tpu.memory_space<hbm>>) target(%arg7 : memref<125x80xi32, #tpu.memory_space<vmem>>) target_semaphore(%run_scoped3A : memref<!tpu.dma_semaphore, #tpu.memory_space<semaphore_mem>>)
      %dma_wait3A = arith.constant 0 : i32
      %dma_wait3A_143 = arith.constant 0 : i32
      %dma_wait3A_144 = tpu.memref_slice %arg3[%add3A, %dma_wait3A, %dma_wait3A_143] : memref<32x125x80xi32, #tpu.memory_space<hbm>> -> memref<1x125x80xi32, #tpu.memory_space<hbm>>
      %dma_wait3A_145 = tpu.memref_squeeze %dma_wait3A_144 : memref<1x125x80xi32, #tpu.memory_space<hbm>> -> memref<125x80xi32, #tpu.memory_space<hbm>>
      %dma_wait3A_146 = arith.constant 0 : i32
      %dma_wait3A_147 = arith.constant 0 : i32
      %dma_wait3A_148 = tpu.memref_slice %arg3[%add3A, %dma_wait3A_146, %dma_wait3A_147] : memref<32x125x80xi32, #tpu.memory_space<hbm>> -> memref<1x125x80xi32, #tpu.memory_space<hbm>>
      %dma_wait3A_149 = tpu.memref_squeeze %dma_wait3A_148 : memref<1x125x80xi32, #tpu.memory_space<hbm>> -> memref<125x80xi32, #tpu.memory_space<hbm>>
      tpu.wait_dma2 semaphore(%run_scoped3A : memref<!tpu.dma_semaphore, #tpu.memory_space<semaphore_mem>>) src(%dma_wait3A_149 : memref<125x80xi32, #tpu.memory_space<hbm>>) dst(%arg7 : memref<125x80xi32, #tpu.memory_space<vmem>>)
      tpu.yield
    }) : () -> ()
    "tpu.region"() ({
      %run_scoped3A = tpu.sem_alloc : memref<!tpu.dma_semaphore, #tpu.memory_space<semaphore_mem>>
      %dma_start3A_135 = arith.constant 0 : i32
      %dma_start3A_136 = arith.constant 0 : i32
      %dma_start3A_137 = tpu.memref_slice %arg4[%add3A, %dma_start3A_135, %dma_start3A_136] : memref<32x125x80xi32, #tpu.memory_space<hbm>> -> memref<1x125x80xi32, #tpu.memory_space<hbm>>
      %dma_start3A_138 = tpu.memref_squeeze %dma_start3A_137 : memref<1x125x80xi32, #tpu.memory_space<hbm>> -> memref<125x80xi32, #tpu.memory_space<hbm>>
      %dma_start3A_139 = arith.constant 0 : i32
      %dma_start3A_140 = arith.constant 0 : i32
      %dma_start3A_141 = tpu.memref_slice %arg4[%add3A, %dma_start3A_139, %dma_start3A_140] : memref<32x125x80xi32, #tpu.memory_space<hbm>> -> memref<1x125x80xi32, #tpu.memory_space<hbm>>
      %dma_start3A_142 = tpu.memref_squeeze %dma_start3A_141 : memref<1x125x80xi32, #tpu.memory_space<hbm>> -> memref<125x80xi32, #tpu.memory_space<hbm>>
      tpu.enqueue_dma source(%dma_start3A_142 : memref<125x80xi32, #tpu.memory_space<hbm>>) target(%arg8 : memref<125x80xi32, #tpu.memory_space<vmem>>) target_semaphore(%run_scoped3A : memref<!tpu.dma_semaphore, #tpu.memory_space<semaphore_mem>>)
      %dma_wait3A = arith.constant 0 : i32
      %dma_wait3A_143 = arith.constant 0 : i32
      %dma_wait3A_144 = tpu.memref_slice %arg4[%add3A, %dma_wait3A, %dma_wait3A_143] : memref<32x125x80xi32, #tpu.memory_space<hbm>> -> memref<1x125x80xi32, #tpu.memory_space<hbm>>
      %dma_wait3A_145 = tpu.memref_squeeze %dma_wait3A_144 : memref<1x125x80xi32, #tpu.memory_space<hbm>> -> memref<125x80xi32, #tpu.memory_space<hbm>>
      %dma_wait3A_146 = arith.constant 0 : i32
      %dma_wait3A_147 = arith.constant 0 : i32
      %dma_wait3A_148 = tpu.memref_slice %arg4[%add3A, %dma_wait3A_146, %dma_wait3A_147] : memref<32x125x80xi32, #tpu.memory_space<hbm>> -> memref<1x125x80xi32, #tpu.memory_space<hbm>>
      %dma_wait3A_149 = tpu.memref_squeeze %dma_wait3A_148 : memref<1x125x80xi32, #tpu.memory_space<hbm>> -> memref<125x80xi32, #tpu.memory_space<hbm>>
      tpu.wait_dma2 semaphore(%run_scoped3A : memref<!tpu.dma_semaphore, #tpu.memory_space<semaphore_mem>>) src(%dma_wait3A_149 : memref<125x80xi32, #tpu.memory_space<hbm>>) dst(%arg8 : memref<125x80xi32, #tpu.memory_space<vmem>>)
      tpu.yield
    }) : () -> ()
    %mul3A_6 = arith.constant 624 : i32
    %mul3A_7 = arith.muli %arg1, %mul3A_6 : i32
    %add3A_8 = arith.constant 0 : i32
    %add3A_9 = arith.addi %mul3A_7, %add3A_8 : i32
    "tpu.region"() ({
      %run_scoped3A = tpu.sem_alloc : memref<!tpu.dma_semaphore, #tpu.memory_space<semaphore_mem>>
      %dma_start3A_135 = arith.constant 0 : i32
      %dma_start3A_136 = tpu.memref_slice %arg6[%add3A_9, %dma_start3A_135] : memref<10000x64xf32, #tpu.memory_space<vmem_shared>> -> memref<48x64xf32, #tpu.memory_space<vmem_shared>>
      %dma_start3A_137 = arith.constant 0 : i32
      %dma_start3A_138 = tpu.memref_slice %arg6[%add3A_9, %dma_start3A_137] : memref<10000x64xf32, #tpu.memory_space<vmem_shared>> -> memref<48x64xf32, #tpu.memory_space<vmem_shared>>
      tpu.enqueue_dma source(%arg10 : memref<48x64xf32, #tpu.memory_space<vmem>>) target(%dma_start3A_138 : memref<48x64xf32, #tpu.memory_space<vmem_shared>>) target_semaphore(%run_scoped3A : memref<!tpu.dma_semaphore, #tpu.memory_space<semaphore_mem>>)
      %dma_wait3A = arith.constant 0 : i32
      %dma_wait3A_139 = tpu.memref_slice %arg6[%add3A_9, %dma_wait3A] : memref<10000x64xf32, #tpu.memory_space<vmem_shared>> -> memref<48x64xf32, #tpu.memory_space<vmem_shared>>
      %dma_wait3A_140 = arith.constant 0 : i32
      %dma_wait3A_141 = tpu.memref_slice %arg6[%add3A_9, %dma_wait3A_140] : memref<10000x64xf32, #tpu.memory_space<vmem_shared>> -> memref<48x64xf32, #tpu.memory_space<vmem_shared>>
      tpu.wait_dma2 semaphore(%run_scoped3A : memref<!tpu.dma_semaphore, #tpu.memory_space<semaphore_mem>>) src(%arg10 : memref<48x64xf32, #tpu.memory_space<vmem>>) dst(%dma_wait3A_141 : memref<48x64xf32, #tpu.memory_space<vmem_shared>>)
      tpu.yield
    }) : () -> ()
    %mul3A_10 = arith.constant 624 : i32
    %mul3A_11 = arith.muli %arg1, %mul3A_10 : i32
    %add3A_12 = arith.constant 48 : i32
    %add3A_13 = arith.addi %mul3A_11, %add3A_12 : i32
    "tpu.region"() ({
      %run_scoped3A = tpu.sem_alloc : memref<!tpu.dma_semaphore, #tpu.memory_space<semaphore_mem>>
      %dma_start3A_135 = arith.constant 0 : i32
      %dma_start3A_136 = tpu.memref_slice %arg6[%add3A_13, %dma_start3A_135] : memref<10000x64xf32, #tpu.memory_space<vmem_shared>> -> memref<48x64xf32, #tpu.memory_space<vmem_shared>>
      %dma_start3A_137 = arith.constant 0 : i32
      %dma_start3A_138 = tpu.memref_slice %arg6[%add3A_13, %dma_start3A_137] : memref<10000x64xf32, #tpu.memory_space<vmem_shared>> -> memref<48x64xf32, #tpu.memory_space<vmem_shared>>
      tpu.enqueue_dma source(%arg10 : memref<48x64xf32, #tpu.memory_space<vmem>>) target(%dma_start3A_138 : memref<48x64xf32, #tpu.memory_space<vmem_shared>>) target_semaphore(%run_scoped3A : memref<!tpu.dma_semaphore, #tpu.memory_space<semaphore_mem>>)
      %dma_wait3A = arith.constant 0 : i32
      %dma_wait3A_139 = tpu.memref_slice %arg6[%add3A_13, %dma_wait3A] : memref<10000x64xf32, #tpu.memory_space<vmem_shared>> -> memref<48x64xf32, #tpu.memory_space<vmem_shared>>
      %dma_wait3A_140 = arith.constant 0 : i32
      %dma_wait3A_141 = tpu.memref_slice %arg6[%add3A_13, %dma_wait3A_140] : memref<10000x64xf32, #tpu.memory_space<vmem_shared>> -> memref<48x64xf32, #tpu.memory_space<vmem_shared>>
      tpu.wait_dma2 semaphore(%run_scoped3A : memref<!tpu.dma_semaphore, #tpu.memory_space<semaphore_mem>>) src(%arg10 : memref<48x64xf32, #tpu.memory_space<vmem>>) dst(%dma_wait3A_141 : memref<48x64xf32, #tpu.memory_space<vmem_shared>>)
      tpu.yield
    }) : () -> ()
    %mul3A_14 = arith.constant 624 : i32
    %mul3A_15 = arith.muli %arg1, %mul3A_14 : i32
    %add3A_16 = arith.constant 96 : i32
    %add3A_17 = arith.addi %mul3A_15, %add3A_16 : i32
    "tpu.region"() ({
      %run_scoped3A = tpu.sem_alloc : memref<!tpu.dma_semaphore, #tpu.memory_space<semaphore_mem>>
      %dma_start3A_135 = arith.constant 0 : i32
      %dma_start3A_136 = tpu.memref_slice %arg6[%add3A_17, %dma_start3A_135] : memref<10000x64xf32, #tpu.memory_space<vmem_shared>> -> memref<48x64xf32, #tpu.memory_space<vmem_shared>>
      %dma_start3A_137 = arith.constant 0 : i32
      %dma_start3A_138 = tpu.memref_slice %arg6[%add3A_17, %dma_start3A_137] : memref<10000x64xf32, #tpu.memory_space<vmem_shared>> -> memref<48x64xf32, #tpu.memory_space<vmem_shared>>
      tpu.enqueue_dma source(%arg10 : memref<48x64xf32, #tpu.memory_space<vmem>>) target(%dma_start3A_138 : memref<48x64xf32, #tpu.memory_space<vmem_shared>>) target_semaphore(%run_scoped3A : memref<!tpu.dma_semaphore, #tpu.memory_space<semaphore_mem>>)
      %dma_wait3A = arith.constant 0 : i32
      %dma_wait3A_139 = tpu.memref_slice %arg6[%add3A_17, %dma_wait3A] : memref<10000x64xf32, #tpu.memory_space<vmem_shared>> -> memref<48x64xf32, #tpu.memory_space<vmem_shared>>
      %dma_wait3A_140 = arith.constant 0 : i32
      %dma_wait3A_141 = tpu.memref_slice %arg6[%add3A_17, %dma_wait3A_140] : memref<10000x64xf32, #tpu.memory_space<vmem_shared>> -> memref<48x64xf32, #tpu.memory_space<vmem_shared>>
      tpu.wait_dma2 semaphore(%run_scoped3A : memref<!tpu.dma_semaphore, #tpu.memory_space<semaphore_mem>>) src(%arg10 : memref<48x64xf32, #tpu.memory_space<vmem>>) dst(%dma_wait3A_141 : memref<48x64xf32, #tpu.memory_space<vmem_shared>>)
      tpu.yield
    }) : () -> ()
    %mul3A_18 = arith.constant 624 : i32
    %mul3A_19 = arith.muli %arg1, %mul3A_18 : i32
    %add3A_20 = arith.constant 144 : i32
    %add3A_21 = arith.addi %mul3A_19, %add3A_20 : i32
    "tpu.region"() ({
      %run_scoped3A = tpu.sem_alloc : memref<!tpu.dma_semaphore, #tpu.memory_space<semaphore_mem>>
      %dma_start3A_135 = arith.constant 0 : i32
      %dma_start3A_136 = tpu.memref_slice %arg6[%add3A_21, %dma_start3A_135] : memref<10000x64xf32, #tpu.memory_space<vmem_shared>> -> memref<48x64xf32, #tpu.memory_space<vmem_shared>>
      %dma_start3A_137 = arith.constant 0 : i32
      %dma_start3A_138 = tpu.memref_slice %arg6[%add3A_21, %dma_start3A_137] : memref<10000x64xf32, #tpu.memory_space<vmem_shared>> -> memref<48x64xf32, #tpu.memory_space<vmem_shared>>
      tpu.enqueue_dma source(%arg10 : memref<48x64xf32, #tpu.memory_space<vmem>>) target(%dma_start3A_138 : memref<48x64xf32, #tpu.memory_space<vmem_shared>>) target_semaphore(%run_scoped3A : memref<!tpu.dma_semaphore, #tpu.memory_space<semaphore_mem>>)
      %dma_wait3A = arith.constant 0 : i32
      %dma_wait3A_139 = tpu.memref_slice %arg6[%add3A_21, %dma_wait3A] : memref<10000x64xf32, #tpu.memory_space<vmem_shared>> -> memref<48x64xf32, #tpu.memory_space<vmem_shared>>
      %dma_wait3A_140 = arith.constant 0 : i32
      %dma_wait3A_141 = tpu.memref_slice %arg6[%add3A_21, %dma_wait3A_140] : memref<10000x64xf32, #tpu.memory_space<vmem_shared>> -> memref<48x64xf32, #tpu.memory_space<vmem_shared>>
      tpu.wait_dma2 semaphore(%run_scoped3A : memref<!tpu.dma_semaphore, #tpu.memory_space<semaphore_mem>>) src(%arg10 : memref<48x64xf32, #tpu.memory_space<vmem>>) dst(%dma_wait3A_141 : memref<48x64xf32, #tpu.memory_space<vmem_shared>>)
      tpu.yield
    }) : () -> ()
    %mul3A_22 = arith.constant 624 : i32
    %mul3A_23 = arith.muli %arg1, %mul3A_22 : i32
    %add3A_24 = arith.constant 192 : i32
    %add3A_25 = arith.addi %mul3A_23, %add3A_24 : i32
    "tpu.region"() ({
      %run_scoped3A = tpu.sem_alloc : memref<!tpu.dma_semaphore, #tpu.memory_space<semaphore_mem>>
      %dma_start3A_135 = arith.constant 0 : i32
      %dma_start3A_136 = tpu.memref_slice %arg6[%add3A_25, %dma_start3A_135] : memref<10000x64xf32, #tpu.memory_space<vmem_shared>> -> memref<48x64xf32, #tpu.memory_space<vmem_shared>>
      %dma_start3A_137 = arith.constant 0 : i32
      %dma_start3A_138 = tpu.memref_slice %arg6[%add3A_25, %dma_start3A_137] : memref<10000x64xf32, #tpu.memory_space<vmem_shared>> -> memref<48x64xf32, #tpu.memory_space<vmem_shared>>
      tpu.enqueue_dma source(%arg10 : memref<48x64xf32, #tpu.memory_space<vmem>>) target(%dma_start3A_138 : memref<48x64xf32, #tpu.memory_space<vmem_shared>>) target_semaphore(%run_scoped3A : memref<!tpu.dma_semaphore, #tpu.memory_space<semaphore_mem>>)
      %dma_wait3A = arith.constant 0 : i32
      %dma_wait3A_139 = tpu.memref_slice %arg6[%add3A_25, %dma_wait3A] : memref<10000x64xf32, #tpu.memory_space<vmem_shared>> -> memref<48x64xf32, #tpu.memory_space<vmem_shared>>
      %dma_wait3A_140 = arith.constant 0 : i32
      %dma_wait3A_141 = tpu.memref_slice %arg6[%add3A_25, %dma_wait3A_140] : memref<10000x64xf32, #tpu.memory_space<vmem_shared>> -> memref<48x64xf32, #tpu.memory_space<vmem_shared>>
      tpu.wait_dma2 semaphore(%run_scoped3A : memref<!tpu.dma_semaphore, #tpu.memory_space<semaphore_mem>>) src(%arg10 : memref<48x64xf32, #tpu.memory_space<vmem>>) dst(%dma_wait3A_141 : memref<48x64xf32, #tpu.memory_space<vmem_shared>>)
      tpu.yield
    }) : () -> ()
    %mul3A_26 = arith.constant 624 : i32
    %mul3A_27 = arith.muli %arg1, %mul3A_26 : i32
    %add3A_28 = arith.constant 240 : i32
    %add3A_29 = arith.addi %mul3A_27, %add3A_28 : i32
    "tpu.region"() ({
      %run_scoped3A = tpu.sem_alloc : memref<!tpu.dma_semaphore, #tpu.memory_space<semaphore_mem>>
      %dma_start3A_135 = arith.constant 0 : i32
      %dma_start3A_136 = tpu.memref_slice %arg6[%add3A_29, %dma_start3A_135] : memref<10000x64xf32, #tpu.memory_space<vmem_shared>> -> memref<48x64xf32, #tpu.memory_space<vmem_shared>>
      %dma_start3A_137 = arith.constant 0 : i32
      %dma_start3A_138 = tpu.memref_slice %arg6[%add3A_29, %dma_start3A_137] : memref<10000x64xf32, #tpu.memory_space<vmem_shared>> -> memref<48x64xf32, #tpu.memory_space<vmem_shared>>
      tpu.enqueue_dma source(%arg10 : memref<48x64xf32, #tpu.memory_space<vmem>>) target(%dma_start3A_138 : memref<48x64xf32, #tpu.memory_space<vmem_shared>>) target_semaphore(%run_scoped3A : memref<!tpu.dma_semaphore, #tpu.memory_space<semaphore_mem>>)
      %dma_wait3A = arith.constant 0 : i32
      %dma_wait3A_139 = tpu.memref_slice %arg6[%add3A_29, %dma_wait3A] : memref<10000x64xf32, #tpu.memory_space<vmem_shared>> -> memref<48x64xf32, #tpu.memory_space<vmem_shared>>
      %dma_wait3A_140 = arith.constant 0 : i32
      %dma_wait3A_141 = tpu.memref_slice %arg6[%add3A_29, %dma_wait3A_140] : memref<10000x64xf32, #tpu.memory_space<vmem_shared>> -> memref<48x64xf32, #tpu.memory_space<vmem_shared>>
      tpu.wait_dma2 semaphore(%run_scoped3A : memref<!tpu.dma_semaphore, #tpu.memory_space<semaphore_mem>>) src(%arg10 : memref<48x64xf32, #tpu.memory_space<vmem>>) dst(%dma_wait3A_141 : memref<48x64xf32, #tpu.memory_space<vmem_shared>>)
      tpu.yield
    }) : () -> ()
    %mul3A_30 = arith.constant 624 : i32
    %mul3A_31 = arith.muli %arg1, %mul3A_30 : i32
    %add3A_32 = arith.constant 288 : i32
    %add3A_33 = arith.addi %mul3A_31, %add3A_32 : i32
    "tpu.region"() ({
      %run_scoped3A = tpu.sem_alloc : memref<!tpu.dma_semaphore, #tpu.memory_space<semaphore_mem>>
      %dma_start3A_135 = arith.constant 0 : i32
      %dma_start3A_136 = tpu.memref_slice %arg6[%add3A_33, %dma_start3A_135] : memref<10000x64xf32, #tpu.memory_space<vmem_shared>> -> memref<48x64xf32, #tpu.memory_space<vmem_shared>>
      %dma_start3A_137 = arith.constant 0 : i32
      %dma_start3A_138 = tpu.memref_slice %arg6[%add3A_33, %dma_start3A_137] : memref<10000x64xf32, #tpu.memory_space<vmem_shared>> -> memref<48x64xf32, #tpu.memory_space<vmem_shared>>
      tpu.enqueue_dma source(%arg10 : memref<48x64xf32, #tpu.memory_space<vmem>>) target(%dma_start3A_138 : memref<48x64xf32, #tpu.memory_space<vmem_shared>>) target_semaphore(%run_scoped3A : memref<!tpu.dma_semaphore, #tpu.memory_space<semaphore_mem>>)
      %dma_wait3A = arith.constant 0 : i32
      %dma_wait3A_139 = tpu.memref_slice %arg6[%add3A_33, %dma_wait3A] : memref<10000x64xf32, #tpu.memory_space<vmem_shared>> -> memref<48x64xf32, #tpu.memory_space<vmem_shared>>
      %dma_wait3A_140 = arith.constant 0 : i32
      %dma_wait3A_141 = tpu.memref_slice %arg6[%add3A_33, %dma_wait3A_140] : memref<10000x64xf32, #tpu.memory_space<vmem_shared>> -> memref<48x64xf32, #tpu.memory_space<vmem_shared>>
      tpu.wait_dma2 semaphore(%run_scoped3A : memref<!tpu.dma_semaphore, #tpu.memory_space<semaphore_mem>>) src(%arg10 : memref<48x64xf32, #tpu.memory_space<vmem>>) dst(%dma_wait3A_141 : memref<48x64xf32, #tpu.memory_space<vmem_shared>>)
      tpu.yield
    }) : () -> ()
    %mul3A_34 = arith.constant 624 : i32
    %mul3A_35 = arith.muli %arg1, %mul3A_34 : i32
    %add3A_36 = arith.constant 336 : i32
    %add3A_37 = arith.addi %mul3A_35, %add3A_36 : i32
    "tpu.region"() ({
      %run_scoped3A = tpu.sem_alloc : memref<!tpu.dma_semaphore, #tpu.memory_space<semaphore_mem>>
      %dma_start3A_135 = arith.constant 0 : i32
      %dma_start3A_136 = tpu.memref_slice %arg6[%add3A_37, %dma_start3A_135] : memref<10000x64xf32, #tpu.memory_space<vmem_shared>> -> memref<48x64xf32, #tpu.memory_space<vmem_shared>>
      %dma_start3A_137 = arith.constant 0 : i32
      %dma_start3A_138 = tpu.memref_slice %arg6[%add3A_37, %dma_start3A_137] : memref<10000x64xf32, #tpu.memory_space<vmem_shared>> -> memref<48x64xf32, #tpu.memory_space<vmem_shared>>
      tpu.enqueue_dma source(%arg10 : memref<48x64xf32, #tpu.memory_space<vmem>>) target(%dma_start3A_138 : memref<48x64xf32, #tpu.memory_space<vmem_shared>>) target_semaphore(%run_scoped3A : memref<!tpu.dma_semaphore, #tpu.memory_space<semaphore_mem>>)
      %dma_wait3A = arith.constant 0 : i32
      %dma_wait3A_139 = tpu.memref_slice %arg6[%add3A_37, %dma_wait3A] : memref<10000x64xf32, #tpu.memory_space<vmem_shared>> -> memref<48x64xf32, #tpu.memory_space<vmem_shared>>
      %dma_wait3A_140 = arith.constant 0 : i32
      %dma_wait3A_141 = tpu.memref_slice %arg6[%add3A_37, %dma_wait3A_140] : memref<10000x64xf32, #tpu.memory_space<vmem_shared>> -> memref<48x64xf32, #tpu.memory_space<vmem_shared>>
      tpu.wait_dma2 semaphore(%run_scoped3A : memref<!tpu.dma_semaphore, #tpu.memory_space<semaphore_mem>>) src(%arg10 : memref<48x64xf32, #tpu.memory_space<vmem>>) dst(%dma_wait3A_141 : memref<48x64xf32, #tpu.memory_space<vmem_shared>>)
      tpu.yield
    }) : () -> ()
    %mul3A_38 = arith.constant 624 : i32
    %mul3A_39 = arith.muli %arg1, %mul3A_38 : i32
    %add3A_40 = arith.constant 384 : i32
    %add3A_41 = arith.addi %mul3A_39, %add3A_40 : i32
    "tpu.region"() ({
      %run_scoped3A = tpu.sem_alloc : memref<!tpu.dma_semaphore, #tpu.memory_space<semaphore_mem>>
      %dma_start3A_135 = arith.constant 0 : i32
      %dma_start3A_136 = tpu.memref_slice %arg6[%add3A_41, %dma_start3A_135] : memref<10000x64xf32, #tpu.memory_space<vmem_shared>> -> memref<48x64xf32, #tpu.memory_space<vmem_shared>>
      %dma_start3A_137 = arith.constant 0 : i32
      %dma_start3A_138 = tpu.memref_slice %arg6[%add3A_41, %dma_start3A_137] : memref<10000x64xf32, #tpu.memory_space<vmem_shared>> -> memref<48x64xf32, #tpu.memory_space<vmem_shared>>
      tpu.enqueue_dma source(%arg10 : memref<48x64xf32, #tpu.memory_space<vmem>>) target(%dma_start3A_138 : memref<48x64xf32, #tpu.memory_space<vmem_shared>>) target_semaphore(%run_scoped3A : memref<!tpu.dma_semaphore, #tpu.memory_space<semaphore_mem>>)
      %dma_wait3A = arith.constant 0 : i32
      %dma_wait3A_139 = tpu.memref_slice %arg6[%add3A_41, %dma_wait3A] : memref<10000x64xf32, #tpu.memory_space<vmem_shared>> -> memref<48x64xf32, #tpu.memory_space<vmem_shared>>
      %dma_wait3A_140 = arith.constant 0 : i32
      %dma_wait3A_141 = tpu.memref_slice %arg6[%add3A_41, %dma_wait3A_140] : memref<10000x64xf32, #tpu.memory_space<vmem_shared>> -> memref<48x64xf32, #tpu.memory_space<vmem_shared>>
      tpu.wait_dma2 semaphore(%run_scoped3A : memref<!tpu.dma_semaphore, #tpu.memory_space<semaphore_mem>>) src(%arg10 : memref<48x64xf32, #tpu.memory_space<vmem>>) dst(%dma_wait3A_141 : memref<48x64xf32, #tpu.memory_space<vmem_shared>>)
      tpu.yield
    }) : () -> ()
    %mul3A_42 = arith.constant 624 : i32
    %mul3A_43 = arith.muli %arg1, %mul3A_42 : i32
    %add3A_44 = arith.constant 432 : i32
    %add3A_45 = arith.addi %mul3A_43, %add3A_44 : i32
    "tpu.region"() ({
      %run_scoped3A = tpu.sem_alloc : memref<!tpu.dma_semaphore, #tpu.memory_space<semaphore_mem>>
      %dma_start3A_135 = arith.constant 0 : i32
      %dma_start3A_136 = tpu.memref_slice %arg6[%add3A_45, %dma_start3A_135] : memref<10000x64xf32, #tpu.memory_space<vmem_shared>> -> memref<48x64xf32, #tpu.memory_space<vmem_shared>>
      %dma_start3A_137 = arith.constant 0 : i32
      %dma_start3A_138 = tpu.memref_slice %arg6[%add3A_45, %dma_start3A_137] : memref<10000x64xf32, #tpu.memory_space<vmem_shared>> -> memref<48x64xf32, #tpu.memory_space<vmem_shared>>
      tpu.enqueue_dma source(%arg10 : memref<48x64xf32, #tpu.memory_space<vmem>>) target(%dma_start3A_138 : memref<48x64xf32, #tpu.memory_space<vmem_shared>>) target_semaphore(%run_scoped3A : memref<!tpu.dma_semaphore, #tpu.memory_space<semaphore_mem>>)
      %dma_wait3A = arith.constant 0 : i32
      %dma_wait3A_139 = tpu.memref_slice %arg6[%add3A_45, %dma_wait3A] : memref<10000x64xf32, #tpu.memory_space<vmem_shared>> -> memref<48x64xf32, #tpu.memory_space<vmem_shared>>
      %dma_wait3A_140 = arith.constant 0 : i32
      %dma_wait3A_141 = tpu.memref_slice %arg6[%add3A_45, %dma_wait3A_140] : memref<10000x64xf32, #tpu.memory_space<vmem_shared>> -> memref<48x64xf32, #tpu.memory_space<vmem_shared>>
      tpu.wait_dma2 semaphore(%run_scoped3A : memref<!tpu.dma_semaphore, #tpu.memory_space<semaphore_mem>>) src(%arg10 : memref<48x64xf32, #tpu.memory_space<vmem>>) dst(%dma_wait3A_141 : memref<48x64xf32, #tpu.memory_space<vmem_shared>>)
      tpu.yield
    }) : () -> ()
    %mul3A_46 = arith.constant 624 : i32
    %mul3A_47 = arith.muli %arg1, %mul3A_46 : i32
    %add3A_48 = arith.constant 480 : i32
    %add3A_49 = arith.addi %mul3A_47, %add3A_48 : i32
    "tpu.region"() ({
      %run_scoped3A = tpu.sem_alloc : memref<!tpu.dma_semaphore, #tpu.memory_space<semaphore_mem>>
      %dma_start3A_135 = arith.constant 0 : i32
      %dma_start3A_136 = tpu.memref_slice %arg6[%add3A_49, %dma_start3A_135] : memref<10000x64xf32, #tpu.memory_space<vmem_shared>> -> memref<48x64xf32, #tpu.memory_space<vmem_shared>>
      %dma_start3A_137 = arith.constant 0 : i32
      %dma_start3A_138 = tpu.memref_slice %arg6[%add3A_49, %dma_start3A_137] : memref<10000x64xf32, #tpu.memory_space<vmem_shared>> -> memref<48x64xf32, #tpu.memory_space<vmem_shared>>
      tpu.enqueue_dma source(%arg10 : memref<48x64xf32, #tpu.memory_space<vmem>>) target(%dma_start3A_138 : memref<48x64xf32, #tpu.memory_space<vmem_shared>>) target_semaphore(%run_scoped3A : memref<!tpu.dma_semaphore, #tpu.memory_space<semaphore_mem>>)
      %dma_wait3A = arith.constant 0 : i32
      %dma_wait3A_139 = tpu.memref_slice %arg6[%add3A_49, %dma_wait3A] : memref<10000x64xf32, #tpu.memory_space<vmem_shared>> -> memref<48x64xf32, #tpu.memory_space<vmem_shared>>
      %dma_wait3A_140 = arith.constant 0 : i32
      %dma_wait3A_141 = tpu.memref_slice %arg6[%add3A_49, %dma_wait3A_140] : memref<10000x64xf32, #tpu.memory_space<vmem_shared>> -> memref<48x64xf32, #tpu.memory_space<vmem_shared>>
      tpu.wait_dma2 semaphore(%run_scoped3A : memref<!tpu.dma_semaphore, #tpu.memory_space<semaphore_mem>>) src(%arg10 : memref<48x64xf32, #tpu.memory_space<vmem>>) dst(%dma_wait3A_141 : memref<48x64xf32, #tpu.memory_space<vmem_shared>>)
      tpu.yield
    }) : () -> ()
    %mul3A_50 = arith.constant 624 : i32
    %mul3A_51 = arith.muli %arg1, %mul3A_50 : i32
    %add3A_52 = arith.constant 528 : i32
    %add3A_53 = arith.addi %mul3A_51, %add3A_52 : i32
    "tpu.region"() ({
      %run_scoped3A = tpu.sem_alloc : memref<!tpu.dma_semaphore, #tpu.memory_space<semaphore_mem>>
      %dma_start3A_135 = arith.constant 0 : i32
      %dma_start3A_136 = tpu.memref_slice %arg6[%add3A_53, %dma_start3A_135] : memref<10000x64xf32, #tpu.memory_space<vmem_shared>> -> memref<48x64xf32, #tpu.memory_space<vmem_shared>>
      %dma_start3A_137 = arith.constant 0 : i32
      %dma_start3A_138 = tpu.memref_slice %arg6[%add3A_53, %dma_start3A_137] : memref<10000x64xf32, #tpu.memory_space<vmem_shared>> -> memref<48x64xf32, #tpu.memory_space<vmem_shared>>
      tpu.enqueue_dma source(%arg10 : memref<48x64xf32, #tpu.memory_space<vmem>>) target(%dma_start3A_138 : memref<48x64xf32, #tpu.memory_space<vmem_shared>>) target_semaphore(%run_scoped3A : memref<!tpu.dma_semaphore, #tpu.memory_space<semaphore_mem>>)
      %dma_wait3A = arith.constant 0 : i32
      %dma_wait3A_139 = tpu.memref_slice %arg6[%add3A_53, %dma_wait3A] : memref<10000x64xf32, #tpu.memory_space<vmem_shared>> -> memref<48x64xf32, #tpu.memory_space<vmem_shared>>
      %dma_wait3A_140 = arith.constant 0 : i32
      %dma_wait3A_141 = tpu.memref_slice %arg6[%add3A_53, %dma_wait3A_140] : memref<10000x64xf32, #tpu.memory_space<vmem_shared>> -> memref<48x64xf32, #tpu.memory_space<vmem_shared>>
      tpu.wait_dma2 semaphore(%run_scoped3A : memref<!tpu.dma_semaphore, #tpu.memory_space<semaphore_mem>>) src(%arg10 : memref<48x64xf32, #tpu.memory_space<vmem>>) dst(%dma_wait3A_141 : memref<48x64xf32, #tpu.memory_space<vmem_shared>>)
      tpu.yield
    }) : () -> ()
    %mul3A_54 = arith.constant 624 : i32
    %mul3A_55 = arith.muli %arg1, %mul3A_54 : i32
    %add3A_56 = arith.constant 576 : i32
    %add3A_57 = arith.addi %mul3A_55, %add3A_56 : i32
    "tpu.region"() ({
      %run_scoped3A = tpu.sem_alloc : memref<!tpu.dma_semaphore, #tpu.memory_space<semaphore_mem>>
      %dma_start3A_135 = arith.constant 0 : i32
      %dma_start3A_136 = tpu.memref_slice %arg6[%add3A_57, %dma_start3A_135] : memref<10000x64xf32, #tpu.memory_space<vmem_shared>> -> memref<48x64xf32, #tpu.memory_space<vmem_shared>>
      %dma_start3A_137 = arith.constant 0 : i32
      %dma_start3A_138 = tpu.memref_slice %arg6[%add3A_57, %dma_start3A_137] : memref<10000x64xf32, #tpu.memory_space<vmem_shared>> -> memref<48x64xf32, #tpu.memory_space<vmem_shared>>
      tpu.enqueue_dma source(%arg10 : memref<48x64xf32, #tpu.memory_space<vmem>>) target(%dma_start3A_138 : memref<48x64xf32, #tpu.memory_space<vmem_shared>>) target_semaphore(%run_scoped3A : memref<!tpu.dma_semaphore, #tpu.memory_space<semaphore_mem>>)
      %dma_wait3A = arith.constant 0 : i32
      %dma_wait3A_139 = tpu.memref_slice %arg6[%add3A_57, %dma_wait3A] : memref<10000x64xf32, #tpu.memory_space<vmem_shared>> -> memref<48x64xf32, #tpu.memory_space<vmem_shared>>
      %dma_wait3A_140 = arith.constant 0 : i32
      %dma_wait3A_141 = tpu.memref_slice %arg6[%add3A_57, %dma_wait3A_140] : memref<10000x64xf32, #tpu.memory_space<vmem_shared>> -> memref<48x64xf32, #tpu.memory_space<vmem_shared>>
      tpu.wait_dma2 semaphore(%run_scoped3A : memref<!tpu.dma_semaphore, #tpu.memory_space<semaphore_mem>>) src(%arg10 : memref<48x64xf32, #tpu.memory_space<vmem>>) dst(%dma_wait3A_141 : memref<48x64xf32, #tpu.memory_space<vmem_shared>>)
      tpu.yield
    }) : () -> ()
    %eq3A = arith.constant 15 : i32
    %eq3A_58 = arith.cmpi eq, %arg1, %eq3A : i32
    %convert_element_type3A = arith.extui %eq3A_58 : i1 to i32
    %cond3A = arith.constant 0 : i32
    %cond3A_59 = arith.cmpi ne, %convert_element_type3A, %cond3A : i32
    scf.if %cond3A_59 {
      "tpu.region"() ({
        %run_scoped3A = tpu.sem_alloc : memref<!tpu.dma_semaphore, #tpu.memory_space<semaphore_mem>>
        %dma_start3A_135 = arith.constant 0 : i32
        %dma_start3A_136 = arith.constant 0 : i32
        %dma_start3A_137 = tpu.memref_slice %arg10[%dma_start3A_135, %dma_start3A_136] : memref<48x64xf32, #tpu.memory_space<vmem>> -> memref<16x64xf32, #tpu.memory_space<vmem>>
        %dma_start3A_138 = arith.constant 9984 : i32
        %dma_start3A_139 = arith.constant 0 : i32
        %dma_start3A_140 = tpu.memref_slice %arg6[%dma_start3A_138, %dma_start3A_139] : memref<10000x64xf32, #tpu.memory_space<vmem_shared>> -> memref<16x64xf32, #tpu.memory_space<vmem_shared>>
        %dma_start3A_141 = arith.constant 9984 : i32
        %dma_start3A_142 = arith.constant 0 : i32
        %dma_start3A_143 = tpu.memref_slice %arg6[%dma_start3A_141, %dma_start3A_142] : memref<10000x64xf32, #tpu.memory_space<vmem_shared>> -> memref<16x64xf32, #tpu.memory_space<vmem_shared>>
        %dma_start3A_144 = arith.constant 0 : i32
        %dma_start3A_145 = arith.constant 0 : i32
        %dma_start3A_146 = tpu.memref_slice %arg10[%dma_start3A_144, %dma_start3A_145] : memref<48x64xf32, #tpu.memory_space<vmem>> -> memref<16x64xf32, #tpu.memory_space<vmem>>
        tpu.enqueue_dma source(%dma_start3A_146 : memref<16x64xf32, #tpu.memory_space<vmem>>) target(%dma_start3A_143 : memref<16x64xf32, #tpu.memory_space<vmem_shared>>) target_semaphore(%run_scoped3A : memref<!tpu.dma_semaphore, #tpu.memory_space<semaphore_mem>>)
        %dma_wait3A = arith.constant 0 : i32
        %dma_wait3A_147 = arith.constant 0 : i32
        %dma_wait3A_148 = tpu.memref_slice %arg10[%dma_wait3A, %dma_wait3A_147] : memref<48x64xf32, #tpu.memory_space<vmem>> -> memref<16x64xf32, #tpu.memory_space<vmem>>
        %dma_wait3A_149 = arith.constant 9984 : i32
        %dma_wait3A_150 = arith.constant 0 : i32
        %dma_wait3A_151 = tpu.memref_slice %arg6[%dma_wait3A_149, %dma_wait3A_150] : memref<10000x64xf32, #tpu.memory_space<vmem_shared>> -> memref<16x64xf32, #tpu.memory_space<vmem_shared>>
        %dma_wait3A_152 = arith.constant 9984 : i32
        %dma_wait3A_153 = arith.constant 0 : i32
        %dma_wait3A_154 = tpu.memref_slice %arg6[%dma_wait3A_152, %dma_wait3A_153] : memref<10000x64xf32, #tpu.memory_space<vmem_shared>> -> memref<16x64xf32, #tpu.memory_space<vmem_shared>>
        %dma_wait3A_155 = arith.constant 0 : i32
        %dma_wait3A_156 = arith.constant 0 : i32
        %dma_wait3A_157 = tpu.memref_slice %arg10[%dma_wait3A_155, %dma_wait3A_156] : memref<48x64xf32, #tpu.memory_space<vmem>> -> memref<16x64xf32, #tpu.memory_space<vmem>>
        tpu.wait_dma2 semaphore(%run_scoped3A : memref<!tpu.dma_semaphore, #tpu.memory_space<semaphore_mem>>) src(%dma_wait3A_157 : memref<16x64xf32, #tpu.memory_space<vmem>>) dst(%dma_wait3A_154 : memref<16x64xf32, #tpu.memory_space<vmem_shared>>)
        tpu.yield
      }) : () -> ()
    } else {
    }
    %barrier3A = arith.constant 0 : index
    tpu.barrier barrier_id(%barrier3A)
    %dma_start3A = arith.constant 0 : i32
    %dma_start3A_60 = arith.constant 0 : i32
    %dma_start3A_61 = arith.constant 0 : i32
    %dma_start3A_62 = arith.constant 0 : i32
    %dma_start3A_63 = tpu.memref_slice %arg9[%dma_start3A_60, %dma_start3A_61, %dma_start3A_62] : memref<2x80x64xf32, #tpu.memory_space<vmem>> -> memref<1x80x64xf32, #tpu.memory_space<vmem>>
    %dma_start3A_64 = tpu.memref_squeeze %dma_start3A_63 : memref<1x80x64xf32, #tpu.memory_space<vmem>> -> memref<80x64xf32, #tpu.memory_space<vmem>>
    %dma_start3A_65 = arith.constant 0 : i32
    %dma_start3A_66 = tpu.memref_slice %arg7[%dma_start3A, %dma_start3A_65] : memref<125x80xi32, #tpu.memory_space<vmem>> -> memref<1x80xi32, #tpu.memory_space<vmem>>
    %dma_start3A_67 = tpu.memref_squeeze %dma_start3A_66 : memref<1x80xi32, #tpu.memory_space<vmem>> -> memref<80xi32, #tpu.memory_space<vmem>>
    %dma_start3A_68 = arith.constant 0 : i32
    %dma_start3A_69 = arith.constant 0 : i32
    %dma_start3A_70 = tpu.memref_slice %arg2[%dma_start3A_68, %dma_start3A_69] : memref<10000x64xf32, #tpu.memory_space<hbm>> -> memref<10000x64xf32, #tpu.memory_space<hbm>>
    tpu.enqueue_indirect_dma source(%dma_start3A_70 : memref<10000x64xf32, #tpu.memory_space<hbm>>) target(%dma_start3A_64 : memref<80x64xf32, #tpu.memory_space<vmem>>) offsets(%dma_start3A_67 : memref<80xi32, #tpu.memory_space<vmem>>) semaphore(%arg11 : memref<!tpu.dma_semaphore, #tpu.memory_space<semaphore_mem>>)
    %scan3A_71 = arith.constant 0 : i32
    %scan3A_72 = arith.constant 0 : i32
    %scan3A_73 = arith.constant 125 : i32
    %scan3A_74 = arith.addi %scan3A_72, %scan3A_73 : i32
    %scan3A_75 = arith.constant 1 : i32
    scf.for %scan3A_135 = %scan3A_72 to %scan3A_74 step %scan3A_75  : i32 {
      %rem3A = arith.constant 2 : i32
      %rem3A_136 = arith.remsi %scan3A_135, %rem3A : i32
      %add3A_137 = arith.constant 1 : i32
      %add3A_138 = arith.addi %scan3A_135, %add3A_137 : i32
      %rem3A_139 = arith.constant 2 : i32
      %rem3A_140 = arith.remsi %add3A_138, %rem3A_139 : i32
      %add3A_141 = arith.constant 1 : i32
      %add3A_142 = arith.addi %scan3A_135, %add3A_141 : i32
      %lt3A = arith.constant 125 : i32
      %lt3A_143 = arith.cmpi slt, %add3A_142, %lt3A : i32
      %convert_element_type3A_144 = arith.extui %lt3A_143 : i1 to i32
      %cond3A_145 = arith.constant 0 : i32
      %cond3A_146 = arith.cmpi ne, %convert_element_type3A_144, %cond3A_145 : i32
      scf.if %cond3A_146 {
        %add3A_156 = arith.constant 1 : i32
        %add3A_157 = arith.addi %scan3A_135, %add3A_156 : i32
        %dma_start3A_158 = arith.constant 0 : i32
        %dma_start3A_159 = arith.constant 0 : i32
        %dma_start3A_160 = tpu.memref_slice %arg9[%rem3A_140, %dma_start3A_158, %dma_start3A_159] : memref<2x80x64xf32, #tpu.memory_space<vmem>> -> memref<1x80x64xf32, #tpu.memory_space<vmem>>
        %dma_start3A_161 = tpu.memref_squeeze %dma_start3A_160 : memref<1x80x64xf32, #tpu.memory_space<vmem>> -> memref<80x64xf32, #tpu.memory_space<vmem>>
        %dma_start3A_162 = arith.constant 0 : i32
        %dma_start3A_163 = tpu.memref_slice %arg7[%add3A_157, %dma_start3A_162] : memref<125x80xi32, #tpu.memory_space<vmem>> -> memref<1x80xi32, #tpu.memory_space<vmem>>
        %dma_start3A_164 = tpu.memref_squeeze %dma_start3A_163 : memref<1x80xi32, #tpu.memory_space<vmem>> -> memref<80xi32, #tpu.memory_space<vmem>>
        %dma_start3A_165 = arith.constant 0 : i32
        %dma_start3A_166 = arith.constant 0 : i32
        %dma_start3A_167 = tpu.memref_slice %arg2[%dma_start3A_165, %dma_start3A_166] : memref<10000x64xf32, #tpu.memory_space<hbm>> -> memref<10000x64xf32, #tpu.memory_space<hbm>>
        tpu.enqueue_indirect_dma source(%dma_start3A_167 : memref<10000x64xf32, #tpu.memory_space<hbm>>) target(%dma_start3A_161 : memref<80x64xf32, #tpu.memory_space<vmem>>) offsets(%dma_start3A_164 : memref<80xi32, #tpu.memory_space<vmem>>) semaphore(%arg11 : memref<!tpu.dma_semaphore, #tpu.memory_space<semaphore_mem>>)
      } else {
      }
      %dma_wait3A = arith.constant 0 : i32
      %dma_wait3A_147 = arith.constant 0 : i32
      %dma_wait3A_148 = tpu.memref_slice %arg9[%rem3A_136, %dma_wait3A, %dma_wait3A_147] : memref<2x80x64xf32, #tpu.memory_space<vmem>> -> memref<1x80x64xf32, #tpu.memory_space<vmem>>
      %dma_wait3A_149 = tpu.memref_squeeze %dma_wait3A_148 : memref<1x80x64xf32, #tpu.memory_space<vmem>> -> memref<80x64xf32, #tpu.memory_space<vmem>>
      %dma_wait3A_150 = arith.constant 0 : i32
      %dma_wait3A_151 = tpu.memref_slice %arg7[%scan3A_135, %dma_wait3A_150] : memref<125x80xi32, #tpu.memory_space<vmem>> -> memref<1x80xi32, #tpu.memory_space<vmem>>
      %dma_wait3A_152 = tpu.memref_squeeze %dma_wait3A_151 : memref<1x80xi32, #tpu.memory_space<vmem>> -> memref<80xi32, #tpu.memory_space<vmem>>
      %dma_wait3A_153 = arith.constant 0 : i32
      %dma_wait3A_154 = arith.constant 0 : i32
      %dma_wait3A_155 = tpu.memref_slice %arg2[%dma_wait3A_153, %dma_wait3A_154] : memref<10000x64xf32, #tpu.memory_space<hbm>> -> memref<10000x64xf32, #tpu.memory_space<hbm>>
      tpu.wait_indirect_dma semaphore(%arg11 : memref<!tpu.dma_semaphore, #tpu.memory_space<semaphore_mem>>) src(%dma_wait3A_155 : memref<10000x64xf32, #tpu.memory_space<hbm>>) dst(%dma_wait3A_149 : memref<80x64xf32, #tpu.memory_space<vmem>>)
      "tpu.region"() ({
        %run_scoped3A = tpu.sem_alloc : memref<!tpu.dma_semaphore, #tpu.memory_space<semaphore_mem>>
        %dma_start3A_156 = arith.constant 0 : i32
        %dma_start3A_157 = arith.constant 0 : i32
        %dma_start3A_158 = tpu.memref_slice %arg9[%rem3A_136, %dma_start3A_156, %dma_start3A_157] : memref<2x80x64xf32, #tpu.memory_space<vmem>> -> memref<1x80x64xf32, #tpu.memory_space<vmem>>
        %dma_start3A_159 = tpu.memref_squeeze %dma_start3A_158 : memref<1x80x64xf32, #tpu.memory_space<vmem>> -> memref<80x64xf32, #tpu.memory_space<vmem>>
        %dma_start3A_160 = arith.constant 0 : i32
        %dma_start3A_161 = tpu.memref_slice %arg8[%scan3A_135, %dma_start3A_160] : memref<125x80xi32, #tpu.memory_space<vmem>> -> memref<1x80xi32, #tpu.memory_space<vmem>>
        %dma_start3A_162 = tpu.memref_squeeze %dma_start3A_161 : memref<1x80xi32, #tpu.memory_space<vmem>> -> memref<80xi32, #tpu.memory_space<vmem>>
        %dma_start3A_163 = arith.constant 0 : i32
        %dma_start3A_164 = arith.constant 0 : i32
        %dma_start3A_165 = tpu.memref_slice %arg6[%dma_start3A_163, %dma_start3A_164] : memref<10000x64xf32, #tpu.memory_space<vmem_shared>> -> memref<10000x64xf32, #tpu.memory_space<vmem_shared>>
        tpu.enqueue_indirect_dma source(%dma_start3A_159 : memref<80x64xf32, #tpu.memory_space<vmem>>) target(%dma_start3A_165 : memref<10000x64xf32, #tpu.memory_space<vmem_shared>>) offsets(%dma_start3A_162 : memref<80xi32, #tpu.memory_space<vmem>>) semaphore(%run_scoped3A : memref<!tpu.dma_semaphore, #tpu.memory_space<semaphore_mem>>) {add = true}
        %dma_wait3A_166 = arith.constant 0 : i32
        %dma_wait3A_167 = arith.constant 0 : i32
        %dma_wait3A_168 = tpu.memref_slice %arg9[%rem3A_136, %dma_wait3A_166, %dma_wait3A_167] : memref<2x80x64xf32, #tpu.memory_space<vmem>> -> memref<1x80x64xf32, #tpu.memory_space<vmem>>
        %dma_wait3A_169 = tpu.memref_squeeze %dma_wait3A_168 : memref<1x80x64xf32, #tpu.memory_space<vmem>> -> memref<80x64xf32, #tpu.memory_space<vmem>>
        %dma_wait3A_170 = arith.constant 0 : i32
        %dma_wait3A_171 = tpu.memref_slice %arg8[%scan3A_135, %dma_wait3A_170] : memref<125x80xi32, #tpu.memory_space<vmem>> -> memref<1x80xi32, #tpu.memory_space<vmem>>
        %dma_wait3A_172 = tpu.memref_squeeze %dma_wait3A_171 : memref<1x80xi32, #tpu.memory_space<vmem>> -> memref<80xi32, #tpu.memory_space<vmem>>
        %dma_wait3A_173 = arith.constant 0 : i32
        %dma_wait3A_174 = arith.constant 0 : i32
        %dma_wait3A_175 = tpu.memref_slice %arg6[%dma_wait3A_173, %dma_wait3A_174] : memref<10000x64xf32, #tpu.memory_space<vmem_shared>> -> memref<10000x64xf32, #tpu.memory_space<vmem_shared>>
        tpu.wait_indirect_dma semaphore(%run_scoped3A : memref<!tpu.dma_semaphore, #tpu.memory_space<semaphore_mem>>) src(%dma_wait3A_169 : memref<80x64xf32, #tpu.memory_space<vmem>>) dst(%dma_wait3A_175 : memref<10000x64xf32, #tpu.memory_space<vmem_shared>>)
        tpu.yield
      }) : () -> ()
    }
    %scan3A_76 = arith.constant 125 : i32
    %barrier3A_77 = arith.constant 0 : index
    tpu.barrier barrier_id(%barrier3A_77)
    %mul3A_78 = arith.constant 624 : i32
    %mul3A_79 = arith.muli %arg1, %mul3A_78 : i32
    %add3A_80 = arith.constant 0 : i32
    %add3A_81 = arith.addi %mul3A_79, %add3A_80 : i32
    "tpu.region"() ({
      %run_scoped3A = tpu.sem_alloc : memref<!tpu.dma_semaphore, #tpu.memory_space<semaphore_mem>>
      %dma_start3A_135 = arith.constant 0 : i32
      %dma_start3A_136 = tpu.memref_slice %arg5[%arg0, %add3A_81, %dma_start3A_135] : memref<2x10000x64xf32, #tpu.memory_space<hbm>> -> memref<1x48x64xf32, #tpu.memory_space<hbm>>
      %dma_start3A_137 = tpu.memref_squeeze %dma_start3A_136 : memref<1x48x64xf32, #tpu.memory_space<hbm>> -> memref<48x64xf32, #tpu.memory_space<hbm>>
      %dma_start3A_138 = arith.constant 0 : i32
      %dma_start3A_139 = tpu.memref_slice %arg6[%add3A_81, %dma_start3A_138] : memref<10000x64xf32, #tpu.memory_space<vmem_shared>> -> memref<48x64xf32, #tpu.memory_space<vmem_shared>>
      tpu.enqueue_dma source(%dma_start3A_139 : memref<48x64xf32, #tpu.memory_space<vmem_shared>>) target(%dma_start3A_137 : memref<48x64xf32, #tpu.memory_space<hbm>>) target_semaphore(%run_scoped3A : memref<!tpu.dma_semaphore, #tpu.memory_space<semaphore_mem>>)
      %dma_wait3A = arith.constant 0 : i32
      %dma_wait3A_140 = tpu.memref_slice %arg5[%arg0, %add3A_81, %dma_wait3A] : memref<2x10000x64xf32, #tpu.memory_space<hbm>> -> memref<1x48x64xf32, #tpu.memory_space<hbm>>
      %dma_wait3A_141 = tpu.memref_squeeze %dma_wait3A_140 : memref<1x48x64xf32, #tpu.memory_space<hbm>> -> memref<48x64xf32, #tpu.memory_space<hbm>>
      %dma_wait3A_142 = arith.constant 0 : i32
      %dma_wait3A_143 = tpu.memref_slice %arg6[%add3A_81, %dma_wait3A_142] : memref<10000x64xf32, #tpu.memory_space<vmem_shared>> -> memref<48x64xf32, #tpu.memory_space<vmem_shared>>
      tpu.wait_dma2 semaphore(%run_scoped3A : memref<!tpu.dma_semaphore, #tpu.memory_space<semaphore_mem>>) src(%dma_wait3A_143 : memref<48x64xf32, #tpu.memory_space<vmem_shared>>) dst(%dma_wait3A_141 : memref<48x64xf32, #tpu.memory_space<hbm>>)
      tpu.yield
    }) : () -> ()
    %mul3A_82 = arith.constant 624 : i32
    %mul3A_83 = arith.muli %arg1, %mul3A_82 : i32
    %add3A_84 = arith.constant 48 : i32
    %add3A_85 = arith.addi %mul3A_83, %add3A_84 : i32
    "tpu.region"() ({
      %run_scoped3A = tpu.sem_alloc : memref<!tpu.dma_semaphore, #tpu.memory_space<semaphore_mem>>
      %dma_start3A_135 = arith.constant 0 : i32
      %dma_start3A_136 = tpu.memref_slice %arg5[%arg0, %add3A_85, %dma_start3A_135] : memref<2x10000x64xf32, #tpu.memory_space<hbm>> -> memref<1x48x64xf32, #tpu.memory_space<hbm>>
      %dma_start3A_137 = tpu.memref_squeeze %dma_start3A_136 : memref<1x48x64xf32, #tpu.memory_space<hbm>> -> memref<48x64xf32, #tpu.memory_space<hbm>>
      %dma_start3A_138 = arith.constant 0 : i32
      %dma_start3A_139 = tpu.memref_slice %arg6[%add3A_85, %dma_start3A_138] : memref<10000x64xf32, #tpu.memory_space<vmem_shared>> -> memref<48x64xf32, #tpu.memory_space<vmem_shared>>
      tpu.enqueue_dma source(%dma_start3A_139 : memref<48x64xf32, #tpu.memory_space<vmem_shared>>) target(%dma_start3A_137 : memref<48x64xf32, #tpu.memory_space<hbm>>) target_semaphore(%run_scoped3A : memref<!tpu.dma_semaphore, #tpu.memory_space<semaphore_mem>>)
      %dma_wait3A = arith.constant 0 : i32
      %dma_wait3A_140 = tpu.memref_slice %arg5[%arg0, %add3A_85, %dma_wait3A] : memref<2x10000x64xf32, #tpu.memory_space<hbm>> -> memref<1x48x64xf32, #tpu.memory_space<hbm>>
      %dma_wait3A_141 = tpu.memref_squeeze %dma_wait3A_140 : memref<1x48x64xf32, #tpu.memory_space<hbm>> -> memref<48x64xf32, #tpu.memory_space<hbm>>
      %dma_wait3A_142 = arith.constant 0 : i32
      %dma_wait3A_143 = tpu.memref_slice %arg6[%add3A_85, %dma_wait3A_142] : memref<10000x64xf32, #tpu.memory_space<vmem_shared>> -> memref<48x64xf32, #tpu.memory_space<vmem_shared>>
      tpu.wait_dma2 semaphore(%run_scoped3A : memref<!tpu.dma_semaphore, #tpu.memory_space<semaphore_mem>>) src(%dma_wait3A_143 : memref<48x64xf32, #tpu.memory_space<vmem_shared>>) dst(%dma_wait3A_141 : memref<48x64xf32, #tpu.memory_space<hbm>>)
      tpu.yield
    }) : () -> ()
    %mul3A_86 = arith.constant 624 : i32
    %mul3A_87 = arith.muli %arg1, %mul3A_86 : i32
    %add3A_88 = arith.constant 96 : i32
    %add3A_89 = arith.addi %mul3A_87, %add3A_88 : i32
    "tpu.region"() ({
      %run_scoped3A = tpu.sem_alloc : memref<!tpu.dma_semaphore, #tpu.memory_space<semaphore_mem>>
      %dma_start3A_135 = arith.constant 0 : i32
      %dma_start3A_136 = tpu.memref_slice %arg5[%arg0, %add3A_89, %dma_start3A_135] : memref<2x10000x64xf32, #tpu.memory_space<hbm>> -> memref<1x48x64xf32, #tpu.memory_space<hbm>>
      %dma_start3A_137 = tpu.memref_squeeze %dma_start3A_136 : memref<1x48x64xf32, #tpu.memory_space<hbm>> -> memref<48x64xf32, #tpu.memory_space<hbm>>
      %dma_start3A_138 = arith.constant 0 : i32
      %dma_start3A_139 = tpu.memref_slice %arg6[%add3A_89, %dma_start3A_138] : memref<10000x64xf32, #tpu.memory_space<vmem_shared>> -> memref<48x64xf32, #tpu.memory_space<vmem_shared>>
      tpu.enqueue_dma source(%dma_start3A_139 : memref<48x64xf32, #tpu.memory_space<vmem_shared>>) target(%dma_start3A_137 : memref<48x64xf32, #tpu.memory_space<hbm>>) target_semaphore(%run_scoped3A : memref<!tpu.dma_semaphore, #tpu.memory_space<semaphore_mem>>)
      %dma_wait3A = arith.constant 0 : i32
      %dma_wait3A_140 = tpu.memref_slice %arg5[%arg0, %add3A_89, %dma_wait3A] : memref<2x10000x64xf32, #tpu.memory_space<hbm>> -> memref<1x48x64xf32, #tpu.memory_space<hbm>>
      %dma_wait3A_141 = tpu.memref_squeeze %dma_wait3A_140 : memref<1x48x64xf32, #tpu.memory_space<hbm>> -> memref<48x64xf32, #tpu.memory_space<hbm>>
      %dma_wait3A_142 = arith.constant 0 : i32
      %dma_wait3A_143 = tpu.memref_slice %arg6[%add3A_89, %dma_wait3A_142] : memref<10000x64xf32, #tpu.memory_space<vmem_shared>> -> memref<48x64xf32, #tpu.memory_space<vmem_shared>>
      tpu.wait_dma2 semaphore(%run_scoped3A : memref<!tpu.dma_semaphore, #tpu.memory_space<semaphore_mem>>) src(%dma_wait3A_143 : memref<48x64xf32, #tpu.memory_space<vmem_shared>>) dst(%dma_wait3A_141 : memref<48x64xf32, #tpu.memory_space<hbm>>)
      tpu.yield
    }) : () -> ()
    %mul3A_90 = arith.constant 624 : i32
    %mul3A_91 = arith.muli %arg1, %mul3A_90 : i32
    %add3A_92 = arith.constant 144 : i32
    %add3A_93 = arith.addi %mul3A_91, %add3A_92 : i32
    "tpu.region"() ({
      %run_scoped3A = tpu.sem_alloc : memref<!tpu.dma_semaphore, #tpu.memory_space<semaphore_mem>>
      %dma_start3A_135 = arith.constant 0 : i32
      %dma_start3A_136 = tpu.memref_slice %arg5[%arg0, %add3A_93, %dma_start3A_135] : memref<2x10000x64xf32, #tpu.memory_space<hbm>> -> memref<1x48x64xf32, #tpu.memory_space<hbm>>
      %dma_start3A_137 = tpu.memref_squeeze %dma_start3A_136 : memref<1x48x64xf32, #tpu.memory_space<hbm>> -> memref<48x64xf32, #tpu.memory_space<hbm>>
      %dma_start3A_138 = arith.constant 0 : i32
      %dma_start3A_139 = tpu.memref_slice %arg6[%add3A_93, %dma_start3A_138] : memref<10000x64xf32, #tpu.memory_space<vmem_shared>> -> memref<48x64xf32, #tpu.memory_space<vmem_shared>>
      tpu.enqueue_dma source(%dma_start3A_139 : memref<48x64xf32, #tpu.memory_space<vmem_shared>>) target(%dma_start3A_137 : memref<48x64xf32, #tpu.memory_space<hbm>>) target_semaphore(%run_scoped3A : memref<!tpu.dma_semaphore, #tpu.memory_space<semaphore_mem>>)
      %dma_wait3A = arith.constant 0 : i32
      %dma_wait3A_140 = tpu.memref_slice %arg5[%arg0, %add3A_93, %dma_wait3A] : memref<2x10000x64xf32, #tpu.memory_space<hbm>> -> memref<1x48x64xf32, #tpu.memory_space<hbm>>
      %dma_wait3A_141 = tpu.memref_squeeze %dma_wait3A_140 : memref<1x48x64xf32, #tpu.memory_space<hbm>> -> memref<48x64xf32, #tpu.memory_space<hbm>>
      %dma_wait3A_142 = arith.constant 0 : i32
      %dma_wait3A_143 = tpu.memref_slice %arg6[%add3A_93, %dma_wait3A_142] : memref<10000x64xf32, #tpu.memory_space<vmem_shared>> -> memref<48x64xf32, #tpu.memory_space<vmem_shared>>
      tpu.wait_dma2 semaphore(%run_scoped3A : memref<!tpu.dma_semaphore, #tpu.memory_space<semaphore_mem>>) src(%dma_wait3A_143 : memref<48x64xf32, #tpu.memory_space<vmem_shared>>) dst(%dma_wait3A_141 : memref<48x64xf32, #tpu.memory_space<hbm>>)
      tpu.yield
    }) : () -> ()
    %mul3A_94 = arith.constant 624 : i32
    %mul3A_95 = arith.muli %arg1, %mul3A_94 : i32
    %add3A_96 = arith.constant 192 : i32
    %add3A_97 = arith.addi %mul3A_95, %add3A_96 : i32
    "tpu.region"() ({
      %run_scoped3A = tpu.sem_alloc : memref<!tpu.dma_semaphore, #tpu.memory_space<semaphore_mem>>
      %dma_start3A_135 = arith.constant 0 : i32
      %dma_start3A_136 = tpu.memref_slice %arg5[%arg0, %add3A_97, %dma_start3A_135] : memref<2x10000x64xf32, #tpu.memory_space<hbm>> -> memref<1x48x64xf32, #tpu.memory_space<hbm>>
      %dma_start3A_137 = tpu.memref_squeeze %dma_start3A_136 : memref<1x48x64xf32, #tpu.memory_space<hbm>> -> memref<48x64xf32, #tpu.memory_space<hbm>>
      %dma_start3A_138 = arith.constant 0 : i32
      %dma_start3A_139 = tpu.memref_slice %arg6[%add3A_97, %dma_start3A_138] : memref<10000x64xf32, #tpu.memory_space<vmem_shared>> -> memref<48x64xf32, #tpu.memory_space<vmem_shared>>
      tpu.enqueue_dma source(%dma_start3A_139 : memref<48x64xf32, #tpu.memory_space<vmem_shared>>) target(%dma_start3A_137 : memref<48x64xf32, #tpu.memory_space<hbm>>) target_semaphore(%run_scoped3A : memref<!tpu.dma_semaphore, #tpu.memory_space<semaphore_mem>>)
      %dma_wait3A = arith.constant 0 : i32
      %dma_wait3A_140 = tpu.memref_slice %arg5[%arg0, %add3A_97, %dma_wait3A] : memref<2x10000x64xf32, #tpu.memory_space<hbm>> -> memref<1x48x64xf32, #tpu.memory_space<hbm>>
      %dma_wait3A_141 = tpu.memref_squeeze %dma_wait3A_140 : memref<1x48x64xf32, #tpu.memory_space<hbm>> -> memref<48x64xf32, #tpu.memory_space<hbm>>
      %dma_wait3A_142 = arith.constant 0 : i32
      %dma_wait3A_143 = tpu.memref_slice %arg6[%add3A_97, %dma_wait3A_142] : memref<10000x64xf32, #tpu.memory_space<vmem_shared>> -> memref<48x64xf32, #tpu.memory_space<vmem_shared>>
      tpu.wait_dma2 semaphore(%run_scoped3A : memref<!tpu.dma_semaphore, #tpu.memory_space<semaphore_mem>>) src(%dma_wait3A_143 : memref<48x64xf32, #tpu.memory_space<vmem_shared>>) dst(%dma_wait3A_141 : memref<48x64xf32, #tpu.memory_space<hbm>>)
      tpu.yield
    }) : () -> ()
    %mul3A_98 = arith.constant 624 : i32
    %mul3A_99 = arith.muli %arg1, %mul3A_98 : i32
    %add3A_100 = arith.constant 240 : i32
    %add3A_101 = arith.addi %mul3A_99, %add3A_100 : i32
    "tpu.region"() ({
      %run_scoped3A = tpu.sem_alloc : memref<!tpu.dma_semaphore, #tpu.memory_space<semaphore_mem>>
      %dma_start3A_135 = arith.constant 0 : i32
      %dma_start3A_136 = tpu.memref_slice %arg5[%arg0, %add3A_101, %dma_start3A_135] : memref<2x10000x64xf32, #tpu.memory_space<hbm>> -> memref<1x48x64xf32, #tpu.memory_space<hbm>>
      %dma_start3A_137 = tpu.memref_squeeze %dma_start3A_136 : memref<1x48x64xf32, #tpu.memory_space<hbm>> -> memref<48x64xf32, #tpu.memory_space<hbm>>
      %dma_start3A_138 = arith.constant 0 : i32
      %dma_start3A_139 = tpu.memref_slice %arg6[%add3A_101, %dma_start3A_138] : memref<10000x64xf32, #tpu.memory_space<vmem_shared>> -> memref<48x64xf32, #tpu.memory_space<vmem_shared>>
      tpu.enqueue_dma source(%dma_start3A_139 : memref<48x64xf32, #tpu.memory_space<vmem_shared>>) target(%dma_start3A_137 : memref<48x64xf32, #tpu.memory_space<hbm>>) target_semaphore(%run_scoped3A : memref<!tpu.dma_semaphore, #tpu.memory_space<semaphore_mem>>)
      %dma_wait3A = arith.constant 0 : i32
      %dma_wait3A_140 = tpu.memref_slice %arg5[%arg0, %add3A_101, %dma_wait3A] : memref<2x10000x64xf32, #tpu.memory_space<hbm>> -> memref<1x48x64xf32, #tpu.memory_space<hbm>>
      %dma_wait3A_141 = tpu.memref_squeeze %dma_wait3A_140 : memref<1x48x64xf32, #tpu.memory_space<hbm>> -> memref<48x64xf32, #tpu.memory_space<hbm>>
      %dma_wait3A_142 = arith.constant 0 : i32
      %dma_wait3A_143 = tpu.memref_slice %arg6[%add3A_101, %dma_wait3A_142] : memref<10000x64xf32, #tpu.memory_space<vmem_shared>> -> memref<48x64xf32, #tpu.memory_space<vmem_shared>>
      tpu.wait_dma2 semaphore(%run_scoped3A : memref<!tpu.dma_semaphore, #tpu.memory_space<semaphore_mem>>) src(%dma_wait3A_143 : memref<48x64xf32, #tpu.memory_space<vmem_shared>>) dst(%dma_wait3A_141 : memref<48x64xf32, #tpu.memory_space<hbm>>)
      tpu.yield
    }) : () -> ()
    %mul3A_102 = arith.constant 624 : i32
    %mul3A_103 = arith.muli %arg1, %mul3A_102 : i32
    %add3A_104 = arith.constant 288 : i32
    %add3A_105 = arith.addi %mul3A_103, %add3A_104 : i32
    "tpu.region"() ({
      %run_scoped3A = tpu.sem_alloc : memref<!tpu.dma_semaphore, #tpu.memory_space<semaphore_mem>>
      %dma_start3A_135 = arith.constant 0 : i32
      %dma_start3A_136 = tpu.memref_slice %arg5[%arg0, %add3A_105, %dma_start3A_135] : memref<2x10000x64xf32, #tpu.memory_space<hbm>> -> memref<1x48x64xf32, #tpu.memory_space<hbm>>
      %dma_start3A_137 = tpu.memref_squeeze %dma_start3A_136 : memref<1x48x64xf32, #tpu.memory_space<hbm>> -> memref<48x64xf32, #tpu.memory_space<hbm>>
      %dma_start3A_138 = arith.constant 0 : i32
      %dma_start3A_139 = tpu.memref_slice %arg6[%add3A_105, %dma_start3A_138] : memref<10000x64xf32, #tpu.memory_space<vmem_shared>> -> memref<48x64xf32, #tpu.memory_space<vmem_shared>>
      tpu.enqueue_dma source(%dma_start3A_139 : memref<48x64xf32, #tpu.memory_space<vmem_shared>>) target(%dma_start3A_137 : memref<48x64xf32, #tpu.memory_space<hbm>>) target_semaphore(%run_scoped3A : memref<!tpu.dma_semaphore, #tpu.memory_space<semaphore_mem>>)
      %dma_wait3A = arith.constant 0 : i32
      %dma_wait3A_140 = tpu.memref_slice %arg5[%arg0, %add3A_105, %dma_wait3A] : memref<2x10000x64xf32, #tpu.memory_space<hbm>> -> memref<1x48x64xf32, #tpu.memory_space<hbm>>
      %dma_wait3A_141 = tpu.memref_squeeze %dma_wait3A_140 : memref<1x48x64xf32, #tpu.memory_space<hbm>> -> memref<48x64xf32, #tpu.memory_space<hbm>>
      %dma_wait3A_142 = arith.constant 0 : i32
      %dma_wait3A_143 = tpu.memref_slice %arg6[%add3A_105, %dma_wait3A_142] : memref<10000x64xf32, #tpu.memory_space<vmem_shared>> -> memref<48x64xf32, #tpu.memory_space<vmem_shared>>
      tpu.wait_dma2 semaphore(%run_scoped3A : memref<!tpu.dma_semaphore, #tpu.memory_space<semaphore_mem>>) src(%dma_wait3A_143 : memref<48x64xf32, #tpu.memory_space<vmem_shared>>) dst(%dma_wait3A_141 : memref<48x64xf32, #tpu.memory_space<hbm>>)
      tpu.yield
    }) : () -> ()
    %mul3A_106 = arith.constant 624 : i32
    %mul3A_107 = arith.muli %arg1, %mul3A_106 : i32
    %add3A_108 = arith.constant 336 : i32
    %add3A_109 = arith.addi %mul3A_107, %add3A_108 : i32
    "tpu.region"() ({
      %run_scoped3A = tpu.sem_alloc : memref<!tpu.dma_semaphore, #tpu.memory_space<semaphore_mem>>
      %dma_start3A_135 = arith.constant 0 : i32
      %dma_start3A_136 = tpu.memref_slice %arg5[%arg0, %add3A_109, %dma_start3A_135] : memref<2x10000x64xf32, #tpu.memory_space<hbm>> -> memref<1x48x64xf32, #tpu.memory_space<hbm>>
      %dma_start3A_137 = tpu.memref_squeeze %dma_start3A_136 : memref<1x48x64xf32, #tpu.memory_space<hbm>> -> memref<48x64xf32, #tpu.memory_space<hbm>>
      %dma_start3A_138 = arith.constant 0 : i32
      %dma_start3A_139 = tpu.memref_slice %arg6[%add3A_109, %dma_start3A_138] : memref<10000x64xf32, #tpu.memory_space<vmem_shared>> -> memref<48x64xf32, #tpu.memory_space<vmem_shared>>
      tpu.enqueue_dma source(%dma_start3A_139 : memref<48x64xf32, #tpu.memory_space<vmem_shared>>) target(%dma_start3A_137 : memref<48x64xf32, #tpu.memory_space<hbm>>) target_semaphore(%run_scoped3A : memref<!tpu.dma_semaphore, #tpu.memory_space<semaphore_mem>>)
      %dma_wait3A = arith.constant 0 : i32
      %dma_wait3A_140 = tpu.memref_slice %arg5[%arg0, %add3A_109, %dma_wait3A] : memref<2x10000x64xf32, #tpu.memory_space<hbm>> -> memref<1x48x64xf32, #tpu.memory_space<hbm>>
      %dma_wait3A_141 = tpu.memref_squeeze %dma_wait3A_140 : memref<1x48x64xf32, #tpu.memory_space<hbm>> -> memref<48x64xf32, #tpu.memory_space<hbm>>
      %dma_wait3A_142 = arith.constant 0 : i32
      %dma_wait3A_143 = tpu.memref_slice %arg6[%add3A_109, %dma_wait3A_142] : memref<10000x64xf32, #tpu.memory_space<vmem_shared>> -> memref<48x64xf32, #tpu.memory_space<vmem_shared>>
      tpu.wait_dma2 semaphore(%run_scoped3A : memref<!tpu.dma_semaphore, #tpu.memory_space<semaphore_mem>>) src(%dma_wait3A_143 : memref<48x64xf32, #tpu.memory_space<vmem_shared>>) dst(%dma_wait3A_141 : memref<48x64xf32, #tpu.memory_space<hbm>>)
      tpu.yield
    }) : () -> ()
    %mul3A_110 = arith.constant 624 : i32
    %mul3A_111 = arith.muli %arg1, %mul3A_110 : i32
    %add3A_112 = arith.constant 384 : i32
    %add3A_113 = arith.addi %mul3A_111, %add3A_112 : i32
    "tpu.region"() ({
      %run_scoped3A = tpu.sem_alloc : memref<!tpu.dma_semaphore, #tpu.memory_space<semaphore_mem>>
      %dma_start3A_135 = arith.constant 0 : i32
      %dma_start3A_136 = tpu.memref_slice %arg5[%arg0, %add3A_113, %dma_start3A_135] : memref<2x10000x64xf32, #tpu.memory_space<hbm>> -> memref<1x48x64xf32, #tpu.memory_space<hbm>>
      %dma_start3A_137 = tpu.memref_squeeze %dma_start3A_136 : memref<1x48x64xf32, #tpu.memory_space<hbm>> -> memref<48x64xf32, #tpu.memory_space<hbm>>
      %dma_start3A_138 = arith.constant 0 : i32
      %dma_start3A_139 = tpu.memref_slice %arg6[%add3A_113, %dma_start3A_138] : memref<10000x64xf32, #tpu.memory_space<vmem_shared>> -> memref<48x64xf32, #tpu.memory_space<vmem_shared>>
      tpu.enqueue_dma source(%dma_start3A_139 : memref<48x64xf32, #tpu.memory_space<vmem_shared>>) target(%dma_start3A_137 : memref<48x64xf32, #tpu.memory_space<hbm>>) target_semaphore(%run_scoped3A : memref<!tpu.dma_semaphore, #tpu.memory_space<semaphore_mem>>)
      %dma_wait3A = arith.constant 0 : i32
      %dma_wait3A_140 = tpu.memref_slice %arg5[%arg0, %add3A_113, %dma_wait3A] : memref<2x10000x64xf32, #tpu.memory_space<hbm>> -> memref<1x48x64xf32, #tpu.memory_space<hbm>>
      %dma_wait3A_141 = tpu.memref_squeeze %dma_wait3A_140 : memref<1x48x64xf32, #tpu.memory_space<hbm>> -> memref<48x64xf32, #tpu.memory_space<hbm>>
      %dma_wait3A_142 = arith.constant 0 : i32
      %dma_wait3A_143 = tpu.memref_slice %arg6[%add3A_113, %dma_wait3A_142] : memref<10000x64xf32, #tpu.memory_space<vmem_shared>> -> memref<48x64xf32, #tpu.memory_space<vmem_shared>>
      tpu.wait_dma2 semaphore(%run_scoped3A : memref<!tpu.dma_semaphore, #tpu.memory_space<semaphore_mem>>) src(%dma_wait3A_143 : memref<48x64xf32, #tpu.memory_space<vmem_shared>>) dst(%dma_wait3A_141 : memref<48x64xf32, #tpu.memory_space<hbm>>)
      tpu.yield
    }) : () -> ()
    %mul3A_114 = arith.constant 624 : i32
    %mul3A_115 = arith.muli %arg1, %mul3A_114 : i32
    %add3A_116 = arith.constant 432 : i32
    %add3A_117 = arith.addi %mul3A_115, %add3A_116 : i32
    "tpu.region"() ({
      %run_scoped3A = tpu.sem_alloc : memref<!tpu.dma_semaphore, #tpu.memory_space<semaphore_mem>>
      %dma_start3A_135 = arith.constant 0 : i32
      %dma_start3A_136 = tpu.memref_slice %arg5[%arg0, %add3A_117, %dma_start3A_135] : memref<2x10000x64xf32, #tpu.memory_space<hbm>> -> memref<1x48x64xf32, #tpu.memory_space<hbm>>
      %dma_start3A_137 = tpu.memref_squeeze %dma_start3A_136 : memref<1x48x64xf32, #tpu.memory_space<hbm>> -> memref<48x64xf32, #tpu.memory_space<hbm>>
      %dma_start3A_138 = arith.constant 0 : i32
      %dma_start3A_139 = tpu.memref_slice %arg6[%add3A_117, %dma_start3A_138] : memref<10000x64xf32, #tpu.memory_space<vmem_shared>> -> memref<48x64xf32, #tpu.memory_space<vmem_shared>>
      tpu.enqueue_dma source(%dma_start3A_139 : memref<48x64xf32, #tpu.memory_space<vmem_shared>>) target(%dma_start3A_137 : memref<48x64xf32, #tpu.memory_space<hbm>>) target_semaphore(%run_scoped3A : memref<!tpu.dma_semaphore, #tpu.memory_space<semaphore_mem>>)
      %dma_wait3A = arith.constant 0 : i32
      %dma_wait3A_140 = tpu.memref_slice %arg5[%arg0, %add3A_117, %dma_wait3A] : memref<2x10000x64xf32, #tpu.memory_space<hbm>> -> memref<1x48x64xf32, #tpu.memory_space<hbm>>
      %dma_wait3A_141 = tpu.memref_squeeze %dma_wait3A_140 : memref<1x48x64xf32, #tpu.memory_space<hbm>> -> memref<48x64xf32, #tpu.memory_space<hbm>>
      %dma_wait3A_142 = arith.constant 0 : i32
      %dma_wait3A_143 = tpu.memref_slice %arg6[%add3A_117, %dma_wait3A_142] : memref<10000x64xf32, #tpu.memory_space<vmem_shared>> -> memref<48x64xf32, #tpu.memory_space<vmem_shared>>
      tpu.wait_dma2 semaphore(%run_scoped3A : memref<!tpu.dma_semaphore, #tpu.memory_space<semaphore_mem>>) src(%dma_wait3A_143 : memref<48x64xf32, #tpu.memory_space<vmem_shared>>) dst(%dma_wait3A_141 : memref<48x64xf32, #tpu.memory_space<hbm>>)
      tpu.yield
    }) : () -> ()
    %mul3A_118 = arith.constant 624 : i32
    %mul3A_119 = arith.muli %arg1, %mul3A_118 : i32
    %add3A_120 = arith.constant 480 : i32
    %add3A_121 = arith.addi %mul3A_119, %add3A_120 : i32
    "tpu.region"() ({
      %run_scoped3A = tpu.sem_alloc : memref<!tpu.dma_semaphore, #tpu.memory_space<semaphore_mem>>
      %dma_start3A_135 = arith.constant 0 : i32
      %dma_start3A_136 = tpu.memref_slice %arg5[%arg0, %add3A_121, %dma_start3A_135] : memref<2x10000x64xf32, #tpu.memory_space<hbm>> -> memref<1x48x64xf32, #tpu.memory_space<hbm>>
      %dma_start3A_137 = tpu.memref_squeeze %dma_start3A_136 : memref<1x48x64xf32, #tpu.memory_space<hbm>> -> memref<48x64xf32, #tpu.memory_space<hbm>>
      %dma_start3A_138 = arith.constant 0 : i32
      %dma_start3A_139 = tpu.memref_slice %arg6[%add3A_121, %dma_start3A_138] : memref<10000x64xf32, #tpu.memory_space<vmem_shared>> -> memref<48x64xf32, #tpu.memory_space<vmem_shared>>
      tpu.enqueue_dma source(%dma_start3A_139 : memref<48x64xf32, #tpu.memory_space<vmem_shared>>) target(%dma_start3A_137 : memref<48x64xf32, #tpu.memory_space<hbm>>) target_semaphore(%run_scoped3A : memref<!tpu.dma_semaphore, #tpu.memory_space<semaphore_mem>>)
      %dma_wait3A = arith.constant 0 : i32
      %dma_wait3A_140 = tpu.memref_slice %arg5[%arg0, %add3A_121, %dma_wait3A] : memref<2x10000x64xf32, #tpu.memory_space<hbm>> -> memref<1x48x64xf32, #tpu.memory_space<hbm>>
      %dma_wait3A_141 = tpu.memref_squeeze %dma_wait3A_140 : memref<1x48x64xf32, #tpu.memory_space<hbm>> -> memref<48x64xf32, #tpu.memory_space<hbm>>
      %dma_wait3A_142 = arith.constant 0 : i32
      %dma_wait3A_143 = tpu.memref_slice %arg6[%add3A_121, %dma_wait3A_142] : memref<10000x64xf32, #tpu.memory_space<vmem_shared>> -> memref<48x64xf32, #tpu.memory_space<vmem_shared>>
      tpu.wait_dma2 semaphore(%run_scoped3A : memref<!tpu.dma_semaphore, #tpu.memory_space<semaphore_mem>>) src(%dma_wait3A_143 : memref<48x64xf32, #tpu.memory_space<vmem_shared>>) dst(%dma_wait3A_141 : memref<48x64xf32, #tpu.memory_space<hbm>>)
      tpu.yield
    }) : () -> ()
    %mul3A_122 = arith.constant 624 : i32
    %mul3A_123 = arith.muli %arg1, %mul3A_122 : i32
    %add3A_124 = arith.constant 528 : i32
    %add3A_125 = arith.addi %mul3A_123, %add3A_124 : i32
    "tpu.region"() ({
      %run_scoped3A = tpu.sem_alloc : memref<!tpu.dma_semaphore, #tpu.memory_space<semaphore_mem>>
      %dma_start3A_135 = arith.constant 0 : i32
      %dma_start3A_136 = tpu.memref_slice %arg5[%arg0, %add3A_125, %dma_start3A_135] : memref<2x10000x64xf32, #tpu.memory_space<hbm>> -> memref<1x48x64xf32, #tpu.memory_space<hbm>>
      %dma_start3A_137 = tpu.memref_squeeze %dma_start3A_136 : memref<1x48x64xf32, #tpu.memory_space<hbm>> -> memref<48x64xf32, #tpu.memory_space<hbm>>
      %dma_start3A_138 = arith.constant 0 : i32
      %dma_start3A_139 = tpu.memref_slice %arg6[%add3A_125, %dma_start3A_138] : memref<10000x64xf32, #tpu.memory_space<vmem_shared>> -> memref<48x64xf32, #tpu.memory_space<vmem_shared>>
      tpu.enqueue_dma source(%dma_start3A_139 : memref<48x64xf32, #tpu.memory_space<vmem_shared>>) target(%dma_start3A_137 : memref<48x64xf32, #tpu.memory_space<hbm>>) target_semaphore(%run_scoped3A : memref<!tpu.dma_semaphore, #tpu.memory_space<semaphore_mem>>)
      %dma_wait3A = arith.constant 0 : i32
      %dma_wait3A_140 = tpu.memref_slice %arg5[%arg0, %add3A_125, %dma_wait3A] : memref<2x10000x64xf32, #tpu.memory_space<hbm>> -> memref<1x48x64xf32, #tpu.memory_space<hbm>>
      %dma_wait3A_141 = tpu.memref_squeeze %dma_wait3A_140 : memref<1x48x64xf32, #tpu.memory_space<hbm>> -> memref<48x64xf32, #tpu.memory_space<hbm>>
      %dma_wait3A_142 = arith.constant 0 : i32
      %dma_wait3A_143 = tpu.memref_slice %arg6[%add3A_125, %dma_wait3A_142] : memref<10000x64xf32, #tpu.memory_space<vmem_shared>> -> memref<48x64xf32, #tpu.memory_space<vmem_shared>>
      tpu.wait_dma2 semaphore(%run_scoped3A : memref<!tpu.dma_semaphore, #tpu.memory_space<semaphore_mem>>) src(%dma_wait3A_143 : memref<48x64xf32, #tpu.memory_space<vmem_shared>>) dst(%dma_wait3A_141 : memref<48x64xf32, #tpu.memory_space<hbm>>)
      tpu.yield
    }) : () -> ()
    %mul3A_126 = arith.constant 624 : i32
    %mul3A_127 = arith.muli %arg1, %mul3A_126 : i32
    %add3A_128 = arith.constant 576 : i32
    %add3A_129 = arith.addi %mul3A_127, %add3A_128 : i32
    "tpu.region"() ({
      %run_scoped3A = tpu.sem_alloc : memref<!tpu.dma_semaphore, #tpu.memory_space<semaphore_mem>>
      %dma_start3A_135 = arith.constant 0 : i32
      %dma_start3A_136 = tpu.memref_slice %arg5[%arg0, %add3A_129, %dma_start3A_135] : memref<2x10000x64xf32, #tpu.memory_space<hbm>> -> memref<1x48x64xf32, #tpu.memory_space<hbm>>
      %dma_start3A_137 = tpu.memref_squeeze %dma_start3A_136 : memref<1x48x64xf32, #tpu.memory_space<hbm>> -> memref<48x64xf32, #tpu.memory_space<hbm>>
      %dma_start3A_138 = arith.constant 0 : i32
      %dma_start3A_139 = tpu.memref_slice %arg6[%add3A_129, %dma_start3A_138] : memref<10000x64xf32, #tpu.memory_space<vmem_shared>> -> memref<48x64xf32, #tpu.memory_space<vmem_shared>>
      tpu.enqueue_dma source(%dma_start3A_139 : memref<48x64xf32, #tpu.memory_space<vmem_shared>>) target(%dma_start3A_137 : memref<48x64xf32, #tpu.memory_space<hbm>>) target_semaphore(%run_scoped3A : memref<!tpu.dma_semaphore, #tpu.memory_space<semaphore_mem>>)
      %dma_wait3A = arith.constant 0 : i32
      %dma_wait3A_140 = tpu.memref_slice %arg5[%arg0, %add3A_129, %dma_wait3A] : memref<2x10000x64xf32, #tpu.memory_space<hbm>> -> memref<1x48x64xf32, #tpu.memory_space<hbm>>
      %dma_wait3A_141 = tpu.memref_squeeze %dma_wait3A_140 : memref<1x48x64xf32, #tpu.memory_space<hbm>> -> memref<48x64xf32, #tpu.memory_space<hbm>>
      %dma_wait3A_142 = arith.constant 0 : i32
      %dma_wait3A_143 = tpu.memref_slice %arg6[%add3A_129, %dma_wait3A_142] : memref<10000x64xf32, #tpu.memory_space<vmem_shared>> -> memref<48x64xf32, #tpu.memory_space<vmem_shared>>
      tpu.wait_dma2 semaphore(%run_scoped3A : memref<!tpu.dma_semaphore, #tpu.memory_space<semaphore_mem>>) src(%dma_wait3A_143 : memref<48x64xf32, #tpu.memory_space<vmem_shared>>) dst(%dma_wait3A_141 : memref<48x64xf32, #tpu.memory_space<hbm>>)
      tpu.yield
    }) : () -> ()
    %eq3A_130 = arith.constant 15 : i32
    %eq3A_131 = arith.cmpi eq, %arg1, %eq3A_130 : i32
    %convert_element_type3A_132 = arith.extui %eq3A_131 : i1 to i32
    %cond3A_133 = arith.constant 0 : i32
    %cond3A_134 = arith.cmpi ne, %convert_element_type3A_132, %cond3A_133 : i32
    scf.if %cond3A_134 {
      "tpu.region"() ({
        %run_scoped3A = tpu.sem_alloc : memref<!tpu.dma_semaphore, #tpu.memory_space<semaphore_mem>>
        %dma_start3A_135 = arith.constant 9984 : i32
        %dma_start3A_136 = arith.constant 0 : i32
        %dma_start3A_137 = tpu.memref_slice %arg5[%arg0, %dma_start3A_135, %dma_start3A_136] : memref<2x10000x64xf32, #tpu.memory_space<hbm>> -> memref<1x16x64xf32, #tpu.memory_space<hbm>>
        %dma_start3A_138 = tpu.memref_squeeze %dma_start3A_137 : memref<1x16x64xf32, #tpu.memory_space<hbm>> -> memref<16x64xf32, #tpu.memory_space<hbm>>
        %dma_start3A_139 = arith.constant 9984 : i32
        %dma_start3A_140 = arith.constant 0 : i32
        %dma_start3A_141 = tpu.memref_slice %arg6[%dma_start3A_139, %dma_start3A_140] : memref<10000x64xf32, #tpu.memory_space<vmem_shared>> -> memref<16x64xf32, #tpu.memory_space<vmem_shared>>
        tpu.enqueue_dma source(%dma_start3A_141 : memref<16x64xf32, #tpu.memory_space<vmem_shared>>) target(%dma_start3A_138 : memref<16x64xf32, #tpu.memory_space<hbm>>) target_semaphore(%run_scoped3A : memref<!tpu.dma_semaphore, #tpu.memory_space<semaphore_mem>>)
        %dma_wait3A = arith.constant 9984 : i32
        %dma_wait3A_142 = arith.constant 0 : i32
        %dma_wait3A_143 = tpu.memref_slice %arg5[%arg0, %dma_wait3A, %dma_wait3A_142] : memref<2x10000x64xf32, #tpu.memory_space<hbm>> -> memref<1x16x64xf32, #tpu.memory_space<hbm>>
        %dma_wait3A_144 = tpu.memref_squeeze %dma_wait3A_143 : memref<1x16x64xf32, #tpu.memory_space<hbm>> -> memref<16x64xf32, #tpu.memory_space<hbm>>
        %dma_wait3A_145 = arith.constant 9984 : i32
        %dma_wait3A_146 = arith.constant 0 : i32
        %dma_wait3A_147 = tpu.memref_slice %arg6[%dma_wait3A_145, %dma_wait3A_146] : memref<10000x64xf32, #tpu.memory_space<vmem_shared>> -> memref<16x64xf32, #tpu.memory_space<vmem_shared>>
        tpu.wait_dma2 semaphore(%run_scoped3A : memref<!tpu.dma_semaphore, #tpu.memory_space<semaphore_mem>>) src(%dma_wait3A_147 : memref<16x64xf32, #tpu.memory_space<vmem_shared>>) dst(%dma_wait3A_144 : memref<16x64xf32, #tpu.memory_space<hbm>>)
        tpu.yield
      }) : () -> ()
    } else {
    }
    return
  }
}

#map = affine_map<(d0, d1) -> (0, 0, 0)>
module attributes {stable_mosaic.version = 14 : i64} {
  func.func @_sc_degree(%arg0: i32, %arg1: i32, %arg2: memref<32x125x80xi32, #tpu.memory_space<hbm>>, %arg3: memref<2x10000x16xf32, #tpu.memory_space<hbm>>, %arg4: memref<10000x16xf32, #tpu.memory_space<vmem_shared>>, %arg5: memref<125x80xi32, #tpu.memory_space<vmem>>, %arg6: memref<80x16xf32, #tpu.memory_space<vmem>>, %arg7: memref<48x16xf32, #tpu.memory_space<vmem>>) attributes {dimension_semantics = [#tpu.dimension_semantics<core_parallel>, #tpu.dimension_semantics<subcore_parallel>], iteration_bounds = array<i64: 2, 16>, scalar_prefetch = 0 : i64, scratch_operands = 4 : i64, tpu.core_type = #tpu.core_type<sc_vector_subcore>, window_params = [{transform_indices = #map}, {transform_indices = #map}]} {
    %mul3A = arith.constant 16 : i32
    %mul3A_0 = arith.muli %arg0, %mul3A : i32
    %add3A = arith.addi %mul3A_0, %arg1 : i32
    %scan3A = arith.constant 0 : i32
    %scan3A_1 = arith.constant 0 : i32
    %scan3A_2 = arith.constant 48 : i32
    %scan3A_3 = arith.addi %scan3A_1, %scan3A_2 : i32
    %scan3A_4 = arith.constant 1 : i32
    scf.for %scan3A_130 = %scan3A_1 to %scan3A_3 step %scan3A_4  : i32 {
      %broadcast_in_dim3A = arith.constant 0.000000e+00 : f32
      %broadcast_in_dim3A_131 = vector.broadcast %broadcast_in_dim3A : f32 to vector<16xf32>
      %swap3A = arith.index_cast %scan3A_130 : i32 to index
      %swap3A_132 = arith.constant 0 : index
      %swap3A_133 = tpu.vector_load %arg7[%swap3A, %swap3A_132] {strides = array<i32>} : memref<48x16xf32, #tpu.memory_space<vmem>>, vector<1x16xf32>,
      %swap3A_134 = vector.shape_cast %swap3A_133 : vector<1x16xf32> to vector<16xf32>
      %swap3A_135 = vector.shape_cast %broadcast_in_dim3A_131 : vector<16xf32> to vector<1x16xf32>
      tpu.vector_store %arg7[%swap3A, %swap3A_132], %swap3A_135 {strides = array<i32>} : memref<48x16xf32, #tpu.memory_space<vmem>>, vector<1x16xf32>,
    }
    %scan3A_5 = arith.constant 48 : i32
    %scan3A_6 = arith.constant 0 : i32
    %scan3A_7 = arith.constant 0 : i32
    %scan3A_8 = arith.constant 80 : i32
    %scan3A_9 = arith.addi %scan3A_7, %scan3A_8 : i32
    %scan3A_10 = arith.constant 1 : i32
    scf.for %scan3A_130 = %scan3A_7 to %scan3A_9 step %scan3A_10  : i32 {
      %broadcast_in_dim3A = arith.constant 1.000000e+00 : f32
      %broadcast_in_dim3A_131 = vector.broadcast %broadcast_in_dim3A : f32 to vector<16xf32>
      %swap3A = arith.index_cast %scan3A_130 : i32 to index
      %swap3A_132 = arith.constant 0 : index
      %swap3A_133 = tpu.vector_load %arg6[%swap3A, %swap3A_132] {strides = array<i32>} : memref<80x16xf32, #tpu.memory_space<vmem>>, vector<1x16xf32>,
      %swap3A_134 = vector.shape_cast %swap3A_133 : vector<1x16xf32> to vector<16xf32>
      %swap3A_135 = vector.shape_cast %broadcast_in_dim3A_131 : vector<16xf32> to vector<1x16xf32>
      tpu.vector_store %arg6[%swap3A, %swap3A_132], %swap3A_135 {strides = array<i32>} : memref<80x16xf32, #tpu.memory_space<vmem>>, vector<1x16xf32>,
    }
    %scan3A_11 = arith.constant 80 : i32
    %mul3A_12 = arith.constant 624 : i32
    %mul3A_13 = arith.muli %arg1, %mul3A_12 : i32
    %add3A_14 = arith.constant 0 : i32
    %add3A_15 = arith.addi %mul3A_13, %add3A_14 : i32
    "tpu.region"() ({
      %run_scoped3A = tpu.sem_alloc : memref<!tpu.dma_semaphore, #tpu.memory_space<semaphore_mem>>
      %dma_start3A = arith.constant 0 : i32
      %dma_start3A_130 = tpu.memref_slice %arg4[%add3A_15, %dma_start3A] : memref<10000x16xf32, #tpu.memory_space<vmem_shared>> -> memref<48x16xf32, #tpu.memory_space<vmem_shared>>
      %dma_start3A_131 = arith.constant 0 : i32
      %dma_start3A_132 = tpu.memref_slice %arg4[%add3A_15, %dma_start3A_131] : memref<10000x16xf32, #tpu.memory_space<vmem_shared>> -> memref<48x16xf32, #tpu.memory_space<vmem_shared>>
      tpu.enqueue_dma source(%arg7 : memref<48x16xf32, #tpu.memory_space<vmem>>) target(%dma_start3A_132 : memref<48x16xf32, #tpu.memory_space<vmem_shared>>) target_semaphore(%run_scoped3A : memref<!tpu.dma_semaphore, #tpu.memory_space<semaphore_mem>>)
      %dma_wait3A = arith.constant 0 : i32
      %dma_wait3A_133 = tpu.memref_slice %arg4[%add3A_15, %dma_wait3A] : memref<10000x16xf32, #tpu.memory_space<vmem_shared>> -> memref<48x16xf32, #tpu.memory_space<vmem_shared>>
      %dma_wait3A_134 = arith.constant 0 : i32
      %dma_wait3A_135 = tpu.memref_slice %arg4[%add3A_15, %dma_wait3A_134] : memref<10000x16xf32, #tpu.memory_space<vmem_shared>> -> memref<48x16xf32, #tpu.memory_space<vmem_shared>>
      tpu.wait_dma2 semaphore(%run_scoped3A : memref<!tpu.dma_semaphore, #tpu.memory_space<semaphore_mem>>) src(%arg7 : memref<48x16xf32, #tpu.memory_space<vmem>>) dst(%dma_wait3A_135 : memref<48x16xf32, #tpu.memory_space<vmem_shared>>)
      tpu.yield
    }) : () -> ()
    %mul3A_16 = arith.constant 624 : i32
    %mul3A_17 = arith.muli %arg1, %mul3A_16 : i32
    %add3A_18 = arith.constant 48 : i32
    %add3A_19 = arith.addi %mul3A_17, %add3A_18 : i32
    "tpu.region"() ({
      %run_scoped3A = tpu.sem_alloc : memref<!tpu.dma_semaphore, #tpu.memory_space<semaphore_mem>>
      %dma_start3A = arith.constant 0 : i32
      %dma_start3A_130 = tpu.memref_slice %arg4[%add3A_19, %dma_start3A] : memref<10000x16xf32, #tpu.memory_space<vmem_shared>> -> memref<48x16xf32, #tpu.memory_space<vmem_shared>>
      %dma_start3A_131 = arith.constant 0 : i32
      %dma_start3A_132 = tpu.memref_slice %arg4[%add3A_19, %dma_start3A_131] : memref<10000x16xf32, #tpu.memory_space<vmem_shared>> -> memref<48x16xf32, #tpu.memory_space<vmem_shared>>
      tpu.enqueue_dma source(%arg7 : memref<48x16xf32, #tpu.memory_space<vmem>>) target(%dma_start3A_132 : memref<48x16xf32, #tpu.memory_space<vmem_shared>>) target_semaphore(%run_scoped3A : memref<!tpu.dma_semaphore, #tpu.memory_space<semaphore_mem>>)
      %dma_wait3A = arith.constant 0 : i32
      %dma_wait3A_133 = tpu.memref_slice %arg4[%add3A_19, %dma_wait3A] : memref<10000x16xf32, #tpu.memory_space<vmem_shared>> -> memref<48x16xf32, #tpu.memory_space<vmem_shared>>
      %dma_wait3A_134 = arith.constant 0 : i32
      %dma_wait3A_135 = tpu.memref_slice %arg4[%add3A_19, %dma_wait3A_134] : memref<10000x16xf32, #tpu.memory_space<vmem_shared>> -> memref<48x16xf32, #tpu.memory_space<vmem_shared>>
      tpu.wait_dma2 semaphore(%run_scoped3A : memref<!tpu.dma_semaphore, #tpu.memory_space<semaphore_mem>>) src(%arg7 : memref<48x16xf32, #tpu.memory_space<vmem>>) dst(%dma_wait3A_135 : memref<48x16xf32, #tpu.memory_space<vmem_shared>>)
      tpu.yield
    }) : () -> ()
    %mul3A_20 = arith.constant 624 : i32
    %mul3A_21 = arith.muli %arg1, %mul3A_20 : i32
    %add3A_22 = arith.constant 96 : i32
    %add3A_23 = arith.addi %mul3A_21, %add3A_22 : i32
    "tpu.region"() ({
      %run_scoped3A = tpu.sem_alloc : memref<!tpu.dma_semaphore, #tpu.memory_space<semaphore_mem>>
      %dma_start3A = arith.constant 0 : i32
      %dma_start3A_130 = tpu.memref_slice %arg4[%add3A_23, %dma_start3A] : memref<10000x16xf32, #tpu.memory_space<vmem_shared>> -> memref<48x16xf32, #tpu.memory_space<vmem_shared>>
      %dma_start3A_131 = arith.constant 0 : i32
      %dma_start3A_132 = tpu.memref_slice %arg4[%add3A_23, %dma_start3A_131] : memref<10000x16xf32, #tpu.memory_space<vmem_shared>> -> memref<48x16xf32, #tpu.memory_space<vmem_shared>>
      tpu.enqueue_dma source(%arg7 : memref<48x16xf32, #tpu.memory_space<vmem>>) target(%dma_start3A_132 : memref<48x16xf32, #tpu.memory_space<vmem_shared>>) target_semaphore(%run_scoped3A : memref<!tpu.dma_semaphore, #tpu.memory_space<semaphore_mem>>)
      %dma_wait3A = arith.constant 0 : i32
      %dma_wait3A_133 = tpu.memref_slice %arg4[%add3A_23, %dma_wait3A] : memref<10000x16xf32, #tpu.memory_space<vmem_shared>> -> memref<48x16xf32, #tpu.memory_space<vmem_shared>>
      %dma_wait3A_134 = arith.constant 0 : i32
      %dma_wait3A_135 = tpu.memref_slice %arg4[%add3A_23, %dma_wait3A_134] : memref<10000x16xf32, #tpu.memory_space<vmem_shared>> -> memref<48x16xf32, #tpu.memory_space<vmem_shared>>
      tpu.wait_dma2 semaphore(%run_scoped3A : memref<!tpu.dma_semaphore, #tpu.memory_space<semaphore_mem>>) src(%arg7 : memref<48x16xf32, #tpu.memory_space<vmem>>) dst(%dma_wait3A_135 : memref<48x16xf32, #tpu.memory_space<vmem_shared>>)
      tpu.yield
    }) : () -> ()
    %mul3A_24 = arith.constant 624 : i32
    %mul3A_25 = arith.muli %arg1, %mul3A_24 : i32
    %add3A_26 = arith.constant 144 : i32
    %add3A_27 = arith.addi %mul3A_25, %add3A_26 : i32
    "tpu.region"() ({
      %run_scoped3A = tpu.sem_alloc : memref<!tpu.dma_semaphore, #tpu.memory_space<semaphore_mem>>
      %dma_start3A = arith.constant 0 : i32
      %dma_start3A_130 = tpu.memref_slice %arg4[%add3A_27, %dma_start3A] : memref<10000x16xf32, #tpu.memory_space<vmem_shared>> -> memref<48x16xf32, #tpu.memory_space<vmem_shared>>
      %dma_start3A_131 = arith.constant 0 : i32
      %dma_start3A_132 = tpu.memref_slice %arg4[%add3A_27, %dma_start3A_131] : memref<10000x16xf32, #tpu.memory_space<vmem_shared>> -> memref<48x16xf32, #tpu.memory_space<vmem_shared>>
      tpu.enqueue_dma source(%arg7 : memref<48x16xf32, #tpu.memory_space<vmem>>) target(%dma_start3A_132 : memref<48x16xf32, #tpu.memory_space<vmem_shared>>) target_semaphore(%run_scoped3A : memref<!tpu.dma_semaphore, #tpu.memory_space<semaphore_mem>>)
      %dma_wait3A = arith.constant 0 : i32
      %dma_wait3A_133 = tpu.memref_slice %arg4[%add3A_27, %dma_wait3A] : memref<10000x16xf32, #tpu.memory_space<vmem_shared>> -> memref<48x16xf32, #tpu.memory_space<vmem_shared>>
      %dma_wait3A_134 = arith.constant 0 : i32
      %dma_wait3A_135 = tpu.memref_slice %arg4[%add3A_27, %dma_wait3A_134] : memref<10000x16xf32, #tpu.memory_space<vmem_shared>> -> memref<48x16xf32, #tpu.memory_space<vmem_shared>>
      tpu.wait_dma2 semaphore(%run_scoped3A : memref<!tpu.dma_semaphore, #tpu.memory_space<semaphore_mem>>) src(%arg7 : memref<48x16xf32, #tpu.memory_space<vmem>>) dst(%dma_wait3A_135 : memref<48x16xf32, #tpu.memory_space<vmem_shared>>)
      tpu.yield
    }) : () -> ()
    %mul3A_28 = arith.constant 624 : i32
    %mul3A_29 = arith.muli %arg1, %mul3A_28 : i32
    %add3A_30 = arith.constant 192 : i32
    %add3A_31 = arith.addi %mul3A_29, %add3A_30 : i32
    "tpu.region"() ({
      %run_scoped3A = tpu.sem_alloc : memref<!tpu.dma_semaphore, #tpu.memory_space<semaphore_mem>>
      %dma_start3A = arith.constant 0 : i32
      %dma_start3A_130 = tpu.memref_slice %arg4[%add3A_31, %dma_start3A] : memref<10000x16xf32, #tpu.memory_space<vmem_shared>> -> memref<48x16xf32, #tpu.memory_space<vmem_shared>>
      %dma_start3A_131 = arith.constant 0 : i32
      %dma_start3A_132 = tpu.memref_slice %arg4[%add3A_31, %dma_start3A_131] : memref<10000x16xf32, #tpu.memory_space<vmem_shared>> -> memref<48x16xf32, #tpu.memory_space<vmem_shared>>
      tpu.enqueue_dma source(%arg7 : memref<48x16xf32, #tpu.memory_space<vmem>>) target(%dma_start3A_132 : memref<48x16xf32, #tpu.memory_space<vmem_shared>>) target_semaphore(%run_scoped3A : memref<!tpu.dma_semaphore, #tpu.memory_space<semaphore_mem>>)
      %dma_wait3A = arith.constant 0 : i32
      %dma_wait3A_133 = tpu.memref_slice %arg4[%add3A_31, %dma_wait3A] : memref<10000x16xf32, #tpu.memory_space<vmem_shared>> -> memref<48x16xf32, #tpu.memory_space<vmem_shared>>
      %dma_wait3A_134 = arith.constant 0 : i32
      %dma_wait3A_135 = tpu.memref_slice %arg4[%add3A_31, %dma_wait3A_134] : memref<10000x16xf32, #tpu.memory_space<vmem_shared>> -> memref<48x16xf32, #tpu.memory_space<vmem_shared>>
      tpu.wait_dma2 semaphore(%run_scoped3A : memref<!tpu.dma_semaphore, #tpu.memory_space<semaphore_mem>>) src(%arg7 : memref<48x16xf32, #tpu.memory_space<vmem>>) dst(%dma_wait3A_135 : memref<48x16xf32, #tpu.memory_space<vmem_shared>>)
      tpu.yield
    }) : () -> ()
    %mul3A_32 = arith.constant 624 : i32
    %mul3A_33 = arith.muli %arg1, %mul3A_32 : i32
    %add3A_34 = arith.constant 240 : i32
    %add3A_35 = arith.addi %mul3A_33, %add3A_34 : i32
    "tpu.region"() ({
      %run_scoped3A = tpu.sem_alloc : memref<!tpu.dma_semaphore, #tpu.memory_space<semaphore_mem>>
      %dma_start3A = arith.constant 0 : i32
      %dma_start3A_130 = tpu.memref_slice %arg4[%add3A_35, %dma_start3A] : memref<10000x16xf32, #tpu.memory_space<vmem_shared>> -> memref<48x16xf32, #tpu.memory_space<vmem_shared>>
      %dma_start3A_131 = arith.constant 0 : i32
      %dma_start3A_132 = tpu.memref_slice %arg4[%add3A_35, %dma_start3A_131] : memref<10000x16xf32, #tpu.memory_space<vmem_shared>> -> memref<48x16xf32, #tpu.memory_space<vmem_shared>>
      tpu.enqueue_dma source(%arg7 : memref<48x16xf32, #tpu.memory_space<vmem>>) target(%dma_start3A_132 : memref<48x16xf32, #tpu.memory_space<vmem_shared>>) target_semaphore(%run_scoped3A : memref<!tpu.dma_semaphore, #tpu.memory_space<semaphore_mem>>)
      %dma_wait3A = arith.constant 0 : i32
      %dma_wait3A_133 = tpu.memref_slice %arg4[%add3A_35, %dma_wait3A] : memref<10000x16xf32, #tpu.memory_space<vmem_shared>> -> memref<48x16xf32, #tpu.memory_space<vmem_shared>>
      %dma_wait3A_134 = arith.constant 0 : i32
      %dma_wait3A_135 = tpu.memref_slice %arg4[%add3A_35, %dma_wait3A_134] : memref<10000x16xf32, #tpu.memory_space<vmem_shared>> -> memref<48x16xf32, #tpu.memory_space<vmem_shared>>
      tpu.wait_dma2 semaphore(%run_scoped3A : memref<!tpu.dma_semaphore, #tpu.memory_space<semaphore_mem>>) src(%arg7 : memref<48x16xf32, #tpu.memory_space<vmem>>) dst(%dma_wait3A_135 : memref<48x16xf32, #tpu.memory_space<vmem_shared>>)
      tpu.yield
    }) : () -> ()
    %mul3A_36 = arith.constant 624 : i32
    %mul3A_37 = arith.muli %arg1, %mul3A_36 : i32
    %add3A_38 = arith.constant 288 : i32
    %add3A_39 = arith.addi %mul3A_37, %add3A_38 : i32
    "tpu.region"() ({
      %run_scoped3A = tpu.sem_alloc : memref<!tpu.dma_semaphore, #tpu.memory_space<semaphore_mem>>
      %dma_start3A = arith.constant 0 : i32
      %dma_start3A_130 = tpu.memref_slice %arg4[%add3A_39, %dma_start3A] : memref<10000x16xf32, #tpu.memory_space<vmem_shared>> -> memref<48x16xf32, #tpu.memory_space<vmem_shared>>
      %dma_start3A_131 = arith.constant 0 : i32
      %dma_start3A_132 = tpu.memref_slice %arg4[%add3A_39, %dma_start3A_131] : memref<10000x16xf32, #tpu.memory_space<vmem_shared>> -> memref<48x16xf32, #tpu.memory_space<vmem_shared>>
      tpu.enqueue_dma source(%arg7 : memref<48x16xf32, #tpu.memory_space<vmem>>) target(%dma_start3A_132 : memref<48x16xf32, #tpu.memory_space<vmem_shared>>) target_semaphore(%run_scoped3A : memref<!tpu.dma_semaphore, #tpu.memory_space<semaphore_mem>>)
      %dma_wait3A = arith.constant 0 : i32
      %dma_wait3A_133 = tpu.memref_slice %arg4[%add3A_39, %dma_wait3A] : memref<10000x16xf32, #tpu.memory_space<vmem_shared>> -> memref<48x16xf32, #tpu.memory_space<vmem_shared>>
      %dma_wait3A_134 = arith.constant 0 : i32
      %dma_wait3A_135 = tpu.memref_slice %arg4[%add3A_39, %dma_wait3A_134] : memref<10000x16xf32, #tpu.memory_space<vmem_shared>> -> memref<48x16xf32, #tpu.memory_space<vmem_shared>>
      tpu.wait_dma2 semaphore(%run_scoped3A : memref<!tpu.dma_semaphore, #tpu.memory_space<semaphore_mem>>) src(%arg7 : memref<48x16xf32, #tpu.memory_space<vmem>>) dst(%dma_wait3A_135 : memref<48x16xf32, #tpu.memory_space<vmem_shared>>)
      tpu.yield
    }) : () -> ()
    %mul3A_40 = arith.constant 624 : i32
    %mul3A_41 = arith.muli %arg1, %mul3A_40 : i32
    %add3A_42 = arith.constant 336 : i32
    %add3A_43 = arith.addi %mul3A_41, %add3A_42 : i32
    "tpu.region"() ({
      %run_scoped3A = tpu.sem_alloc : memref<!tpu.dma_semaphore, #tpu.memory_space<semaphore_mem>>
      %dma_start3A = arith.constant 0 : i32
      %dma_start3A_130 = tpu.memref_slice %arg4[%add3A_43, %dma_start3A] : memref<10000x16xf32, #tpu.memory_space<vmem_shared>> -> memref<48x16xf32, #tpu.memory_space<vmem_shared>>
      %dma_start3A_131 = arith.constant 0 : i32
      %dma_start3A_132 = tpu.memref_slice %arg4[%add3A_43, %dma_start3A_131] : memref<10000x16xf32, #tpu.memory_space<vmem_shared>> -> memref<48x16xf32, #tpu.memory_space<vmem_shared>>
      tpu.enqueue_dma source(%arg7 : memref<48x16xf32, #tpu.memory_space<vmem>>) target(%dma_start3A_132 : memref<48x16xf32, #tpu.memory_space<vmem_shared>>) target_semaphore(%run_scoped3A : memref<!tpu.dma_semaphore, #tpu.memory_space<semaphore_mem>>)
      %dma_wait3A = arith.constant 0 : i32
      %dma_wait3A_133 = tpu.memref_slice %arg4[%add3A_43, %dma_wait3A] : memref<10000x16xf32, #tpu.memory_space<vmem_shared>> -> memref<48x16xf32, #tpu.memory_space<vmem_shared>>
      %dma_wait3A_134 = arith.constant 0 : i32
      %dma_wait3A_135 = tpu.memref_slice %arg4[%add3A_43, %dma_wait3A_134] : memref<10000x16xf32, #tpu.memory_space<vmem_shared>> -> memref<48x16xf32, #tpu.memory_space<vmem_shared>>
      tpu.wait_dma2 semaphore(%run_scoped3A : memref<!tpu.dma_semaphore, #tpu.memory_space<semaphore_mem>>) src(%arg7 : memref<48x16xf32, #tpu.memory_space<vmem>>) dst(%dma_wait3A_135 : memref<48x16xf32, #tpu.memory_space<vmem_shared>>)
      tpu.yield
    }) : () -> ()
    %mul3A_44 = arith.constant 624 : i32
    %mul3A_45 = arith.muli %arg1, %mul3A_44 : i32
    %add3A_46 = arith.constant 384 : i32
    %add3A_47 = arith.addi %mul3A_45, %add3A_46 : i32
    "tpu.region"() ({
      %run_scoped3A = tpu.sem_alloc : memref<!tpu.dma_semaphore, #tpu.memory_space<semaphore_mem>>
      %dma_start3A = arith.constant 0 : i32
      %dma_start3A_130 = tpu.memref_slice %arg4[%add3A_47, %dma_start3A] : memref<10000x16xf32, #tpu.memory_space<vmem_shared>> -> memref<48x16xf32, #tpu.memory_space<vmem_shared>>
      %dma_start3A_131 = arith.constant 0 : i32
      %dma_start3A_132 = tpu.memref_slice %arg4[%add3A_47, %dma_start3A_131] : memref<10000x16xf32, #tpu.memory_space<vmem_shared>> -> memref<48x16xf32, #tpu.memory_space<vmem_shared>>
      tpu.enqueue_dma source(%arg7 : memref<48x16xf32, #tpu.memory_space<vmem>>) target(%dma_start3A_132 : memref<48x16xf32, #tpu.memory_space<vmem_shared>>) target_semaphore(%run_scoped3A : memref<!tpu.dma_semaphore, #tpu.memory_space<semaphore_mem>>)
      %dma_wait3A = arith.constant 0 : i32
      %dma_wait3A_133 = tpu.memref_slice %arg4[%add3A_47, %dma_wait3A] : memref<10000x16xf32, #tpu.memory_space<vmem_shared>> -> memref<48x16xf32, #tpu.memory_space<vmem_shared>>
      %dma_wait3A_134 = arith.constant 0 : i32
      %dma_wait3A_135 = tpu.memref_slice %arg4[%add3A_47, %dma_wait3A_134] : memref<10000x16xf32, #tpu.memory_space<vmem_shared>> -> memref<48x16xf32, #tpu.memory_space<vmem_shared>>
      tpu.wait_dma2 semaphore(%run_scoped3A : memref<!tpu.dma_semaphore, #tpu.memory_space<semaphore_mem>>) src(%arg7 : memref<48x16xf32, #tpu.memory_space<vmem>>) dst(%dma_wait3A_135 : memref<48x16xf32, #tpu.memory_space<vmem_shared>>)
      tpu.yield
    }) : () -> ()
    %mul3A_48 = arith.constant 624 : i32
    %mul3A_49 = arith.muli %arg1, %mul3A_48 : i32
    %add3A_50 = arith.constant 432 : i32
    %add3A_51 = arith.addi %mul3A_49, %add3A_50 : i32
    "tpu.region"() ({
      %run_scoped3A = tpu.sem_alloc : memref<!tpu.dma_semaphore, #tpu.memory_space<semaphore_mem>>
      %dma_start3A = arith.constant 0 : i32
      %dma_start3A_130 = tpu.memref_slice %arg4[%add3A_51, %dma_start3A] : memref<10000x16xf32, #tpu.memory_space<vmem_shared>> -> memref<48x16xf32, #tpu.memory_space<vmem_shared>>
      %dma_start3A_131 = arith.constant 0 : i32
      %dma_start3A_132 = tpu.memref_slice %arg4[%add3A_51, %dma_start3A_131] : memref<10000x16xf32, #tpu.memory_space<vmem_shared>> -> memref<48x16xf32, #tpu.memory_space<vmem_shared>>
      tpu.enqueue_dma source(%arg7 : memref<48x16xf32, #tpu.memory_space<vmem>>) target(%dma_start3A_132 : memref<48x16xf32, #tpu.memory_space<vmem_shared>>) target_semaphore(%run_scoped3A : memref<!tpu.dma_semaphore, #tpu.memory_space<semaphore_mem>>)
      %dma_wait3A = arith.constant 0 : i32
      %dma_wait3A_133 = tpu.memref_slice %arg4[%add3A_51, %dma_wait3A] : memref<10000x16xf32, #tpu.memory_space<vmem_shared>> -> memref<48x16xf32, #tpu.memory_space<vmem_shared>>
      %dma_wait3A_134 = arith.constant 0 : i32
      %dma_wait3A_135 = tpu.memref_slice %arg4[%add3A_51, %dma_wait3A_134] : memref<10000x16xf32, #tpu.memory_space<vmem_shared>> -> memref<48x16xf32, #tpu.memory_space<vmem_shared>>
      tpu.wait_dma2 semaphore(%run_scoped3A : memref<!tpu.dma_semaphore, #tpu.memory_space<semaphore_mem>>) src(%arg7 : memref<48x16xf32, #tpu.memory_space<vmem>>) dst(%dma_wait3A_135 : memref<48x16xf32, #tpu.memory_space<vmem_shared>>)
      tpu.yield
    }) : () -> ()
    %mul3A_52 = arith.constant 624 : i32
    %mul3A_53 = arith.muli %arg1, %mul3A_52 : i32
    %add3A_54 = arith.constant 480 : i32
    %add3A_55 = arith.addi %mul3A_53, %add3A_54 : i32
    "tpu.region"() ({
      %run_scoped3A = tpu.sem_alloc : memref<!tpu.dma_semaphore, #tpu.memory_space<semaphore_mem>>
      %dma_start3A = arith.constant 0 : i32
      %dma_start3A_130 = tpu.memref_slice %arg4[%add3A_55, %dma_start3A] : memref<10000x16xf32, #tpu.memory_space<vmem_shared>> -> memref<48x16xf32, #tpu.memory_space<vmem_shared>>
      %dma_start3A_131 = arith.constant 0 : i32
      %dma_start3A_132 = tpu.memref_slice %arg4[%add3A_55, %dma_start3A_131] : memref<10000x16xf32, #tpu.memory_space<vmem_shared>> -> memref<48x16xf32, #tpu.memory_space<vmem_shared>>
      tpu.enqueue_dma source(%arg7 : memref<48x16xf32, #tpu.memory_space<vmem>>) target(%dma_start3A_132 : memref<48x16xf32, #tpu.memory_space<vmem_shared>>) target_semaphore(%run_scoped3A : memref<!tpu.dma_semaphore, #tpu.memory_space<semaphore_mem>>)
      %dma_wait3A = arith.constant 0 : i32
      %dma_wait3A_133 = tpu.memref_slice %arg4[%add3A_55, %dma_wait3A] : memref<10000x16xf32, #tpu.memory_space<vmem_shared>> -> memref<48x16xf32, #tpu.memory_space<vmem_shared>>
      %dma_wait3A_134 = arith.constant 0 : i32
      %dma_wait3A_135 = tpu.memref_slice %arg4[%add3A_55, %dma_wait3A_134] : memref<10000x16xf32, #tpu.memory_space<vmem_shared>> -> memref<48x16xf32, #tpu.memory_space<vmem_shared>>
      tpu.wait_dma2 semaphore(%run_scoped3A : memref<!tpu.dma_semaphore, #tpu.memory_space<semaphore_mem>>) src(%arg7 : memref<48x16xf32, #tpu.memory_space<vmem>>) dst(%dma_wait3A_135 : memref<48x16xf32, #tpu.memory_space<vmem_shared>>)
      tpu.yield
    }) : () -> ()
    %mul3A_56 = arith.constant 624 : i32
    %mul3A_57 = arith.muli %arg1, %mul3A_56 : i32
    %add3A_58 = arith.constant 528 : i32
    %add3A_59 = arith.addi %mul3A_57, %add3A_58 : i32
    "tpu.region"() ({
      %run_scoped3A = tpu.sem_alloc : memref<!tpu.dma_semaphore, #tpu.memory_space<semaphore_mem>>
      %dma_start3A = arith.constant 0 : i32
      %dma_start3A_130 = tpu.memref_slice %arg4[%add3A_59, %dma_start3A] : memref<10000x16xf32, #tpu.memory_space<vmem_shared>> -> memref<48x16xf32, #tpu.memory_space<vmem_shared>>
      %dma_start3A_131 = arith.constant 0 : i32
      %dma_start3A_132 = tpu.memref_slice %arg4[%add3A_59, %dma_start3A_131] : memref<10000x16xf32, #tpu.memory_space<vmem_shared>> -> memref<48x16xf32, #tpu.memory_space<vmem_shared>>
      tpu.enqueue_dma source(%arg7 : memref<48x16xf32, #tpu.memory_space<vmem>>) target(%dma_start3A_132 : memref<48x16xf32, #tpu.memory_space<vmem_shared>>) target_semaphore(%run_scoped3A : memref<!tpu.dma_semaphore, #tpu.memory_space<semaphore_mem>>)
      %dma_wait3A = arith.constant 0 : i32
      %dma_wait3A_133 = tpu.memref_slice %arg4[%add3A_59, %dma_wait3A] : memref<10000x16xf32, #tpu.memory_space<vmem_shared>> -> memref<48x16xf32, #tpu.memory_space<vmem_shared>>
      %dma_wait3A_134 = arith.constant 0 : i32
      %dma_wait3A_135 = tpu.memref_slice %arg4[%add3A_59, %dma_wait3A_134] : memref<10000x16xf32, #tpu.memory_space<vmem_shared>> -> memref<48x16xf32, #tpu.memory_space<vmem_shared>>
      tpu.wait_dma2 semaphore(%run_scoped3A : memref<!tpu.dma_semaphore, #tpu.memory_space<semaphore_mem>>) src(%arg7 : memref<48x16xf32, #tpu.memory_space<vmem>>) dst(%dma_wait3A_135 : memref<48x16xf32, #tpu.memory_space<vmem_shared>>)
      tpu.yield
    }) : () -> ()
    %mul3A_60 = arith.constant 624 : i32
    %mul3A_61 = arith.muli %arg1, %mul3A_60 : i32
    %add3A_62 = arith.constant 576 : i32
    %add3A_63 = arith.addi %mul3A_61, %add3A_62 : i32
    "tpu.region"() ({
      %run_scoped3A = tpu.sem_alloc : memref<!tpu.dma_semaphore, #tpu.memory_space<semaphore_mem>>
      %dma_start3A = arith.constant 0 : i32
      %dma_start3A_130 = tpu.memref_slice %arg4[%add3A_63, %dma_start3A] : memref<10000x16xf32, #tpu.memory_space<vmem_shared>> -> memref<48x16xf32, #tpu.memory_space<vmem_shared>>
      %dma_start3A_131 = arith.constant 0 : i32
      %dma_start3A_132 = tpu.memref_slice %arg4[%add3A_63, %dma_start3A_131] : memref<10000x16xf32, #tpu.memory_space<vmem_shared>> -> memref<48x16xf32, #tpu.memory_space<vmem_shared>>
      tpu.enqueue_dma source(%arg7 : memref<48x16xf32, #tpu.memory_space<vmem>>) target(%dma_start3A_132 : memref<48x16xf32, #tpu.memory_space<vmem_shared>>) target_semaphore(%run_scoped3A : memref<!tpu.dma_semaphore, #tpu.memory_space<semaphore_mem>>)
      %dma_wait3A = arith.constant 0 : i32
      %dma_wait3A_133 = tpu.memref_slice %arg4[%add3A_63, %dma_wait3A] : memref<10000x16xf32, #tpu.memory_space<vmem_shared>> -> memref<48x16xf32, #tpu.memory_space<vmem_shared>>
      %dma_wait3A_134 = arith.constant 0 : i32
      %dma_wait3A_135 = tpu.memref_slice %arg4[%add3A_63, %dma_wait3A_134] : memref<10000x16xf32, #tpu.memory_space<vmem_shared>> -> memref<48x16xf32, #tpu.memory_space<vmem_shared>>
      tpu.wait_dma2 semaphore(%run_scoped3A : memref<!tpu.dma_semaphore, #tpu.memory_space<semaphore_mem>>) src(%arg7 : memref<48x16xf32, #tpu.memory_space<vmem>>) dst(%dma_wait3A_135 : memref<48x16xf32, #tpu.memory_space<vmem_shared>>)
      tpu.yield
    }) : () -> ()
    %eq3A = arith.constant 15 : i32
    %eq3A_64 = arith.cmpi eq, %arg1, %eq3A : i32
    %convert_element_type3A = arith.extui %eq3A_64 : i1 to i32
    %cond3A = arith.constant 0 : i32
    %cond3A_65 = arith.cmpi ne, %convert_element_type3A, %cond3A : i32
    scf.if %cond3A_65 {
      "tpu.region"() ({
        %run_scoped3A = tpu.sem_alloc : memref<!tpu.dma_semaphore, #tpu.memory_space<semaphore_mem>>
        %dma_start3A = arith.constant 0 : i32
        %dma_start3A_130 = arith.constant 0 : i32
        %dma_start3A_131 = tpu.memref_slice %arg7[%dma_start3A, %dma_start3A_130] : memref<48x16xf32, #tpu.memory_space<vmem>> -> memref<16x16xf32, #tpu.memory_space<vmem>>
        %dma_start3A_132 = arith.constant 9984 : i32
        %dma_start3A_133 = arith.constant 0 : i32
        %dma_start3A_134 = tpu.memref_slice %arg4[%dma_start3A_132, %dma_start3A_133] : memref<10000x16xf32, #tpu.memory_space<vmem_shared>> -> memref<16x16xf32, #tpu.memory_space<vmem_shared>>
        %dma_start3A_135 = arith.constant 9984 : i32
        %dma_start3A_136 = arith.constant 0 : i32
        %dma_start3A_137 = tpu.memref_slice %arg4[%dma_start3A_135, %dma_start3A_136] : memref<10000x16xf32, #tpu.memory_space<vmem_shared>> -> memref<16x16xf32, #tpu.memory_space<vmem_shared>>
        %dma_start3A_138 = arith.constant 0 : i32
        %dma_start3A_139 = arith.constant 0 : i32
        %dma_start3A_140 = tpu.memref_slice %arg7[%dma_start3A_138, %dma_start3A_139] : memref<48x16xf32, #tpu.memory_space<vmem>> -> memref<16x16xf32, #tpu.memory_space<vmem>>
        tpu.enqueue_dma source(%dma_start3A_140 : memref<16x16xf32, #tpu.memory_space<vmem>>) target(%dma_start3A_137 : memref<16x16xf32, #tpu.memory_space<vmem_shared>>) target_semaphore(%run_scoped3A : memref<!tpu.dma_semaphore, #tpu.memory_space<semaphore_mem>>)
        %dma_wait3A = arith.constant 0 : i32
        %dma_wait3A_141 = arith.constant 0 : i32
        %dma_wait3A_142 = tpu.memref_slice %arg7[%dma_wait3A, %dma_wait3A_141] : memref<48x16xf32, #tpu.memory_space<vmem>> -> memref<16x16xf32, #tpu.memory_space<vmem>>
        %dma_wait3A_143 = arith.constant 9984 : i32
        %dma_wait3A_144 = arith.constant 0 : i32
        %dma_wait3A_145 = tpu.memref_slice %arg4[%dma_wait3A_143, %dma_wait3A_144] : memref<10000x16xf32, #tpu.memory_space<vmem_shared>> -> memref<16x16xf32, #tpu.memory_space<vmem_shared>>
        %dma_wait3A_146 = arith.constant 9984 : i32
        %dma_wait3A_147 = arith.constant 0 : i32
        %dma_wait3A_148 = tpu.memref_slice %arg4[%dma_wait3A_146, %dma_wait3A_147] : memref<10000x16xf32, #tpu.memory_space<vmem_shared>> -> memref<16x16xf32, #tpu.memory_space<vmem_shared>>
        %dma_wait3A_149 = arith.constant 0 : i32
        %dma_wait3A_150 = arith.constant 0 : i32
        %dma_wait3A_151 = tpu.memref_slice %arg7[%dma_wait3A_149, %dma_wait3A_150] : memref<48x16xf32, #tpu.memory_space<vmem>> -> memref<16x16xf32, #tpu.memory_space<vmem>>
        tpu.wait_dma2 semaphore(%run_scoped3A : memref<!tpu.dma_semaphore, #tpu.memory_space<semaphore_mem>>) src(%dma_wait3A_151 : memref<16x16xf32, #tpu.memory_space<vmem>>) dst(%dma_wait3A_148 : memref<16x16xf32, #tpu.memory_space<vmem_shared>>)
        tpu.yield
      }) : () -> ()
    } else {
    }
    "tpu.region"() ({
      %run_scoped3A = tpu.sem_alloc : memref<!tpu.dma_semaphore, #tpu.memory_space<semaphore_mem>>
      %dma_start3A = arith.constant 0 : i32
      %dma_start3A_130 = arith.constant 0 : i32
      %dma_start3A_131 = tpu.memref_slice %arg2[%add3A, %dma_start3A, %dma_start3A_130] : memref<32x125x80xi32, #tpu.memory_space<hbm>> -> memref<1x125x80xi32, #tpu.memory_space<hbm>>
      %dma_start3A_132 = tpu.memref_squeeze %dma_start3A_131 : memref<1x125x80xi32, #tpu.memory_space<hbm>> -> memref<125x80xi32, #tpu.memory_space<hbm>>
      %dma_start3A_133 = arith.constant 0 : i32
      %dma_start3A_134 = arith.constant 0 : i32
      %dma_start3A_135 = tpu.memref_slice %arg2[%add3A, %dma_start3A_133, %dma_start3A_134] : memref<32x125x80xi32, #tpu.memory_space<hbm>> -> memref<1x125x80xi32, #tpu.memory_space<hbm>>
      %dma_start3A_136 = tpu.memref_squeeze %dma_start3A_135 : memref<1x125x80xi32, #tpu.memory_space<hbm>> -> memref<125x80xi32, #tpu.memory_space<hbm>>
      tpu.enqueue_dma source(%dma_start3A_136 : memref<125x80xi32, #tpu.memory_space<hbm>>) target(%arg5 : memref<125x80xi32, #tpu.memory_space<vmem>>) target_semaphore(%run_scoped3A : memref<!tpu.dma_semaphore, #tpu.memory_space<semaphore_mem>>)
      %dma_wait3A = arith.constant 0 : i32
      %dma_wait3A_137 = arith.constant 0 : i32
      %dma_wait3A_138 = tpu.memref_slice %arg2[%add3A, %dma_wait3A, %dma_wait3A_137] : memref<32x125x80xi32, #tpu.memory_space<hbm>> -> memref<1x125x80xi32, #tpu.memory_space<hbm>>
      %dma_wait3A_139 = tpu.memref_squeeze %dma_wait3A_138 : memref<1x125x80xi32, #tpu.memory_space<hbm>> -> memref<125x80xi32, #tpu.memory_space<hbm>>
      %dma_wait3A_140 = arith.constant 0 : i32
      %dma_wait3A_141 = arith.constant 0 : i32
      %dma_wait3A_142 = tpu.memref_slice %arg2[%add3A, %dma_wait3A_140, %dma_wait3A_141] : memref<32x125x80xi32, #tpu.memory_space<hbm>> -> memref<1x125x80xi32, #tpu.memory_space<hbm>>
      %dma_wait3A_143 = tpu.memref_squeeze %dma_wait3A_142 : memref<1x125x80xi32, #tpu.memory_space<hbm>> -> memref<125x80xi32, #tpu.memory_space<hbm>>
      tpu.wait_dma2 semaphore(%run_scoped3A : memref<!tpu.dma_semaphore, #tpu.memory_space<semaphore_mem>>) src(%dma_wait3A_143 : memref<125x80xi32, #tpu.memory_space<hbm>>) dst(%arg5 : memref<125x80xi32, #tpu.memory_space<vmem>>)
      tpu.yield
    }) : () -> ()
    %barrier3A = arith.constant 0 : index
    tpu.barrier barrier_id(%barrier3A)
    %scan3A_66 = arith.constant 0 : i32
    %scan3A_67 = arith.constant 0 : i32
    %scan3A_68 = arith.constant 125 : i32
    %scan3A_69 = arith.addi %scan3A_67, %scan3A_68 : i32
    %scan3A_70 = arith.constant 1 : i32
    scf.for %scan3A_130 = %scan3A_67 to %scan3A_69 step %scan3A_70  : i32 {
      "tpu.region"() ({
        %run_scoped3A = tpu.sem_alloc : memref<!tpu.dma_semaphore, #tpu.memory_space<semaphore_mem>>
        %dma_start3A = arith.constant 0 : i32
        %dma_start3A_131 = tpu.memref_slice %arg5[%scan3A_130, %dma_start3A] : memref<125x80xi32, #tpu.memory_space<vmem>> -> memref<1x80xi32, #tpu.memory_space<vmem>>
        %dma_start3A_132 = tpu.memref_squeeze %dma_start3A_131 : memref<1x80xi32, #tpu.memory_space<vmem>> -> memref<80xi32, #tpu.memory_space<vmem>>
        %dma_start3A_133 = arith.constant 0 : i32
        %dma_start3A_134 = arith.constant 0 : i32
        %dma_start3A_135 = tpu.memref_slice %arg4[%dma_start3A_133, %dma_start3A_134] : memref<10000x16xf32, #tpu.memory_space<vmem_shared>> -> memref<10000x16xf32, #tpu.memory_space<vmem_shared>>
        tpu.enqueue_indirect_dma source(%arg6 : memref<80x16xf32, #tpu.memory_space<vmem>>) target(%dma_start3A_135 : memref<10000x16xf32, #tpu.memory_space<vmem_shared>>) offsets(%dma_start3A_132 : memref<80xi32, #tpu.memory_space<vmem>>) semaphore(%run_scoped3A : memref<!tpu.dma_semaphore, #tpu.memory_space<semaphore_mem>>) {add = true}
        %dma_wait3A = arith.constant 0 : i32
        %dma_wait3A_136 = tpu.memref_slice %arg5[%scan3A_130, %dma_wait3A] : memref<125x80xi32, #tpu.memory_space<vmem>> -> memref<1x80xi32, #tpu.memory_space<vmem>>
        %dma_wait3A_137 = tpu.memref_squeeze %dma_wait3A_136 : memref<1x80xi32, #tpu.memory_space<vmem>> -> memref<80xi32, #tpu.memory_space<vmem>>
        %dma_wait3A_138 = arith.constant 0 : i32
        %dma_wait3A_139 = arith.constant 0 : i32
        %dma_wait3A_140 = tpu.memref_slice %arg4[%dma_wait3A_138, %dma_wait3A_139] : memref<10000x16xf32, #tpu.memory_space<vmem_shared>> -> memref<10000x16xf32, #tpu.memory_space<vmem_shared>>
        tpu.wait_indirect_dma semaphore(%run_scoped3A : memref<!tpu.dma_semaphore, #tpu.memory_space<semaphore_mem>>) src(%arg6 : memref<80x16xf32, #tpu.memory_space<vmem>>) dst(%dma_wait3A_140 : memref<10000x16xf32, #tpu.memory_space<vmem_shared>>)
        tpu.yield
      }) : () -> ()
    }
    %scan3A_71 = arith.constant 125 : i32
    %barrier3A_72 = arith.constant 0 : index
    tpu.barrier barrier_id(%barrier3A_72)
    %mul3A_73 = arith.constant 624 : i32
    %mul3A_74 = arith.muli %arg1, %mul3A_73 : i32
    %add3A_75 = arith.constant 0 : i32
    %add3A_76 = arith.addi %mul3A_74, %add3A_75 : i32
    "tpu.region"() ({
      %run_scoped3A = tpu.sem_alloc : memref<!tpu.dma_semaphore, #tpu.memory_space<semaphore_mem>>
      %dma_start3A = arith.constant 0 : i32
      %dma_start3A_130 = tpu.memref_slice %arg3[%arg0, %add3A_76, %dma_start3A] : memref<2x10000x16xf32, #tpu.memory_space<hbm>> -> memref<1x48x16xf32, #tpu.memory_space<hbm>>
      %dma_start3A_131 = tpu.memref_squeeze %dma_start3A_130 : memref<1x48x16xf32, #tpu.memory_space<hbm>> -> memref<48x16xf32, #tpu.memory_space<hbm>>
      %dma_start3A_132 = arith.constant 0 : i32
      %dma_start3A_133 = tpu.memref_slice %arg4[%add3A_76, %dma_start3A_132] : memref<10000x16xf32, #tpu.memory_space<vmem_shared>> -> memref<48x16xf32, #tpu.memory_space<vmem_shared>>
      tpu.enqueue_dma source(%dma_start3A_133 : memref<48x16xf32, #tpu.memory_space<vmem_shared>>) target(%dma_start3A_131 : memref<48x16xf32, #tpu.memory_space<hbm>>) target_semaphore(%run_scoped3A : memref<!tpu.dma_semaphore, #tpu.memory_space<semaphore_mem>>)
      %dma_wait3A = arith.constant 0 : i32
      %dma_wait3A_134 = tpu.memref_slice %arg3[%arg0, %add3A_76, %dma_wait3A] : memref<2x10000x16xf32, #tpu.memory_space<hbm>> -> memref<1x48x16xf32, #tpu.memory_space<hbm>>
      %dma_wait3A_135 = tpu.memref_squeeze %dma_wait3A_134 : memref<1x48x16xf32, #tpu.memory_space<hbm>> -> memref<48x16xf32, #tpu.memory_space<hbm>>
      %dma_wait3A_136 = arith.constant 0 : i32
      %dma_wait3A_137 = tpu.memref_slice %arg4[%add3A_76, %dma_wait3A_136] : memref<10000x16xf32, #tpu.memory_space<vmem_shared>> -> memref<48x16xf32, #tpu.memory_space<vmem_shared>>
      tpu.wait_dma2 semaphore(%run_scoped3A : memref<!tpu.dma_semaphore, #tpu.memory_space<semaphore_mem>>) src(%dma_wait3A_137 : memref<48x16xf32, #tpu.memory_space<vmem_shared>>) dst(%dma_wait3A_135 : memref<48x16xf32, #tpu.memory_space<hbm>>)
      tpu.yield
    }) : () -> ()
    %mul3A_77 = arith.constant 624 : i32
    %mul3A_78 = arith.muli %arg1, %mul3A_77 : i32
    %add3A_79 = arith.constant 48 : i32
    %add3A_80 = arith.addi %mul3A_78, %add3A_79 : i32
    "tpu.region"() ({
      %run_scoped3A = tpu.sem_alloc : memref<!tpu.dma_semaphore, #tpu.memory_space<semaphore_mem>>
      %dma_start3A = arith.constant 0 : i32
      %dma_start3A_130 = tpu.memref_slice %arg3[%arg0, %add3A_80, %dma_start3A] : memref<2x10000x16xf32, #tpu.memory_space<hbm>> -> memref<1x48x16xf32, #tpu.memory_space<hbm>>
      %dma_start3A_131 = tpu.memref_squeeze %dma_start3A_130 : memref<1x48x16xf32, #tpu.memory_space<hbm>> -> memref<48x16xf32, #tpu.memory_space<hbm>>
      %dma_start3A_132 = arith.constant 0 : i32
      %dma_start3A_133 = tpu.memref_slice %arg4[%add3A_80, %dma_start3A_132] : memref<10000x16xf32, #tpu.memory_space<vmem_shared>> -> memref<48x16xf32, #tpu.memory_space<vmem_shared>>
      tpu.enqueue_dma source(%dma_start3A_133 : memref<48x16xf32, #tpu.memory_space<vmem_shared>>) target(%dma_start3A_131 : memref<48x16xf32, #tpu.memory_space<hbm>>) target_semaphore(%run_scoped3A : memref<!tpu.dma_semaphore, #tpu.memory_space<semaphore_mem>>)
      %dma_wait3A = arith.constant 0 : i32
      %dma_wait3A_134 = tpu.memref_slice %arg3[%arg0, %add3A_80, %dma_wait3A] : memref<2x10000x16xf32, #tpu.memory_space<hbm>> -> memref<1x48x16xf32, #tpu.memory_space<hbm>>
      %dma_wait3A_135 = tpu.memref_squeeze %dma_wait3A_134 : memref<1x48x16xf32, #tpu.memory_space<hbm>> -> memref<48x16xf32, #tpu.memory_space<hbm>>
      %dma_wait3A_136 = arith.constant 0 : i32
      %dma_wait3A_137 = tpu.memref_slice %arg4[%add3A_80, %dma_wait3A_136] : memref<10000x16xf32, #tpu.memory_space<vmem_shared>> -> memref<48x16xf32, #tpu.memory_space<vmem_shared>>
      tpu.wait_dma2 semaphore(%run_scoped3A : memref<!tpu.dma_semaphore, #tpu.memory_space<semaphore_mem>>) src(%dma_wait3A_137 : memref<48x16xf32, #tpu.memory_space<vmem_shared>>) dst(%dma_wait3A_135 : memref<48x16xf32, #tpu.memory_space<hbm>>)
      tpu.yield
    }) : () -> ()
    %mul3A_81 = arith.constant 624 : i32
    %mul3A_82 = arith.muli %arg1, %mul3A_81 : i32
    %add3A_83 = arith.constant 96 : i32
    %add3A_84 = arith.addi %mul3A_82, %add3A_83 : i32
    "tpu.region"() ({
      %run_scoped3A = tpu.sem_alloc : memref<!tpu.dma_semaphore, #tpu.memory_space<semaphore_mem>>
      %dma_start3A = arith.constant 0 : i32
      %dma_start3A_130 = tpu.memref_slice %arg3[%arg0, %add3A_84, %dma_start3A] : memref<2x10000x16xf32, #tpu.memory_space<hbm>> -> memref<1x48x16xf32, #tpu.memory_space<hbm>>
      %dma_start3A_131 = tpu.memref_squeeze %dma_start3A_130 : memref<1x48x16xf32, #tpu.memory_space<hbm>> -> memref<48x16xf32, #tpu.memory_space<hbm>>
      %dma_start3A_132 = arith.constant 0 : i32
      %dma_start3A_133 = tpu.memref_slice %arg4[%add3A_84, %dma_start3A_132] : memref<10000x16xf32, #tpu.memory_space<vmem_shared>> -> memref<48x16xf32, #tpu.memory_space<vmem_shared>>
      tpu.enqueue_dma source(%dma_start3A_133 : memref<48x16xf32, #tpu.memory_space<vmem_shared>>) target(%dma_start3A_131 : memref<48x16xf32, #tpu.memory_space<hbm>>) target_semaphore(%run_scoped3A : memref<!tpu.dma_semaphore, #tpu.memory_space<semaphore_mem>>)
      %dma_wait3A = arith.constant 0 : i32
      %dma_wait3A_134 = tpu.memref_slice %arg3[%arg0, %add3A_84, %dma_wait3A] : memref<2x10000x16xf32, #tpu.memory_space<hbm>> -> memref<1x48x16xf32, #tpu.memory_space<hbm>>
      %dma_wait3A_135 = tpu.memref_squeeze %dma_wait3A_134 : memref<1x48x16xf32, #tpu.memory_space<hbm>> -> memref<48x16xf32, #tpu.memory_space<hbm>>
      %dma_wait3A_136 = arith.constant 0 : i32
      %dma_wait3A_137 = tpu.memref_slice %arg4[%add3A_84, %dma_wait3A_136] : memref<10000x16xf32, #tpu.memory_space<vmem_shared>> -> memref<48x16xf32, #tpu.memory_space<vmem_shared>>
      tpu.wait_dma2 semaphore(%run_scoped3A : memref<!tpu.dma_semaphore, #tpu.memory_space<semaphore_mem>>) src(%dma_wait3A_137 : memref<48x16xf32, #tpu.memory_space<vmem_shared>>) dst(%dma_wait3A_135 : memref<48x16xf32, #tpu.memory_space<hbm>>)
      tpu.yield
    }) : () -> ()
    %mul3A_85 = arith.constant 624 : i32
    %mul3A_86 = arith.muli %arg1, %mul3A_85 : i32
    %add3A_87 = arith.constant 144 : i32
    %add3A_88 = arith.addi %mul3A_86, %add3A_87 : i32
    "tpu.region"() ({
      %run_scoped3A = tpu.sem_alloc : memref<!tpu.dma_semaphore, #tpu.memory_space<semaphore_mem>>
      %dma_start3A = arith.constant 0 : i32
      %dma_start3A_130 = tpu.memref_slice %arg3[%arg0, %add3A_88, %dma_start3A] : memref<2x10000x16xf32, #tpu.memory_space<hbm>> -> memref<1x48x16xf32, #tpu.memory_space<hbm>>
      %dma_start3A_131 = tpu.memref_squeeze %dma_start3A_130 : memref<1x48x16xf32, #tpu.memory_space<hbm>> -> memref<48x16xf32, #tpu.memory_space<hbm>>
      %dma_start3A_132 = arith.constant 0 : i32
      %dma_start3A_133 = tpu.memref_slice %arg4[%add3A_88, %dma_start3A_132] : memref<10000x16xf32, #tpu.memory_space<vmem_shared>> -> memref<48x16xf32, #tpu.memory_space<vmem_shared>>
      tpu.enqueue_dma source(%dma_start3A_133 : memref<48x16xf32, #tpu.memory_space<vmem_shared>>) target(%dma_start3A_131 : memref<48x16xf32, #tpu.memory_space<hbm>>) target_semaphore(%run_scoped3A : memref<!tpu.dma_semaphore, #tpu.memory_space<semaphore_mem>>)
      %dma_wait3A = arith.constant 0 : i32
      %dma_wait3A_134 = tpu.memref_slice %arg3[%arg0, %add3A_88, %dma_wait3A] : memref<2x10000x16xf32, #tpu.memory_space<hbm>> -> memref<1x48x16xf32, #tpu.memory_space<hbm>>
      %dma_wait3A_135 = tpu.memref_squeeze %dma_wait3A_134 : memref<1x48x16xf32, #tpu.memory_space<hbm>> -> memref<48x16xf32, #tpu.memory_space<hbm>>
      %dma_wait3A_136 = arith.constant 0 : i32
      %dma_wait3A_137 = tpu.memref_slice %arg4[%add3A_88, %dma_wait3A_136] : memref<10000x16xf32, #tpu.memory_space<vmem_shared>> -> memref<48x16xf32, #tpu.memory_space<vmem_shared>>
      tpu.wait_dma2 semaphore(%run_scoped3A : memref<!tpu.dma_semaphore, #tpu.memory_space<semaphore_mem>>) src(%dma_wait3A_137 : memref<48x16xf32, #tpu.memory_space<vmem_shared>>) dst(%dma_wait3A_135 : memref<48x16xf32, #tpu.memory_space<hbm>>)
      tpu.yield
    }) : () -> ()
    %mul3A_89 = arith.constant 624 : i32
    %mul3A_90 = arith.muli %arg1, %mul3A_89 : i32
    %add3A_91 = arith.constant 192 : i32
    %add3A_92 = arith.addi %mul3A_90, %add3A_91 : i32
    "tpu.region"() ({
      %run_scoped3A = tpu.sem_alloc : memref<!tpu.dma_semaphore, #tpu.memory_space<semaphore_mem>>
      %dma_start3A = arith.constant 0 : i32
      %dma_start3A_130 = tpu.memref_slice %arg3[%arg0, %add3A_92, %dma_start3A] : memref<2x10000x16xf32, #tpu.memory_space<hbm>> -> memref<1x48x16xf32, #tpu.memory_space<hbm>>
      %dma_start3A_131 = tpu.memref_squeeze %dma_start3A_130 : memref<1x48x16xf32, #tpu.memory_space<hbm>> -> memref<48x16xf32, #tpu.memory_space<hbm>>
      %dma_start3A_132 = arith.constant 0 : i32
      %dma_start3A_133 = tpu.memref_slice %arg4[%add3A_92, %dma_start3A_132] : memref<10000x16xf32, #tpu.memory_space<vmem_shared>> -> memref<48x16xf32, #tpu.memory_space<vmem_shared>>
      tpu.enqueue_dma source(%dma_start3A_133 : memref<48x16xf32, #tpu.memory_space<vmem_shared>>) target(%dma_start3A_131 : memref<48x16xf32, #tpu.memory_space<hbm>>) target_semaphore(%run_scoped3A : memref<!tpu.dma_semaphore, #tpu.memory_space<semaphore_mem>>)
      %dma_wait3A = arith.constant 0 : i32
      %dma_wait3A_134 = tpu.memref_slice %arg3[%arg0, %add3A_92, %dma_wait3A] : memref<2x10000x16xf32, #tpu.memory_space<hbm>> -> memref<1x48x16xf32, #tpu.memory_space<hbm>>
      %dma_wait3A_135 = tpu.memref_squeeze %dma_wait3A_134 : memref<1x48x16xf32, #tpu.memory_space<hbm>> -> memref<48x16xf32, #tpu.memory_space<hbm>>
      %dma_wait3A_136 = arith.constant 0 : i32
      %dma_wait3A_137 = tpu.memref_slice %arg4[%add3A_92, %dma_wait3A_136] : memref<10000x16xf32, #tpu.memory_space<vmem_shared>> -> memref<48x16xf32, #tpu.memory_space<vmem_shared>>
      tpu.wait_dma2 semaphore(%run_scoped3A : memref<!tpu.dma_semaphore, #tpu.memory_space<semaphore_mem>>) src(%dma_wait3A_137 : memref<48x16xf32, #tpu.memory_space<vmem_shared>>) dst(%dma_wait3A_135 : memref<48x16xf32, #tpu.memory_space<hbm>>)
      tpu.yield
    }) : () -> ()
    %mul3A_93 = arith.constant 624 : i32
    %mul3A_94 = arith.muli %arg1, %mul3A_93 : i32
    %add3A_95 = arith.constant 240 : i32
    %add3A_96 = arith.addi %mul3A_94, %add3A_95 : i32
    "tpu.region"() ({
      %run_scoped3A = tpu.sem_alloc : memref<!tpu.dma_semaphore, #tpu.memory_space<semaphore_mem>>
      %dma_start3A = arith.constant 0 : i32
      %dma_start3A_130 = tpu.memref_slice %arg3[%arg0, %add3A_96, %dma_start3A] : memref<2x10000x16xf32, #tpu.memory_space<hbm>> -> memref<1x48x16xf32, #tpu.memory_space<hbm>>
      %dma_start3A_131 = tpu.memref_squeeze %dma_start3A_130 : memref<1x48x16xf32, #tpu.memory_space<hbm>> -> memref<48x16xf32, #tpu.memory_space<hbm>>
      %dma_start3A_132 = arith.constant 0 : i32
      %dma_start3A_133 = tpu.memref_slice %arg4[%add3A_96, %dma_start3A_132] : memref<10000x16xf32, #tpu.memory_space<vmem_shared>> -> memref<48x16xf32, #tpu.memory_space<vmem_shared>>
      tpu.enqueue_dma source(%dma_start3A_133 : memref<48x16xf32, #tpu.memory_space<vmem_shared>>) target(%dma_start3A_131 : memref<48x16xf32, #tpu.memory_space<hbm>>) target_semaphore(%run_scoped3A : memref<!tpu.dma_semaphore, #tpu.memory_space<semaphore_mem>>)
      %dma_wait3A = arith.constant 0 : i32
      %dma_wait3A_134 = tpu.memref_slice %arg3[%arg0, %add3A_96, %dma_wait3A] : memref<2x10000x16xf32, #tpu.memory_space<hbm>> -> memref<1x48x16xf32, #tpu.memory_space<hbm>>
      %dma_wait3A_135 = tpu.memref_squeeze %dma_wait3A_134 : memref<1x48x16xf32, #tpu.memory_space<hbm>> -> memref<48x16xf32, #tpu.memory_space<hbm>>
      %dma_wait3A_136 = arith.constant 0 : i32
      %dma_wait3A_137 = tpu.memref_slice %arg4[%add3A_96, %dma_wait3A_136] : memref<10000x16xf32, #tpu.memory_space<vmem_shared>> -> memref<48x16xf32, #tpu.memory_space<vmem_shared>>
      tpu.wait_dma2 semaphore(%run_scoped3A : memref<!tpu.dma_semaphore, #tpu.memory_space<semaphore_mem>>) src(%dma_wait3A_137 : memref<48x16xf32, #tpu.memory_space<vmem_shared>>) dst(%dma_wait3A_135 : memref<48x16xf32, #tpu.memory_space<hbm>>)
      tpu.yield
    }) : () -> ()
    %mul3A_97 = arith.constant 624 : i32
    %mul3A_98 = arith.muli %arg1, %mul3A_97 : i32
    %add3A_99 = arith.constant 288 : i32
    %add3A_100 = arith.addi %mul3A_98, %add3A_99 : i32
    "tpu.region"() ({
      %run_scoped3A = tpu.sem_alloc : memref<!tpu.dma_semaphore, #tpu.memory_space<semaphore_mem>>
      %dma_start3A = arith.constant 0 : i32
      %dma_start3A_130 = tpu.memref_slice %arg3[%arg0, %add3A_100, %dma_start3A] : memref<2x10000x16xf32, #tpu.memory_space<hbm>> -> memref<1x48x16xf32, #tpu.memory_space<hbm>>
      %dma_start3A_131 = tpu.memref_squeeze %dma_start3A_130 : memref<1x48x16xf32, #tpu.memory_space<hbm>> -> memref<48x16xf32, #tpu.memory_space<hbm>>
      %dma_start3A_132 = arith.constant 0 : i32
      %dma_start3A_133 = tpu.memref_slice %arg4[%add3A_100, %dma_start3A_132] : memref<10000x16xf32, #tpu.memory_space<vmem_shared>> -> memref<48x16xf32, #tpu.memory_space<vmem_shared>>
      tpu.enqueue_dma source(%dma_start3A_133 : memref<48x16xf32, #tpu.memory_space<vmem_shared>>) target(%dma_start3A_131 : memref<48x16xf32, #tpu.memory_space<hbm>>) target_semaphore(%run_scoped3A : memref<!tpu.dma_semaphore, #tpu.memory_space<semaphore_mem>>)
      %dma_wait3A = arith.constant 0 : i32
      %dma_wait3A_134 = tpu.memref_slice %arg3[%arg0, %add3A_100, %dma_wait3A] : memref<2x10000x16xf32, #tpu.memory_space<hbm>> -> memref<1x48x16xf32, #tpu.memory_space<hbm>>
      %dma_wait3A_135 = tpu.memref_squeeze %dma_wait3A_134 : memref<1x48x16xf32, #tpu.memory_space<hbm>> -> memref<48x16xf32, #tpu.memory_space<hbm>>
      %dma_wait3A_136 = arith.constant 0 : i32
      %dma_wait3A_137 = tpu.memref_slice %arg4[%add3A_100, %dma_wait3A_136] : memref<10000x16xf32, #tpu.memory_space<vmem_shared>> -> memref<48x16xf32, #tpu.memory_space<vmem_shared>>
      tpu.wait_dma2 semaphore(%run_scoped3A : memref<!tpu.dma_semaphore, #tpu.memory_space<semaphore_mem>>) src(%dma_wait3A_137 : memref<48x16xf32, #tpu.memory_space<vmem_shared>>) dst(%dma_wait3A_135 : memref<48x16xf32, #tpu.memory_space<hbm>>)
      tpu.yield
    }) : () -> ()
    %mul3A_101 = arith.constant 624 : i32
    %mul3A_102 = arith.muli %arg1, %mul3A_101 : i32
    %add3A_103 = arith.constant 336 : i32
    %add3A_104 = arith.addi %mul3A_102, %add3A_103 : i32
    "tpu.region"() ({
      %run_scoped3A = tpu.sem_alloc : memref<!tpu.dma_semaphore, #tpu.memory_space<semaphore_mem>>
      %dma_start3A = arith.constant 0 : i32
      %dma_start3A_130 = tpu.memref_slice %arg3[%arg0, %add3A_104, %dma_start3A] : memref<2x10000x16xf32, #tpu.memory_space<hbm>> -> memref<1x48x16xf32, #tpu.memory_space<hbm>>
      %dma_start3A_131 = tpu.memref_squeeze %dma_start3A_130 : memref<1x48x16xf32, #tpu.memory_space<hbm>> -> memref<48x16xf32, #tpu.memory_space<hbm>>
      %dma_start3A_132 = arith.constant 0 : i32
      %dma_start3A_133 = tpu.memref_slice %arg4[%add3A_104, %dma_start3A_132] : memref<10000x16xf32, #tpu.memory_space<vmem_shared>> -> memref<48x16xf32, #tpu.memory_space<vmem_shared>>
      tpu.enqueue_dma source(%dma_start3A_133 : memref<48x16xf32, #tpu.memory_space<vmem_shared>>) target(%dma_start3A_131 : memref<48x16xf32, #tpu.memory_space<hbm>>) target_semaphore(%run_scoped3A : memref<!tpu.dma_semaphore, #tpu.memory_space<semaphore_mem>>)
      %dma_wait3A = arith.constant 0 : i32
      %dma_wait3A_134 = tpu.memref_slice %arg3[%arg0, %add3A_104, %dma_wait3A] : memref<2x10000x16xf32, #tpu.memory_space<hbm>> -> memref<1x48x16xf32, #tpu.memory_space<hbm>>
      %dma_wait3A_135 = tpu.memref_squeeze %dma_wait3A_134 : memref<1x48x16xf32, #tpu.memory_space<hbm>> -> memref<48x16xf32, #tpu.memory_space<hbm>>
      %dma_wait3A_136 = arith.constant 0 : i32
      %dma_wait3A_137 = tpu.memref_slice %arg4[%add3A_104, %dma_wait3A_136] : memref<10000x16xf32, #tpu.memory_space<vmem_shared>> -> memref<48x16xf32, #tpu.memory_space<vmem_shared>>
      tpu.wait_dma2 semaphore(%run_scoped3A : memref<!tpu.dma_semaphore, #tpu.memory_space<semaphore_mem>>) src(%dma_wait3A_137 : memref<48x16xf32, #tpu.memory_space<vmem_shared>>) dst(%dma_wait3A_135 : memref<48x16xf32, #tpu.memory_space<hbm>>)
      tpu.yield
    }) : () -> ()
    %mul3A_105 = arith.constant 624 : i32
    %mul3A_106 = arith.muli %arg1, %mul3A_105 : i32
    %add3A_107 = arith.constant 384 : i32
    %add3A_108 = arith.addi %mul3A_106, %add3A_107 : i32
    "tpu.region"() ({
      %run_scoped3A = tpu.sem_alloc : memref<!tpu.dma_semaphore, #tpu.memory_space<semaphore_mem>>
      %dma_start3A = arith.constant 0 : i32
      %dma_start3A_130 = tpu.memref_slice %arg3[%arg0, %add3A_108, %dma_start3A] : memref<2x10000x16xf32, #tpu.memory_space<hbm>> -> memref<1x48x16xf32, #tpu.memory_space<hbm>>
      %dma_start3A_131 = tpu.memref_squeeze %dma_start3A_130 : memref<1x48x16xf32, #tpu.memory_space<hbm>> -> memref<48x16xf32, #tpu.memory_space<hbm>>
      %dma_start3A_132 = arith.constant 0 : i32
      %dma_start3A_133 = tpu.memref_slice %arg4[%add3A_108, %dma_start3A_132] : memref<10000x16xf32, #tpu.memory_space<vmem_shared>> -> memref<48x16xf32, #tpu.memory_space<vmem_shared>>
      tpu.enqueue_dma source(%dma_start3A_133 : memref<48x16xf32, #tpu.memory_space<vmem_shared>>) target(%dma_start3A_131 : memref<48x16xf32, #tpu.memory_space<hbm>>) target_semaphore(%run_scoped3A : memref<!tpu.dma_semaphore, #tpu.memory_space<semaphore_mem>>)
      %dma_wait3A = arith.constant 0 : i32
      %dma_wait3A_134 = tpu.memref_slice %arg3[%arg0, %add3A_108, %dma_wait3A] : memref<2x10000x16xf32, #tpu.memory_space<hbm>> -> memref<1x48x16xf32, #tpu.memory_space<hbm>>
      %dma_wait3A_135 = tpu.memref_squeeze %dma_wait3A_134 : memref<1x48x16xf32, #tpu.memory_space<hbm>> -> memref<48x16xf32, #tpu.memory_space<hbm>>
      %dma_wait3A_136 = arith.constant 0 : i32
      %dma_wait3A_137 = tpu.memref_slice %arg4[%add3A_108, %dma_wait3A_136] : memref<10000x16xf32, #tpu.memory_space<vmem_shared>> -> memref<48x16xf32, #tpu.memory_space<vmem_shared>>
      tpu.wait_dma2 semaphore(%run_scoped3A : memref<!tpu.dma_semaphore, #tpu.memory_space<semaphore_mem>>) src(%dma_wait3A_137 : memref<48x16xf32, #tpu.memory_space<vmem_shared>>) dst(%dma_wait3A_135 : memref<48x16xf32, #tpu.memory_space<hbm>>)
      tpu.yield
    }) : () -> ()
    %mul3A_109 = arith.constant 624 : i32
    %mul3A_110 = arith.muli %arg1, %mul3A_109 : i32
    %add3A_111 = arith.constant 432 : i32
    %add3A_112 = arith.addi %mul3A_110, %add3A_111 : i32
    "tpu.region"() ({
      %run_scoped3A = tpu.sem_alloc : memref<!tpu.dma_semaphore, #tpu.memory_space<semaphore_mem>>
      %dma_start3A = arith.constant 0 : i32
      %dma_start3A_130 = tpu.memref_slice %arg3[%arg0, %add3A_112, %dma_start3A] : memref<2x10000x16xf32, #tpu.memory_space<hbm>> -> memref<1x48x16xf32, #tpu.memory_space<hbm>>
      %dma_start3A_131 = tpu.memref_squeeze %dma_start3A_130 : memref<1x48x16xf32, #tpu.memory_space<hbm>> -> memref<48x16xf32, #tpu.memory_space<hbm>>
      %dma_start3A_132 = arith.constant 0 : i32
      %dma_start3A_133 = tpu.memref_slice %arg4[%add3A_112, %dma_start3A_132] : memref<10000x16xf32, #tpu.memory_space<vmem_shared>> -> memref<48x16xf32, #tpu.memory_space<vmem_shared>>
      tpu.enqueue_dma source(%dma_start3A_133 : memref<48x16xf32, #tpu.memory_space<vmem_shared>>) target(%dma_start3A_131 : memref<48x16xf32, #tpu.memory_space<hbm>>) target_semaphore(%run_scoped3A : memref<!tpu.dma_semaphore, #tpu.memory_space<semaphore_mem>>)
      %dma_wait3A = arith.constant 0 : i32
      %dma_wait3A_134 = tpu.memref_slice %arg3[%arg0, %add3A_112, %dma_wait3A] : memref<2x10000x16xf32, #tpu.memory_space<hbm>> -> memref<1x48x16xf32, #tpu.memory_space<hbm>>
      %dma_wait3A_135 = tpu.memref_squeeze %dma_wait3A_134 : memref<1x48x16xf32, #tpu.memory_space<hbm>> -> memref<48x16xf32, #tpu.memory_space<hbm>>
      %dma_wait3A_136 = arith.constant 0 : i32
      %dma_wait3A_137 = tpu.memref_slice %arg4[%add3A_112, %dma_wait3A_136] : memref<10000x16xf32, #tpu.memory_space<vmem_shared>> -> memref<48x16xf32, #tpu.memory_space<vmem_shared>>
      tpu.wait_dma2 semaphore(%run_scoped3A : memref<!tpu.dma_semaphore, #tpu.memory_space<semaphore_mem>>) src(%dma_wait3A_137 : memref<48x16xf32, #tpu.memory_space<vmem_shared>>) dst(%dma_wait3A_135 : memref<48x16xf32, #tpu.memory_space<hbm>>)
      tpu.yield
    }) : () -> ()
    %mul3A_113 = arith.constant 624 : i32
    %mul3A_114 = arith.muli %arg1, %mul3A_113 : i32
    %add3A_115 = arith.constant 480 : i32
    %add3A_116 = arith.addi %mul3A_114, %add3A_115 : i32
    "tpu.region"() ({
      %run_scoped3A = tpu.sem_alloc : memref<!tpu.dma_semaphore, #tpu.memory_space<semaphore_mem>>
      %dma_start3A = arith.constant 0 : i32
      %dma_start3A_130 = tpu.memref_slice %arg3[%arg0, %add3A_116, %dma_start3A] : memref<2x10000x16xf32, #tpu.memory_space<hbm>> -> memref<1x48x16xf32, #tpu.memory_space<hbm>>
      %dma_start3A_131 = tpu.memref_squeeze %dma_start3A_130 : memref<1x48x16xf32, #tpu.memory_space<hbm>> -> memref<48x16xf32, #tpu.memory_space<hbm>>
      %dma_start3A_132 = arith.constant 0 : i32
      %dma_start3A_133 = tpu.memref_slice %arg4[%add3A_116, %dma_start3A_132] : memref<10000x16xf32, #tpu.memory_space<vmem_shared>> -> memref<48x16xf32, #tpu.memory_space<vmem_shared>>
      tpu.enqueue_dma source(%dma_start3A_133 : memref<48x16xf32, #tpu.memory_space<vmem_shared>>) target(%dma_start3A_131 : memref<48x16xf32, #tpu.memory_space<hbm>>) target_semaphore(%run_scoped3A : memref<!tpu.dma_semaphore, #tpu.memory_space<semaphore_mem>>)
      %dma_wait3A = arith.constant 0 : i32
      %dma_wait3A_134 = tpu.memref_slice %arg3[%arg0, %add3A_116, %dma_wait3A] : memref<2x10000x16xf32, #tpu.memory_space<hbm>> -> memref<1x48x16xf32, #tpu.memory_space<hbm>>
      %dma_wait3A_135 = tpu.memref_squeeze %dma_wait3A_134 : memref<1x48x16xf32, #tpu.memory_space<hbm>> -> memref<48x16xf32, #tpu.memory_space<hbm>>
      %dma_wait3A_136 = arith.constant 0 : i32
      %dma_wait3A_137 = tpu.memref_slice %arg4[%add3A_116, %dma_wait3A_136] : memref<10000x16xf32, #tpu.memory_space<vmem_shared>> -> memref<48x16xf32, #tpu.memory_space<vmem_shared>>
      tpu.wait_dma2 semaphore(%run_scoped3A : memref<!tpu.dma_semaphore, #tpu.memory_space<semaphore_mem>>) src(%dma_wait3A_137 : memref<48x16xf32, #tpu.memory_space<vmem_shared>>) dst(%dma_wait3A_135 : memref<48x16xf32, #tpu.memory_space<hbm>>)
      tpu.yield
    }) : () -> ()
    %mul3A_117 = arith.constant 624 : i32
    %mul3A_118 = arith.muli %arg1, %mul3A_117 : i32
    %add3A_119 = arith.constant 528 : i32
    %add3A_120 = arith.addi %mul3A_118, %add3A_119 : i32
    "tpu.region"() ({
      %run_scoped3A = tpu.sem_alloc : memref<!tpu.dma_semaphore, #tpu.memory_space<semaphore_mem>>
      %dma_start3A = arith.constant 0 : i32
      %dma_start3A_130 = tpu.memref_slice %arg3[%arg0, %add3A_120, %dma_start3A] : memref<2x10000x16xf32, #tpu.memory_space<hbm>> -> memref<1x48x16xf32, #tpu.memory_space<hbm>>
      %dma_start3A_131 = tpu.memref_squeeze %dma_start3A_130 : memref<1x48x16xf32, #tpu.memory_space<hbm>> -> memref<48x16xf32, #tpu.memory_space<hbm>>
      %dma_start3A_132 = arith.constant 0 : i32
      %dma_start3A_133 = tpu.memref_slice %arg4[%add3A_120, %dma_start3A_132] : memref<10000x16xf32, #tpu.memory_space<vmem_shared>> -> memref<48x16xf32, #tpu.memory_space<vmem_shared>>
      tpu.enqueue_dma source(%dma_start3A_133 : memref<48x16xf32, #tpu.memory_space<vmem_shared>>) target(%dma_start3A_131 : memref<48x16xf32, #tpu.memory_space<hbm>>) target_semaphore(%run_scoped3A : memref<!tpu.dma_semaphore, #tpu.memory_space<semaphore_mem>>)
      %dma_wait3A = arith.constant 0 : i32
      %dma_wait3A_134 = tpu.memref_slice %arg3[%arg0, %add3A_120, %dma_wait3A] : memref<2x10000x16xf32, #tpu.memory_space<hbm>> -> memref<1x48x16xf32, #tpu.memory_space<hbm>>
      %dma_wait3A_135 = tpu.memref_squeeze %dma_wait3A_134 : memref<1x48x16xf32, #tpu.memory_space<hbm>> -> memref<48x16xf32, #tpu.memory_space<hbm>>
      %dma_wait3A_136 = arith.constant 0 : i32
      %dma_wait3A_137 = tpu.memref_slice %arg4[%add3A_120, %dma_wait3A_136] : memref<10000x16xf32, #tpu.memory_space<vmem_shared>> -> memref<48x16xf32, #tpu.memory_space<vmem_shared>>
      tpu.wait_dma2 semaphore(%run_scoped3A : memref<!tpu.dma_semaphore, #tpu.memory_space<semaphore_mem>>) src(%dma_wait3A_137 : memref<48x16xf32, #tpu.memory_space<vmem_shared>>) dst(%dma_wait3A_135 : memref<48x16xf32, #tpu.memory_space<hbm>>)
      tpu.yield
    }) : () -> ()
    %mul3A_121 = arith.constant 624 : i32
    %mul3A_122 = arith.muli %arg1, %mul3A_121 : i32
    %add3A_123 = arith.constant 576 : i32
    %add3A_124 = arith.addi %mul3A_122, %add3A_123 : i32
    "tpu.region"() ({
      %run_scoped3A = tpu.sem_alloc : memref<!tpu.dma_semaphore, #tpu.memory_space<semaphore_mem>>
      %dma_start3A = arith.constant 0 : i32
      %dma_start3A_130 = tpu.memref_slice %arg3[%arg0, %add3A_124, %dma_start3A] : memref<2x10000x16xf32, #tpu.memory_space<hbm>> -> memref<1x48x16xf32, #tpu.memory_space<hbm>>
      %dma_start3A_131 = tpu.memref_squeeze %dma_start3A_130 : memref<1x48x16xf32, #tpu.memory_space<hbm>> -> memref<48x16xf32, #tpu.memory_space<hbm>>
      %dma_start3A_132 = arith.constant 0 : i32
      %dma_start3A_133 = tpu.memref_slice %arg4[%add3A_124, %dma_start3A_132] : memref<10000x16xf32, #tpu.memory_space<vmem_shared>> -> memref<48x16xf32, #tpu.memory_space<vmem_shared>>
      tpu.enqueue_dma source(%dma_start3A_133 : memref<48x16xf32, #tpu.memory_space<vmem_shared>>) target(%dma_start3A_131 : memref<48x16xf32, #tpu.memory_space<hbm>>) target_semaphore(%run_scoped3A : memref<!tpu.dma_semaphore, #tpu.memory_space<semaphore_mem>>)
      %dma_wait3A = arith.constant 0 : i32
      %dma_wait3A_134 = tpu.memref_slice %arg3[%arg0, %add3A_124, %dma_wait3A] : memref<2x10000x16xf32, #tpu.memory_space<hbm>> -> memref<1x48x16xf32, #tpu.memory_space<hbm>>
      %dma_wait3A_135 = tpu.memref_squeeze %dma_wait3A_134 : memref<1x48x16xf32, #tpu.memory_space<hbm>> -> memref<48x16xf32, #tpu.memory_space<hbm>>
      %dma_wait3A_136 = arith.constant 0 : i32
      %dma_wait3A_137 = tpu.memref_slice %arg4[%add3A_124, %dma_wait3A_136] : memref<10000x16xf32, #tpu.memory_space<vmem_shared>> -> memref<48x16xf32, #tpu.memory_space<vmem_shared>>
      tpu.wait_dma2 semaphore(%run_scoped3A : memref<!tpu.dma_semaphore, #tpu.memory_space<semaphore_mem>>) src(%dma_wait3A_137 : memref<48x16xf32, #tpu.memory_space<vmem_shared>>) dst(%dma_wait3A_135 : memref<48x16xf32, #tpu.memory_space<hbm>>)
      tpu.yield
    }) : () -> ()
    %eq3A_125 = arith.constant 15 : i32
    %eq3A_126 = arith.cmpi eq, %arg1, %eq3A_125 : i32
    %convert_element_type3A_127 = arith.extui %eq3A_126 : i1 to i32
    %cond3A_128 = arith.constant 0 : i32
    %cond3A_129 = arith.cmpi ne, %convert_element_type3A_127, %cond3A_128 : i32
    scf.if %cond3A_129 {
      "tpu.region"() ({
        %run_scoped3A = tpu.sem_alloc : memref<!tpu.dma_semaphore, #tpu.memory_space<semaphore_mem>>
        %dma_start3A = arith.constant 9984 : i32
        %dma_start3A_130 = arith.constant 0 : i32
        %dma_start3A_131 = tpu.memref_slice %arg3[%arg0, %dma_start3A, %dma_start3A_130] : memref<2x10000x16xf32, #tpu.memory_space<hbm>> -> memref<1x16x16xf32, #tpu.memory_space<hbm>>
        %dma_start3A_132 = tpu.memref_squeeze %dma_start3A_131 : memref<1x16x16xf32, #tpu.memory_space<hbm>> -> memref<16x16xf32, #tpu.memory_space<hbm>>
        %dma_start3A_133 = arith.constant 9984 : i32
        %dma_start3A_134 = arith.constant 0 : i32
        %dma_start3A_135 = tpu.memref_slice %arg4[%dma_start3A_133, %dma_start3A_134] : memref<10000x16xf32, #tpu.memory_space<vmem_shared>> -> memref<16x16xf32, #tpu.memory_space<vmem_shared>>
        tpu.enqueue_dma source(%dma_start3A_135 : memref<16x16xf32, #tpu.memory_space<vmem_shared>>) target(%dma_start3A_132 : memref<16x16xf32, #tpu.memory_space<hbm>>) target_semaphore(%run_scoped3A : memref<!tpu.dma_semaphore, #tpu.memory_space<semaphore_mem>>)
        %dma_wait3A = arith.constant 9984 : i32
        %dma_wait3A_136 = arith.constant 0 : i32
        %dma_wait3A_137 = tpu.memref_slice %arg3[%arg0, %dma_wait3A, %dma_wait3A_136] : memref<2x10000x16xf32, #tpu.memory_space<hbm>> -> memref<1x16x16xf32, #tpu.memory_space<hbm>>
        %dma_wait3A_138 = tpu.memref_squeeze %dma_wait3A_137 : memref<1x16x16xf32, #tpu.memory_space<hbm>> -> memref<16x16xf32, #tpu.memory_space<hbm>>
        %dma_wait3A_139 = arith.constant 9984 : i32
        %dma_wait3A_140 = arith.constant 0 : i32
        %dma_wait3A_141 = tpu.memref_slice %arg4[%dma_wait3A_139, %dma_wait3A_140] : memref<10000x16xf32, #tpu.memory_space<vmem_shared>> -> memref<16x16xf32, #tpu.memory_space<vmem_shared>>
        tpu.wait_dma2 semaphore(%run_scoped3A : memref<!tpu.dma_semaphore, #tpu.memory_space<semaphore_mem>>) src(%dma_wait3A_141 : memref<16x16xf32, #tpu.memory_space<vmem_shared>>) dst(%dma_wait3A_138 : memref<16x16xf32, #tpu.memory_space<hbm>>)
        tpu.yield
      }) : () -> ()
    } else {
    }
    return
  }
}

#map = affine_map<(d0, d1) -> (0, 0)>
#map1 = affine_map<(d0, d1) -> (0, 0, 0)>
module attributes {stable_mosaic.version = 14 : i64} {
  func.func @prop(%arg0: i32, %arg1: i32, %arg2: memref<10000x64xf32, #tpu.memory_space<hbm>>, %arg3: memref<10000x64xf32, #tpu.memory_space<hbm>>, %arg4: memref<32x125x80xi32, #tpu.memory_space<hbm>>, %arg5: memref<32x125x80xi32, #tpu.memory_space<hbm>>, %arg6: memref<2x10000x64xf32, #tpu.memory_space<hbm>>, %arg7: memref<2x10000x64xf32, #tpu.memory_space<hbm>>, %arg8: memref<10000x64xf32, #tpu.memory_space<vmem_shared>>, %arg9: memref<125x80xi32, #tpu.memory_space<vmem>>, %arg10: memref<125x80xi32, #tpu.memory_space<vmem>>, %arg11: memref<2x80x64xf32, #tpu.memory_space<vmem>>, %arg12: memref<48x64xf32, #tpu.memory_space<vmem>>, %arg13: memref<!tpu.dma_semaphore, #tpu.memory_space<semaphore_mem>>) attributes {dimension_semantics = [#tpu.dimension_semantics<core_parallel>, #tpu.dimension_semantics<subcore_parallel>], iteration_bounds = array<i64: 2, 16>, scalar_prefetch = 0 : i64, scratch_operands = 6 : i64, tpu.core_type = #tpu.core_type<sc_vector_subcore>, window_params = [{transform_indices = #map}, {transform_indices = #map}, {transform_indices = #map1}, {transform_indices = #map1}, {transform_indices = #map1}, {transform_indices = #map1}]} {
    %mul3A = arith.constant 16 : i32
    %mul3A_0 = arith.muli %arg0, %mul3A : i32
    %add3A = arith.addi %mul3A_0, %arg1 : i32
    %scan3A = arith.constant 0 : i32
    %scan3A_1 = arith.constant 0 : i32
    %scan3A_2 = arith.constant 48 : i32
    %scan3A_3 = arith.addi %scan3A_1, %scan3A_2 : i32
    %scan3A_4 = arith.constant 1 : i32
    scf.for %scan3A_269 = %scan3A_1 to %scan3A_3 step %scan3A_4  : i32 {
      %broadcast_in_dim3A = arith.constant 0.000000e+00 : f32
      %broadcast_in_dim3A_270 = vector.broadcast %broadcast_in_dim3A : f32 to vector<16xf32>
      %swap3A = arith.index_cast %scan3A_269 : i32 to index
      %swap3A_271 = arith.constant 0 : index
      %swap3A_272 = tpu.vector_load %arg12[%swap3A, %swap3A_271] {strides = array<i32>} : memref<48x64xf32, #tpu.memory_space<vmem>>, vector<1x16xf32>,
      %swap3A_273 = vector.shape_cast %swap3A_272 : vector<1x16xf32> to vector<16xf32>
      %swap3A_274 = vector.shape_cast %broadcast_in_dim3A_270 : vector<16xf32> to vector<1x16xf32>
      tpu.vector_store %arg12[%swap3A, %swap3A_271], %swap3A_274 {strides = array<i32>} : memref<48x64xf32, #tpu.memory_space<vmem>>, vector<1x16xf32>,
      %broadcast_in_dim3A_275 = arith.constant 0.000000e+00 : f32
      %broadcast_in_dim3A_276 = vector.broadcast %broadcast_in_dim3A_275 : f32 to vector<16xf32>
      %swap3A_277 = arith.index_cast %scan3A_269 : i32 to index
      %swap3A_278 = arith.constant 16 : index
      %swap3A_279 = tpu.vector_load %arg12[%swap3A_277, %swap3A_278] {strides = array<i32>} : memref<48x64xf32, #tpu.memory_space<vmem>>, vector<1x16xf32>,
      %swap3A_280 = vector.shape_cast %swap3A_279 : vector<1x16xf32> to vector<16xf32>
      %swap3A_281 = vector.shape_cast %broadcast_in_dim3A_276 : vector<16xf32> to vector<1x16xf32>
      tpu.vector_store %arg12[%swap3A_277, %swap3A_278], %swap3A_281 {strides = array<i32>} : memref<48x64xf32, #tpu.memory_space<vmem>>, vector<1x16xf32>,
      %broadcast_in_dim3A_282 = arith.constant 0.000000e+00 : f32
      %broadcast_in_dim3A_283 = vector.broadcast %broadcast_in_dim3A_282 : f32 to vector<16xf32>
      %swap3A_284 = arith.index_cast %scan3A_269 : i32 to index
      %swap3A_285 = arith.constant 32 : index
      %swap3A_286 = tpu.vector_load %arg12[%swap3A_284, %swap3A_285] {strides = array<i32>} : memref<48x64xf32, #tpu.memory_space<vmem>>, vector<1x16xf32>,
      %swap3A_287 = vector.shape_cast %swap3A_286 : vector<1x16xf32> to vector<16xf32>
      %swap3A_288 = vector.shape_cast %broadcast_in_dim3A_283 : vector<16xf32> to vector<1x16xf32>
      tpu.vector_store %arg12[%swap3A_284, %swap3A_285], %swap3A_288 {strides = array<i32>} : memref<48x64xf32, #tpu.memory_space<vmem>>, vector<1x16xf32>,
      %broadcast_in_dim3A_289 = arith.constant 0.000000e+00 : f32
      %broadcast_in_dim3A_290 = vector.broadcast %broadcast_in_dim3A_289 : f32 to vector<16xf32>
      %swap3A_291 = arith.index_cast %scan3A_269 : i32 to index
      %swap3A_292 = arith.constant 48 : index
      %swap3A_293 = tpu.vector_load %arg12[%swap3A_291, %swap3A_292] {strides = array<i32>} : memref<48x64xf32, #tpu.memory_space<vmem>>, vector<1x16xf32>,
      %swap3A_294 = vector.shape_cast %swap3A_293 : vector<1x16xf32> to vector<16xf32>
      %swap3A_295 = vector.shape_cast %broadcast_in_dim3A_290 : vector<16xf32> to vector<1x16xf32>
      tpu.vector_store %arg12[%swap3A_291, %swap3A_292], %swap3A_295 {strides = array<i32>} : memref<48x64xf32, #tpu.memory_space<vmem>>, vector<1x16xf32>,
    }
    %scan3A_5 = arith.constant 48 : i32
    "tpu.region"() ({
      %run_scoped3A = tpu.sem_alloc : memref<!tpu.dma_semaphore, #tpu.memory_space<semaphore_mem>>
      %dma_start3A_269 = arith.constant 0 : i32
      %dma_start3A_270 = arith.constant 0 : i32
      %dma_start3A_271 = tpu.memref_slice %arg4[%add3A, %dma_start3A_269, %dma_start3A_270] : memref<32x125x80xi32, #tpu.memory_space<hbm>> -> memref<1x125x80xi32, #tpu.memory_space<hbm>>
      %dma_start3A_272 = tpu.memref_squeeze %dma_start3A_271 : memref<1x125x80xi32, #tpu.memory_space<hbm>> -> memref<125x80xi32, #tpu.memory_space<hbm>>
      %dma_start3A_273 = arith.constant 0 : i32
      %dma_start3A_274 = arith.constant 0 : i32
      %dma_start3A_275 = tpu.memref_slice %arg4[%add3A, %dma_start3A_273, %dma_start3A_274] : memref<32x125x80xi32, #tpu.memory_space<hbm>> -> memref<1x125x80xi32, #tpu.memory_space<hbm>>
      %dma_start3A_276 = tpu.memref_squeeze %dma_start3A_275 : memref<1x125x80xi32, #tpu.memory_space<hbm>> -> memref<125x80xi32, #tpu.memory_space<hbm>>
      tpu.enqueue_dma source(%dma_start3A_276 : memref<125x80xi32, #tpu.memory_space<hbm>>) target(%arg9 : memref<125x80xi32, #tpu.memory_space<vmem>>) target_semaphore(%run_scoped3A : memref<!tpu.dma_semaphore, #tpu.memory_space<semaphore_mem>>)
      %dma_wait3A = arith.constant 0 : i32
      %dma_wait3A_277 = arith.constant 0 : i32
      %dma_wait3A_278 = tpu.memref_slice %arg4[%add3A, %dma_wait3A, %dma_wait3A_277] : memref<32x125x80xi32, #tpu.memory_space<hbm>> -> memref<1x125x80xi32, #tpu.memory_space<hbm>>
      %dma_wait3A_279 = tpu.memref_squeeze %dma_wait3A_278 : memref<1x125x80xi32, #tpu.memory_space<hbm>> -> memref<125x80xi32, #tpu.memory_space<hbm>>
      %dma_wait3A_280 = arith.constant 0 : i32
      %dma_wait3A_281 = arith.constant 0 : i32
      %dma_wait3A_282 = tpu.memref_slice %arg4[%add3A, %dma_wait3A_280, %dma_wait3A_281] : memref<32x125x80xi32, #tpu.memory_space<hbm>> -> memref<1x125x80xi32, #tpu.memory_space<hbm>>
      %dma_wait3A_283 = tpu.memref_squeeze %dma_wait3A_282 : memref<1x125x80xi32, #tpu.memory_space<hbm>> -> memref<125x80xi32, #tpu.memory_space<hbm>>
      tpu.wait_dma2 semaphore(%run_scoped3A : memref<!tpu.dma_semaphore, #tpu.memory_space<semaphore_mem>>) src(%dma_wait3A_283 : memref<125x80xi32, #tpu.memory_space<hbm>>) dst(%arg9 : memref<125x80xi32, #tpu.memory_space<vmem>>)
      tpu.yield
    }) : () -> ()
    "tpu.region"() ({
      %run_scoped3A = tpu.sem_alloc : memref<!tpu.dma_semaphore, #tpu.memory_space<semaphore_mem>>
      %dma_start3A_269 = arith.constant 0 : i32
      %dma_start3A_270 = arith.constant 0 : i32
      %dma_start3A_271 = tpu.memref_slice %arg5[%add3A, %dma_start3A_269, %dma_start3A_270] : memref<32x125x80xi32, #tpu.memory_space<hbm>> -> memref<1x125x80xi32, #tpu.memory_space<hbm>>
      %dma_start3A_272 = tpu.memref_squeeze %dma_start3A_271 : memref<1x125x80xi32, #tpu.memory_space<hbm>> -> memref<125x80xi32, #tpu.memory_space<hbm>>
      %dma_start3A_273 = arith.constant 0 : i32
      %dma_start3A_274 = arith.constant 0 : i32
      %dma_start3A_275 = tpu.memref_slice %arg5[%add3A, %dma_start3A_273, %dma_start3A_274] : memref<32x125x80xi32, #tpu.memory_space<hbm>> -> memref<1x125x80xi32, #tpu.memory_space<hbm>>
      %dma_start3A_276 = tpu.memref_squeeze %dma_start3A_275 : memref<1x125x80xi32, #tpu.memory_space<hbm>> -> memref<125x80xi32, #tpu.memory_space<hbm>>
      tpu.enqueue_dma source(%dma_start3A_276 : memref<125x80xi32, #tpu.memory_space<hbm>>) target(%arg10 : memref<125x80xi32, #tpu.memory_space<vmem>>) target_semaphore(%run_scoped3A : memref<!tpu.dma_semaphore, #tpu.memory_space<semaphore_mem>>)
      %dma_wait3A = arith.constant 0 : i32
      %dma_wait3A_277 = arith.constant 0 : i32
      %dma_wait3A_278 = tpu.memref_slice %arg5[%add3A, %dma_wait3A, %dma_wait3A_277] : memref<32x125x80xi32, #tpu.memory_space<hbm>> -> memref<1x125x80xi32, #tpu.memory_space<hbm>>
      %dma_wait3A_279 = tpu.memref_squeeze %dma_wait3A_278 : memref<1x125x80xi32, #tpu.memory_space<hbm>> -> memref<125x80xi32, #tpu.memory_space<hbm>>
      %dma_wait3A_280 = arith.constant 0 : i32
      %dma_wait3A_281 = arith.constant 0 : i32
      %dma_wait3A_282 = tpu.memref_slice %arg5[%add3A, %dma_wait3A_280, %dma_wait3A_281] : memref<32x125x80xi32, #tpu.memory_space<hbm>> -> memref<1x125x80xi32, #tpu.memory_space<hbm>>
      %dma_wait3A_283 = tpu.memref_squeeze %dma_wait3A_282 : memref<1x125x80xi32, #tpu.memory_space<hbm>> -> memref<125x80xi32, #tpu.memory_space<hbm>>
      tpu.wait_dma2 semaphore(%run_scoped3A : memref<!tpu.dma_semaphore, #tpu.memory_space<semaphore_mem>>) src(%dma_wait3A_283 : memref<125x80xi32, #tpu.memory_space<hbm>>) dst(%arg10 : memref<125x80xi32, #tpu.memory_space<vmem>>)
      tpu.yield
    }) : () -> ()
    %mul3A_6 = arith.constant 624 : i32
    %mul3A_7 = arith.muli %arg1, %mul3A_6 : i32
    %add3A_8 = arith.constant 0 : i32
    %add3A_9 = arith.addi %mul3A_7, %add3A_8 : i32
    "tpu.region"() ({
      %run_scoped3A = tpu.sem_alloc : memref<!tpu.dma_semaphore, #tpu.memory_space<semaphore_mem>>
      %dma_start3A_269 = arith.constant 0 : i32
      %dma_start3A_270 = tpu.memref_slice %arg8[%add3A_9, %dma_start3A_269] : memref<10000x64xf32, #tpu.memory_space<vmem_shared>> -> memref<48x64xf32, #tpu.memory_space<vmem_shared>>
      %dma_start3A_271 = arith.constant 0 : i32
      %dma_start3A_272 = tpu.memref_slice %arg8[%add3A_9, %dma_start3A_271] : memref<10000x64xf32, #tpu.memory_space<vmem_shared>> -> memref<48x64xf32, #tpu.memory_space<vmem_shared>>
      tpu.enqueue_dma source(%arg12 : memref<48x64xf32, #tpu.memory_space<vmem>>) target(%dma_start3A_272 : memref<48x64xf32, #tpu.memory_space<vmem_shared>>) target_semaphore(%run_scoped3A : memref<!tpu.dma_semaphore, #tpu.memory_space<semaphore_mem>>)
      %dma_wait3A = arith.constant 0 : i32
      %dma_wait3A_273 = tpu.memref_slice %arg8[%add3A_9, %dma_wait3A] : memref<10000x64xf32, #tpu.memory_space<vmem_shared>> -> memref<48x64xf32, #tpu.memory_space<vmem_shared>>
      %dma_wait3A_274 = arith.constant 0 : i32
      %dma_wait3A_275 = tpu.memref_slice %arg8[%add3A_9, %dma_wait3A_274] : memref<10000x64xf32, #tpu.memory_space<vmem_shared>> -> memref<48x64xf32, #tpu.memory_space<vmem_shared>>
      tpu.wait_dma2 semaphore(%run_scoped3A : memref<!tpu.dma_semaphore, #tpu.memory_space<semaphore_mem>>) src(%arg12 : memref<48x64xf32, #tpu.memory_space<vmem>>) dst(%dma_wait3A_275 : memref<48x64xf32, #tpu.memory_space<vmem_shared>>)
      tpu.yield
    }) : () -> ()
    %mul3A_10 = arith.constant 624 : i32
    %mul3A_11 = arith.muli %arg1, %mul3A_10 : i32
    %add3A_12 = arith.constant 48 : i32
    %add3A_13 = arith.addi %mul3A_11, %add3A_12 : i32
    "tpu.region"() ({
      %run_scoped3A = tpu.sem_alloc : memref<!tpu.dma_semaphore, #tpu.memory_space<semaphore_mem>>
      %dma_start3A_269 = arith.constant 0 : i32
      %dma_start3A_270 = tpu.memref_slice %arg8[%add3A_13, %dma_start3A_269] : memref<10000x64xf32, #tpu.memory_space<vmem_shared>> -> memref<48x64xf32, #tpu.memory_space<vmem_shared>>
      %dma_start3A_271 = arith.constant 0 : i32
      %dma_start3A_272 = tpu.memref_slice %arg8[%add3A_13, %dma_start3A_271] : memref<10000x64xf32, #tpu.memory_space<vmem_shared>> -> memref<48x64xf32, #tpu.memory_space<vmem_shared>>
      tpu.enqueue_dma source(%arg12 : memref<48x64xf32, #tpu.memory_space<vmem>>) target(%dma_start3A_272 : memref<48x64xf32, #tpu.memory_space<vmem_shared>>) target_semaphore(%run_scoped3A : memref<!tpu.dma_semaphore, #tpu.memory_space<semaphore_mem>>)
      %dma_wait3A = arith.constant 0 : i32
      %dma_wait3A_273 = tpu.memref_slice %arg8[%add3A_13, %dma_wait3A] : memref<10000x64xf32, #tpu.memory_space<vmem_shared>> -> memref<48x64xf32, #tpu.memory_space<vmem_shared>>
      %dma_wait3A_274 = arith.constant 0 : i32
      %dma_wait3A_275 = tpu.memref_slice %arg8[%add3A_13, %dma_wait3A_274] : memref<10000x64xf32, #tpu.memory_space<vmem_shared>> -> memref<48x64xf32, #tpu.memory_space<vmem_shared>>
      tpu.wait_dma2 semaphore(%run_scoped3A : memref<!tpu.dma_semaphore, #tpu.memory_space<semaphore_mem>>) src(%arg12 : memref<48x64xf32, #tpu.memory_space<vmem>>) dst(%dma_wait3A_275 : memref<48x64xf32, #tpu.memory_space<vmem_shared>>)
      tpu.yield
    }) : () -> ()
    %mul3A_14 = arith.constant 624 : i32
    %mul3A_15 = arith.muli %arg1, %mul3A_14 : i32
    %add3A_16 = arith.constant 96 : i32
    %add3A_17 = arith.addi %mul3A_15, %add3A_16 : i32
    "tpu.region"() ({
      %run_scoped3A = tpu.sem_alloc : memref<!tpu.dma_semaphore, #tpu.memory_space<semaphore_mem>>
      %dma_start3A_269 = arith.constant 0 : i32
      %dma_start3A_270 = tpu.memref_slice %arg8[%add3A_17, %dma_start3A_269] : memref<10000x64xf32, #tpu.memory_space<vmem_shared>> -> memref<48x64xf32, #tpu.memory_space<vmem_shared>>
      %dma_start3A_271 = arith.constant 0 : i32
      %dma_start3A_272 = tpu.memref_slice %arg8[%add3A_17, %dma_start3A_271] : memref<10000x64xf32, #tpu.memory_space<vmem_shared>> -> memref<48x64xf32, #tpu.memory_space<vmem_shared>>
      tpu.enqueue_dma source(%arg12 : memref<48x64xf32, #tpu.memory_space<vmem>>) target(%dma_start3A_272 : memref<48x64xf32, #tpu.memory_space<vmem_shared>>) target_semaphore(%run_scoped3A : memref<!tpu.dma_semaphore, #tpu.memory_space<semaphore_mem>>)
      %dma_wait3A = arith.constant 0 : i32
      %dma_wait3A_273 = tpu.memref_slice %arg8[%add3A_17, %dma_wait3A] : memref<10000x64xf32, #tpu.memory_space<vmem_shared>> -> memref<48x64xf32, #tpu.memory_space<vmem_shared>>
      %dma_wait3A_274 = arith.constant 0 : i32
      %dma_wait3A_275 = tpu.memref_slice %arg8[%add3A_17, %dma_wait3A_274] : memref<10000x64xf32, #tpu.memory_space<vmem_shared>> -> memref<48x64xf32, #tpu.memory_space<vmem_shared>>
      tpu.wait_dma2 semaphore(%run_scoped3A : memref<!tpu.dma_semaphore, #tpu.memory_space<semaphore_mem>>) src(%arg12 : memref<48x64xf32, #tpu.memory_space<vmem>>) dst(%dma_wait3A_275 : memref<48x64xf32, #tpu.memory_space<vmem_shared>>)
      tpu.yield
    }) : () -> ()
    %mul3A_18 = arith.constant 624 : i32
    %mul3A_19 = arith.muli %arg1, %mul3A_18 : i32
    %add3A_20 = arith.constant 144 : i32
    %add3A_21 = arith.addi %mul3A_19, %add3A_20 : i32
    "tpu.region"() ({
      %run_scoped3A = tpu.sem_alloc : memref<!tpu.dma_semaphore, #tpu.memory_space<semaphore_mem>>
      %dma_start3A_269 = arith.constant 0 : i32
      %dma_start3A_270 = tpu.memref_slice %arg8[%add3A_21, %dma_start3A_269] : memref<10000x64xf32, #tpu.memory_space<vmem_shared>> -> memref<48x64xf32, #tpu.memory_space<vmem_shared>>
      %dma_start3A_271 = arith.constant 0 : i32
      %dma_start3A_272 = tpu.memref_slice %arg8[%add3A_21, %dma_start3A_271] : memref<10000x64xf32, #tpu.memory_space<vmem_shared>> -> memref<48x64xf32, #tpu.memory_space<vmem_shared>>
      tpu.enqueue_dma source(%arg12 : memref<48x64xf32, #tpu.memory_space<vmem>>) target(%dma_start3A_272 : memref<48x64xf32, #tpu.memory_space<vmem_shared>>) target_semaphore(%run_scoped3A : memref<!tpu.dma_semaphore, #tpu.memory_space<semaphore_mem>>)
      %dma_wait3A = arith.constant 0 : i32
      %dma_wait3A_273 = tpu.memref_slice %arg8[%add3A_21, %dma_wait3A] : memref<10000x64xf32, #tpu.memory_space<vmem_shared>> -> memref<48x64xf32, #tpu.memory_space<vmem_shared>>
      %dma_wait3A_274 = arith.constant 0 : i32
      %dma_wait3A_275 = tpu.memref_slice %arg8[%add3A_21, %dma_wait3A_274] : memref<10000x64xf32, #tpu.memory_space<vmem_shared>> -> memref<48x64xf32, #tpu.memory_space<vmem_shared>>
      tpu.wait_dma2 semaphore(%run_scoped3A : memref<!tpu.dma_semaphore, #tpu.memory_space<semaphore_mem>>) src(%arg12 : memref<48x64xf32, #tpu.memory_space<vmem>>) dst(%dma_wait3A_275 : memref<48x64xf32, #tpu.memory_space<vmem_shared>>)
      tpu.yield
    }) : () -> ()
    %mul3A_22 = arith.constant 624 : i32
    %mul3A_23 = arith.muli %arg1, %mul3A_22 : i32
    %add3A_24 = arith.constant 192 : i32
    %add3A_25 = arith.addi %mul3A_23, %add3A_24 : i32
    "tpu.region"() ({
      %run_scoped3A = tpu.sem_alloc : memref<!tpu.dma_semaphore, #tpu.memory_space<semaphore_mem>>
      %dma_start3A_269 = arith.constant 0 : i32
      %dma_start3A_270 = tpu.memref_slice %arg8[%add3A_25, %dma_start3A_269] : memref<10000x64xf32, #tpu.memory_space<vmem_shared>> -> memref<48x64xf32, #tpu.memory_space<vmem_shared>>
      %dma_start3A_271 = arith.constant 0 : i32
      %dma_start3A_272 = tpu.memref_slice %arg8[%add3A_25, %dma_start3A_271] : memref<10000x64xf32, #tpu.memory_space<vmem_shared>> -> memref<48x64xf32, #tpu.memory_space<vmem_shared>>
      tpu.enqueue_dma source(%arg12 : memref<48x64xf32, #tpu.memory_space<vmem>>) target(%dma_start3A_272 : memref<48x64xf32, #tpu.memory_space<vmem_shared>>) target_semaphore(%run_scoped3A : memref<!tpu.dma_semaphore, #tpu.memory_space<semaphore_mem>>)
      %dma_wait3A = arith.constant 0 : i32
      %dma_wait3A_273 = tpu.memref_slice %arg8[%add3A_25, %dma_wait3A] : memref<10000x64xf32, #tpu.memory_space<vmem_shared>> -> memref<48x64xf32, #tpu.memory_space<vmem_shared>>
      %dma_wait3A_274 = arith.constant 0 : i32
      %dma_wait3A_275 = tpu.memref_slice %arg8[%add3A_25, %dma_wait3A_274] : memref<10000x64xf32, #tpu.memory_space<vmem_shared>> -> memref<48x64xf32, #tpu.memory_space<vmem_shared>>
      tpu.wait_dma2 semaphore(%run_scoped3A : memref<!tpu.dma_semaphore, #tpu.memory_space<semaphore_mem>>) src(%arg12 : memref<48x64xf32, #tpu.memory_space<vmem>>) dst(%dma_wait3A_275 : memref<48x64xf32, #tpu.memory_space<vmem_shared>>)
      tpu.yield
    }) : () -> ()
    %mul3A_26 = arith.constant 624 : i32
    %mul3A_27 = arith.muli %arg1, %mul3A_26 : i32
    %add3A_28 = arith.constant 240 : i32
    %add3A_29 = arith.addi %mul3A_27, %add3A_28 : i32
    "tpu.region"() ({
      %run_scoped3A = tpu.sem_alloc : memref<!tpu.dma_semaphore, #tpu.memory_space<semaphore_mem>>
      %dma_start3A_269 = arith.constant 0 : i32
      %dma_start3A_270 = tpu.memref_slice %arg8[%add3A_29, %dma_start3A_269] : memref<10000x64xf32, #tpu.memory_space<vmem_shared>> -> memref<48x64xf32, #tpu.memory_space<vmem_shared>>
      %dma_start3A_271 = arith.constant 0 : i32
      %dma_start3A_272 = tpu.memref_slice %arg8[%add3A_29, %dma_start3A_271] : memref<10000x64xf32, #tpu.memory_space<vmem_shared>> -> memref<48x64xf32, #tpu.memory_space<vmem_shared>>
      tpu.enqueue_dma source(%arg12 : memref<48x64xf32, #tpu.memory_space<vmem>>) target(%dma_start3A_272 : memref<48x64xf32, #tpu.memory_space<vmem_shared>>) target_semaphore(%run_scoped3A : memref<!tpu.dma_semaphore, #tpu.memory_space<semaphore_mem>>)
      %dma_wait3A = arith.constant 0 : i32
      %dma_wait3A_273 = tpu.memref_slice %arg8[%add3A_29, %dma_wait3A] : memref<10000x64xf32, #tpu.memory_space<vmem_shared>> -> memref<48x64xf32, #tpu.memory_space<vmem_shared>>
      %dma_wait3A_274 = arith.constant 0 : i32
      %dma_wait3A_275 = tpu.memref_slice %arg8[%add3A_29, %dma_wait3A_274] : memref<10000x64xf32, #tpu.memory_space<vmem_shared>> -> memref<48x64xf32, #tpu.memory_space<vmem_shared>>
      tpu.wait_dma2 semaphore(%run_scoped3A : memref<!tpu.dma_semaphore, #tpu.memory_space<semaphore_mem>>) src(%arg12 : memref<48x64xf32, #tpu.memory_space<vmem>>) dst(%dma_wait3A_275 : memref<48x64xf32, #tpu.memory_space<vmem_shared>>)
      tpu.yield
    }) : () -> ()
    %mul3A_30 = arith.constant 624 : i32
    %mul3A_31 = arith.muli %arg1, %mul3A_30 : i32
    %add3A_32 = arith.constant 288 : i32
    %add3A_33 = arith.addi %mul3A_31, %add3A_32 : i32
    "tpu.region"() ({
      %run_scoped3A = tpu.sem_alloc : memref<!tpu.dma_semaphore, #tpu.memory_space<semaphore_mem>>
      %dma_start3A_269 = arith.constant 0 : i32
      %dma_start3A_270 = tpu.memref_slice %arg8[%add3A_33, %dma_start3A_269] : memref<10000x64xf32, #tpu.memory_space<vmem_shared>> -> memref<48x64xf32, #tpu.memory_space<vmem_shared>>
      %dma_start3A_271 = arith.constant 0 : i32
      %dma_start3A_272 = tpu.memref_slice %arg8[%add3A_33, %dma_start3A_271] : memref<10000x64xf32, #tpu.memory_space<vmem_shared>> -> memref<48x64xf32, #tpu.memory_space<vmem_shared>>
      tpu.enqueue_dma source(%arg12 : memref<48x64xf32, #tpu.memory_space<vmem>>) target(%dma_start3A_272 : memref<48x64xf32, #tpu.memory_space<vmem_shared>>) target_semaphore(%run_scoped3A : memref<!tpu.dma_semaphore, #tpu.memory_space<semaphore_mem>>)
      %dma_wait3A = arith.constant 0 : i32
      %dma_wait3A_273 = tpu.memref_slice %arg8[%add3A_33, %dma_wait3A] : memref<10000x64xf32, #tpu.memory_space<vmem_shared>> -> memref<48x64xf32, #tpu.memory_space<vmem_shared>>
      %dma_wait3A_274 = arith.constant 0 : i32
      %dma_wait3A_275 = tpu.memref_slice %arg8[%add3A_33, %dma_wait3A_274] : memref<10000x64xf32, #tpu.memory_space<vmem_shared>> -> memref<48x64xf32, #tpu.memory_space<vmem_shared>>
      tpu.wait_dma2 semaphore(%run_scoped3A : memref<!tpu.dma_semaphore, #tpu.memory_space<semaphore_mem>>) src(%arg12 : memref<48x64xf32, #tpu.memory_space<vmem>>) dst(%dma_wait3A_275 : memref<48x64xf32, #tpu.memory_space<vmem_shared>>)
      tpu.yield
    }) : () -> ()
    %mul3A_34 = arith.constant 624 : i32
    %mul3A_35 = arith.muli %arg1, %mul3A_34 : i32
    %add3A_36 = arith.constant 336 : i32
    %add3A_37 = arith.addi %mul3A_35, %add3A_36 : i32
    "tpu.region"() ({
      %run_scoped3A = tpu.sem_alloc : memref<!tpu.dma_semaphore, #tpu.memory_space<semaphore_mem>>
      %dma_start3A_269 = arith.constant 0 : i32
      %dma_start3A_270 = tpu.memref_slice %arg8[%add3A_37, %dma_start3A_269] : memref<10000x64xf32, #tpu.memory_space<vmem_shared>> -> memref<48x64xf32, #tpu.memory_space<vmem_shared>>
      %dma_start3A_271 = arith.constant 0 : i32
      %dma_start3A_272 = tpu.memref_slice %arg8[%add3A_37, %dma_start3A_271] : memref<10000x64xf32, #tpu.memory_space<vmem_shared>> -> memref<48x64xf32, #tpu.memory_space<vmem_shared>>
      tpu.enqueue_dma source(%arg12 : memref<48x64xf32, #tpu.memory_space<vmem>>) target(%dma_start3A_272 : memref<48x64xf32, #tpu.memory_space<vmem_shared>>) target_semaphore(%run_scoped3A : memref<!tpu.dma_semaphore, #tpu.memory_space<semaphore_mem>>)
      %dma_wait3A = arith.constant 0 : i32
      %dma_wait3A_273 = tpu.memref_slice %arg8[%add3A_37, %dma_wait3A] : memref<10000x64xf32, #tpu.memory_space<vmem_shared>> -> memref<48x64xf32, #tpu.memory_space<vmem_shared>>
      %dma_wait3A_274 = arith.constant 0 : i32
      %dma_wait3A_275 = tpu.memref_slice %arg8[%add3A_37, %dma_wait3A_274] : memref<10000x64xf32, #tpu.memory_space<vmem_shared>> -> memref<48x64xf32, #tpu.memory_space<vmem_shared>>
      tpu.wait_dma2 semaphore(%run_scoped3A : memref<!tpu.dma_semaphore, #tpu.memory_space<semaphore_mem>>) src(%arg12 : memref<48x64xf32, #tpu.memory_space<vmem>>) dst(%dma_wait3A_275 : memref<48x64xf32, #tpu.memory_space<vmem_shared>>)
      tpu.yield
    }) : () -> ()
    %mul3A_38 = arith.constant 624 : i32
    %mul3A_39 = arith.muli %arg1, %mul3A_38 : i32
    %add3A_40 = arith.constant 384 : i32
    %add3A_41 = arith.addi %mul3A_39, %add3A_40 : i32
    "tpu.region"() ({
      %run_scoped3A = tpu.sem_alloc : memref<!tpu.dma_semaphore, #tpu.memory_space<semaphore_mem>>
      %dma_start3A_269 = arith.constant 0 : i32
      %dma_start3A_270 = tpu.memref_slice %arg8[%add3A_41, %dma_start3A_269] : memref<10000x64xf32, #tpu.memory_space<vmem_shared>> -> memref<48x64xf32, #tpu.memory_space<vmem_shared>>
      %dma_start3A_271 = arith.constant 0 : i32
      %dma_start3A_272 = tpu.memref_slice %arg8[%add3A_41, %dma_start3A_271] : memref<10000x64xf32, #tpu.memory_space<vmem_shared>> -> memref<48x64xf32, #tpu.memory_space<vmem_shared>>
      tpu.enqueue_dma source(%arg12 : memref<48x64xf32, #tpu.memory_space<vmem>>) target(%dma_start3A_272 : memref<48x64xf32, #tpu.memory_space<vmem_shared>>) target_semaphore(%run_scoped3A : memref<!tpu.dma_semaphore, #tpu.memory_space<semaphore_mem>>)
      %dma_wait3A = arith.constant 0 : i32
      %dma_wait3A_273 = tpu.memref_slice %arg8[%add3A_41, %dma_wait3A] : memref<10000x64xf32, #tpu.memory_space<vmem_shared>> -> memref<48x64xf32, #tpu.memory_space<vmem_shared>>
      %dma_wait3A_274 = arith.constant 0 : i32
      %dma_wait3A_275 = tpu.memref_slice %arg8[%add3A_41, %dma_wait3A_274] : memref<10000x64xf32, #tpu.memory_space<vmem_shared>> -> memref<48x64xf32, #tpu.memory_space<vmem_shared>>
      tpu.wait_dma2 semaphore(%run_scoped3A : memref<!tpu.dma_semaphore, #tpu.memory_space<semaphore_mem>>) src(%arg12 : memref<48x64xf32, #tpu.memory_space<vmem>>) dst(%dma_wait3A_275 : memref<48x64xf32, #tpu.memory_space<vmem_shared>>)
      tpu.yield
    }) : () -> ()
    %mul3A_42 = arith.constant 624 : i32
    %mul3A_43 = arith.muli %arg1, %mul3A_42 : i32
    %add3A_44 = arith.constant 432 : i32
    %add3A_45 = arith.addi %mul3A_43, %add3A_44 : i32
    "tpu.region"() ({
      %run_scoped3A = tpu.sem_alloc : memref<!tpu.dma_semaphore, #tpu.memory_space<semaphore_mem>>
      %dma_start3A_269 = arith.constant 0 : i32
      %dma_start3A_270 = tpu.memref_slice %arg8[%add3A_45, %dma_start3A_269] : memref<10000x64xf32, #tpu.memory_space<vmem_shared>> -> memref<48x64xf32, #tpu.memory_space<vmem_shared>>
      %dma_start3A_271 = arith.constant 0 : i32
      %dma_start3A_272 = tpu.memref_slice %arg8[%add3A_45, %dma_start3A_271] : memref<10000x64xf32, #tpu.memory_space<vmem_shared>> -> memref<48x64xf32, #tpu.memory_space<vmem_shared>>
      tpu.enqueue_dma source(%arg12 : memref<48x64xf32, #tpu.memory_space<vmem>>) target(%dma_start3A_272 : memref<48x64xf32, #tpu.memory_space<vmem_shared>>) target_semaphore(%run_scoped3A : memref<!tpu.dma_semaphore, #tpu.memory_space<semaphore_mem>>)
      %dma_wait3A = arith.constant 0 : i32
      %dma_wait3A_273 = tpu.memref_slice %arg8[%add3A_45, %dma_wait3A] : memref<10000x64xf32, #tpu.memory_space<vmem_shared>> -> memref<48x64xf32, #tpu.memory_space<vmem_shared>>
      %dma_wait3A_274 = arith.constant 0 : i32
      %dma_wait3A_275 = tpu.memref_slice %arg8[%add3A_45, %dma_wait3A_274] : memref<10000x64xf32, #tpu.memory_space<vmem_shared>> -> memref<48x64xf32, #tpu.memory_space<vmem_shared>>
      tpu.wait_dma2 semaphore(%run_scoped3A : memref<!tpu.dma_semaphore, #tpu.memory_space<semaphore_mem>>) src(%arg12 : memref<48x64xf32, #tpu.memory_space<vmem>>) dst(%dma_wait3A_275 : memref<48x64xf32, #tpu.memory_space<vmem_shared>>)
      tpu.yield
    }) : () -> ()
    %mul3A_46 = arith.constant 624 : i32
    %mul3A_47 = arith.muli %arg1, %mul3A_46 : i32
    %add3A_48 = arith.constant 480 : i32
    %add3A_49 = arith.addi %mul3A_47, %add3A_48 : i32
    "tpu.region"() ({
      %run_scoped3A = tpu.sem_alloc : memref<!tpu.dma_semaphore, #tpu.memory_space<semaphore_mem>>
      %dma_start3A_269 = arith.constant 0 : i32
      %dma_start3A_270 = tpu.memref_slice %arg8[%add3A_49, %dma_start3A_269] : memref<10000x64xf32, #tpu.memory_space<vmem_shared>> -> memref<48x64xf32, #tpu.memory_space<vmem_shared>>
      %dma_start3A_271 = arith.constant 0 : i32
      %dma_start3A_272 = tpu.memref_slice %arg8[%add3A_49, %dma_start3A_271] : memref<10000x64xf32, #tpu.memory_space<vmem_shared>> -> memref<48x64xf32, #tpu.memory_space<vmem_shared>>
      tpu.enqueue_dma source(%arg12 : memref<48x64xf32, #tpu.memory_space<vmem>>) target(%dma_start3A_272 : memref<48x64xf32, #tpu.memory_space<vmem_shared>>) target_semaphore(%run_scoped3A : memref<!tpu.dma_semaphore, #tpu.memory_space<semaphore_mem>>)
      %dma_wait3A = arith.constant 0 : i32
      %dma_wait3A_273 = tpu.memref_slice %arg8[%add3A_49, %dma_wait3A] : memref<10000x64xf32, #tpu.memory_space<vmem_shared>> -> memref<48x64xf32, #tpu.memory_space<vmem_shared>>
      %dma_wait3A_274 = arith.constant 0 : i32
      %dma_wait3A_275 = tpu.memref_slice %arg8[%add3A_49, %dma_wait3A_274] : memref<10000x64xf32, #tpu.memory_space<vmem_shared>> -> memref<48x64xf32, #tpu.memory_space<vmem_shared>>
      tpu.wait_dma2 semaphore(%run_scoped3A : memref<!tpu.dma_semaphore, #tpu.memory_space<semaphore_mem>>) src(%arg12 : memref<48x64xf32, #tpu.memory_space<vmem>>) dst(%dma_wait3A_275 : memref<48x64xf32, #tpu.memory_space<vmem_shared>>)
      tpu.yield
    }) : () -> ()
    %mul3A_50 = arith.constant 624 : i32
    %mul3A_51 = arith.muli %arg1, %mul3A_50 : i32
    %add3A_52 = arith.constant 528 : i32
    %add3A_53 = arith.addi %mul3A_51, %add3A_52 : i32
    "tpu.region"() ({
      %run_scoped3A = tpu.sem_alloc : memref<!tpu.dma_semaphore, #tpu.memory_space<semaphore_mem>>
      %dma_start3A_269 = arith.constant 0 : i32
      %dma_start3A_270 = tpu.memref_slice %arg8[%add3A_53, %dma_start3A_269] : memref<10000x64xf32, #tpu.memory_space<vmem_shared>> -> memref<48x64xf32, #tpu.memory_space<vmem_shared>>
      %dma_start3A_271 = arith.constant 0 : i32
      %dma_start3A_272 = tpu.memref_slice %arg8[%add3A_53, %dma_start3A_271] : memref<10000x64xf32, #tpu.memory_space<vmem_shared>> -> memref<48x64xf32, #tpu.memory_space<vmem_shared>>
      tpu.enqueue_dma source(%arg12 : memref<48x64xf32, #tpu.memory_space<vmem>>) target(%dma_start3A_272 : memref<48x64xf32, #tpu.memory_space<vmem_shared>>) target_semaphore(%run_scoped3A : memref<!tpu.dma_semaphore, #tpu.memory_space<semaphore_mem>>)
      %dma_wait3A = arith.constant 0 : i32
      %dma_wait3A_273 = tpu.memref_slice %arg8[%add3A_53, %dma_wait3A] : memref<10000x64xf32, #tpu.memory_space<vmem_shared>> -> memref<48x64xf32, #tpu.memory_space<vmem_shared>>
      %dma_wait3A_274 = arith.constant 0 : i32
      %dma_wait3A_275 = tpu.memref_slice %arg8[%add3A_53, %dma_wait3A_274] : memref<10000x64xf32, #tpu.memory_space<vmem_shared>> -> memref<48x64xf32, #tpu.memory_space<vmem_shared>>
      tpu.wait_dma2 semaphore(%run_scoped3A : memref<!tpu.dma_semaphore, #tpu.memory_space<semaphore_mem>>) src(%arg12 : memref<48x64xf32, #tpu.memory_space<vmem>>) dst(%dma_wait3A_275 : memref<48x64xf32, #tpu.memory_space<vmem_shared>>)
      tpu.yield
    }) : () -> ()
    %mul3A_54 = arith.constant 624 : i32
    %mul3A_55 = arith.muli %arg1, %mul3A_54 : i32
    %add3A_56 = arith.constant 576 : i32
    %add3A_57 = arith.addi %mul3A_55, %add3A_56 : i32
    "tpu.region"() ({
      %run_scoped3A = tpu.sem_alloc : memref<!tpu.dma_semaphore, #tpu.memory_space<semaphore_mem>>
      %dma_start3A_269 = arith.constant 0 : i32
      %dma_start3A_270 = tpu.memref_slice %arg8[%add3A_57, %dma_start3A_269] : memref<10000x64xf32, #tpu.memory_space<vmem_shared>> -> memref<48x64xf32, #tpu.memory_space<vmem_shared>>
      %dma_start3A_271 = arith.constant 0 : i32
      %dma_start3A_272 = tpu.memref_slice %arg8[%add3A_57, %dma_start3A_271] : memref<10000x64xf32, #tpu.memory_space<vmem_shared>> -> memref<48x64xf32, #tpu.memory_space<vmem_shared>>
      tpu.enqueue_dma source(%arg12 : memref<48x64xf32, #tpu.memory_space<vmem>>) target(%dma_start3A_272 : memref<48x64xf32, #tpu.memory_space<vmem_shared>>) target_semaphore(%run_scoped3A : memref<!tpu.dma_semaphore, #tpu.memory_space<semaphore_mem>>)
      %dma_wait3A = arith.constant 0 : i32
      %dma_wait3A_273 = tpu.memref_slice %arg8[%add3A_57, %dma_wait3A] : memref<10000x64xf32, #tpu.memory_space<vmem_shared>> -> memref<48x64xf32, #tpu.memory_space<vmem_shared>>
      %dma_wait3A_274 = arith.constant 0 : i32
      %dma_wait3A_275 = tpu.memref_slice %arg8[%add3A_57, %dma_wait3A_274] : memref<10000x64xf32, #tpu.memory_space<vmem_shared>> -> memref<48x64xf32, #tpu.memory_space<vmem_shared>>
      tpu.wait_dma2 semaphore(%run_scoped3A : memref<!tpu.dma_semaphore, #tpu.memory_space<semaphore_mem>>) src(%arg12 : memref<48x64xf32, #tpu.memory_space<vmem>>) dst(%dma_wait3A_275 : memref<48x64xf32, #tpu.memory_space<vmem_shared>>)
      tpu.yield
    }) : () -> ()
    %eq3A = arith.constant 15 : i32
    %eq3A_58 = arith.cmpi eq, %arg1, %eq3A : i32
    %convert_element_type3A = arith.extui %eq3A_58 : i1 to i32
    %cond3A = arith.constant 0 : i32
    %cond3A_59 = arith.cmpi ne, %convert_element_type3A, %cond3A : i32
    scf.if %cond3A_59 {
      "tpu.region"() ({
        %run_scoped3A = tpu.sem_alloc : memref<!tpu.dma_semaphore, #tpu.memory_space<semaphore_mem>>
        %dma_start3A_269 = arith.constant 0 : i32
        %dma_start3A_270 = arith.constant 0 : i32
        %dma_start3A_271 = tpu.memref_slice %arg12[%dma_start3A_269, %dma_start3A_270] : memref<48x64xf32, #tpu.memory_space<vmem>> -> memref<16x64xf32, #tpu.memory_space<vmem>>
        %dma_start3A_272 = arith.constant 9984 : i32
        %dma_start3A_273 = arith.constant 0 : i32
        %dma_start3A_274 = tpu.memref_slice %arg8[%dma_start3A_272, %dma_start3A_273] : memref<10000x64xf32, #tpu.memory_space<vmem_shared>> -> memref<16x64xf32, #tpu.memory_space<vmem_shared>>
        %dma_start3A_275 = arith.constant 9984 : i32
        %dma_start3A_276 = arith.constant 0 : i32
        %dma_start3A_277 = tpu.memref_slice %arg8[%dma_start3A_275, %dma_start3A_276] : memref<10000x64xf32, #tpu.memory_space<vmem_shared>> -> memref<16x64xf32, #tpu.memory_space<vmem_shared>>
        %dma_start3A_278 = arith.constant 0 : i32
        %dma_start3A_279 = arith.constant 0 : i32
        %dma_start3A_280 = tpu.memref_slice %arg12[%dma_start3A_278, %dma_start3A_279] : memref<48x64xf32, #tpu.memory_space<vmem>> -> memref<16x64xf32, #tpu.memory_space<vmem>>
        tpu.enqueue_dma source(%dma_start3A_280 : memref<16x64xf32, #tpu.memory_space<vmem>>) target(%dma_start3A_277 : memref<16x64xf32, #tpu.memory_space<vmem_shared>>) target_semaphore(%run_scoped3A : memref<!tpu.dma_semaphore, #tpu.memory_space<semaphore_mem>>)
        %dma_wait3A = arith.constant 0 : i32
        %dma_wait3A_281 = arith.constant 0 : i32
        %dma_wait3A_282 = tpu.memref_slice %arg12[%dma_wait3A, %dma_wait3A_281] : memref<48x64xf32, #tpu.memory_space<vmem>> -> memref<16x64xf32, #tpu.memory_space<vmem>>
        %dma_wait3A_283 = arith.constant 9984 : i32
        %dma_wait3A_284 = arith.constant 0 : i32
        %dma_wait3A_285 = tpu.memref_slice %arg8[%dma_wait3A_283, %dma_wait3A_284] : memref<10000x64xf32, #tpu.memory_space<vmem_shared>> -> memref<16x64xf32, #tpu.memory_space<vmem_shared>>
        %dma_wait3A_286 = arith.constant 9984 : i32
        %dma_wait3A_287 = arith.constant 0 : i32
        %dma_wait3A_288 = tpu.memref_slice %arg8[%dma_wait3A_286, %dma_wait3A_287] : memref<10000x64xf32, #tpu.memory_space<vmem_shared>> -> memref<16x64xf32, #tpu.memory_space<vmem_shared>>
        %dma_wait3A_289 = arith.constant 0 : i32
        %dma_wait3A_290 = arith.constant 0 : i32
        %dma_wait3A_291 = tpu.memref_slice %arg12[%dma_wait3A_289, %dma_wait3A_290] : memref<48x64xf32, #tpu.memory_space<vmem>> -> memref<16x64xf32, #tpu.memory_space<vmem>>
        tpu.wait_dma2 semaphore(%run_scoped3A : memref<!tpu.dma_semaphore, #tpu.memory_space<semaphore_mem>>) src(%dma_wait3A_291 : memref<16x64xf32, #tpu.memory_space<vmem>>) dst(%dma_wait3A_288 : memref<16x64xf32, #tpu.memory_space<vmem_shared>>)
        tpu.yield
      }) : () -> ()
    } else {
    }
    %barrier3A = arith.constant 0 : index
    tpu.barrier barrier_id(%barrier3A)
    %dma_start3A = arith.constant 0 : i32
    %dma_start3A_60 = arith.constant 0 : i32
    %dma_start3A_61 = arith.constant 0 : i32
    %dma_start3A_62 = arith.constant 0 : i32
    %dma_start3A_63 = tpu.memref_slice %arg11[%dma_start3A_60, %dma_start3A_61, %dma_start3A_62] : memref<2x80x64xf32, #tpu.memory_space<vmem>> -> memref<1x80x64xf32, #tpu.memory_space<vmem>>
    %dma_start3A_64 = tpu.memref_squeeze %dma_start3A_63 : memref<1x80x64xf32, #tpu.memory_space<vmem>> -> memref<80x64xf32, #tpu.memory_space<vmem>>
    %dma_start3A_65 = arith.constant 0 : i32
    %dma_start3A_66 = tpu.memref_slice %arg9[%dma_start3A, %dma_start3A_65] : memref<125x80xi32, #tpu.memory_space<vmem>> -> memref<1x80xi32, #tpu.memory_space<vmem>>
    %dma_start3A_67 = tpu.memref_squeeze %dma_start3A_66 : memref<1x80xi32, #tpu.memory_space<vmem>> -> memref<80xi32, #tpu.memory_space<vmem>>
    %dma_start3A_68 = arith.constant 0 : i32
    %dma_start3A_69 = arith.constant 0 : i32
    %dma_start3A_70 = tpu.memref_slice %arg2[%dma_start3A_68, %dma_start3A_69] : memref<10000x64xf32, #tpu.memory_space<hbm>> -> memref<10000x64xf32, #tpu.memory_space<hbm>>
    tpu.enqueue_indirect_dma source(%dma_start3A_70 : memref<10000x64xf32, #tpu.memory_space<hbm>>) target(%dma_start3A_64 : memref<80x64xf32, #tpu.memory_space<vmem>>) offsets(%dma_start3A_67 : memref<80xi32, #tpu.memory_space<vmem>>) semaphore(%arg13 : memref<!tpu.dma_semaphore, #tpu.memory_space<semaphore_mem>>)
    %scan3A_71 = arith.constant 0 : i32
    %scan3A_72 = arith.constant 0 : i32
    %scan3A_73 = arith.constant 125 : i32
    %scan3A_74 = arith.addi %scan3A_72, %scan3A_73 : i32
    %scan3A_75 = arith.constant 1 : i32
    scf.for %scan3A_269 = %scan3A_72 to %scan3A_74 step %scan3A_75  : i32 {
      %rem3A = arith.constant 2 : i32
      %rem3A_270 = arith.remsi %scan3A_269, %rem3A : i32
      %add3A_271 = arith.constant 1 : i32
      %add3A_272 = arith.addi %scan3A_269, %add3A_271 : i32
      %rem3A_273 = arith.constant 2 : i32
      %rem3A_274 = arith.remsi %add3A_272, %rem3A_273 : i32
      %add3A_275 = arith.constant 1 : i32
      %add3A_276 = arith.addi %scan3A_269, %add3A_275 : i32
      %lt3A = arith.constant 125 : i32
      %lt3A_277 = arith.cmpi slt, %add3A_276, %lt3A : i32
      %convert_element_type3A_278 = arith.extui %lt3A_277 : i1 to i32
      %cond3A_279 = arith.constant 0 : i32
      %cond3A_280 = arith.cmpi ne, %convert_element_type3A_278, %cond3A_279 : i32
      scf.if %cond3A_280 {
        %add3A_290 = arith.constant 1 : i32
        %add3A_291 = arith.addi %scan3A_269, %add3A_290 : i32
        %dma_start3A_292 = arith.constant 0 : i32
        %dma_start3A_293 = arith.constant 0 : i32
        %dma_start3A_294 = tpu.memref_slice %arg11[%rem3A_274, %dma_start3A_292, %dma_start3A_293] : memref<2x80x64xf32, #tpu.memory_space<vmem>> -> memref<1x80x64xf32, #tpu.memory_space<vmem>>
        %dma_start3A_295 = tpu.memref_squeeze %dma_start3A_294 : memref<1x80x64xf32, #tpu.memory_space<vmem>> -> memref<80x64xf32, #tpu.memory_space<vmem>>
        %dma_start3A_296 = arith.constant 0 : i32
        %dma_start3A_297 = tpu.memref_slice %arg9[%add3A_291, %dma_start3A_296] : memref<125x80xi32, #tpu.memory_space<vmem>> -> memref<1x80xi32, #tpu.memory_space<vmem>>
        %dma_start3A_298 = tpu.memref_squeeze %dma_start3A_297 : memref<1x80xi32, #tpu.memory_space<vmem>> -> memref<80xi32, #tpu.memory_space<vmem>>
        %dma_start3A_299 = arith.constant 0 : i32
        %dma_start3A_300 = arith.constant 0 : i32
        %dma_start3A_301 = tpu.memref_slice %arg2[%dma_start3A_299, %dma_start3A_300] : memref<10000x64xf32, #tpu.memory_space<hbm>> -> memref<10000x64xf32, #tpu.memory_space<hbm>>
        tpu.enqueue_indirect_dma source(%dma_start3A_301 : memref<10000x64xf32, #tpu.memory_space<hbm>>) target(%dma_start3A_295 : memref<80x64xf32, #tpu.memory_space<vmem>>) offsets(%dma_start3A_298 : memref<80xi32, #tpu.memory_space<vmem>>) semaphore(%arg13 : memref<!tpu.dma_semaphore, #tpu.memory_space<semaphore_mem>>)
      } else {
      }
      %dma_wait3A = arith.constant 0 : i32
      %dma_wait3A_281 = arith.constant 0 : i32
      %dma_wait3A_282 = tpu.memref_slice %arg11[%rem3A_270, %dma_wait3A, %dma_wait3A_281] : memref<2x80x64xf32, #tpu.memory_space<vmem>> -> memref<1x80x64xf32, #tpu.memory_space<vmem>>
      %dma_wait3A_283 = tpu.memref_squeeze %dma_wait3A_282 : memref<1x80x64xf32, #tpu.memory_space<vmem>> -> memref<80x64xf32, #tpu.memory_space<vmem>>
      %dma_wait3A_284 = arith.constant 0 : i32
      %dma_wait3A_285 = tpu.memref_slice %arg9[%scan3A_269, %dma_wait3A_284] : memref<125x80xi32, #tpu.memory_space<vmem>> -> memref<1x80xi32, #tpu.memory_space<vmem>>
      %dma_wait3A_286 = tpu.memref_squeeze %dma_wait3A_285 : memref<1x80xi32, #tpu.memory_space<vmem>> -> memref<80xi32, #tpu.memory_space<vmem>>
      %dma_wait3A_287 = arith.constant 0 : i32
      %dma_wait3A_288 = arith.constant 0 : i32
      %dma_wait3A_289 = tpu.memref_slice %arg2[%dma_wait3A_287, %dma_wait3A_288] : memref<10000x64xf32, #tpu.memory_space<hbm>> -> memref<10000x64xf32, #tpu.memory_space<hbm>>
      tpu.wait_indirect_dma semaphore(%arg13 : memref<!tpu.dma_semaphore, #tpu.memory_space<semaphore_mem>>) src(%dma_wait3A_289 : memref<10000x64xf32, #tpu.memory_space<hbm>>) dst(%dma_wait3A_283 : memref<80x64xf32, #tpu.memory_space<vmem>>)
      "tpu.region"() ({
        %run_scoped3A = tpu.sem_alloc : memref<!tpu.dma_semaphore, #tpu.memory_space<semaphore_mem>>
        %dma_start3A_290 = arith.constant 0 : i32
        %dma_start3A_291 = arith.constant 0 : i32
        %dma_start3A_292 = tpu.memref_slice %arg11[%rem3A_270, %dma_start3A_290, %dma_start3A_291] : memref<2x80x64xf32, #tpu.memory_space<vmem>> -> memref<1x80x64xf32, #tpu.memory_space<vmem>>
        %dma_start3A_293 = tpu.memref_squeeze %dma_start3A_292 : memref<1x80x64xf32, #tpu.memory_space<vmem>> -> memref<80x64xf32, #tpu.memory_space<vmem>>
        %dma_start3A_294 = arith.constant 0 : i32
        %dma_start3A_295 = tpu.memref_slice %arg10[%scan3A_269, %dma_start3A_294] : memref<125x80xi32, #tpu.memory_space<vmem>> -> memref<1x80xi32, #tpu.memory_space<vmem>>
        %dma_start3A_296 = tpu.memref_squeeze %dma_start3A_295 : memref<1x80xi32, #tpu.memory_space<vmem>> -> memref<80xi32, #tpu.memory_space<vmem>>
        %dma_start3A_297 = arith.constant 0 : i32
        %dma_start3A_298 = arith.constant 0 : i32
        %dma_start3A_299 = tpu.memref_slice %arg8[%dma_start3A_297, %dma_start3A_298] : memref<10000x64xf32, #tpu.memory_space<vmem_shared>> -> memref<10000x64xf32, #tpu.memory_space<vmem_shared>>
        tpu.enqueue_indirect_dma source(%dma_start3A_293 : memref<80x64xf32, #tpu.memory_space<vmem>>) target(%dma_start3A_299 : memref<10000x64xf32, #tpu.memory_space<vmem_shared>>) offsets(%dma_start3A_296 : memref<80xi32, #tpu.memory_space<vmem>>) semaphore(%run_scoped3A : memref<!tpu.dma_semaphore, #tpu.memory_space<semaphore_mem>>) {add = true}
        %dma_wait3A_300 = arith.constant 0 : i32
        %dma_wait3A_301 = arith.constant 0 : i32
        %dma_wait3A_302 = tpu.memref_slice %arg11[%rem3A_270, %dma_wait3A_300, %dma_wait3A_301] : memref<2x80x64xf32, #tpu.memory_space<vmem>> -> memref<1x80x64xf32, #tpu.memory_space<vmem>>
        %dma_wait3A_303 = tpu.memref_squeeze %dma_wait3A_302 : memref<1x80x64xf32, #tpu.memory_space<vmem>> -> memref<80x64xf32, #tpu.memory_space<vmem>>
        %dma_wait3A_304 = arith.constant 0 : i32
        %dma_wait3A_305 = tpu.memref_slice %arg10[%scan3A_269, %dma_wait3A_304] : memref<125x80xi32, #tpu.memory_space<vmem>> -> memref<1x80xi32, #tpu.memory_space<vmem>>
        %dma_wait3A_306 = tpu.memref_squeeze %dma_wait3A_305 : memref<1x80xi32, #tpu.memory_space<vmem>> -> memref<80xi32, #tpu.memory_space<vmem>>
        %dma_wait3A_307 = arith.constant 0 : i32
        %dma_wait3A_308 = arith.constant 0 : i32
        %dma_wait3A_309 = tpu.memref_slice %arg8[%dma_wait3A_307, %dma_wait3A_308] : memref<10000x64xf32, #tpu.memory_space<vmem_shared>> -> memref<10000x64xf32, #tpu.memory_space<vmem_shared>>
        tpu.wait_indirect_dma semaphore(%run_scoped3A : memref<!tpu.dma_semaphore, #tpu.memory_space<semaphore_mem>>) src(%dma_wait3A_303 : memref<80x64xf32, #tpu.memory_space<vmem>>) dst(%dma_wait3A_309 : memref<10000x64xf32, #tpu.memory_space<vmem_shared>>)
        tpu.yield
      }) : () -> ()
    }
    %scan3A_76 = arith.constant 125 : i32
    %barrier3A_77 = arith.constant 0 : index
    tpu.barrier barrier_id(%barrier3A_77)
    %mul3A_78 = arith.constant 624 : i32
    %mul3A_79 = arith.muli %arg1, %mul3A_78 : i32
    %add3A_80 = arith.constant 0 : i32
    %add3A_81 = arith.addi %mul3A_79, %add3A_80 : i32
    "tpu.region"() ({
      %run_scoped3A = tpu.sem_alloc : memref<!tpu.dma_semaphore, #tpu.memory_space<semaphore_mem>>
      %dma_start3A_269 = arith.constant 0 : i32
      %dma_start3A_270 = tpu.memref_slice %arg6[%arg0, %add3A_81, %dma_start3A_269] : memref<2x10000x64xf32, #tpu.memory_space<hbm>> -> memref<1x48x64xf32, #tpu.memory_space<hbm>>
      %dma_start3A_271 = tpu.memref_squeeze %dma_start3A_270 : memref<1x48x64xf32, #tpu.memory_space<hbm>> -> memref<48x64xf32, #tpu.memory_space<hbm>>
      %dma_start3A_272 = arith.constant 0 : i32
      %dma_start3A_273 = tpu.memref_slice %arg8[%add3A_81, %dma_start3A_272] : memref<10000x64xf32, #tpu.memory_space<vmem_shared>> -> memref<48x64xf32, #tpu.memory_space<vmem_shared>>
      tpu.enqueue_dma source(%dma_start3A_273 : memref<48x64xf32, #tpu.memory_space<vmem_shared>>) target(%dma_start3A_271 : memref<48x64xf32, #tpu.memory_space<hbm>>) target_semaphore(%run_scoped3A : memref<!tpu.dma_semaphore, #tpu.memory_space<semaphore_mem>>)
      %dma_wait3A = arith.constant 0 : i32
      %dma_wait3A_274 = tpu.memref_slice %arg6[%arg0, %add3A_81, %dma_wait3A] : memref<2x10000x64xf32, #tpu.memory_space<hbm>> -> memref<1x48x64xf32, #tpu.memory_space<hbm>>
      %dma_wait3A_275 = tpu.memref_squeeze %dma_wait3A_274 : memref<1x48x64xf32, #tpu.memory_space<hbm>> -> memref<48x64xf32, #tpu.memory_space<hbm>>
      %dma_wait3A_276 = arith.constant 0 : i32
      %dma_wait3A_277 = tpu.memref_slice %arg8[%add3A_81, %dma_wait3A_276] : memref<10000x64xf32, #tpu.memory_space<vmem_shared>> -> memref<48x64xf32, #tpu.memory_space<vmem_shared>>
      tpu.wait_dma2 semaphore(%run_scoped3A : memref<!tpu.dma_semaphore, #tpu.memory_space<semaphore_mem>>) src(%dma_wait3A_277 : memref<48x64xf32, #tpu.memory_space<vmem_shared>>) dst(%dma_wait3A_275 : memref<48x64xf32, #tpu.memory_space<hbm>>)
      tpu.yield
    }) : () -> ()
    %mul3A_82 = arith.constant 624 : i32
    %mul3A_83 = arith.muli %arg1, %mul3A_82 : i32
    %add3A_84 = arith.constant 48 : i32
    %add3A_85 = arith.addi %mul3A_83, %add3A_84 : i32
    "tpu.region"() ({
      %run_scoped3A = tpu.sem_alloc : memref<!tpu.dma_semaphore, #tpu.memory_space<semaphore_mem>>
      %dma_start3A_269 = arith.constant 0 : i32
      %dma_start3A_270 = tpu.memref_slice %arg6[%arg0, %add3A_85, %dma_start3A_269] : memref<2x10000x64xf32, #tpu.memory_space<hbm>> -> memref<1x48x64xf32, #tpu.memory_space<hbm>>
      %dma_start3A_271 = tpu.memref_squeeze %dma_start3A_270 : memref<1x48x64xf32, #tpu.memory_space<hbm>> -> memref<48x64xf32, #tpu.memory_space<hbm>>
      %dma_start3A_272 = arith.constant 0 : i32
      %dma_start3A_273 = tpu.memref_slice %arg8[%add3A_85, %dma_start3A_272] : memref<10000x64xf32, #tpu.memory_space<vmem_shared>> -> memref<48x64xf32, #tpu.memory_space<vmem_shared>>
      tpu.enqueue_dma source(%dma_start3A_273 : memref<48x64xf32, #tpu.memory_space<vmem_shared>>) target(%dma_start3A_271 : memref<48x64xf32, #tpu.memory_space<hbm>>) target_semaphore(%run_scoped3A : memref<!tpu.dma_semaphore, #tpu.memory_space<semaphore_mem>>)
      %dma_wait3A = arith.constant 0 : i32
      %dma_wait3A_274 = tpu.memref_slice %arg6[%arg0, %add3A_85, %dma_wait3A] : memref<2x10000x64xf32, #tpu.memory_space<hbm>> -> memref<1x48x64xf32, #tpu.memory_space<hbm>>
      %dma_wait3A_275 = tpu.memref_squeeze %dma_wait3A_274 : memref<1x48x64xf32, #tpu.memory_space<hbm>> -> memref<48x64xf32, #tpu.memory_space<hbm>>
      %dma_wait3A_276 = arith.constant 0 : i32
      %dma_wait3A_277 = tpu.memref_slice %arg8[%add3A_85, %dma_wait3A_276] : memref<10000x64xf32, #tpu.memory_space<vmem_shared>> -> memref<48x64xf32, #tpu.memory_space<vmem_shared>>
      tpu.wait_dma2 semaphore(%run_scoped3A : memref<!tpu.dma_semaphore, #tpu.memory_space<semaphore_mem>>) src(%dma_wait3A_277 : memref<48x64xf32, #tpu.memory_space<vmem_shared>>) dst(%dma_wait3A_275 : memref<48x64xf32, #tpu.memory_space<hbm>>)
      tpu.yield
    }) : () -> ()
    %mul3A_86 = arith.constant 624 : i32
    %mul3A_87 = arith.muli %arg1, %mul3A_86 : i32
    %add3A_88 = arith.constant 96 : i32
    %add3A_89 = arith.addi %mul3A_87, %add3A_88 : i32
    "tpu.region"() ({
      %run_scoped3A = tpu.sem_alloc : memref<!tpu.dma_semaphore, #tpu.memory_space<semaphore_mem>>
      %dma_start3A_269 = arith.constant 0 : i32
      %dma_start3A_270 = tpu.memref_slice %arg6[%arg0, %add3A_89, %dma_start3A_269] : memref<2x10000x64xf32, #tpu.memory_space<hbm>> -> memref<1x48x64xf32, #tpu.memory_space<hbm>>
      %dma_start3A_271 = tpu.memref_squeeze %dma_start3A_270 : memref<1x48x64xf32, #tpu.memory_space<hbm>> -> memref<48x64xf32, #tpu.memory_space<hbm>>
      %dma_start3A_272 = arith.constant 0 : i32
      %dma_start3A_273 = tpu.memref_slice %arg8[%add3A_89, %dma_start3A_272] : memref<10000x64xf32, #tpu.memory_space<vmem_shared>> -> memref<48x64xf32, #tpu.memory_space<vmem_shared>>
      tpu.enqueue_dma source(%dma_start3A_273 : memref<48x64xf32, #tpu.memory_space<vmem_shared>>) target(%dma_start3A_271 : memref<48x64xf32, #tpu.memory_space<hbm>>) target_semaphore(%run_scoped3A : memref<!tpu.dma_semaphore, #tpu.memory_space<semaphore_mem>>)
      %dma_wait3A = arith.constant 0 : i32
      %dma_wait3A_274 = tpu.memref_slice %arg6[%arg0, %add3A_89, %dma_wait3A] : memref<2x10000x64xf32, #tpu.memory_space<hbm>> -> memref<1x48x64xf32, #tpu.memory_space<hbm>>
      %dma_wait3A_275 = tpu.memref_squeeze %dma_wait3A_274 : memref<1x48x64xf32, #tpu.memory_space<hbm>> -> memref<48x64xf32, #tpu.memory_space<hbm>>
      %dma_wait3A_276 = arith.constant 0 : i32
      %dma_wait3A_277 = tpu.memref_slice %arg8[%add3A_89, %dma_wait3A_276] : memref<10000x64xf32, #tpu.memory_space<vmem_shared>> -> memref<48x64xf32, #tpu.memory_space<vmem_shared>>
      tpu.wait_dma2 semaphore(%run_scoped3A : memref<!tpu.dma_semaphore, #tpu.memory_space<semaphore_mem>>) src(%dma_wait3A_277 : memref<48x64xf32, #tpu.memory_space<vmem_shared>>) dst(%dma_wait3A_275 : memref<48x64xf32, #tpu.memory_space<hbm>>)
      tpu.yield
    }) : () -> ()
    %mul3A_90 = arith.constant 624 : i32
    %mul3A_91 = arith.muli %arg1, %mul3A_90 : i32
    %add3A_92 = arith.constant 144 : i32
    %add3A_93 = arith.addi %mul3A_91, %add3A_92 : i32
    "tpu.region"() ({
      %run_scoped3A = tpu.sem_alloc : memref<!tpu.dma_semaphore, #tpu.memory_space<semaphore_mem>>
      %dma_start3A_269 = arith.constant 0 : i32
      %dma_start3A_270 = tpu.memref_slice %arg6[%arg0, %add3A_93, %dma_start3A_269] : memref<2x10000x64xf32, #tpu.memory_space<hbm>> -> memref<1x48x64xf32, #tpu.memory_space<hbm>>
      %dma_start3A_271 = tpu.memref_squeeze %dma_start3A_270 : memref<1x48x64xf32, #tpu.memory_space<hbm>> -> memref<48x64xf32, #tpu.memory_space<hbm>>
      %dma_start3A_272 = arith.constant 0 : i32
      %dma_start3A_273 = tpu.memref_slice %arg8[%add3A_93, %dma_start3A_272] : memref<10000x64xf32, #tpu.memory_space<vmem_shared>> -> memref<48x64xf32, #tpu.memory_space<vmem_shared>>
      tpu.enqueue_dma source(%dma_start3A_273 : memref<48x64xf32, #tpu.memory_space<vmem_shared>>) target(%dma_start3A_271 : memref<48x64xf32, #tpu.memory_space<hbm>>) target_semaphore(%run_scoped3A : memref<!tpu.dma_semaphore, #tpu.memory_space<semaphore_mem>>)
      %dma_wait3A = arith.constant 0 : i32
      %dma_wait3A_274 = tpu.memref_slice %arg6[%arg0, %add3A_93, %dma_wait3A] : memref<2x10000x64xf32, #tpu.memory_space<hbm>> -> memref<1x48x64xf32, #tpu.memory_space<hbm>>
      %dma_wait3A_275 = tpu.memref_squeeze %dma_wait3A_274 : memref<1x48x64xf32, #tpu.memory_space<hbm>> -> memref<48x64xf32, #tpu.memory_space<hbm>>
      %dma_wait3A_276 = arith.constant 0 : i32
      %dma_wait3A_277 = tpu.memref_slice %arg8[%add3A_93, %dma_wait3A_276] : memref<10000x64xf32, #tpu.memory_space<vmem_shared>> -> memref<48x64xf32, #tpu.memory_space<vmem_shared>>
      tpu.wait_dma2 semaphore(%run_scoped3A : memref<!tpu.dma_semaphore, #tpu.memory_space<semaphore_mem>>) src(%dma_wait3A_277 : memref<48x64xf32, #tpu.memory_space<vmem_shared>>) dst(%dma_wait3A_275 : memref<48x64xf32, #tpu.memory_space<hbm>>)
      tpu.yield
    }) : () -> ()
    %mul3A_94 = arith.constant 624 : i32
    %mul3A_95 = arith.muli %arg1, %mul3A_94 : i32
    %add3A_96 = arith.constant 192 : i32
    %add3A_97 = arith.addi %mul3A_95, %add3A_96 : i32
    "tpu.region"() ({
      %run_scoped3A = tpu.sem_alloc : memref<!tpu.dma_semaphore, #tpu.memory_space<semaphore_mem>>
      %dma_start3A_269 = arith.constant 0 : i32
      %dma_start3A_270 = tpu.memref_slice %arg6[%arg0, %add3A_97, %dma_start3A_269] : memref<2x10000x64xf32, #tpu.memory_space<hbm>> -> memref<1x48x64xf32, #tpu.memory_space<hbm>>
      %dma_start3A_271 = tpu.memref_squeeze %dma_start3A_270 : memref<1x48x64xf32, #tpu.memory_space<hbm>> -> memref<48x64xf32, #tpu.memory_space<hbm>>
      %dma_start3A_272 = arith.constant 0 : i32
      %dma_start3A_273 = tpu.memref_slice %arg8[%add3A_97, %dma_start3A_272] : memref<10000x64xf32, #tpu.memory_space<vmem_shared>> -> memref<48x64xf32, #tpu.memory_space<vmem_shared>>
      tpu.enqueue_dma source(%dma_start3A_273 : memref<48x64xf32, #tpu.memory_space<vmem_shared>>) target(%dma_start3A_271 : memref<48x64xf32, #tpu.memory_space<hbm>>) target_semaphore(%run_scoped3A : memref<!tpu.dma_semaphore, #tpu.memory_space<semaphore_mem>>)
      %dma_wait3A = arith.constant 0 : i32
      %dma_wait3A_274 = tpu.memref_slice %arg6[%arg0, %add3A_97, %dma_wait3A] : memref<2x10000x64xf32, #tpu.memory_space<hbm>> -> memref<1x48x64xf32, #tpu.memory_space<hbm>>
      %dma_wait3A_275 = tpu.memref_squeeze %dma_wait3A_274 : memref<1x48x64xf32, #tpu.memory_space<hbm>> -> memref<48x64xf32, #tpu.memory_space<hbm>>
      %dma_wait3A_276 = arith.constant 0 : i32
      %dma_wait3A_277 = tpu.memref_slice %arg8[%add3A_97, %dma_wait3A_276] : memref<10000x64xf32, #tpu.memory_space<vmem_shared>> -> memref<48x64xf32, #tpu.memory_space<vmem_shared>>
      tpu.wait_dma2 semaphore(%run_scoped3A : memref<!tpu.dma_semaphore, #tpu.memory_space<semaphore_mem>>) src(%dma_wait3A_277 : memref<48x64xf32, #tpu.memory_space<vmem_shared>>) dst(%dma_wait3A_275 : memref<48x64xf32, #tpu.memory_space<hbm>>)
      tpu.yield
    }) : () -> ()
    %mul3A_98 = arith.constant 624 : i32
    %mul3A_99 = arith.muli %arg1, %mul3A_98 : i32
    %add3A_100 = arith.constant 240 : i32
    %add3A_101 = arith.addi %mul3A_99, %add3A_100 : i32
    "tpu.region"() ({
      %run_scoped3A = tpu.sem_alloc : memref<!tpu.dma_semaphore, #tpu.memory_space<semaphore_mem>>
      %dma_start3A_269 = arith.constant 0 : i32
      %dma_start3A_270 = tpu.memref_slice %arg6[%arg0, %add3A_101, %dma_start3A_269] : memref<2x10000x64xf32, #tpu.memory_space<hbm>> -> memref<1x48x64xf32, #tpu.memory_space<hbm>>
      %dma_start3A_271 = tpu.memref_squeeze %dma_start3A_270 : memref<1x48x64xf32, #tpu.memory_space<hbm>> -> memref<48x64xf32, #tpu.memory_space<hbm>>
      %dma_start3A_272 = arith.constant 0 : i32
      %dma_start3A_273 = tpu.memref_slice %arg8[%add3A_101, %dma_start3A_272] : memref<10000x64xf32, #tpu.memory_space<vmem_shared>> -> memref<48x64xf32, #tpu.memory_space<vmem_shared>>
      tpu.enqueue_dma source(%dma_start3A_273 : memref<48x64xf32, #tpu.memory_space<vmem_shared>>) target(%dma_start3A_271 : memref<48x64xf32, #tpu.memory_space<hbm>>) target_semaphore(%run_scoped3A : memref<!tpu.dma_semaphore, #tpu.memory_space<semaphore_mem>>)
      %dma_wait3A = arith.constant 0 : i32
      %dma_wait3A_274 = tpu.memref_slice %arg6[%arg0, %add3A_101, %dma_wait3A] : memref<2x10000x64xf32, #tpu.memory_space<hbm>> -> memref<1x48x64xf32, #tpu.memory_space<hbm>>
      %dma_wait3A_275 = tpu.memref_squeeze %dma_wait3A_274 : memref<1x48x64xf32, #tpu.memory_space<hbm>> -> memref<48x64xf32, #tpu.memory_space<hbm>>
      %dma_wait3A_276 = arith.constant 0 : i32
      %dma_wait3A_277 = tpu.memref_slice %arg8[%add3A_101, %dma_wait3A_276] : memref<10000x64xf32, #tpu.memory_space<vmem_shared>> -> memref<48x64xf32, #tpu.memory_space<vmem_shared>>
      tpu.wait_dma2 semaphore(%run_scoped3A : memref<!tpu.dma_semaphore, #tpu.memory_space<semaphore_mem>>) src(%dma_wait3A_277 : memref<48x64xf32, #tpu.memory_space<vmem_shared>>) dst(%dma_wait3A_275 : memref<48x64xf32, #tpu.memory_space<hbm>>)
      tpu.yield
    }) : () -> ()
    %mul3A_102 = arith.constant 624 : i32
    %mul3A_103 = arith.muli %arg1, %mul3A_102 : i32
    %add3A_104 = arith.constant 288 : i32
    %add3A_105 = arith.addi %mul3A_103, %add3A_104 : i32
    "tpu.region"() ({
      %run_scoped3A = tpu.sem_alloc : memref<!tpu.dma_semaphore, #tpu.memory_space<semaphore_mem>>
      %dma_start3A_269 = arith.constant 0 : i32
      %dma_start3A_270 = tpu.memref_slice %arg6[%arg0, %add3A_105, %dma_start3A_269] : memref<2x10000x64xf32, #tpu.memory_space<hbm>> -> memref<1x48x64xf32, #tpu.memory_space<hbm>>
      %dma_start3A_271 = tpu.memref_squeeze %dma_start3A_270 : memref<1x48x64xf32, #tpu.memory_space<hbm>> -> memref<48x64xf32, #tpu.memory_space<hbm>>
      %dma_start3A_272 = arith.constant 0 : i32
      %dma_start3A_273 = tpu.memref_slice %arg8[%add3A_105, %dma_start3A_272] : memref<10000x64xf32, #tpu.memory_space<vmem_shared>> -> memref<48x64xf32, #tpu.memory_space<vmem_shared>>
      tpu.enqueue_dma source(%dma_start3A_273 : memref<48x64xf32, #tpu.memory_space<vmem_shared>>) target(%dma_start3A_271 : memref<48x64xf32, #tpu.memory_space<hbm>>) target_semaphore(%run_scoped3A : memref<!tpu.dma_semaphore, #tpu.memory_space<semaphore_mem>>)
      %dma_wait3A = arith.constant 0 : i32
      %dma_wait3A_274 = tpu.memref_slice %arg6[%arg0, %add3A_105, %dma_wait3A] : memref<2x10000x64xf32, #tpu.memory_space<hbm>> -> memref<1x48x64xf32, #tpu.memory_space<hbm>>
      %dma_wait3A_275 = tpu.memref_squeeze %dma_wait3A_274 : memref<1x48x64xf32, #tpu.memory_space<hbm>> -> memref<48x64xf32, #tpu.memory_space<hbm>>
      %dma_wait3A_276 = arith.constant 0 : i32
      %dma_wait3A_277 = tpu.memref_slice %arg8[%add3A_105, %dma_wait3A_276] : memref<10000x64xf32, #tpu.memory_space<vmem_shared>> -> memref<48x64xf32, #tpu.memory_space<vmem_shared>>
      tpu.wait_dma2 semaphore(%run_scoped3A : memref<!tpu.dma_semaphore, #tpu.memory_space<semaphore_mem>>) src(%dma_wait3A_277 : memref<48x64xf32, #tpu.memory_space<vmem_shared>>) dst(%dma_wait3A_275 : memref<48x64xf32, #tpu.memory_space<hbm>>)
      tpu.yield
    }) : () -> ()
    %mul3A_106 = arith.constant 624 : i32
    %mul3A_107 = arith.muli %arg1, %mul3A_106 : i32
    %add3A_108 = arith.constant 336 : i32
    %add3A_109 = arith.addi %mul3A_107, %add3A_108 : i32
    "tpu.region"() ({
      %run_scoped3A = tpu.sem_alloc : memref<!tpu.dma_semaphore, #tpu.memory_space<semaphore_mem>>
      %dma_start3A_269 = arith.constant 0 : i32
      %dma_start3A_270 = tpu.memref_slice %arg6[%arg0, %add3A_109, %dma_start3A_269] : memref<2x10000x64xf32, #tpu.memory_space<hbm>> -> memref<1x48x64xf32, #tpu.memory_space<hbm>>
      %dma_start3A_271 = tpu.memref_squeeze %dma_start3A_270 : memref<1x48x64xf32, #tpu.memory_space<hbm>> -> memref<48x64xf32, #tpu.memory_space<hbm>>
      %dma_start3A_272 = arith.constant 0 : i32
      %dma_start3A_273 = tpu.memref_slice %arg8[%add3A_109, %dma_start3A_272] : memref<10000x64xf32, #tpu.memory_space<vmem_shared>> -> memref<48x64xf32, #tpu.memory_space<vmem_shared>>
      tpu.enqueue_dma source(%dma_start3A_273 : memref<48x64xf32, #tpu.memory_space<vmem_shared>>) target(%dma_start3A_271 : memref<48x64xf32, #tpu.memory_space<hbm>>) target_semaphore(%run_scoped3A : memref<!tpu.dma_semaphore, #tpu.memory_space<semaphore_mem>>)
      %dma_wait3A = arith.constant 0 : i32
      %dma_wait3A_274 = tpu.memref_slice %arg6[%arg0, %add3A_109, %dma_wait3A] : memref<2x10000x64xf32, #tpu.memory_space<hbm>> -> memref<1x48x64xf32, #tpu.memory_space<hbm>>
      %dma_wait3A_275 = tpu.memref_squeeze %dma_wait3A_274 : memref<1x48x64xf32, #tpu.memory_space<hbm>> -> memref<48x64xf32, #tpu.memory_space<hbm>>
      %dma_wait3A_276 = arith.constant 0 : i32
      %dma_wait3A_277 = tpu.memref_slice %arg8[%add3A_109, %dma_wait3A_276] : memref<10000x64xf32, #tpu.memory_space<vmem_shared>> -> memref<48x64xf32, #tpu.memory_space<vmem_shared>>
      tpu.wait_dma2 semaphore(%run_scoped3A : memref<!tpu.dma_semaphore, #tpu.memory_space<semaphore_mem>>) src(%dma_wait3A_277 : memref<48x64xf32, #tpu.memory_space<vmem_shared>>) dst(%dma_wait3A_275 : memref<48x64xf32, #tpu.memory_space<hbm>>)
      tpu.yield
    }) : () -> ()
    %mul3A_110 = arith.constant 624 : i32
    %mul3A_111 = arith.muli %arg1, %mul3A_110 : i32
    %add3A_112 = arith.constant 384 : i32
    %add3A_113 = arith.addi %mul3A_111, %add3A_112 : i32
    "tpu.region"() ({
      %run_scoped3A = tpu.sem_alloc : memref<!tpu.dma_semaphore, #tpu.memory_space<semaphore_mem>>
      %dma_start3A_269 = arith.constant 0 : i32
      %dma_start3A_270 = tpu.memref_slice %arg6[%arg0, %add3A_113, %dma_start3A_269] : memref<2x10000x64xf32, #tpu.memory_space<hbm>> -> memref<1x48x64xf32, #tpu.memory_space<hbm>>
      %dma_start3A_271 = tpu.memref_squeeze %dma_start3A_270 : memref<1x48x64xf32, #tpu.memory_space<hbm>> -> memref<48x64xf32, #tpu.memory_space<hbm>>
      %dma_start3A_272 = arith.constant 0 : i32
      %dma_start3A_273 = tpu.memref_slice %arg8[%add3A_113, %dma_start3A_272] : memref<10000x64xf32, #tpu.memory_space<vmem_shared>> -> memref<48x64xf32, #tpu.memory_space<vmem_shared>>
      tpu.enqueue_dma source(%dma_start3A_273 : memref<48x64xf32, #tpu.memory_space<vmem_shared>>) target(%dma_start3A_271 : memref<48x64xf32, #tpu.memory_space<hbm>>) target_semaphore(%run_scoped3A : memref<!tpu.dma_semaphore, #tpu.memory_space<semaphore_mem>>)
      %dma_wait3A = arith.constant 0 : i32
      %dma_wait3A_274 = tpu.memref_slice %arg6[%arg0, %add3A_113, %dma_wait3A] : memref<2x10000x64xf32, #tpu.memory_space<hbm>> -> memref<1x48x64xf32, #tpu.memory_space<hbm>>
      %dma_wait3A_275 = tpu.memref_squeeze %dma_wait3A_274 : memref<1x48x64xf32, #tpu.memory_space<hbm>> -> memref<48x64xf32, #tpu.memory_space<hbm>>
      %dma_wait3A_276 = arith.constant 0 : i32
      %dma_wait3A_277 = tpu.memref_slice %arg8[%add3A_113, %dma_wait3A_276] : memref<10000x64xf32, #tpu.memory_space<vmem_shared>> -> memref<48x64xf32, #tpu.memory_space<vmem_shared>>
      tpu.wait_dma2 semaphore(%run_scoped3A : memref<!tpu.dma_semaphore, #tpu.memory_space<semaphore_mem>>) src(%dma_wait3A_277 : memref<48x64xf32, #tpu.memory_space<vmem_shared>>) dst(%dma_wait3A_275 : memref<48x64xf32, #tpu.memory_space<hbm>>)
      tpu.yield
    }) : () -> ()
    %mul3A_114 = arith.constant 624 : i32
    %mul3A_115 = arith.muli %arg1, %mul3A_114 : i32
    %add3A_116 = arith.constant 432 : i32
    %add3A_117 = arith.addi %mul3A_115, %add3A_116 : i32
    "tpu.region"() ({
      %run_scoped3A = tpu.sem_alloc : memref<!tpu.dma_semaphore, #tpu.memory_space<semaphore_mem>>
      %dma_start3A_269 = arith.constant 0 : i32
      %dma_start3A_270 = tpu.memref_slice %arg6[%arg0, %add3A_117, %dma_start3A_269] : memref<2x10000x64xf32, #tpu.memory_space<hbm>> -> memref<1x48x64xf32, #tpu.memory_space<hbm>>
      %dma_start3A_271 = tpu.memref_squeeze %dma_start3A_270 : memref<1x48x64xf32, #tpu.memory_space<hbm>> -> memref<48x64xf32, #tpu.memory_space<hbm>>
      %dma_start3A_272 = arith.constant 0 : i32
      %dma_start3A_273 = tpu.memref_slice %arg8[%add3A_117, %dma_start3A_272] : memref<10000x64xf32, #tpu.memory_space<vmem_shared>> -> memref<48x64xf32, #tpu.memory_space<vmem_shared>>
      tpu.enqueue_dma source(%dma_start3A_273 : memref<48x64xf32, #tpu.memory_space<vmem_shared>>) target(%dma_start3A_271 : memref<48x64xf32, #tpu.memory_space<hbm>>) target_semaphore(%run_scoped3A : memref<!tpu.dma_semaphore, #tpu.memory_space<semaphore_mem>>)
      %dma_wait3A = arith.constant 0 : i32
      %dma_wait3A_274 = tpu.memref_slice %arg6[%arg0, %add3A_117, %dma_wait3A] : memref<2x10000x64xf32, #tpu.memory_space<hbm>> -> memref<1x48x64xf32, #tpu.memory_space<hbm>>
      %dma_wait3A_275 = tpu.memref_squeeze %dma_wait3A_274 : memref<1x48x64xf32, #tpu.memory_space<hbm>> -> memref<48x64xf32, #tpu.memory_space<hbm>>
      %dma_wait3A_276 = arith.constant 0 : i32
      %dma_wait3A_277 = tpu.memref_slice %arg8[%add3A_117, %dma_wait3A_276] : memref<10000x64xf32, #tpu.memory_space<vmem_shared>> -> memref<48x64xf32, #tpu.memory_space<vmem_shared>>
      tpu.wait_dma2 semaphore(%run_scoped3A : memref<!tpu.dma_semaphore, #tpu.memory_space<semaphore_mem>>) src(%dma_wait3A_277 : memref<48x64xf32, #tpu.memory_space<vmem_shared>>) dst(%dma_wait3A_275 : memref<48x64xf32, #tpu.memory_space<hbm>>)
      tpu.yield
    }) : () -> ()
    %mul3A_118 = arith.constant 624 : i32
    %mul3A_119 = arith.muli %arg1, %mul3A_118 : i32
    %add3A_120 = arith.constant 480 : i32
    %add3A_121 = arith.addi %mul3A_119, %add3A_120 : i32
    "tpu.region"() ({
      %run_scoped3A = tpu.sem_alloc : memref<!tpu.dma_semaphore, #tpu.memory_space<semaphore_mem>>
      %dma_start3A_269 = arith.constant 0 : i32
      %dma_start3A_270 = tpu.memref_slice %arg6[%arg0, %add3A_121, %dma_start3A_269] : memref<2x10000x64xf32, #tpu.memory_space<hbm>> -> memref<1x48x64xf32, #tpu.memory_space<hbm>>
      %dma_start3A_271 = tpu.memref_squeeze %dma_start3A_270 : memref<1x48x64xf32, #tpu.memory_space<hbm>> -> memref<48x64xf32, #tpu.memory_space<hbm>>
      %dma_start3A_272 = arith.constant 0 : i32
      %dma_start3A_273 = tpu.memref_slice %arg8[%add3A_121, %dma_start3A_272] : memref<10000x64xf32, #tpu.memory_space<vmem_shared>> -> memref<48x64xf32, #tpu.memory_space<vmem_shared>>
      tpu.enqueue_dma source(%dma_start3A_273 : memref<48x64xf32, #tpu.memory_space<vmem_shared>>) target(%dma_start3A_271 : memref<48x64xf32, #tpu.memory_space<hbm>>) target_semaphore(%run_scoped3A : memref<!tpu.dma_semaphore, #tpu.memory_space<semaphore_mem>>)
      %dma_wait3A = arith.constant 0 : i32
      %dma_wait3A_274 = tpu.memref_slice %arg6[%arg0, %add3A_121, %dma_wait3A] : memref<2x10000x64xf32, #tpu.memory_space<hbm>> -> memref<1x48x64xf32, #tpu.memory_space<hbm>>
      %dma_wait3A_275 = tpu.memref_squeeze %dma_wait3A_274 : memref<1x48x64xf32, #tpu.memory_space<hbm>> -> memref<48x64xf32, #tpu.memory_space<hbm>>
      %dma_wait3A_276 = arith.constant 0 : i32
      %dma_wait3A_277 = tpu.memref_slice %arg8[%add3A_121, %dma_wait3A_276] : memref<10000x64xf32, #tpu.memory_space<vmem_shared>> -> memref<48x64xf32, #tpu.memory_space<vmem_shared>>
      tpu.wait_dma2 semaphore(%run_scoped3A : memref<!tpu.dma_semaphore, #tpu.memory_space<semaphore_mem>>) src(%dma_wait3A_277 : memref<48x64xf32, #tpu.memory_space<vmem_shared>>) dst(%dma_wait3A_275 : memref<48x64xf32, #tpu.memory_space<hbm>>)
      tpu.yield
    }) : () -> ()
    %mul3A_122 = arith.constant 624 : i32
    %mul3A_123 = arith.muli %arg1, %mul3A_122 : i32
    %add3A_124 = arith.constant 528 : i32
    %add3A_125 = arith.addi %mul3A_123, %add3A_124 : i32
    "tpu.region"() ({
      %run_scoped3A = tpu.sem_alloc : memref<!tpu.dma_semaphore, #tpu.memory_space<semaphore_mem>>
      %dma_start3A_269 = arith.constant 0 : i32
      %dma_start3A_270 = tpu.memref_slice %arg6[%arg0, %add3A_125, %dma_start3A_269] : memref<2x10000x64xf32, #tpu.memory_space<hbm>> -> memref<1x48x64xf32, #tpu.memory_space<hbm>>
      %dma_start3A_271 = tpu.memref_squeeze %dma_start3A_270 : memref<1x48x64xf32, #tpu.memory_space<hbm>> -> memref<48x64xf32, #tpu.memory_space<hbm>>
      %dma_start3A_272 = arith.constant 0 : i32
      %dma_start3A_273 = tpu.memref_slice %arg8[%add3A_125, %dma_start3A_272] : memref<10000x64xf32, #tpu.memory_space<vmem_shared>> -> memref<48x64xf32, #tpu.memory_space<vmem_shared>>
      tpu.enqueue_dma source(%dma_start3A_273 : memref<48x64xf32, #tpu.memory_space<vmem_shared>>) target(%dma_start3A_271 : memref<48x64xf32, #tpu.memory_space<hbm>>) target_semaphore(%run_scoped3A : memref<!tpu.dma_semaphore, #tpu.memory_space<semaphore_mem>>)
      %dma_wait3A = arith.constant 0 : i32
      %dma_wait3A_274 = tpu.memref_slice %arg6[%arg0, %add3A_125, %dma_wait3A] : memref<2x10000x64xf32, #tpu.memory_space<hbm>> -> memref<1x48x64xf32, #tpu.memory_space<hbm>>
      %dma_wait3A_275 = tpu.memref_squeeze %dma_wait3A_274 : memref<1x48x64xf32, #tpu.memory_space<hbm>> -> memref<48x64xf32, #tpu.memory_space<hbm>>
      %dma_wait3A_276 = arith.constant 0 : i32
      %dma_wait3A_277 = tpu.memref_slice %arg8[%add3A_125, %dma_wait3A_276] : memref<10000x64xf32, #tpu.memory_space<vmem_shared>> -> memref<48x64xf32, #tpu.memory_space<vmem_shared>>
      tpu.wait_dma2 semaphore(%run_scoped3A : memref<!tpu.dma_semaphore, #tpu.memory_space<semaphore_mem>>) src(%dma_wait3A_277 : memref<48x64xf32, #tpu.memory_space<vmem_shared>>) dst(%dma_wait3A_275 : memref<48x64xf32, #tpu.memory_space<hbm>>)
      tpu.yield
    }) : () -> ()
    %mul3A_126 = arith.constant 624 : i32
    %mul3A_127 = arith.muli %arg1, %mul3A_126 : i32
    %add3A_128 = arith.constant 576 : i32
    %add3A_129 = arith.addi %mul3A_127, %add3A_128 : i32
    "tpu.region"() ({
      %run_scoped3A = tpu.sem_alloc : memref<!tpu.dma_semaphore, #tpu.memory_space<semaphore_mem>>
      %dma_start3A_269 = arith.constant 0 : i32
      %dma_start3A_270 = tpu.memref_slice %arg6[%arg0, %add3A_129, %dma_start3A_269] : memref<2x10000x64xf32, #tpu.memory_space<hbm>> -> memref<1x48x64xf32, #tpu.memory_space<hbm>>
      %dma_start3A_271 = tpu.memref_squeeze %dma_start3A_270 : memref<1x48x64xf32, #tpu.memory_space<hbm>> -> memref<48x64xf32, #tpu.memory_space<hbm>>
      %dma_start3A_272 = arith.constant 0 : i32
      %dma_start3A_273 = tpu.memref_slice %arg8[%add3A_129, %dma_start3A_272] : memref<10000x64xf32, #tpu.memory_space<vmem_shared>> -> memref<48x64xf32, #tpu.memory_space<vmem_shared>>
      tpu.enqueue_dma source(%dma_start3A_273 : memref<48x64xf32, #tpu.memory_space<vmem_shared>>) target(%dma_start3A_271 : memref<48x64xf32, #tpu.memory_space<hbm>>) target_semaphore(%run_scoped3A : memref<!tpu.dma_semaphore, #tpu.memory_space<semaphore_mem>>)
      %dma_wait3A = arith.constant 0 : i32
      %dma_wait3A_274 = tpu.memref_slice %arg6[%arg0, %add3A_129, %dma_wait3A] : memref<2x10000x64xf32, #tpu.memory_space<hbm>> -> memref<1x48x64xf32, #tpu.memory_space<hbm>>
      %dma_wait3A_275 = tpu.memref_squeeze %dma_wait3A_274 : memref<1x48x64xf32, #tpu.memory_space<hbm>> -> memref<48x64xf32, #tpu.memory_space<hbm>>
      %dma_wait3A_276 = arith.constant 0 : i32
      %dma_wait3A_277 = tpu.memref_slice %arg8[%add3A_129, %dma_wait3A_276] : memref<10000x64xf32, #tpu.memory_space<vmem_shared>> -> memref<48x64xf32, #tpu.memory_space<vmem_shared>>
      tpu.wait_dma2 semaphore(%run_scoped3A : memref<!tpu.dma_semaphore, #tpu.memory_space<semaphore_mem>>) src(%dma_wait3A_277 : memref<48x64xf32, #tpu.memory_space<vmem_shared>>) dst(%dma_wait3A_275 : memref<48x64xf32, #tpu.memory_space<hbm>>)
      tpu.yield
    }) : () -> ()
    %eq3A_130 = arith.constant 15 : i32
    %eq3A_131 = arith.cmpi eq, %arg1, %eq3A_130 : i32
    %convert_element_type3A_132 = arith.extui %eq3A_131 : i1 to i32
    %cond3A_133 = arith.constant 0 : i32
    %cond3A_134 = arith.cmpi ne, %convert_element_type3A_132, %cond3A_133 : i32
    scf.if %cond3A_134 {
      "tpu.region"() ({
        %run_scoped3A = tpu.sem_alloc : memref<!tpu.dma_semaphore, #tpu.memory_space<semaphore_mem>>
        %dma_start3A_269 = arith.constant 9984 : i32
        %dma_start3A_270 = arith.constant 0 : i32
        %dma_start3A_271 = tpu.memref_slice %arg6[%arg0, %dma_start3A_269, %dma_start3A_270] : memref<2x10000x64xf32, #tpu.memory_space<hbm>> -> memref<1x16x64xf32, #tpu.memory_space<hbm>>
        %dma_start3A_272 = tpu.memref_squeeze %dma_start3A_271 : memref<1x16x64xf32, #tpu.memory_space<hbm>> -> memref<16x64xf32, #tpu.memory_space<hbm>>
        %dma_start3A_273 = arith.constant 9984 : i32
        %dma_start3A_274 = arith.constant 0 : i32
        %dma_start3A_275 = tpu.memref_slice %arg8[%dma_start3A_273, %dma_start3A_274] : memref<10000x64xf32, #tpu.memory_space<vmem_shared>> -> memref<16x64xf32, #tpu.memory_space<vmem_shared>>
        tpu.enqueue_dma source(%dma_start3A_275 : memref<16x64xf32, #tpu.memory_space<vmem_shared>>) target(%dma_start3A_272 : memref<16x64xf32, #tpu.memory_space<hbm>>) target_semaphore(%run_scoped3A : memref<!tpu.dma_semaphore, #tpu.memory_space<semaphore_mem>>)
        %dma_wait3A = arith.constant 9984 : i32
        %dma_wait3A_276 = arith.constant 0 : i32
        %dma_wait3A_277 = tpu.memref_slice %arg6[%arg0, %dma_wait3A, %dma_wait3A_276] : memref<2x10000x64xf32, #tpu.memory_space<hbm>> -> memref<1x16x64xf32, #tpu.memory_space<hbm>>
        %dma_wait3A_278 = tpu.memref_squeeze %dma_wait3A_277 : memref<1x16x64xf32, #tpu.memory_space<hbm>> -> memref<16x64xf32, #tpu.memory_space<hbm>>
        %dma_wait3A_279 = arith.constant 9984 : i32
        %dma_wait3A_280 = arith.constant 0 : i32
        %dma_wait3A_281 = tpu.memref_slice %arg8[%dma_wait3A_279, %dma_wait3A_280] : memref<10000x64xf32, #tpu.memory_space<vmem_shared>> -> memref<16x64xf32, #tpu.memory_space<vmem_shared>>
        tpu.wait_dma2 semaphore(%run_scoped3A : memref<!tpu.dma_semaphore, #tpu.memory_space<semaphore_mem>>) src(%dma_wait3A_281 : memref<16x64xf32, #tpu.memory_space<vmem_shared>>) dst(%dma_wait3A_278 : memref<16x64xf32, #tpu.memory_space<hbm>>)
        tpu.yield
      }) : () -> ()
    } else {
    }
    %mul3A_135 = arith.constant 624 : i32
    %mul3A_136 = arith.muli %arg1, %mul3A_135 : i32
    %add3A_137 = arith.constant 0 : i32
    %add3A_138 = arith.addi %mul3A_136, %add3A_137 : i32
    "tpu.region"() ({
      %run_scoped3A = tpu.sem_alloc : memref<!tpu.dma_semaphore, #tpu.memory_space<semaphore_mem>>
      %dma_start3A_269 = arith.constant 0 : i32
      %dma_start3A_270 = tpu.memref_slice %arg8[%add3A_138, %dma_start3A_269] : memref<10000x64xf32, #tpu.memory_space<vmem_shared>> -> memref<48x64xf32, #tpu.memory_space<vmem_shared>>
      %dma_start3A_271 = arith.constant 0 : i32
      %dma_start3A_272 = tpu.memref_slice %arg8[%add3A_138, %dma_start3A_271] : memref<10000x64xf32, #tpu.memory_space<vmem_shared>> -> memref<48x64xf32, #tpu.memory_space<vmem_shared>>
      tpu.enqueue_dma source(%arg12 : memref<48x64xf32, #tpu.memory_space<vmem>>) target(%dma_start3A_272 : memref<48x64xf32, #tpu.memory_space<vmem_shared>>) target_semaphore(%run_scoped3A : memref<!tpu.dma_semaphore, #tpu.memory_space<semaphore_mem>>)
      %dma_wait3A = arith.constant 0 : i32
      %dma_wait3A_273 = tpu.memref_slice %arg8[%add3A_138, %dma_wait3A] : memref<10000x64xf32, #tpu.memory_space<vmem_shared>> -> memref<48x64xf32, #tpu.memory_space<vmem_shared>>
      %dma_wait3A_274 = arith.constant 0 : i32
      %dma_wait3A_275 = tpu.memref_slice %arg8[%add3A_138, %dma_wait3A_274] : memref<10000x64xf32, #tpu.memory_space<vmem_shared>> -> memref<48x64xf32, #tpu.memory_space<vmem_shared>>
      tpu.wait_dma2 semaphore(%run_scoped3A : memref<!tpu.dma_semaphore, #tpu.memory_space<semaphore_mem>>) src(%arg12 : memref<48x64xf32, #tpu.memory_space<vmem>>) dst(%dma_wait3A_275 : memref<48x64xf32, #tpu.memory_space<vmem_shared>>)
      tpu.yield
    }) : () -> ()
    %mul3A_139 = arith.constant 624 : i32
    %mul3A_140 = arith.muli %arg1, %mul3A_139 : i32
    %add3A_141 = arith.constant 48 : i32
    %add3A_142 = arith.addi %mul3A_140, %add3A_141 : i32
    "tpu.region"() ({
      %run_scoped3A = tpu.sem_alloc : memref<!tpu.dma_semaphore, #tpu.memory_space<semaphore_mem>>
      %dma_start3A_269 = arith.constant 0 : i32
      %dma_start3A_270 = tpu.memref_slice %arg8[%add3A_142, %dma_start3A_269] : memref<10000x64xf32, #tpu.memory_space<vmem_shared>> -> memref<48x64xf32, #tpu.memory_space<vmem_shared>>
      %dma_start3A_271 = arith.constant 0 : i32
      %dma_start3A_272 = tpu.memref_slice %arg8[%add3A_142, %dma_start3A_271] : memref<10000x64xf32, #tpu.memory_space<vmem_shared>> -> memref<48x64xf32, #tpu.memory_space<vmem_shared>>
      tpu.enqueue_dma source(%arg12 : memref<48x64xf32, #tpu.memory_space<vmem>>) target(%dma_start3A_272 : memref<48x64xf32, #tpu.memory_space<vmem_shared>>) target_semaphore(%run_scoped3A : memref<!tpu.dma_semaphore, #tpu.memory_space<semaphore_mem>>)
      %dma_wait3A = arith.constant 0 : i32
      %dma_wait3A_273 = tpu.memref_slice %arg8[%add3A_142, %dma_wait3A] : memref<10000x64xf32, #tpu.memory_space<vmem_shared>> -> memref<48x64xf32, #tpu.memory_space<vmem_shared>>
      %dma_wait3A_274 = arith.constant 0 : i32
      %dma_wait3A_275 = tpu.memref_slice %arg8[%add3A_142, %dma_wait3A_274] : memref<10000x64xf32, #tpu.memory_space<vmem_shared>> -> memref<48x64xf32, #tpu.memory_space<vmem_shared>>
      tpu.wait_dma2 semaphore(%run_scoped3A : memref<!tpu.dma_semaphore, #tpu.memory_space<semaphore_mem>>) src(%arg12 : memref<48x64xf32, #tpu.memory_space<vmem>>) dst(%dma_wait3A_275 : memref<48x64xf32, #tpu.memory_space<vmem_shared>>)
      tpu.yield
    }) : () -> ()
    %mul3A_143 = arith.constant 624 : i32
    %mul3A_144 = arith.muli %arg1, %mul3A_143 : i32
    %add3A_145 = arith.constant 96 : i32
    %add3A_146 = arith.addi %mul3A_144, %add3A_145 : i32
    "tpu.region"() ({
      %run_scoped3A = tpu.sem_alloc : memref<!tpu.dma_semaphore, #tpu.memory_space<semaphore_mem>>
      %dma_start3A_269 = arith.constant 0 : i32
      %dma_start3A_270 = tpu.memref_slice %arg8[%add3A_146, %dma_start3A_269] : memref<10000x64xf32, #tpu.memory_space<vmem_shared>> -> memref<48x64xf32, #tpu.memory_space<vmem_shared>>
      %dma_start3A_271 = arith.constant 0 : i32
      %dma_start3A_272 = tpu.memref_slice %arg8[%add3A_146, %dma_start3A_271] : memref<10000x64xf32, #tpu.memory_space<vmem_shared>> -> memref<48x64xf32, #tpu.memory_space<vmem_shared>>
      tpu.enqueue_dma source(%arg12 : memref<48x64xf32, #tpu.memory_space<vmem>>) target(%dma_start3A_272 : memref<48x64xf32, #tpu.memory_space<vmem_shared>>) target_semaphore(%run_scoped3A : memref<!tpu.dma_semaphore, #tpu.memory_space<semaphore_mem>>)
      %dma_wait3A = arith.constant 0 : i32
      %dma_wait3A_273 = tpu.memref_slice %arg8[%add3A_146, %dma_wait3A] : memref<10000x64xf32, #tpu.memory_space<vmem_shared>> -> memref<48x64xf32, #tpu.memory_space<vmem_shared>>
      %dma_wait3A_274 = arith.constant 0 : i32
      %dma_wait3A_275 = tpu.memref_slice %arg8[%add3A_146, %dma_wait3A_274] : memref<10000x64xf32, #tpu.memory_space<vmem_shared>> -> memref<48x64xf32, #tpu.memory_space<vmem_shared>>
      tpu.wait_dma2 semaphore(%run_scoped3A : memref<!tpu.dma_semaphore, #tpu.memory_space<semaphore_mem>>) src(%arg12 : memref<48x64xf32, #tpu.memory_space<vmem>>) dst(%dma_wait3A_275 : memref<48x64xf32, #tpu.memory_space<vmem_shared>>)
      tpu.yield
    }) : () -> ()
    %mul3A_147 = arith.constant 624 : i32
    %mul3A_148 = arith.muli %arg1, %mul3A_147 : i32
    %add3A_149 = arith.constant 144 : i32
    %add3A_150 = arith.addi %mul3A_148, %add3A_149 : i32
    "tpu.region"() ({
      %run_scoped3A = tpu.sem_alloc : memref<!tpu.dma_semaphore, #tpu.memory_space<semaphore_mem>>
      %dma_start3A_269 = arith.constant 0 : i32
      %dma_start3A_270 = tpu.memref_slice %arg8[%add3A_150, %dma_start3A_269] : memref<10000x64xf32, #tpu.memory_space<vmem_shared>> -> memref<48x64xf32, #tpu.memory_space<vmem_shared>>
      %dma_start3A_271 = arith.constant 0 : i32
      %dma_start3A_272 = tpu.memref_slice %arg8[%add3A_150, %dma_start3A_271] : memref<10000x64xf32, #tpu.memory_space<vmem_shared>> -> memref<48x64xf32, #tpu.memory_space<vmem_shared>>
      tpu.enqueue_dma source(%arg12 : memref<48x64xf32, #tpu.memory_space<vmem>>) target(%dma_start3A_272 : memref<48x64xf32, #tpu.memory_space<vmem_shared>>) target_semaphore(%run_scoped3A : memref<!tpu.dma_semaphore, #tpu.memory_space<semaphore_mem>>)
      %dma_wait3A = arith.constant 0 : i32
      %dma_wait3A_273 = tpu.memref_slice %arg8[%add3A_150, %dma_wait3A] : memref<10000x64xf32, #tpu.memory_space<vmem_shared>> -> memref<48x64xf32, #tpu.memory_space<vmem_shared>>
      %dma_wait3A_274 = arith.constant 0 : i32
      %dma_wait3A_275 = tpu.memref_slice %arg8[%add3A_150, %dma_wait3A_274] : memref<10000x64xf32, #tpu.memory_space<vmem_shared>> -> memref<48x64xf32, #tpu.memory_space<vmem_shared>>
      tpu.wait_dma2 semaphore(%run_scoped3A : memref<!tpu.dma_semaphore, #tpu.memory_space<semaphore_mem>>) src(%arg12 : memref<48x64xf32, #tpu.memory_space<vmem>>) dst(%dma_wait3A_275 : memref<48x64xf32, #tpu.memory_space<vmem_shared>>)
      tpu.yield
    }) : () -> ()
    %mul3A_151 = arith.constant 624 : i32
    %mul3A_152 = arith.muli %arg1, %mul3A_151 : i32
    %add3A_153 = arith.constant 192 : i32
    %add3A_154 = arith.addi %mul3A_152, %add3A_153 : i32
    "tpu.region"() ({
      %run_scoped3A = tpu.sem_alloc : memref<!tpu.dma_semaphore, #tpu.memory_space<semaphore_mem>>
      %dma_start3A_269 = arith.constant 0 : i32
      %dma_start3A_270 = tpu.memref_slice %arg8[%add3A_154, %dma_start3A_269] : memref<10000x64xf32, #tpu.memory_space<vmem_shared>> -> memref<48x64xf32, #tpu.memory_space<vmem_shared>>
      %dma_start3A_271 = arith.constant 0 : i32
      %dma_start3A_272 = tpu.memref_slice %arg8[%add3A_154, %dma_start3A_271] : memref<10000x64xf32, #tpu.memory_space<vmem_shared>> -> memref<48x64xf32, #tpu.memory_space<vmem_shared>>
      tpu.enqueue_dma source(%arg12 : memref<48x64xf32, #tpu.memory_space<vmem>>) target(%dma_start3A_272 : memref<48x64xf32, #tpu.memory_space<vmem_shared>>) target_semaphore(%run_scoped3A : memref<!tpu.dma_semaphore, #tpu.memory_space<semaphore_mem>>)
      %dma_wait3A = arith.constant 0 : i32
      %dma_wait3A_273 = tpu.memref_slice %arg8[%add3A_154, %dma_wait3A] : memref<10000x64xf32, #tpu.memory_space<vmem_shared>> -> memref<48x64xf32, #tpu.memory_space<vmem_shared>>
      %dma_wait3A_274 = arith.constant 0 : i32
      %dma_wait3A_275 = tpu.memref_slice %arg8[%add3A_154, %dma_wait3A_274] : memref<10000x64xf32, #tpu.memory_space<vmem_shared>> -> memref<48x64xf32, #tpu.memory_space<vmem_shared>>
      tpu.wait_dma2 semaphore(%run_scoped3A : memref<!tpu.dma_semaphore, #tpu.memory_space<semaphore_mem>>) src(%arg12 : memref<48x64xf32, #tpu.memory_space<vmem>>) dst(%dma_wait3A_275 : memref<48x64xf32, #tpu.memory_space<vmem_shared>>)
      tpu.yield
    }) : () -> ()
    %mul3A_155 = arith.constant 624 : i32
    %mul3A_156 = arith.muli %arg1, %mul3A_155 : i32
    %add3A_157 = arith.constant 240 : i32
    %add3A_158 = arith.addi %mul3A_156, %add3A_157 : i32
    "tpu.region"() ({
      %run_scoped3A = tpu.sem_alloc : memref<!tpu.dma_semaphore, #tpu.memory_space<semaphore_mem>>
      %dma_start3A_269 = arith.constant 0 : i32
      %dma_start3A_270 = tpu.memref_slice %arg8[%add3A_158, %dma_start3A_269] : memref<10000x64xf32, #tpu.memory_space<vmem_shared>> -> memref<48x64xf32, #tpu.memory_space<vmem_shared>>
      %dma_start3A_271 = arith.constant 0 : i32
      %dma_start3A_272 = tpu.memref_slice %arg8[%add3A_158, %dma_start3A_271] : memref<10000x64xf32, #tpu.memory_space<vmem_shared>> -> memref<48x64xf32, #tpu.memory_space<vmem_shared>>
      tpu.enqueue_dma source(%arg12 : memref<48x64xf32, #tpu.memory_space<vmem>>) target(%dma_start3A_272 : memref<48x64xf32, #tpu.memory_space<vmem_shared>>) target_semaphore(%run_scoped3A : memref<!tpu.dma_semaphore, #tpu.memory_space<semaphore_mem>>)
      %dma_wait3A = arith.constant 0 : i32
      %dma_wait3A_273 = tpu.memref_slice %arg8[%add3A_158, %dma_wait3A] : memref<10000x64xf32, #tpu.memory_space<vmem_shared>> -> memref<48x64xf32, #tpu.memory_space<vmem_shared>>
      %dma_wait3A_274 = arith.constant 0 : i32
      %dma_wait3A_275 = tpu.memref_slice %arg8[%add3A_158, %dma_wait3A_274] : memref<10000x64xf32, #tpu.memory_space<vmem_shared>> -> memref<48x64xf32, #tpu.memory_space<vmem_shared>>
      tpu.wait_dma2 semaphore(%run_scoped3A : memref<!tpu.dma_semaphore, #tpu.memory_space<semaphore_mem>>) src(%arg12 : memref<48x64xf32, #tpu.memory_space<vmem>>) dst(%dma_wait3A_275 : memref<48x64xf32, #tpu.memory_space<vmem_shared>>)
      tpu.yield
    }) : () -> ()
    %mul3A_159 = arith.constant 624 : i32
    %mul3A_160 = arith.muli %arg1, %mul3A_159 : i32
    %add3A_161 = arith.constant 288 : i32
    %add3A_162 = arith.addi %mul3A_160, %add3A_161 : i32
    "tpu.region"() ({
      %run_scoped3A = tpu.sem_alloc : memref<!tpu.dma_semaphore, #tpu.memory_space<semaphore_mem>>
      %dma_start3A_269 = arith.constant 0 : i32
      %dma_start3A_270 = tpu.memref_slice %arg8[%add3A_162, %dma_start3A_269] : memref<10000x64xf32, #tpu.memory_space<vmem_shared>> -> memref<48x64xf32, #tpu.memory_space<vmem_shared>>
      %dma_start3A_271 = arith.constant 0 : i32
      %dma_start3A_272 = tpu.memref_slice %arg8[%add3A_162, %dma_start3A_271] : memref<10000x64xf32, #tpu.memory_space<vmem_shared>> -> memref<48x64xf32, #tpu.memory_space<vmem_shared>>
      tpu.enqueue_dma source(%arg12 : memref<48x64xf32, #tpu.memory_space<vmem>>) target(%dma_start3A_272 : memref<48x64xf32, #tpu.memory_space<vmem_shared>>) target_semaphore(%run_scoped3A : memref<!tpu.dma_semaphore, #tpu.memory_space<semaphore_mem>>)
      %dma_wait3A = arith.constant 0 : i32
      %dma_wait3A_273 = tpu.memref_slice %arg8[%add3A_162, %dma_wait3A] : memref<10000x64xf32, #tpu.memory_space<vmem_shared>> -> memref<48x64xf32, #tpu.memory_space<vmem_shared>>
      %dma_wait3A_274 = arith.constant 0 : i32
      %dma_wait3A_275 = tpu.memref_slice %arg8[%add3A_162, %dma_wait3A_274] : memref<10000x64xf32, #tpu.memory_space<vmem_shared>> -> memref<48x64xf32, #tpu.memory_space<vmem_shared>>
      tpu.wait_dma2 semaphore(%run_scoped3A : memref<!tpu.dma_semaphore, #tpu.memory_space<semaphore_mem>>) src(%arg12 : memref<48x64xf32, #tpu.memory_space<vmem>>) dst(%dma_wait3A_275 : memref<48x64xf32, #tpu.memory_space<vmem_shared>>)
      tpu.yield
    }) : () -> ()
    %mul3A_163 = arith.constant 624 : i32
    %mul3A_164 = arith.muli %arg1, %mul3A_163 : i32
    %add3A_165 = arith.constant 336 : i32
    %add3A_166 = arith.addi %mul3A_164, %add3A_165 : i32
    "tpu.region"() ({
      %run_scoped3A = tpu.sem_alloc : memref<!tpu.dma_semaphore, #tpu.memory_space<semaphore_mem>>
      %dma_start3A_269 = arith.constant 0 : i32
      %dma_start3A_270 = tpu.memref_slice %arg8[%add3A_166, %dma_start3A_269] : memref<10000x64xf32, #tpu.memory_space<vmem_shared>> -> memref<48x64xf32, #tpu.memory_space<vmem_shared>>
      %dma_start3A_271 = arith.constant 0 : i32
      %dma_start3A_272 = tpu.memref_slice %arg8[%add3A_166, %dma_start3A_271] : memref<10000x64xf32, #tpu.memory_space<vmem_shared>> -> memref<48x64xf32, #tpu.memory_space<vmem_shared>>
      tpu.enqueue_dma source(%arg12 : memref<48x64xf32, #tpu.memory_space<vmem>>) target(%dma_start3A_272 : memref<48x64xf32, #tpu.memory_space<vmem_shared>>) target_semaphore(%run_scoped3A : memref<!tpu.dma_semaphore, #tpu.memory_space<semaphore_mem>>)
      %dma_wait3A = arith.constant 0 : i32
      %dma_wait3A_273 = tpu.memref_slice %arg8[%add3A_166, %dma_wait3A] : memref<10000x64xf32, #tpu.memory_space<vmem_shared>> -> memref<48x64xf32, #tpu.memory_space<vmem_shared>>
      %dma_wait3A_274 = arith.constant 0 : i32
      %dma_wait3A_275 = tpu.memref_slice %arg8[%add3A_166, %dma_wait3A_274] : memref<10000x64xf32, #tpu.memory_space<vmem_shared>> -> memref<48x64xf32, #tpu.memory_space<vmem_shared>>
      tpu.wait_dma2 semaphore(%run_scoped3A : memref<!tpu.dma_semaphore, #tpu.memory_space<semaphore_mem>>) src(%arg12 : memref<48x64xf32, #tpu.memory_space<vmem>>) dst(%dma_wait3A_275 : memref<48x64xf32, #tpu.memory_space<vmem_shared>>)
      tpu.yield
    }) : () -> ()
    %mul3A_167 = arith.constant 624 : i32
    %mul3A_168 = arith.muli %arg1, %mul3A_167 : i32
    %add3A_169 = arith.constant 384 : i32
    %add3A_170 = arith.addi %mul3A_168, %add3A_169 : i32
    "tpu.region"() ({
      %run_scoped3A = tpu.sem_alloc : memref<!tpu.dma_semaphore, #tpu.memory_space<semaphore_mem>>
      %dma_start3A_269 = arith.constant 0 : i32
      %dma_start3A_270 = tpu.memref_slice %arg8[%add3A_170, %dma_start3A_269] : memref<10000x64xf32, #tpu.memory_space<vmem_shared>> -> memref<48x64xf32, #tpu.memory_space<vmem_shared>>
      %dma_start3A_271 = arith.constant 0 : i32
      %dma_start3A_272 = tpu.memref_slice %arg8[%add3A_170, %dma_start3A_271] : memref<10000x64xf32, #tpu.memory_space<vmem_shared>> -> memref<48x64xf32, #tpu.memory_space<vmem_shared>>
      tpu.enqueue_dma source(%arg12 : memref<48x64xf32, #tpu.memory_space<vmem>>) target(%dma_start3A_272 : memref<48x64xf32, #tpu.memory_space<vmem_shared>>) target_semaphore(%run_scoped3A : memref<!tpu.dma_semaphore, #tpu.memory_space<semaphore_mem>>)
      %dma_wait3A = arith.constant 0 : i32
      %dma_wait3A_273 = tpu.memref_slice %arg8[%add3A_170, %dma_wait3A] : memref<10000x64xf32, #tpu.memory_space<vmem_shared>> -> memref<48x64xf32, #tpu.memory_space<vmem_shared>>
      %dma_wait3A_274 = arith.constant 0 : i32
      %dma_wait3A_275 = tpu.memref_slice %arg8[%add3A_170, %dma_wait3A_274] : memref<10000x64xf32, #tpu.memory_space<vmem_shared>> -> memref<48x64xf32, #tpu.memory_space<vmem_shared>>
      tpu.wait_dma2 semaphore(%run_scoped3A : memref<!tpu.dma_semaphore, #tpu.memory_space<semaphore_mem>>) src(%arg12 : memref<48x64xf32, #tpu.memory_space<vmem>>) dst(%dma_wait3A_275 : memref<48x64xf32, #tpu.memory_space<vmem_shared>>)
      tpu.yield
    }) : () -> ()
    %mul3A_171 = arith.constant 624 : i32
    %mul3A_172 = arith.muli %arg1, %mul3A_171 : i32
    %add3A_173 = arith.constant 432 : i32
    %add3A_174 = arith.addi %mul3A_172, %add3A_173 : i32
    "tpu.region"() ({
      %run_scoped3A = tpu.sem_alloc : memref<!tpu.dma_semaphore, #tpu.memory_space<semaphore_mem>>
      %dma_start3A_269 = arith.constant 0 : i32
      %dma_start3A_270 = tpu.memref_slice %arg8[%add3A_174, %dma_start3A_269] : memref<10000x64xf32, #tpu.memory_space<vmem_shared>> -> memref<48x64xf32, #tpu.memory_space<vmem_shared>>
      %dma_start3A_271 = arith.constant 0 : i32
      %dma_start3A_272 = tpu.memref_slice %arg8[%add3A_174, %dma_start3A_271] : memref<10000x64xf32, #tpu.memory_space<vmem_shared>> -> memref<48x64xf32, #tpu.memory_space<vmem_shared>>
      tpu.enqueue_dma source(%arg12 : memref<48x64xf32, #tpu.memory_space<vmem>>) target(%dma_start3A_272 : memref<48x64xf32, #tpu.memory_space<vmem_shared>>) target_semaphore(%run_scoped3A : memref<!tpu.dma_semaphore, #tpu.memory_space<semaphore_mem>>)
      %dma_wait3A = arith.constant 0 : i32
      %dma_wait3A_273 = tpu.memref_slice %arg8[%add3A_174, %dma_wait3A] : memref<10000x64xf32, #tpu.memory_space<vmem_shared>> -> memref<48x64xf32, #tpu.memory_space<vmem_shared>>
      %dma_wait3A_274 = arith.constant 0 : i32
      %dma_wait3A_275 = tpu.memref_slice %arg8[%add3A_174, %dma_wait3A_274] : memref<10000x64xf32, #tpu.memory_space<vmem_shared>> -> memref<48x64xf32, #tpu.memory_space<vmem_shared>>
      tpu.wait_dma2 semaphore(%run_scoped3A : memref<!tpu.dma_semaphore, #tpu.memory_space<semaphore_mem>>) src(%arg12 : memref<48x64xf32, #tpu.memory_space<vmem>>) dst(%dma_wait3A_275 : memref<48x64xf32, #tpu.memory_space<vmem_shared>>)
      tpu.yield
    }) : () -> ()
    %mul3A_175 = arith.constant 624 : i32
    %mul3A_176 = arith.muli %arg1, %mul3A_175 : i32
    %add3A_177 = arith.constant 480 : i32
    %add3A_178 = arith.addi %mul3A_176, %add3A_177 : i32
    "tpu.region"() ({
      %run_scoped3A = tpu.sem_alloc : memref<!tpu.dma_semaphore, #tpu.memory_space<semaphore_mem>>
      %dma_start3A_269 = arith.constant 0 : i32
      %dma_start3A_270 = tpu.memref_slice %arg8[%add3A_178, %dma_start3A_269] : memref<10000x64xf32, #tpu.memory_space<vmem_shared>> -> memref<48x64xf32, #tpu.memory_space<vmem_shared>>
      %dma_start3A_271 = arith.constant 0 : i32
      %dma_start3A_272 = tpu.memref_slice %arg8[%add3A_178, %dma_start3A_271] : memref<10000x64xf32, #tpu.memory_space<vmem_shared>> -> memref<48x64xf32, #tpu.memory_space<vmem_shared>>
      tpu.enqueue_dma source(%arg12 : memref<48x64xf32, #tpu.memory_space<vmem>>) target(%dma_start3A_272 : memref<48x64xf32, #tpu.memory_space<vmem_shared>>) target_semaphore(%run_scoped3A : memref<!tpu.dma_semaphore, #tpu.memory_space<semaphore_mem>>)
      %dma_wait3A = arith.constant 0 : i32
      %dma_wait3A_273 = tpu.memref_slice %arg8[%add3A_178, %dma_wait3A] : memref<10000x64xf32, #tpu.memory_space<vmem_shared>> -> memref<48x64xf32, #tpu.memory_space<vmem_shared>>
      %dma_wait3A_274 = arith.constant 0 : i32
      %dma_wait3A_275 = tpu.memref_slice %arg8[%add3A_178, %dma_wait3A_274] : memref<10000x64xf32, #tpu.memory_space<vmem_shared>> -> memref<48x64xf32, #tpu.memory_space<vmem_shared>>
      tpu.wait_dma2 semaphore(%run_scoped3A : memref<!tpu.dma_semaphore, #tpu.memory_space<semaphore_mem>>) src(%arg12 : memref<48x64xf32, #tpu.memory_space<vmem>>) dst(%dma_wait3A_275 : memref<48x64xf32, #tpu.memory_space<vmem_shared>>)
      tpu.yield
    }) : () -> ()
    %mul3A_179 = arith.constant 624 : i32
    %mul3A_180 = arith.muli %arg1, %mul3A_179 : i32
    %add3A_181 = arith.constant 528 : i32
    %add3A_182 = arith.addi %mul3A_180, %add3A_181 : i32
    "tpu.region"() ({
      %run_scoped3A = tpu.sem_alloc : memref<!tpu.dma_semaphore, #tpu.memory_space<semaphore_mem>>
      %dma_start3A_269 = arith.constant 0 : i32
      %dma_start3A_270 = tpu.memref_slice %arg8[%add3A_182, %dma_start3A_269] : memref<10000x64xf32, #tpu.memory_space<vmem_shared>> -> memref<48x64xf32, #tpu.memory_space<vmem_shared>>
      %dma_start3A_271 = arith.constant 0 : i32
      %dma_start3A_272 = tpu.memref_slice %arg8[%add3A_182, %dma_start3A_271] : memref<10000x64xf32, #tpu.memory_space<vmem_shared>> -> memref<48x64xf32, #tpu.memory_space<vmem_shared>>
      tpu.enqueue_dma source(%arg12 : memref<48x64xf32, #tpu.memory_space<vmem>>) target(%dma_start3A_272 : memref<48x64xf32, #tpu.memory_space<vmem_shared>>) target_semaphore(%run_scoped3A : memref<!tpu.dma_semaphore, #tpu.memory_space<semaphore_mem>>)
      %dma_wait3A = arith.constant 0 : i32
      %dma_wait3A_273 = tpu.memref_slice %arg8[%add3A_182, %dma_wait3A] : memref<10000x64xf32, #tpu.memory_space<vmem_shared>> -> memref<48x64xf32, #tpu.memory_space<vmem_shared>>
      %dma_wait3A_274 = arith.constant 0 : i32
      %dma_wait3A_275 = tpu.memref_slice %arg8[%add3A_182, %dma_wait3A_274] : memref<10000x64xf32, #tpu.memory_space<vmem_shared>> -> memref<48x64xf32, #tpu.memory_space<vmem_shared>>
      tpu.wait_dma2 semaphore(%run_scoped3A : memref<!tpu.dma_semaphore, #tpu.memory_space<semaphore_mem>>) src(%arg12 : memref<48x64xf32, #tpu.memory_space<vmem>>) dst(%dma_wait3A_275 : memref<48x64xf32, #tpu.memory_space<vmem_shared>>)
      tpu.yield
    }) : () -> ()
    %mul3A_183 = arith.constant 624 : i32
    %mul3A_184 = arith.muli %arg1, %mul3A_183 : i32
    %add3A_185 = arith.constant 576 : i32
    %add3A_186 = arith.addi %mul3A_184, %add3A_185 : i32
    "tpu.region"() ({
      %run_scoped3A = tpu.sem_alloc : memref<!tpu.dma_semaphore, #tpu.memory_space<semaphore_mem>>
      %dma_start3A_269 = arith.constant 0 : i32
      %dma_start3A_270 = tpu.memref_slice %arg8[%add3A_186, %dma_start3A_269] : memref<10000x64xf32, #tpu.memory_space<vmem_shared>> -> memref<48x64xf32, #tpu.memory_space<vmem_shared>>
      %dma_start3A_271 = arith.constant 0 : i32
      %dma_start3A_272 = tpu.memref_slice %arg8[%add3A_186, %dma_start3A_271] : memref<10000x64xf32, #tpu.memory_space<vmem_shared>> -> memref<48x64xf32, #tpu.memory_space<vmem_shared>>
      tpu.enqueue_dma source(%arg12 : memref<48x64xf32, #tpu.memory_space<vmem>>) target(%dma_start3A_272 : memref<48x64xf32, #tpu.memory_space<vmem_shared>>) target_semaphore(%run_scoped3A : memref<!tpu.dma_semaphore, #tpu.memory_space<semaphore_mem>>)
      %dma_wait3A = arith.constant 0 : i32
      %dma_wait3A_273 = tpu.memref_slice %arg8[%add3A_186, %dma_wait3A] : memref<10000x64xf32, #tpu.memory_space<vmem_shared>> -> memref<48x64xf32, #tpu.memory_space<vmem_shared>>
      %dma_wait3A_274 = arith.constant 0 : i32
      %dma_wait3A_275 = tpu.memref_slice %arg8[%add3A_186, %dma_wait3A_274] : memref<10000x64xf32, #tpu.memory_space<vmem_shared>> -> memref<48x64xf32, #tpu.memory_space<vmem_shared>>
      tpu.wait_dma2 semaphore(%run_scoped3A : memref<!tpu.dma_semaphore, #tpu.memory_space<semaphore_mem>>) src(%arg12 : memref<48x64xf32, #tpu.memory_space<vmem>>) dst(%dma_wait3A_275 : memref<48x64xf32, #tpu.memory_space<vmem_shared>>)
      tpu.yield
    }) : () -> ()
    %eq3A_187 = arith.constant 15 : i32
    %eq3A_188 = arith.cmpi eq, %arg1, %eq3A_187 : i32
    %convert_element_type3A_189 = arith.extui %eq3A_188 : i1 to i32
    %cond3A_190 = arith.constant 0 : i32
    %cond3A_191 = arith.cmpi ne, %convert_element_type3A_189, %cond3A_190 : i32
    scf.if %cond3A_191 {
      "tpu.region"() ({
        %run_scoped3A = tpu.sem_alloc : memref<!tpu.dma_semaphore, #tpu.memory_space<semaphore_mem>>
        %dma_start3A_269 = arith.constant 0 : i32
        %dma_start3A_270 = arith.constant 0 : i32
        %dma_start3A_271 = tpu.memref_slice %arg12[%dma_start3A_269, %dma_start3A_270] : memref<48x64xf32, #tpu.memory_space<vmem>> -> memref<16x64xf32, #tpu.memory_space<vmem>>
        %dma_start3A_272 = arith.constant 9984 : i32
        %dma_start3A_273 = arith.constant 0 : i32
        %dma_start3A_274 = tpu.memref_slice %arg8[%dma_start3A_272, %dma_start3A_273] : memref<10000x64xf32, #tpu.memory_space<vmem_shared>> -> memref<16x64xf32, #tpu.memory_space<vmem_shared>>
        %dma_start3A_275 = arith.constant 9984 : i32
        %dma_start3A_276 = arith.constant 0 : i32
        %dma_start3A_277 = tpu.memref_slice %arg8[%dma_start3A_275, %dma_start3A_276] : memref<10000x64xf32, #tpu.memory_space<vmem_shared>> -> memref<16x64xf32, #tpu.memory_space<vmem_shared>>
        %dma_start3A_278 = arith.constant 0 : i32
        %dma_start3A_279 = arith.constant 0 : i32
        %dma_start3A_280 = tpu.memref_slice %arg12[%dma_start3A_278, %dma_start3A_279] : memref<48x64xf32, #tpu.memory_space<vmem>> -> memref<16x64xf32, #tpu.memory_space<vmem>>
        tpu.enqueue_dma source(%dma_start3A_280 : memref<16x64xf32, #tpu.memory_space<vmem>>) target(%dma_start3A_277 : memref<16x64xf32, #tpu.memory_space<vmem_shared>>) target_semaphore(%run_scoped3A : memref<!tpu.dma_semaphore, #tpu.memory_space<semaphore_mem>>)
        %dma_wait3A = arith.constant 0 : i32
        %dma_wait3A_281 = arith.constant 0 : i32
        %dma_wait3A_282 = tpu.memref_slice %arg12[%dma_wait3A, %dma_wait3A_281] : memref<48x64xf32, #tpu.memory_space<vmem>> -> memref<16x64xf32, #tpu.memory_space<vmem>>
        %dma_wait3A_283 = arith.constant 9984 : i32
        %dma_wait3A_284 = arith.constant 0 : i32
        %dma_wait3A_285 = tpu.memref_slice %arg8[%dma_wait3A_283, %dma_wait3A_284] : memref<10000x64xf32, #tpu.memory_space<vmem_shared>> -> memref<16x64xf32, #tpu.memory_space<vmem_shared>>
        %dma_wait3A_286 = arith.constant 9984 : i32
        %dma_wait3A_287 = arith.constant 0 : i32
        %dma_wait3A_288 = tpu.memref_slice %arg8[%dma_wait3A_286, %dma_wait3A_287] : memref<10000x64xf32, #tpu.memory_space<vmem_shared>> -> memref<16x64xf32, #tpu.memory_space<vmem_shared>>
        %dma_wait3A_289 = arith.constant 0 : i32
        %dma_wait3A_290 = arith.constant 0 : i32
        %dma_wait3A_291 = tpu.memref_slice %arg12[%dma_wait3A_289, %dma_wait3A_290] : memref<48x64xf32, #tpu.memory_space<vmem>> -> memref<16x64xf32, #tpu.memory_space<vmem>>
        tpu.wait_dma2 semaphore(%run_scoped3A : memref<!tpu.dma_semaphore, #tpu.memory_space<semaphore_mem>>) src(%dma_wait3A_291 : memref<16x64xf32, #tpu.memory_space<vmem>>) dst(%dma_wait3A_288 : memref<16x64xf32, #tpu.memory_space<vmem_shared>>)
        tpu.yield
      }) : () -> ()
    } else {
    }
    %barrier3A_192 = arith.constant 0 : index
    tpu.barrier barrier_id(%barrier3A_192)
    %dma_start3A_193 = arith.constant 0 : i32
    %dma_start3A_194 = arith.constant 0 : i32
    %dma_start3A_195 = arith.constant 0 : i32
    %dma_start3A_196 = arith.constant 0 : i32
    %dma_start3A_197 = tpu.memref_slice %arg11[%dma_start3A_194, %dma_start3A_195, %dma_start3A_196] : memref<2x80x64xf32, #tpu.memory_space<vmem>> -> memref<1x80x64xf32, #tpu.memory_space<vmem>>
    %dma_start3A_198 = tpu.memref_squeeze %dma_start3A_197 : memref<1x80x64xf32, #tpu.memory_space<vmem>> -> memref<80x64xf32, #tpu.memory_space<vmem>>
    %dma_start3A_199 = arith.constant 0 : i32
    %dma_start3A_200 = tpu.memref_slice %arg9[%dma_start3A_193, %dma_start3A_199] : memref<125x80xi32, #tpu.memory_space<vmem>> -> memref<1x80xi32, #tpu.memory_space<vmem>>
    %dma_start3A_201 = tpu.memref_squeeze %dma_start3A_200 : memref<1x80xi32, #tpu.memory_space<vmem>> -> memref<80xi32, #tpu.memory_space<vmem>>
    %dma_start3A_202 = arith.constant 0 : i32
    %dma_start3A_203 = arith.constant 0 : i32
    %dma_start3A_204 = tpu.memref_slice %arg3[%dma_start3A_202, %dma_start3A_203] : memref<10000x64xf32, #tpu.memory_space<hbm>> -> memref<10000x64xf32, #tpu.memory_space<hbm>>
    tpu.enqueue_indirect_dma source(%dma_start3A_204 : memref<10000x64xf32, #tpu.memory_space<hbm>>) target(%dma_start3A_198 : memref<80x64xf32, #tpu.memory_space<vmem>>) offsets(%dma_start3A_201 : memref<80xi32, #tpu.memory_space<vmem>>) semaphore(%arg13 : memref<!tpu.dma_semaphore, #tpu.memory_space<semaphore_mem>>)
    %scan3A_205 = arith.constant 0 : i32
    %scan3A_206 = arith.constant 0 : i32
    %scan3A_207 = arith.constant 125 : i32
    %scan3A_208 = arith.addi %scan3A_206, %scan3A_207 : i32
    %scan3A_209 = arith.constant 1 : i32
    scf.for %scan3A_269 = %scan3A_206 to %scan3A_208 step %scan3A_209  : i32 {
      %rem3A = arith.constant 2 : i32
      %rem3A_270 = arith.remsi %scan3A_269, %rem3A : i32
      %add3A_271 = arith.constant 1 : i32
      %add3A_272 = arith.addi %scan3A_269, %add3A_271 : i32
      %rem3A_273 = arith.constant 2 : i32
      %rem3A_274 = arith.remsi %add3A_272, %rem3A_273 : i32
      %add3A_275 = arith.constant 1 : i32
      %add3A_276 = arith.addi %scan3A_269, %add3A_275 : i32
      %lt3A = arith.constant 125 : i32
      %lt3A_277 = arith.cmpi slt, %add3A_276, %lt3A : i32
      %convert_element_type3A_278 = arith.extui %lt3A_277 : i1 to i32
      %cond3A_279 = arith.constant 0 : i32
      %cond3A_280 = arith.cmpi ne, %convert_element_type3A_278, %cond3A_279 : i32
      scf.if %cond3A_280 {
        %add3A_290 = arith.constant 1 : i32
        %add3A_291 = arith.addi %scan3A_269, %add3A_290 : i32
        %dma_start3A_292 = arith.constant 0 : i32
        %dma_start3A_293 = arith.constant 0 : i32
        %dma_start3A_294 = tpu.memref_slice %arg11[%rem3A_274, %dma_start3A_292, %dma_start3A_293] : memref<2x80x64xf32, #tpu.memory_space<vmem>> -> memref<1x80x64xf32, #tpu.memory_space<vmem>>
        %dma_start3A_295 = tpu.memref_squeeze %dma_start3A_294 : memref<1x80x64xf32, #tpu.memory_space<vmem>> -> memref<80x64xf32, #tpu.memory_space<vmem>>
        %dma_start3A_296 = arith.constant 0 : i32
        %dma_start3A_297 = tpu.memref_slice %arg9[%add3A_291, %dma_start3A_296] : memref<125x80xi32, #tpu.memory_space<vmem>> -> memref<1x80xi32, #tpu.memory_space<vmem>>
        %dma_start3A_298 = tpu.memref_squeeze %dma_start3A_297 : memref<1x80xi32, #tpu.memory_space<vmem>> -> memref<80xi32, #tpu.memory_space<vmem>>
        %dma_start3A_299 = arith.constant 0 : i32
        %dma_start3A_300 = arith.constant 0 : i32
        %dma_start3A_301 = tpu.memref_slice %arg3[%dma_start3A_299, %dma_start3A_300] : memref<10000x64xf32, #tpu.memory_space<hbm>> -> memref<10000x64xf32, #tpu.memory_space<hbm>>
        tpu.enqueue_indirect_dma source(%dma_start3A_301 : memref<10000x64xf32, #tpu.memory_space<hbm>>) target(%dma_start3A_295 : memref<80x64xf32, #tpu.memory_space<vmem>>) offsets(%dma_start3A_298 : memref<80xi32, #tpu.memory_space<vmem>>) semaphore(%arg13 : memref<!tpu.dma_semaphore, #tpu.memory_space<semaphore_mem>>)
      } else {
      }
      %dma_wait3A = arith.constant 0 : i32
      %dma_wait3A_281 = arith.constant 0 : i32
      %dma_wait3A_282 = tpu.memref_slice %arg11[%rem3A_270, %dma_wait3A, %dma_wait3A_281] : memref<2x80x64xf32, #tpu.memory_space<vmem>> -> memref<1x80x64xf32, #tpu.memory_space<vmem>>
      %dma_wait3A_283 = tpu.memref_squeeze %dma_wait3A_282 : memref<1x80x64xf32, #tpu.memory_space<vmem>> -> memref<80x64xf32, #tpu.memory_space<vmem>>
      %dma_wait3A_284 = arith.constant 0 : i32
      %dma_wait3A_285 = tpu.memref_slice %arg9[%scan3A_269, %dma_wait3A_284] : memref<125x80xi32, #tpu.memory_space<vmem>> -> memref<1x80xi32, #tpu.memory_space<vmem>>
      %dma_wait3A_286 = tpu.memref_squeeze %dma_wait3A_285 : memref<1x80xi32, #tpu.memory_space<vmem>> -> memref<80xi32, #tpu.memory_space<vmem>>
      %dma_wait3A_287 = arith.constant 0 : i32
      %dma_wait3A_288 = arith.constant 0 : i32
      %dma_wait3A_289 = tpu.memref_slice %arg3[%dma_wait3A_287, %dma_wait3A_288] : memref<10000x64xf32, #tpu.memory_space<hbm>> -> memref<10000x64xf32, #tpu.memory_space<hbm>>
      tpu.wait_indirect_dma semaphore(%arg13 : memref<!tpu.dma_semaphore, #tpu.memory_space<semaphore_mem>>) src(%dma_wait3A_289 : memref<10000x64xf32, #tpu.memory_space<hbm>>) dst(%dma_wait3A_283 : memref<80x64xf32, #tpu.memory_space<vmem>>)
      "tpu.region"() ({
        %run_scoped3A = tpu.sem_alloc : memref<!tpu.dma_semaphore, #tpu.memory_space<semaphore_mem>>
        %dma_start3A_290 = arith.constant 0 : i32
        %dma_start3A_291 = arith.constant 0 : i32
        %dma_start3A_292 = tpu.memref_slice %arg11[%rem3A_270, %dma_start3A_290, %dma_start3A_291] : memref<2x80x64xf32, #tpu.memory_space<vmem>> -> memref<1x80x64xf32, #tpu.memory_space<vmem>>
        %dma_start3A_293 = tpu.memref_squeeze %dma_start3A_292 : memref<1x80x64xf32, #tpu.memory_space<vmem>> -> memref<80x64xf32, #tpu.memory_space<vmem>>
        %dma_start3A_294 = arith.constant 0 : i32
        %dma_start3A_295 = tpu.memref_slice %arg10[%scan3A_269, %dma_start3A_294] : memref<125x80xi32, #tpu.memory_space<vmem>> -> memref<1x80xi32, #tpu.memory_space<vmem>>
        %dma_start3A_296 = tpu.memref_squeeze %dma_start3A_295 : memref<1x80xi32, #tpu.memory_space<vmem>> -> memref<80xi32, #tpu.memory_space<vmem>>
        %dma_start3A_297 = arith.constant 0 : i32
        %dma_start3A_298 = arith.constant 0 : i32
        %dma_start3A_299 = tpu.memref_slice %arg8[%dma_start3A_297, %dma_start3A_298] : memref<10000x64xf32, #tpu.memory_space<vmem_shared>> -> memref<10000x64xf32, #tpu.memory_space<vmem_shared>>
        tpu.enqueue_indirect_dma source(%dma_start3A_293 : memref<80x64xf32, #tpu.memory_space<vmem>>) target(%dma_start3A_299 : memref<10000x64xf32, #tpu.memory_space<vmem_shared>>) offsets(%dma_start3A_296 : memref<80xi32, #tpu.memory_space<vmem>>) semaphore(%run_scoped3A : memref<!tpu.dma_semaphore, #tpu.memory_space<semaphore_mem>>) {add = true}
        %dma_wait3A_300 = arith.constant 0 : i32
        %dma_wait3A_301 = arith.constant 0 : i32
        %dma_wait3A_302 = tpu.memref_slice %arg11[%rem3A_270, %dma_wait3A_300, %dma_wait3A_301] : memref<2x80x64xf32, #tpu.memory_space<vmem>> -> memref<1x80x64xf32, #tpu.memory_space<vmem>>
        %dma_wait3A_303 = tpu.memref_squeeze %dma_wait3A_302 : memref<1x80x64xf32, #tpu.memory_space<vmem>> -> memref<80x64xf32, #tpu.memory_space<vmem>>
        %dma_wait3A_304 = arith.constant 0 : i32
        %dma_wait3A_305 = tpu.memref_slice %arg10[%scan3A_269, %dma_wait3A_304] : memref<125x80xi32, #tpu.memory_space<vmem>> -> memref<1x80xi32, #tpu.memory_space<vmem>>
        %dma_wait3A_306 = tpu.memref_squeeze %dma_wait3A_305 : memref<1x80xi32, #tpu.memory_space<vmem>> -> memref<80xi32, #tpu.memory_space<vmem>>
        %dma_wait3A_307 = arith.constant 0 : i32
        %dma_wait3A_308 = arith.constant 0 : i32
        %dma_wait3A_309 = tpu.memref_slice %arg8[%dma_wait3A_307, %dma_wait3A_308] : memref<10000x64xf32, #tpu.memory_space<vmem_shared>> -> memref<10000x64xf32, #tpu.memory_space<vmem_shared>>
        tpu.wait_indirect_dma semaphore(%run_scoped3A : memref<!tpu.dma_semaphore, #tpu.memory_space<semaphore_mem>>) src(%dma_wait3A_303 : memref<80x64xf32, #tpu.memory_space<vmem>>) dst(%dma_wait3A_309 : memref<10000x64xf32, #tpu.memory_space<vmem_shared>>)
        tpu.yield
      }) : () -> ()
    }
    %scan3A_210 = arith.constant 125 : i32
    %barrier3A_211 = arith.constant 0 : index
    tpu.barrier barrier_id(%barrier3A_211)
    %mul3A_212 = arith.constant 624 : i32
    %mul3A_213 = arith.muli %arg1, %mul3A_212 : i32
    %add3A_214 = arith.constant 0 : i32
    %add3A_215 = arith.addi %mul3A_213, %add3A_214 : i32
    "tpu.region"() ({
      %run_scoped3A = tpu.sem_alloc : memref<!tpu.dma_semaphore, #tpu.memory_space<semaphore_mem>>
      %dma_start3A_269 = arith.constant 0 : i32
      %dma_start3A_270 = tpu.memref_slice %arg7[%arg0, %add3A_215, %dma_start3A_269] : memref<2x10000x64xf32, #tpu.memory_space<hbm>> -> memref<1x48x64xf32, #tpu.memory_space<hbm>>
      %dma_start3A_271 = tpu.memref_squeeze %dma_start3A_270 : memref<1x48x64xf32, #tpu.memory_space<hbm>> -> memref<48x64xf32, #tpu.memory_space<hbm>>
      %dma_start3A_272 = arith.constant 0 : i32
      %dma_start3A_273 = tpu.memref_slice %arg8[%add3A_215, %dma_start3A_272] : memref<10000x64xf32, #tpu.memory_space<vmem_shared>> -> memref<48x64xf32, #tpu.memory_space<vmem_shared>>
      tpu.enqueue_dma source(%dma_start3A_273 : memref<48x64xf32, #tpu.memory_space<vmem_shared>>) target(%dma_start3A_271 : memref<48x64xf32, #tpu.memory_space<hbm>>) target_semaphore(%run_scoped3A : memref<!tpu.dma_semaphore, #tpu.memory_space<semaphore_mem>>)
      %dma_wait3A = arith.constant 0 : i32
      %dma_wait3A_274 = tpu.memref_slice %arg7[%arg0, %add3A_215, %dma_wait3A] : memref<2x10000x64xf32, #tpu.memory_space<hbm>> -> memref<1x48x64xf32, #tpu.memory_space<hbm>>
      %dma_wait3A_275 = tpu.memref_squeeze %dma_wait3A_274 : memref<1x48x64xf32, #tpu.memory_space<hbm>> -> memref<48x64xf32, #tpu.memory_space<hbm>>
      %dma_wait3A_276 = arith.constant 0 : i32
      %dma_wait3A_277 = tpu.memref_slice %arg8[%add3A_215, %dma_wait3A_276] : memref<10000x64xf32, #tpu.memory_space<vmem_shared>> -> memref<48x64xf32, #tpu.memory_space<vmem_shared>>
      tpu.wait_dma2 semaphore(%run_scoped3A : memref<!tpu.dma_semaphore, #tpu.memory_space<semaphore_mem>>) src(%dma_wait3A_277 : memref<48x64xf32, #tpu.memory_space<vmem_shared>>) dst(%dma_wait3A_275 : memref<48x64xf32, #tpu.memory_space<hbm>>)
      tpu.yield
    }) : () -> ()
    %mul3A_216 = arith.constant 624 : i32
    %mul3A_217 = arith.muli %arg1, %mul3A_216 : i32
    %add3A_218 = arith.constant 48 : i32
    %add3A_219 = arith.addi %mul3A_217, %add3A_218 : i32
    "tpu.region"() ({
      %run_scoped3A = tpu.sem_alloc : memref<!tpu.dma_semaphore, #tpu.memory_space<semaphore_mem>>
      %dma_start3A_269 = arith.constant 0 : i32
      %dma_start3A_270 = tpu.memref_slice %arg7[%arg0, %add3A_219, %dma_start3A_269] : memref<2x10000x64xf32, #tpu.memory_space<hbm>> -> memref<1x48x64xf32, #tpu.memory_space<hbm>>
      %dma_start3A_271 = tpu.memref_squeeze %dma_start3A_270 : memref<1x48x64xf32, #tpu.memory_space<hbm>> -> memref<48x64xf32, #tpu.memory_space<hbm>>
      %dma_start3A_272 = arith.constant 0 : i32
      %dma_start3A_273 = tpu.memref_slice %arg8[%add3A_219, %dma_start3A_272] : memref<10000x64xf32, #tpu.memory_space<vmem_shared>> -> memref<48x64xf32, #tpu.memory_space<vmem_shared>>
      tpu.enqueue_dma source(%dma_start3A_273 : memref<48x64xf32, #tpu.memory_space<vmem_shared>>) target(%dma_start3A_271 : memref<48x64xf32, #tpu.memory_space<hbm>>) target_semaphore(%run_scoped3A : memref<!tpu.dma_semaphore, #tpu.memory_space<semaphore_mem>>)
      %dma_wait3A = arith.constant 0 : i32
      %dma_wait3A_274 = tpu.memref_slice %arg7[%arg0, %add3A_219, %dma_wait3A] : memref<2x10000x64xf32, #tpu.memory_space<hbm>> -> memref<1x48x64xf32, #tpu.memory_space<hbm>>
      %dma_wait3A_275 = tpu.memref_squeeze %dma_wait3A_274 : memref<1x48x64xf32, #tpu.memory_space<hbm>> -> memref<48x64xf32, #tpu.memory_space<hbm>>
      %dma_wait3A_276 = arith.constant 0 : i32
      %dma_wait3A_277 = tpu.memref_slice %arg8[%add3A_219, %dma_wait3A_276] : memref<10000x64xf32, #tpu.memory_space<vmem_shared>> -> memref<48x64xf32, #tpu.memory_space<vmem_shared>>
      tpu.wait_dma2 semaphore(%run_scoped3A : memref<!tpu.dma_semaphore, #tpu.memory_space<semaphore_mem>>) src(%dma_wait3A_277 : memref<48x64xf32, #tpu.memory_space<vmem_shared>>) dst(%dma_wait3A_275 : memref<48x64xf32, #tpu.memory_space<hbm>>)
      tpu.yield
    }) : () -> ()
    %mul3A_220 = arith.constant 624 : i32
    %mul3A_221 = arith.muli %arg1, %mul3A_220 : i32
    %add3A_222 = arith.constant 96 : i32
    %add3A_223 = arith.addi %mul3A_221, %add3A_222 : i32
    "tpu.region"() ({
      %run_scoped3A = tpu.sem_alloc : memref<!tpu.dma_semaphore, #tpu.memory_space<semaphore_mem>>
      %dma_start3A_269 = arith.constant 0 : i32
      %dma_start3A_270 = tpu.memref_slice %arg7[%arg0, %add3A_223, %dma_start3A_269] : memref<2x10000x64xf32, #tpu.memory_space<hbm>> -> memref<1x48x64xf32, #tpu.memory_space<hbm>>
      %dma_start3A_271 = tpu.memref_squeeze %dma_start3A_270 : memref<1x48x64xf32, #tpu.memory_space<hbm>> -> memref<48x64xf32, #tpu.memory_space<hbm>>
      %dma_start3A_272 = arith.constant 0 : i32
      %dma_start3A_273 = tpu.memref_slice %arg8[%add3A_223, %dma_start3A_272] : memref<10000x64xf32, #tpu.memory_space<vmem_shared>> -> memref<48x64xf32, #tpu.memory_space<vmem_shared>>
      tpu.enqueue_dma source(%dma_start3A_273 : memref<48x64xf32, #tpu.memory_space<vmem_shared>>) target(%dma_start3A_271 : memref<48x64xf32, #tpu.memory_space<hbm>>) target_semaphore(%run_scoped3A : memref<!tpu.dma_semaphore, #tpu.memory_space<semaphore_mem>>)
      %dma_wait3A = arith.constant 0 : i32
      %dma_wait3A_274 = tpu.memref_slice %arg7[%arg0, %add3A_223, %dma_wait3A] : memref<2x10000x64xf32, #tpu.memory_space<hbm>> -> memref<1x48x64xf32, #tpu.memory_space<hbm>>
      %dma_wait3A_275 = tpu.memref_squeeze %dma_wait3A_274 : memref<1x48x64xf32, #tpu.memory_space<hbm>> -> memref<48x64xf32, #tpu.memory_space<hbm>>
      %dma_wait3A_276 = arith.constant 0 : i32
      %dma_wait3A_277 = tpu.memref_slice %arg8[%add3A_223, %dma_wait3A_276] : memref<10000x64xf32, #tpu.memory_space<vmem_shared>> -> memref<48x64xf32, #tpu.memory_space<vmem_shared>>
      tpu.wait_dma2 semaphore(%run_scoped3A : memref<!tpu.dma_semaphore, #tpu.memory_space<semaphore_mem>>) src(%dma_wait3A_277 : memref<48x64xf32, #tpu.memory_space<vmem_shared>>) dst(%dma_wait3A_275 : memref<48x64xf32, #tpu.memory_space<hbm>>)
      tpu.yield
    }) : () -> ()
    %mul3A_224 = arith.constant 624 : i32
    %mul3A_225 = arith.muli %arg1, %mul3A_224 : i32
    %add3A_226 = arith.constant 144 : i32
    %add3A_227 = arith.addi %mul3A_225, %add3A_226 : i32
    "tpu.region"() ({
      %run_scoped3A = tpu.sem_alloc : memref<!tpu.dma_semaphore, #tpu.memory_space<semaphore_mem>>
      %dma_start3A_269 = arith.constant 0 : i32
      %dma_start3A_270 = tpu.memref_slice %arg7[%arg0, %add3A_227, %dma_start3A_269] : memref<2x10000x64xf32, #tpu.memory_space<hbm>> -> memref<1x48x64xf32, #tpu.memory_space<hbm>>
      %dma_start3A_271 = tpu.memref_squeeze %dma_start3A_270 : memref<1x48x64xf32, #tpu.memory_space<hbm>> -> memref<48x64xf32, #tpu.memory_space<hbm>>
      %dma_start3A_272 = arith.constant 0 : i32
      %dma_start3A_273 = tpu.memref_slice %arg8[%add3A_227, %dma_start3A_272] : memref<10000x64xf32, #tpu.memory_space<vmem_shared>> -> memref<48x64xf32, #tpu.memory_space<vmem_shared>>
      tpu.enqueue_dma source(%dma_start3A_273 : memref<48x64xf32, #tpu.memory_space<vmem_shared>>) target(%dma_start3A_271 : memref<48x64xf32, #tpu.memory_space<hbm>>) target_semaphore(%run_scoped3A : memref<!tpu.dma_semaphore, #tpu.memory_space<semaphore_mem>>)
      %dma_wait3A = arith.constant 0 : i32
      %dma_wait3A_274 = tpu.memref_slice %arg7[%arg0, %add3A_227, %dma_wait3A] : memref<2x10000x64xf32, #tpu.memory_space<hbm>> -> memref<1x48x64xf32, #tpu.memory_space<hbm>>
      %dma_wait3A_275 = tpu.memref_squeeze %dma_wait3A_274 : memref<1x48x64xf32, #tpu.memory_space<hbm>> -> memref<48x64xf32, #tpu.memory_space<hbm>>
      %dma_wait3A_276 = arith.constant 0 : i32
      %dma_wait3A_277 = tpu.memref_slice %arg8[%add3A_227, %dma_wait3A_276] : memref<10000x64xf32, #tpu.memory_space<vmem_shared>> -> memref<48x64xf32, #tpu.memory_space<vmem_shared>>
      tpu.wait_dma2 semaphore(%run_scoped3A : memref<!tpu.dma_semaphore, #tpu.memory_space<semaphore_mem>>) src(%dma_wait3A_277 : memref<48x64xf32, #tpu.memory_space<vmem_shared>>) dst(%dma_wait3A_275 : memref<48x64xf32, #tpu.memory_space<hbm>>)
      tpu.yield
    }) : () -> ()
    %mul3A_228 = arith.constant 624 : i32
    %mul3A_229 = arith.muli %arg1, %mul3A_228 : i32
    %add3A_230 = arith.constant 192 : i32
    %add3A_231 = arith.addi %mul3A_229, %add3A_230 : i32
    "tpu.region"() ({
      %run_scoped3A = tpu.sem_alloc : memref<!tpu.dma_semaphore, #tpu.memory_space<semaphore_mem>>
      %dma_start3A_269 = arith.constant 0 : i32
      %dma_start3A_270 = tpu.memref_slice %arg7[%arg0, %add3A_231, %dma_start3A_269] : memref<2x10000x64xf32, #tpu.memory_space<hbm>> -> memref<1x48x64xf32, #tpu.memory_space<hbm>>
      %dma_start3A_271 = tpu.memref_squeeze %dma_start3A_270 : memref<1x48x64xf32, #tpu.memory_space<hbm>> -> memref<48x64xf32, #tpu.memory_space<hbm>>
      %dma_start3A_272 = arith.constant 0 : i32
      %dma_start3A_273 = tpu.memref_slice %arg8[%add3A_231, %dma_start3A_272] : memref<10000x64xf32, #tpu.memory_space<vmem_shared>> -> memref<48x64xf32, #tpu.memory_space<vmem_shared>>
      tpu.enqueue_dma source(%dma_start3A_273 : memref<48x64xf32, #tpu.memory_space<vmem_shared>>) target(%dma_start3A_271 : memref<48x64xf32, #tpu.memory_space<hbm>>) target_semaphore(%run_scoped3A : memref<!tpu.dma_semaphore, #tpu.memory_space<semaphore_mem>>)
      %dma_wait3A = arith.constant 0 : i32
      %dma_wait3A_274 = tpu.memref_slice %arg7[%arg0, %add3A_231, %dma_wait3A] : memref<2x10000x64xf32, #tpu.memory_space<hbm>> -> memref<1x48x64xf32, #tpu.memory_space<hbm>>
      %dma_wait3A_275 = tpu.memref_squeeze %dma_wait3A_274 : memref<1x48x64xf32, #tpu.memory_space<hbm>> -> memref<48x64xf32, #tpu.memory_space<hbm>>
      %dma_wait3A_276 = arith.constant 0 : i32
      %dma_wait3A_277 = tpu.memref_slice %arg8[%add3A_231, %dma_wait3A_276] : memref<10000x64xf32, #tpu.memory_space<vmem_shared>> -> memref<48x64xf32, #tpu.memory_space<vmem_shared>>
      tpu.wait_dma2 semaphore(%run_scoped3A : memref<!tpu.dma_semaphore, #tpu.memory_space<semaphore_mem>>) src(%dma_wait3A_277 : memref<48x64xf32, #tpu.memory_space<vmem_shared>>) dst(%dma_wait3A_275 : memref<48x64xf32, #tpu.memory_space<hbm>>)
      tpu.yield
    }) : () -> ()
    %mul3A_232 = arith.constant 624 : i32
    %mul3A_233 = arith.muli %arg1, %mul3A_232 : i32
    %add3A_234 = arith.constant 240 : i32
    %add3A_235 = arith.addi %mul3A_233, %add3A_234 : i32
    "tpu.region"() ({
      %run_scoped3A = tpu.sem_alloc : memref<!tpu.dma_semaphore, #tpu.memory_space<semaphore_mem>>
      %dma_start3A_269 = arith.constant 0 : i32
      %dma_start3A_270 = tpu.memref_slice %arg7[%arg0, %add3A_235, %dma_start3A_269] : memref<2x10000x64xf32, #tpu.memory_space<hbm>> -> memref<1x48x64xf32, #tpu.memory_space<hbm>>
      %dma_start3A_271 = tpu.memref_squeeze %dma_start3A_270 : memref<1x48x64xf32, #tpu.memory_space<hbm>> -> memref<48x64xf32, #tpu.memory_space<hbm>>
      %dma_start3A_272 = arith.constant 0 : i32
      %dma_start3A_273 = tpu.memref_slice %arg8[%add3A_235, %dma_start3A_272] : memref<10000x64xf32, #tpu.memory_space<vmem_shared>> -> memref<48x64xf32, #tpu.memory_space<vmem_shared>>
      tpu.enqueue_dma source(%dma_start3A_273 : memref<48x64xf32, #tpu.memory_space<vmem_shared>>) target(%dma_start3A_271 : memref<48x64xf32, #tpu.memory_space<hbm>>) target_semaphore(%run_scoped3A : memref<!tpu.dma_semaphore, #tpu.memory_space<semaphore_mem>>)
      %dma_wait3A = arith.constant 0 : i32
      %dma_wait3A_274 = tpu.memref_slice %arg7[%arg0, %add3A_235, %dma_wait3A] : memref<2x10000x64xf32, #tpu.memory_space<hbm>> -> memref<1x48x64xf32, #tpu.memory_space<hbm>>
      %dma_wait3A_275 = tpu.memref_squeeze %dma_wait3A_274 : memref<1x48x64xf32, #tpu.memory_space<hbm>> -> memref<48x64xf32, #tpu.memory_space<hbm>>
      %dma_wait3A_276 = arith.constant 0 : i32
      %dma_wait3A_277 = tpu.memref_slice %arg8[%add3A_235, %dma_wait3A_276] : memref<10000x64xf32, #tpu.memory_space<vmem_shared>> -> memref<48x64xf32, #tpu.memory_space<vmem_shared>>
      tpu.wait_dma2 semaphore(%run_scoped3A : memref<!tpu.dma_semaphore, #tpu.memory_space<semaphore_mem>>) src(%dma_wait3A_277 : memref<48x64xf32, #tpu.memory_space<vmem_shared>>) dst(%dma_wait3A_275 : memref<48x64xf32, #tpu.memory_space<hbm>>)
      tpu.yield
    }) : () -> ()
    %mul3A_236 = arith.constant 624 : i32
    %mul3A_237 = arith.muli %arg1, %mul3A_236 : i32
    %add3A_238 = arith.constant 288 : i32
    %add3A_239 = arith.addi %mul3A_237, %add3A_238 : i32
    "tpu.region"() ({
      %run_scoped3A = tpu.sem_alloc : memref<!tpu.dma_semaphore, #tpu.memory_space<semaphore_mem>>
      %dma_start3A_269 = arith.constant 0 : i32
      %dma_start3A_270 = tpu.memref_slice %arg7[%arg0, %add3A_239, %dma_start3A_269] : memref<2x10000x64xf32, #tpu.memory_space<hbm>> -> memref<1x48x64xf32, #tpu.memory_space<hbm>>
      %dma_start3A_271 = tpu.memref_squeeze %dma_start3A_270 : memref<1x48x64xf32, #tpu.memory_space<hbm>> -> memref<48x64xf32, #tpu.memory_space<hbm>>
      %dma_start3A_272 = arith.constant 0 : i32
      %dma_start3A_273 = tpu.memref_slice %arg8[%add3A_239, %dma_start3A_272] : memref<10000x64xf32, #tpu.memory_space<vmem_shared>> -> memref<48x64xf32, #tpu.memory_space<vmem_shared>>
      tpu.enqueue_dma source(%dma_start3A_273 : memref<48x64xf32, #tpu.memory_space<vmem_shared>>) target(%dma_start3A_271 : memref<48x64xf32, #tpu.memory_space<hbm>>) target_semaphore(%run_scoped3A : memref<!tpu.dma_semaphore, #tpu.memory_space<semaphore_mem>>)
      %dma_wait3A = arith.constant 0 : i32
      %dma_wait3A_274 = tpu.memref_slice %arg7[%arg0, %add3A_239, %dma_wait3A] : memref<2x10000x64xf32, #tpu.memory_space<hbm>> -> memref<1x48x64xf32, #tpu.memory_space<hbm>>
      %dma_wait3A_275 = tpu.memref_squeeze %dma_wait3A_274 : memref<1x48x64xf32, #tpu.memory_space<hbm>> -> memref<48x64xf32, #tpu.memory_space<hbm>>
      %dma_wait3A_276 = arith.constant 0 : i32
      %dma_wait3A_277 = tpu.memref_slice %arg8[%add3A_239, %dma_wait3A_276] : memref<10000x64xf32, #tpu.memory_space<vmem_shared>> -> memref<48x64xf32, #tpu.memory_space<vmem_shared>>
      tpu.wait_dma2 semaphore(%run_scoped3A : memref<!tpu.dma_semaphore, #tpu.memory_space<semaphore_mem>>) src(%dma_wait3A_277 : memref<48x64xf32, #tpu.memory_space<vmem_shared>>) dst(%dma_wait3A_275 : memref<48x64xf32, #tpu.memory_space<hbm>>)
      tpu.yield
    }) : () -> ()
    %mul3A_240 = arith.constant 624 : i32
    %mul3A_241 = arith.muli %arg1, %mul3A_240 : i32
    %add3A_242 = arith.constant 336 : i32
    %add3A_243 = arith.addi %mul3A_241, %add3A_242 : i32
    "tpu.region"() ({
      %run_scoped3A = tpu.sem_alloc : memref<!tpu.dma_semaphore, #tpu.memory_space<semaphore_mem>>
      %dma_start3A_269 = arith.constant 0 : i32
      %dma_start3A_270 = tpu.memref_slice %arg7[%arg0, %add3A_243, %dma_start3A_269] : memref<2x10000x64xf32, #tpu.memory_space<hbm>> -> memref<1x48x64xf32, #tpu.memory_space<hbm>>
      %dma_start3A_271 = tpu.memref_squeeze %dma_start3A_270 : memref<1x48x64xf32, #tpu.memory_space<hbm>> -> memref<48x64xf32, #tpu.memory_space<hbm>>
      %dma_start3A_272 = arith.constant 0 : i32
      %dma_start3A_273 = tpu.memref_slice %arg8[%add3A_243, %dma_start3A_272] : memref<10000x64xf32, #tpu.memory_space<vmem_shared>> -> memref<48x64xf32, #tpu.memory_space<vmem_shared>>
      tpu.enqueue_dma source(%dma_start3A_273 : memref<48x64xf32, #tpu.memory_space<vmem_shared>>) target(%dma_start3A_271 : memref<48x64xf32, #tpu.memory_space<hbm>>) target_semaphore(%run_scoped3A : memref<!tpu.dma_semaphore, #tpu.memory_space<semaphore_mem>>)
      %dma_wait3A = arith.constant 0 : i32
      %dma_wait3A_274 = tpu.memref_slice %arg7[%arg0, %add3A_243, %dma_wait3A] : memref<2x10000x64xf32, #tpu.memory_space<hbm>> -> memref<1x48x64xf32, #tpu.memory_space<hbm>>
      %dma_wait3A_275 = tpu.memref_squeeze %dma_wait3A_274 : memref<1x48x64xf32, #tpu.memory_space<hbm>> -> memref<48x64xf32, #tpu.memory_space<hbm>>
      %dma_wait3A_276 = arith.constant 0 : i32
      %dma_wait3A_277 = tpu.memref_slice %arg8[%add3A_243, %dma_wait3A_276] : memref<10000x64xf32, #tpu.memory_space<vmem_shared>> -> memref<48x64xf32, #tpu.memory_space<vmem_shared>>
      tpu.wait_dma2 semaphore(%run_scoped3A : memref<!tpu.dma_semaphore, #tpu.memory_space<semaphore_mem>>) src(%dma_wait3A_277 : memref<48x64xf32, #tpu.memory_space<vmem_shared>>) dst(%dma_wait3A_275 : memref<48x64xf32, #tpu.memory_space<hbm>>)
      tpu.yield
    }) : () -> ()
    %mul3A_244 = arith.constant 624 : i32
    %mul3A_245 = arith.muli %arg1, %mul3A_244 : i32
    %add3A_246 = arith.constant 384 : i32
    %add3A_247 = arith.addi %mul3A_245, %add3A_246 : i32
    "tpu.region"() ({
      %run_scoped3A = tpu.sem_alloc : memref<!tpu.dma_semaphore, #tpu.memory_space<semaphore_mem>>
      %dma_start3A_269 = arith.constant 0 : i32
      %dma_start3A_270 = tpu.memref_slice %arg7[%arg0, %add3A_247, %dma_start3A_269] : memref<2x10000x64xf32, #tpu.memory_space<hbm>> -> memref<1x48x64xf32, #tpu.memory_space<hbm>>
      %dma_start3A_271 = tpu.memref_squeeze %dma_start3A_270 : memref<1x48x64xf32, #tpu.memory_space<hbm>> -> memref<48x64xf32, #tpu.memory_space<hbm>>
      %dma_start3A_272 = arith.constant 0 : i32
      %dma_start3A_273 = tpu.memref_slice %arg8[%add3A_247, %dma_start3A_272] : memref<10000x64xf32, #tpu.memory_space<vmem_shared>> -> memref<48x64xf32, #tpu.memory_space<vmem_shared>>
      tpu.enqueue_dma source(%dma_start3A_273 : memref<48x64xf32, #tpu.memory_space<vmem_shared>>) target(%dma_start3A_271 : memref<48x64xf32, #tpu.memory_space<hbm>>) target_semaphore(%run_scoped3A : memref<!tpu.dma_semaphore, #tpu.memory_space<semaphore_mem>>)
      %dma_wait3A = arith.constant 0 : i32
      %dma_wait3A_274 = tpu.memref_slice %arg7[%arg0, %add3A_247, %dma_wait3A] : memref<2x10000x64xf32, #tpu.memory_space<hbm>> -> memref<1x48x64xf32, #tpu.memory_space<hbm>>
      %dma_wait3A_275 = tpu.memref_squeeze %dma_wait3A_274 : memref<1x48x64xf32, #tpu.memory_space<hbm>> -> memref<48x64xf32, #tpu.memory_space<hbm>>
      %dma_wait3A_276 = arith.constant 0 : i32
      %dma_wait3A_277 = tpu.memref_slice %arg8[%add3A_247, %dma_wait3A_276] : memref<10000x64xf32, #tpu.memory_space<vmem_shared>> -> memref<48x64xf32, #tpu.memory_space<vmem_shared>>
      tpu.wait_dma2 semaphore(%run_scoped3A : memref<!tpu.dma_semaphore, #tpu.memory_space<semaphore_mem>>) src(%dma_wait3A_277 : memref<48x64xf32, #tpu.memory_space<vmem_shared>>) dst(%dma_wait3A_275 : memref<48x64xf32, #tpu.memory_space<hbm>>)
      tpu.yield
    }) : () -> ()
    %mul3A_248 = arith.constant 624 : i32
    %mul3A_249 = arith.muli %arg1, %mul3A_248 : i32
    %add3A_250 = arith.constant 432 : i32
    %add3A_251 = arith.addi %mul3A_249, %add3A_250 : i32
    "tpu.region"() ({
      %run_scoped3A = tpu.sem_alloc : memref<!tpu.dma_semaphore, #tpu.memory_space<semaphore_mem>>
      %dma_start3A_269 = arith.constant 0 : i32
      %dma_start3A_270 = tpu.memref_slice %arg7[%arg0, %add3A_251, %dma_start3A_269] : memref<2x10000x64xf32, #tpu.memory_space<hbm>> -> memref<1x48x64xf32, #tpu.memory_space<hbm>>
      %dma_start3A_271 = tpu.memref_squeeze %dma_start3A_270 : memref<1x48x64xf32, #tpu.memory_space<hbm>> -> memref<48x64xf32, #tpu.memory_space<hbm>>
      %dma_start3A_272 = arith.constant 0 : i32
      %dma_start3A_273 = tpu.memref_slice %arg8[%add3A_251, %dma_start3A_272] : memref<10000x64xf32, #tpu.memory_space<vmem_shared>> -> memref<48x64xf32, #tpu.memory_space<vmem_shared>>
      tpu.enqueue_dma source(%dma_start3A_273 : memref<48x64xf32, #tpu.memory_space<vmem_shared>>) target(%dma_start3A_271 : memref<48x64xf32, #tpu.memory_space<hbm>>) target_semaphore(%run_scoped3A : memref<!tpu.dma_semaphore, #tpu.memory_space<semaphore_mem>>)
      %dma_wait3A = arith.constant 0 : i32
      %dma_wait3A_274 = tpu.memref_slice %arg7[%arg0, %add3A_251, %dma_wait3A] : memref<2x10000x64xf32, #tpu.memory_space<hbm>> -> memref<1x48x64xf32, #tpu.memory_space<hbm>>
      %dma_wait3A_275 = tpu.memref_squeeze %dma_wait3A_274 : memref<1x48x64xf32, #tpu.memory_space<hbm>> -> memref<48x64xf32, #tpu.memory_space<hbm>>
      %dma_wait3A_276 = arith.constant 0 : i32
      %dma_wait3A_277 = tpu.memref_slice %arg8[%add3A_251, %dma_wait3A_276] : memref<10000x64xf32, #tpu.memory_space<vmem_shared>> -> memref<48x64xf32, #tpu.memory_space<vmem_shared>>
      tpu.wait_dma2 semaphore(%run_scoped3A : memref<!tpu.dma_semaphore, #tpu.memory_space<semaphore_mem>>) src(%dma_wait3A_277 : memref<48x64xf32, #tpu.memory_space<vmem_shared>>) dst(%dma_wait3A_275 : memref<48x64xf32, #tpu.memory_space<hbm>>)
      tpu.yield
    }) : () -> ()
    %mul3A_252 = arith.constant 624 : i32
    %mul3A_253 = arith.muli %arg1, %mul3A_252 : i32
    %add3A_254 = arith.constant 480 : i32
    %add3A_255 = arith.addi %mul3A_253, %add3A_254 : i32
    "tpu.region"() ({
      %run_scoped3A = tpu.sem_alloc : memref<!tpu.dma_semaphore, #tpu.memory_space<semaphore_mem>>
      %dma_start3A_269 = arith.constant 0 : i32
      %dma_start3A_270 = tpu.memref_slice %arg7[%arg0, %add3A_255, %dma_start3A_269] : memref<2x10000x64xf32, #tpu.memory_space<hbm>> -> memref<1x48x64xf32, #tpu.memory_space<hbm>>
      %dma_start3A_271 = tpu.memref_squeeze %dma_start3A_270 : memref<1x48x64xf32, #tpu.memory_space<hbm>> -> memref<48x64xf32, #tpu.memory_space<hbm>>
      %dma_start3A_272 = arith.constant 0 : i32
      %dma_start3A_273 = tpu.memref_slice %arg8[%add3A_255, %dma_start3A_272] : memref<10000x64xf32, #tpu.memory_space<vmem_shared>> -> memref<48x64xf32, #tpu.memory_space<vmem_shared>>
      tpu.enqueue_dma source(%dma_start3A_273 : memref<48x64xf32, #tpu.memory_space<vmem_shared>>) target(%dma_start3A_271 : memref<48x64xf32, #tpu.memory_space<hbm>>) target_semaphore(%run_scoped3A : memref<!tpu.dma_semaphore, #tpu.memory_space<semaphore_mem>>)
      %dma_wait3A = arith.constant 0 : i32
      %dma_wait3A_274 = tpu.memref_slice %arg7[%arg0, %add3A_255, %dma_wait3A] : memref<2x10000x64xf32, #tpu.memory_space<hbm>> -> memref<1x48x64xf32, #tpu.memory_space<hbm>>
      %dma_wait3A_275 = tpu.memref_squeeze %dma_wait3A_274 : memref<1x48x64xf32, #tpu.memory_space<hbm>> -> memref<48x64xf32, #tpu.memory_space<hbm>>
      %dma_wait3A_276 = arith.constant 0 : i32
      %dma_wait3A_277 = tpu.memref_slice %arg8[%add3A_255, %dma_wait3A_276] : memref<10000x64xf32, #tpu.memory_space<vmem_shared>> -> memref<48x64xf32, #tpu.memory_space<vmem_shared>>
      tpu.wait_dma2 semaphore(%run_scoped3A : memref<!tpu.dma_semaphore, #tpu.memory_space<semaphore_mem>>) src(%dma_wait3A_277 : memref<48x64xf32, #tpu.memory_space<vmem_shared>>) dst(%dma_wait3A_275 : memref<48x64xf32, #tpu.memory_space<hbm>>)
      tpu.yield
    }) : () -> ()
    %mul3A_256 = arith.constant 624 : i32
    %mul3A_257 = arith.muli %arg1, %mul3A_256 : i32
    %add3A_258 = arith.constant 528 : i32
    %add3A_259 = arith.addi %mul3A_257, %add3A_258 : i32
    "tpu.region"() ({
      %run_scoped3A = tpu.sem_alloc : memref<!tpu.dma_semaphore, #tpu.memory_space<semaphore_mem>>
      %dma_start3A_269 = arith.constant 0 : i32
      %dma_start3A_270 = tpu.memref_slice %arg7[%arg0, %add3A_259, %dma_start3A_269] : memref<2x10000x64xf32, #tpu.memory_space<hbm>> -> memref<1x48x64xf32, #tpu.memory_space<hbm>>
      %dma_start3A_271 = tpu.memref_squeeze %dma_start3A_270 : memref<1x48x64xf32, #tpu.memory_space<hbm>> -> memref<48x64xf32, #tpu.memory_space<hbm>>
      %dma_start3A_272 = arith.constant 0 : i32
      %dma_start3A_273 = tpu.memref_slice %arg8[%add3A_259, %dma_start3A_272] : memref<10000x64xf32, #tpu.memory_space<vmem_shared>> -> memref<48x64xf32, #tpu.memory_space<vmem_shared>>
      tpu.enqueue_dma source(%dma_start3A_273 : memref<48x64xf32, #tpu.memory_space<vmem_shared>>) target(%dma_start3A_271 : memref<48x64xf32, #tpu.memory_space<hbm>>) target_semaphore(%run_scoped3A : memref<!tpu.dma_semaphore, #tpu.memory_space<semaphore_mem>>)
      %dma_wait3A = arith.constant 0 : i32
      %dma_wait3A_274 = tpu.memref_slice %arg7[%arg0, %add3A_259, %dma_wait3A] : memref<2x10000x64xf32, #tpu.memory_space<hbm>> -> memref<1x48x64xf32, #tpu.memory_space<hbm>>
      %dma_wait3A_275 = tpu.memref_squeeze %dma_wait3A_274 : memref<1x48x64xf32, #tpu.memory_space<hbm>> -> memref<48x64xf32, #tpu.memory_space<hbm>>
      %dma_wait3A_276 = arith.constant 0 : i32
      %dma_wait3A_277 = tpu.memref_slice %arg8[%add3A_259, %dma_wait3A_276] : memref<10000x64xf32, #tpu.memory_space<vmem_shared>> -> memref<48x64xf32, #tpu.memory_space<vmem_shared>>
      tpu.wait_dma2 semaphore(%run_scoped3A : memref<!tpu.dma_semaphore, #tpu.memory_space<semaphore_mem>>) src(%dma_wait3A_277 : memref<48x64xf32, #tpu.memory_space<vmem_shared>>) dst(%dma_wait3A_275 : memref<48x64xf32, #tpu.memory_space<hbm>>)
      tpu.yield
    }) : () -> ()
    %mul3A_260 = arith.constant 624 : i32
    %mul3A_261 = arith.muli %arg1, %mul3A_260 : i32
    %add3A_262 = arith.constant 576 : i32
    %add3A_263 = arith.addi %mul3A_261, %add3A_262 : i32
    "tpu.region"() ({
      %run_scoped3A = tpu.sem_alloc : memref<!tpu.dma_semaphore, #tpu.memory_space<semaphore_mem>>
      %dma_start3A_269 = arith.constant 0 : i32
      %dma_start3A_270 = tpu.memref_slice %arg7[%arg0, %add3A_263, %dma_start3A_269] : memref<2x10000x64xf32, #tpu.memory_space<hbm>> -> memref<1x48x64xf32, #tpu.memory_space<hbm>>
      %dma_start3A_271 = tpu.memref_squeeze %dma_start3A_270 : memref<1x48x64xf32, #tpu.memory_space<hbm>> -> memref<48x64xf32, #tpu.memory_space<hbm>>
      %dma_start3A_272 = arith.constant 0 : i32
      %dma_start3A_273 = tpu.memref_slice %arg8[%add3A_263, %dma_start3A_272] : memref<10000x64xf32, #tpu.memory_space<vmem_shared>> -> memref<48x64xf32, #tpu.memory_space<vmem_shared>>
      tpu.enqueue_dma source(%dma_start3A_273 : memref<48x64xf32, #tpu.memory_space<vmem_shared>>) target(%dma_start3A_271 : memref<48x64xf32, #tpu.memory_space<hbm>>) target_semaphore(%run_scoped3A : memref<!tpu.dma_semaphore, #tpu.memory_space<semaphore_mem>>)
      %dma_wait3A = arith.constant 0 : i32
      %dma_wait3A_274 = tpu.memref_slice %arg7[%arg0, %add3A_263, %dma_wait3A] : memref<2x10000x64xf32, #tpu.memory_space<hbm>> -> memref<1x48x64xf32, #tpu.memory_space<hbm>>
      %dma_wait3A_275 = tpu.memref_squeeze %dma_wait3A_274 : memref<1x48x64xf32, #tpu.memory_space<hbm>> -> memref<48x64xf32, #tpu.memory_space<hbm>>
      %dma_wait3A_276 = arith.constant 0 : i32
      %dma_wait3A_277 = tpu.memref_slice %arg8[%add3A_263, %dma_wait3A_276] : memref<10000x64xf32, #tpu.memory_space<vmem_shared>> -> memref<48x64xf32, #tpu.memory_space<vmem_shared>>
      tpu.wait_dma2 semaphore(%run_scoped3A : memref<!tpu.dma_semaphore, #tpu.memory_space<semaphore_mem>>) src(%dma_wait3A_277 : memref<48x64xf32, #tpu.memory_space<vmem_shared>>) dst(%dma_wait3A_275 : memref<48x64xf32, #tpu.memory_space<hbm>>)
      tpu.yield
    }) : () -> ()
    %eq3A_264 = arith.constant 15 : i32
    %eq3A_265 = arith.cmpi eq, %arg1, %eq3A_264 : i32
    %convert_element_type3A_266 = arith.extui %eq3A_265 : i1 to i32
    %cond3A_267 = arith.constant 0 : i32
    %cond3A_268 = arith.cmpi ne, %convert_element_type3A_266, %cond3A_267 : i32
    scf.if %cond3A_268 {
      "tpu.region"() ({
        %run_scoped3A = tpu.sem_alloc : memref<!tpu.dma_semaphore, #tpu.memory_space<semaphore_mem>>
        %dma_start3A_269 = arith.constant 9984 : i32
        %dma_start3A_270 = arith.constant 0 : i32
        %dma_start3A_271 = tpu.memref_slice %arg7[%arg0, %dma_start3A_269, %dma_start3A_270] : memref<2x10000x64xf32, #tpu.memory_space<hbm>> -> memref<1x16x64xf32, #tpu.memory_space<hbm>>
        %dma_start3A_272 = tpu.memref_squeeze %dma_start3A_271 : memref<1x16x64xf32, #tpu.memory_space<hbm>> -> memref<16x64xf32, #tpu.memory_space<hbm>>
        %dma_start3A_273 = arith.constant 9984 : i32
        %dma_start3A_274 = arith.constant 0 : i32
        %dma_start3A_275 = tpu.memref_slice %arg8[%dma_start3A_273, %dma_start3A_274] : memref<10000x64xf32, #tpu.memory_space<vmem_shared>> -> memref<16x64xf32, #tpu.memory_space<vmem_shared>>
        tpu.enqueue_dma source(%dma_start3A_275 : memref<16x64xf32, #tpu.memory_space<vmem_shared>>) target(%dma_start3A_272 : memref<16x64xf32, #tpu.memory_space<hbm>>) target_semaphore(%run_scoped3A : memref<!tpu.dma_semaphore, #tpu.memory_space<semaphore_mem>>)
        %dma_wait3A = arith.constant 9984 : i32
        %dma_wait3A_276 = arith.constant 0 : i32
        %dma_wait3A_277 = tpu.memref_slice %arg7[%arg0, %dma_wait3A, %dma_wait3A_276] : memref<2x10000x64xf32, #tpu.memory_space<hbm>> -> memref<1x16x64xf32, #tpu.memory_space<hbm>>
        %dma_wait3A_278 = tpu.memref_squeeze %dma_wait3A_277 : memref<1x16x64xf32, #tpu.memory_space<hbm>> -> memref<16x64xf32, #tpu.memory_space<hbm>>
        %dma_wait3A_279 = arith.constant 9984 : i32
        %dma_wait3A_280 = arith.constant 0 : i32
        %dma_wait3A_281 = tpu.memref_slice %arg8[%dma_wait3A_279, %dma_wait3A_280] : memref<10000x64xf32, #tpu.memory_space<vmem_shared>> -> memref<16x64xf32, #tpu.memory_space<vmem_shared>>
        tpu.wait_dma2 semaphore(%run_scoped3A : memref<!tpu.dma_semaphore, #tpu.memory_space<semaphore_mem>>) src(%dma_wait3A_281 : memref<16x64xf32, #tpu.memory_space<vmem_shared>>) dst(%dma_wait3A_278 : memref<16x64xf32, #tpu.memory_space<hbm>>)
        tpu.yield
      }) : () -> ()
    } else {
    }
    return
  }
}

module attributes {stable_mosaic.version = 14 : i64} {
  func.func @_tc_pre_body(%arg0: i32, %arg1: memref<1000x128xf32, #tpu.memory_space<vmem>>, %arg2: memref<128x128xf32, #tpu.memory_space<vmem>>, %arg3: memref<2x1000x16xf32, #tpu.memory_space<vmem>>, %arg4: memref<1000x64xf32, #tpu.memory_space<vmem>>, %arg5: memref<1000x64xf32, #tpu.memory_space<vmem>>) attributes {dimension_semantics = [#tpu.dimension_semantics<arbitrary>], iteration_bounds = array<i64: 10>, scalar_prefetch = 0 : i64, scratch_operands = 0 : i64, tpu.core_type = #tpu.core_type<tc>, window_params = [{transform_indices = @transform_0, window_bounds = array<i64: 1000, 128>}, {pipeline_mode = #tpu.pipeline_mode<synchronous>, transform_indices = @transform_1, window_bounds = array<i64: 128, 128>}, {transform_indices = @transform_2, window_bounds = array<i64: 2, 1000, 16>}, {transform_indices = @transform_3, window_bounds = array<i64: 1000, 64>}, {transform_indices = @transform_4, window_bounds = array<i64: 1000, 64>}]} {
    %get3A = arith.constant 0 : index
    %get3A_0 = arith.constant 0 : index
    %get3A_1 = arith.constant 0 : index
    %get3A_2 = vector.load %arg3[%get3A, %get3A_0, %get3A_1] : memref<2x1000x16xf32, #tpu.memory_space<vmem>>, vector<1x1000x1xf32>
    %get3A_3 = vector.shape_cast %get3A_2 : vector<1x1000x1xf32> to vector<1000xf32>
    %get3A_4 = arith.constant 1 : index
    %get3A_5 = arith.constant 0 : index
    %get3A_6 = arith.constant 0 : index
    %get3A_7 = vector.load %arg3[%get3A_4, %get3A_5, %get3A_6] : memref<2x1000x16xf32, #tpu.memory_space<vmem>>, vector<1x1000x1xf32>
    %get3A_8 = vector.shape_cast %get3A_7 : vector<1x1000x1xf32> to vector<1000xf32>
    %add3A = arith.addf %get3A_3, %get3A_8 : vector<1000xf32>
    %add3A_9 = arith.constant 1.000000e+00 : f32
    %add3A_10 = vector.broadcast %add3A_9 : f32 to vector<1000xf32>
    %add3A_11 = arith.addf %add3A, %add3A_10 : vector<1000xf32>
    %rsqrt3A = math.rsqrt %add3A_11 : vector<1000xf32>
    %get3A_12 = arith.constant 0 : index
    %get3A_13 = arith.constant 0 : index
    %get3A_14 = vector.load %arg1[%get3A_12, %get3A_13] : memref<1000x128xf32, #tpu.memory_space<vmem>>, vector<1000x128xf32>
    %get3A_15 = arith.constant 0 : index
    %get3A_16 = arith.constant 0 : index
    %get3A_17 = vector.load %arg2[%get3A_15, %get3A_16] : memref<128x128xf32, #tpu.memory_space<vmem>>, vector<128x128xf32>
    %dot_general3A = arith.constant dense<0.000000e+00> : vector<1000x128xf32>
    %dot_general3A_18 = tpu.matmul %get3A_14, %get3A_17, %dot_general3A {dimension_numbers = #tpu.dot_dimension_numbers<[1], [0], [0], [1], [0, 0, 1, 1], [], []>, transpose_lhs_hint = false} : vector<1000x128xf32>, vector<128x128xf32>, vector<1000x128xf32> -> vector<1000x128xf32>
    %broadcast_in_dim3A = vector.shape_cast %rsqrt3A : vector<1000xf32> to vector<1000x1xf32>
    %mul3A = vector.broadcast %broadcast_in_dim3A : vector<1000x1xf32> to vector<1000x128xf32>
    %mul3A_19 = arith.mulf %dot_general3A_18, %mul3A : vector<1000x128xf32>
    %slice3A = vector.extract_strided_slice %mul3A_19 {offsets = [0, 0], sizes = [1000, 64], strides = [1, 1]} : vector<1000x128xf32> to vector<1000x64xf32>
    %swap3A = arith.constant 0 : index
    %swap3A_20 = arith.constant 0 : index
    %swap3A_21 = vector.load %arg4[%swap3A, %swap3A_20] : memref<1000x64xf32, #tpu.memory_space<vmem>>, vector<1000x64xf32>
    tpu.vector_store %arg4[%swap3A, %swap3A_20], %slice3A {strides = array<i32>} : memref<1000x64xf32, #tpu.memory_space<vmem>>, vector<1000x64xf32>,
    %slice3A_22 = vector.extract_strided_slice %mul3A_19 {offsets = [0, 64], sizes = [1000, 64], strides = [1, 1]} : vector<1000x128xf32> to vector<1000x64xf32>
    %swap3A_23 = arith.constant 0 : index
    %swap3A_24 = arith.constant 0 : index
    %swap3A_25 = vector.load %arg5[%swap3A_23, %swap3A_24] : memref<1000x64xf32, #tpu.memory_space<vmem>>, vector<1000x64xf32>
    tpu.vector_store %arg5[%swap3A_23, %swap3A_24], %slice3A_22 {strides = array<i32>} : memref<1000x64xf32, #tpu.memory_space<vmem>>, vector<1000x64xf32>,
    return
  }
  func.func @transform_0(%arg0: i32) -> (i32, i32) {
    %c0_i32 = arith.constant 0 : i32
    %c0_i32_0 = arith.constant 0 : i32
    return %arg0, %c0_i32 : i32, i32
  }
  func.func @transform_1(%arg0: i32) -> (i32, i32) {
    %c0_i32 = arith.constant 0 : i32
    %c0_i32_0 = arith.constant 0 : i32
    %c0_i32_1 = arith.constant 0 : i32
    return %c0_i32, %c0_i32_0 : i32, i32
  }
  func.func @transform_2(%arg0: i32) -> (i32, i32, i32) {
    %c0_i32 = arith.constant 0 : i32
    %c0_i32_0 = arith.constant 0 : i32
    %c0_i32_1 = arith.constant 0 : i32
    return %c0_i32, %arg0, %c0_i32_0 : i32, i32, i32
  }
  func.func @transform_3(%arg0: i32) -> (i32, i32) {
    %c0_i32 = arith.constant 0 : i32
    %c0_i32_0 = arith.constant 0 : i32
    return %arg0, %c0_i32 : i32, i32
  }
  func.func @transform_4(%arg0: i32) -> (i32, i32) {
    %c0_i32 = arith.constant 0 : i32
    %c0_i32_0 = arith.constant 0 : i32
    return %arg0, %c0_i32 : i32, i32
  }
}

module attributes {stable_mosaic.version = 14 : i64} {
  func.func @_tc_mid_body(%arg0: i32, %arg1: memref<2x1000x64xf32, #tpu.memory_space<vmem>>, %arg2: memref<2x1000x64xf32, #tpu.memory_space<vmem>>, %arg3: memref<1000x64xf32, #tpu.memory_space<vmem>>, %arg4: memref<1000x64xf32, #tpu.memory_space<vmem>>, %arg5: memref<2x1000x16xf32, #tpu.memory_space<vmem>>, %arg6: memref<128xf32, #tpu.memory_space<vmem>>, %arg7: memref<128x64xf32, #tpu.memory_space<vmem>>, %arg8: memref<1000x64xf32, #tpu.memory_space<vmem>>) attributes {dimension_semantics = [#tpu.dimension_semantics<arbitrary>], iteration_bounds = array<i64: 10>, scalar_prefetch = 0 : i64, scratch_operands = 0 : i64, tpu.core_type = #tpu.core_type<tc>, window_params = [{transform_indices = @transform_0, window_bounds = array<i64: 2, 1000, 64>}, {transform_indices = @transform_1, window_bounds = array<i64: 2, 1000, 64>}, {transform_indices = @transform_2, window_bounds = array<i64: 1000, 64>}, {transform_indices = @transform_3, window_bounds = array<i64: 1000, 64>}, {transform_indices = @transform_4, window_bounds = array<i64: 2, 1000, 16>}, {pipeline_mode = #tpu.pipeline_mode<synchronous>, transform_indices = @transform_5, window_bounds = array<i64: 128>}, {pipeline_mode = #tpu.pipeline_mode<synchronous>, transform_indices = @transform_6, window_bounds = array<i64: 128, 64>}, {transform_indices = @transform_7, window_bounds = array<i64: 1000, 64>}]} {
    %get3A = arith.constant 0 : index
    %get3A_0 = arith.constant 0 : index
    %get3A_1 = arith.constant 0 : index
    %get3A_2 = vector.load %arg5[%get3A, %get3A_0, %get3A_1] : memref<2x1000x16xf32, #tpu.memory_space<vmem>>, vector<1x1000x1xf32>
    %get3A_3 = vector.shape_cast %get3A_2 : vector<1x1000x1xf32> to vector<1000xf32>
    %get3A_4 = arith.constant 1 : index
    %get3A_5 = arith.constant 0 : index
    %get3A_6 = arith.constant 0 : index
    %get3A_7 = vector.load %arg5[%get3A_4, %get3A_5, %get3A_6] : memref<2x1000x16xf32, #tpu.memory_space<vmem>>, vector<1x1000x1xf32>
    %get3A_8 = vector.shape_cast %get3A_7 : vector<1x1000x1xf32> to vector<1000xf32>
    %add3A = arith.addf %get3A_3, %get3A_8 : vector<1000xf32>
    %add3A_9 = arith.constant 1.000000e+00 : f32
    %add3A_10 = vector.broadcast %add3A_9 : f32 to vector<1000xf32>
    %add3A_11 = arith.addf %add3A, %add3A_10 : vector<1000xf32>
    %rsqrt3A = math.rsqrt %add3A_11 : vector<1000xf32>
    %get3A_12 = arith.constant 0 : index
    %get3A_13 = arith.constant 0 : index
    %get3A_14 = arith.constant 0 : index
    %get3A_15 = vector.load %arg1[%get3A_12, %get3A_13, %get3A_14] : memref<2x1000x64xf32, #tpu.memory_space<vmem>>, vector<1x1000x64xf32>
    %get3A_16 = vector.shape_cast %get3A_15 : vector<1x1000x64xf32> to vector<1000x64xf32>
    %get3A_17 = arith.constant 1 : index
    %get3A_18 = arith.constant 0 : index
    %get3A_19 = arith.constant 0 : index
    %get3A_20 = vector.load %arg1[%get3A_17, %get3A_18, %get3A_19] : memref<2x1000x64xf32, #tpu.memory_space<vmem>>, vector<1x1000x64xf32>
    %get3A_21 = vector.shape_cast %get3A_20 : vector<1x1000x64xf32> to vector<1000x64xf32>
    %add3A_22 = arith.addf %get3A_16, %get3A_21 : vector<1000x64xf32>
    %get3A_23 = arith.constant 0 : index
    %get3A_24 = arith.constant 0 : index
    %get3A_25 = vector.load %arg3[%get3A_23, %get3A_24] : memref<1000x64xf32, #tpu.memory_space<vmem>>, vector<1000x64xf32>
    %add3A_26 = arith.addf %add3A_22, %get3A_25 : vector<1000x64xf32>
    %get3A_27 = arith.constant 0 : index
    %get3A_28 = arith.constant 0 : index
    %get3A_29 = arith.constant 0 : index
    %get3A_30 = vector.load %arg2[%get3A_27, %get3A_28, %get3A_29] : memref<2x1000x64xf32, #tpu.memory_space<vmem>>, vector<1x1000x64xf32>
    %get3A_31 = vector.shape_cast %get3A_30 : vector<1x1000x64xf32> to vector<1000x64xf32>
    %get3A_32 = arith.constant 1 : index
    %get3A_33 = arith.constant 0 : index
    %get3A_34 = arith.constant 0 : index
    %get3A_35 = vector.load %arg2[%get3A_32, %get3A_33, %get3A_34] : memref<2x1000x64xf32, #tpu.memory_space<vmem>>, vector<1x1000x64xf32>
    %get3A_36 = vector.shape_cast %get3A_35 : vector<1x1000x64xf32> to vector<1000x64xf32>
    %add3A_37 = arith.addf %get3A_31, %get3A_36 : vector<1000x64xf32>
    %get3A_38 = arith.constant 0 : index
    %get3A_39 = arith.constant 0 : index
    %get3A_40 = vector.load %arg4[%get3A_38, %get3A_39] : memref<1000x64xf32, #tpu.memory_space<vmem>>, vector<1000x64xf32>
    %add3A_41 = arith.addf %add3A_37, %get3A_40 : vector<1000x64xf32>
    %concatenate3A = tpu.concatenate %add3A_26, %add3A_41 in 1 : vector<1000x64xf32>, vector<1000x64xf32> -> vector<1000x128xf32>
    %broadcast_in_dim3A = vector.shape_cast %rsqrt3A : vector<1000xf32> to vector<1000x1xf32>
    %mul3A = vector.broadcast %broadcast_in_dim3A : vector<1000x1xf32> to vector<1000x128xf32>
    %mul3A_42 = arith.mulf %concatenate3A, %mul3A : vector<1000x128xf32>
    %get3A_43 = arith.constant 0 : index
    %get3A_44 = vector.load %arg6[%get3A_43] : memref<128xf32, #tpu.memory_space<vmem>>, vector<128xf32>
    %broadcast_in_dim3A_45 = vector.shape_cast %get3A_44 : vector<128xf32> to vector<1x128xf32>
    %add3A_46 = vector.broadcast %broadcast_in_dim3A_45 : vector<1x128xf32> to vector<1000x128xf32>
    %add3A_47 = arith.addf %mul3A_42, %add3A_46 : vector<1000x128xf32>
    %max3A = arith.constant 0.000000e+00 : f32
    %max3A_48 = vector.broadcast %max3A : f32 to vector<1000x128xf32>
    %max3A_49 = arith.maximumf %add3A_47, %max3A_48 : vector<1000x128xf32>
    %get3A_50 = arith.constant 0 : index
    %get3A_51 = arith.constant 0 : index
    %get3A_52 = vector.load %arg7[%get3A_50, %get3A_51] : memref<128x64xf32, #tpu.memory_space<vmem>>, vector<128x64xf32>
    %dot_general3A = arith.constant dense<0.000000e+00> : vector<1000x64xf32>
    %dot_general3A_53 = tpu.matmul %max3A_49, %get3A_52, %dot_general3A {dimension_numbers = #tpu.dot_dimension_numbers<[1], [0], [0], [1], [0, 0, 1, 1], [], []>, transpose_lhs_hint = false} : vector<1000x128xf32>, vector<128x64xf32>, vector<1000x64xf32> -> vector<1000x64xf32>
    %broadcast_in_dim3A_54 = vector.shape_cast %rsqrt3A : vector<1000xf32> to vector<1000x1xf32>
    %mul3A_55 = vector.broadcast %broadcast_in_dim3A_54 : vector<1000x1xf32> to vector<1000x64xf32>
    %mul3A_56 = arith.mulf %dot_general3A_53, %mul3A_55 : vector<1000x64xf32>
    %swap3A = arith.constant 0 : index
    %swap3A_57 = arith.constant 0 : index
    %swap3A_58 = vector.load %arg8[%swap3A, %swap3A_57] : memref<1000x64xf32, #tpu.memory_space<vmem>>, vector<1000x64xf32>
    tpu.vector_store %arg8[%swap3A, %swap3A_57], %mul3A_56 {strides = array<i32>} : memref<1000x64xf32, #tpu.memory_space<vmem>>, vector<1000x64xf32>,
    return
  }
  func.func @transform_0(%arg0: i32) -> (i32, i32, i32) {
    %c0_i32 = arith.constant 0 : i32
    %c0_i32_0 = arith.constant 0 : i32
    %c0_i32_1 = arith.constant 0 : i32
    return %c0_i32, %arg0, %c0_i32_0 : i32, i32, i32
  }
  func.func @transform_1(%arg0: i32) -> (i32, i32, i32) {
    %c0_i32 = arith.constant 0 : i32
    %c0_i32_0 = arith.constant 0 : i32
    %c0_i32_1 = arith.constant 0 : i32
    return %c0_i32, %arg0, %c0_i32_0 : i32, i32, i32
  }
  func.func @transform_2(%arg0: i32) -> (i32, i32) {
    %c0_i32 = arith.constant 0 : i32
    %c0_i32_0 = arith.constant 0 : i32
    return %arg0, %c0_i32 : i32, i32
  }
  func.func @transform_3(%arg0: i32) -> (i32, i32) {
    %c0_i32 = arith.constant 0 : i32
    %c0_i32_0 = arith.constant 0 : i32
    return %arg0, %c0_i32 : i32, i32
  }
  func.func @transform_4(%arg0: i32) -> (i32, i32, i32) {
    %c0_i32 = arith.constant 0 : i32
    %c0_i32_0 = arith.constant 0 : i32
    %c0_i32_1 = arith.constant 0 : i32
    return %c0_i32, %arg0, %c0_i32_0 : i32, i32, i32
  }
  func.func @transform_5(%arg0: i32) -> i32 {
    %c0_i32 = arith.constant 0 : i32
    %c0_i32_0 = arith.constant 0 : i32
    return %c0_i32 : i32
  }
  func.func @transform_6(%arg0: i32) -> (i32, i32) {
    %c0_i32 = arith.constant 0 : i32
    %c0_i32_0 = arith.constant 0 : i32
    %c0_i32_1 = arith.constant 0 : i32
    return %c0_i32, %c0_i32_0 : i32, i32
  }
  func.func @transform_7(%arg0: i32) -> (i32, i32) {
    %c0_i32 = arith.constant 0 : i32
    %c0_i32_0 = arith.constant 0 : i32
    return %arg0, %c0_i32 : i32, i32
  }
}

module attributes {stable_mosaic.version = 14 : i64} {
  func.func @_tc_post_body(%arg0: i32, %arg1: memref<2x1000x64xf32, #tpu.memory_space<vmem>>, %arg2: memref<1000x64xf32, #tpu.memory_space<vmem>>, %arg3: memref<2x1000x16xf32, #tpu.memory_space<vmem>>, %arg4: memref<64xf32, #tpu.memory_space<vmem>>, %arg5: memref<1000x64xf32, #tpu.memory_space<vmem>>) attributes {dimension_semantics = [#tpu.dimension_semantics<arbitrary>], iteration_bounds = array<i64: 10>, scalar_prefetch = 0 : i64, scratch_operands = 0 : i64, tpu.core_type = #tpu.core_type<tc>, window_params = [{transform_indices = @transform_0, window_bounds = array<i64: 2, 1000, 64>}, {transform_indices = @transform_1, window_bounds = array<i64: 1000, 64>}, {transform_indices = @transform_2, window_bounds = array<i64: 2, 1000, 16>}, {pipeline_mode = #tpu.pipeline_mode<synchronous>, transform_indices = @transform_3, window_bounds = array<i64: 64>}, {transform_indices = @transform_4, window_bounds = array<i64: 1000, 64>}]} {
    %get3A = arith.constant 0 : index
    %get3A_0 = arith.constant 0 : index
    %get3A_1 = arith.constant 0 : index
    %get3A_2 = vector.load %arg3[%get3A, %get3A_0, %get3A_1] : memref<2x1000x16xf32, #tpu.memory_space<vmem>>, vector<1x1000x1xf32>
    %get3A_3 = vector.shape_cast %get3A_2 : vector<1x1000x1xf32> to vector<1000xf32>
    %get3A_4 = arith.constant 1 : index
    %get3A_5 = arith.constant 0 : index
    %get3A_6 = arith.constant 0 : index
    %get3A_7 = vector.load %arg3[%get3A_4, %get3A_5, %get3A_6] : memref<2x1000x16xf32, #tpu.memory_space<vmem>>, vector<1x1000x1xf32>
    %get3A_8 = vector.shape_cast %get3A_7 : vector<1x1000x1xf32> to vector<1000xf32>
    %add3A = arith.addf %get3A_3, %get3A_8 : vector<1000xf32>
    %add3A_9 = arith.constant 1.000000e+00 : f32
    %add3A_10 = vector.broadcast %add3A_9 : f32 to vector<1000xf32>
    %add3A_11 = arith.addf %add3A, %add3A_10 : vector<1000xf32>
    %rsqrt3A = math.rsqrt %add3A_11 : vector<1000xf32>
    %get3A_12 = arith.constant 0 : index
    %get3A_13 = arith.constant 0 : index
    %get3A_14 = arith.constant 0 : index
    %get3A_15 = vector.load %arg1[%get3A_12, %get3A_13, %get3A_14] : memref<2x1000x64xf32, #tpu.memory_space<vmem>>, vector<1x1000x64xf32>
    %get3A_16 = vector.shape_cast %get3A_15 : vector<1x1000x64xf32> to vector<1000x64xf32>
    %get3A_17 = arith.constant 1 : index
    %get3A_18 = arith.constant 0 : index
    %get3A_19 = arith.constant 0 : index
    %get3A_20 = vector.load %arg1[%get3A_17, %get3A_18, %get3A_19] : memref<2x1000x64xf32, #tpu.memory_space<vmem>>, vector<1x1000x64xf32>
    %get3A_21 = vector.shape_cast %get3A_20 : vector<1x1000x64xf32> to vector<1000x64xf32>
    %add3A_22 = arith.addf %get3A_16, %get3A_21 : vector<1000x64xf32>
    %get3A_23 = arith.constant 0 : index
    %get3A_24 = arith.constant 0 : index
    %get3A_25 = vector.load %arg2[%get3A_23, %get3A_24] : memref<1000x64xf32, #tpu.memory_space<vmem>>, vector<1000x64xf32>
    %add3A_26 = arith.addf %add3A_22, %get3A_25 : vector<1000x64xf32>
    %broadcast_in_dim3A = vector.shape_cast %rsqrt3A : vector<1000xf32> to vector<1000x1xf32>
    %mul3A = vector.broadcast %broadcast_in_dim3A : vector<1000x1xf32> to vector<1000x64xf32>
    %mul3A_27 = arith.mulf %add3A_26, %mul3A : vector<1000x64xf32>
    %get3A_28 = arith.constant 0 : index
    %get3A_29 = vector.load %arg4[%get3A_28] : memref<64xf32, #tpu.memory_space<vmem>>, vector<64xf32>
    %broadcast_in_dim3A_30 = vector.shape_cast %get3A_29 : vector<64xf32> to vector<1x64xf32>
    %add3A_31 = vector.broadcast %broadcast_in_dim3A_30 : vector<1x64xf32> to vector<1000x64xf32>
    %add3A_32 = arith.addf %mul3A_27, %add3A_31 : vector<1000x64xf32>
    %swap3A = arith.constant 0 : index
    %swap3A_33 = arith.constant 0 : index
    %swap3A_34 = vector.load %arg5[%swap3A, %swap3A_33] : memref<1000x64xf32, #tpu.memory_space<vmem>>, vector<1000x64xf32>
    tpu.vector_store %arg5[%swap3A, %swap3A_33], %add3A_32 {strides = array<i32>} : memref<1000x64xf32, #tpu.memory_space<vmem>>, vector<1000x64xf32>,
    return
  }
  func.func @transform_0(%arg0: i32) -> (i32, i32, i32) {
    %c0_i32 = arith.constant 0 : i32
    %c0_i32_0 = arith.constant 0 : i32
    %c0_i32_1 = arith.constant 0 : i32
    return %c0_i32, %arg0, %c0_i32_0 : i32, i32, i32
  }
  func.func @transform_1(%arg0: i32) -> (i32, i32) {
    %c0_i32 = arith.constant 0 : i32
    %c0_i32_0 = arith.constant 0 : i32
    return %arg0, %c0_i32 : i32, i32
  }
  func.func @transform_2(%arg0: i32) -> (i32, i32, i32) {
    %c0_i32 = arith.constant 0 : i32
    %c0_i32_0 = arith.constant 0 : i32
    %c0_i32_1 = arith.constant 0 : i32
    return %c0_i32, %arg0, %c0_i32_0 : i32, i32, i32
  }
  func.func @transform_3(%arg0: i32) -> i32 {
    %c0_i32 = arith.constant 0 : i32
    %c0_i32_0 = arith.constant 0 : i32
    return %c0_i32 : i32
  }
  func.func @transform_4(%arg0: i32) -> (i32, i32) {
    %c0_i32 = arith.constant 0 : i32
    %c0_i32_0 = arith.constant 0 : i32
    return %arg0, %c0_i32 : i32, i32
  }
}

</mosaic_0001>

<sc_bundles>
// kernel: kernel.11.cloned.1.call-start
scs
__scs_entry_jumppad:
0x0: {  	(pc) =	sbr.rel $0x88, $3  }
0x1: {  	(tag) =	ssettag $0x0;
	lr =	simm.s32 $0x1  }
0x2: {  	[smem:$0x3F9B] =	sst lr;
	_ =	strace $0xD0000000  }
0x3: {  	_ = 	snop  }
0x4: {  	_ = 	snop  }
0x5: {  	_ = 	snop  }
0x6: {  	_ = 	snop  }
0x7: {  	_ = 	snop  }
__scs_overlays_trampoline_lowered:
0x8: {  	[smem:$0x3FAA] =	sst s0  }
0x9: {  	[smem:$0x3FAB] =	sst s1  }
0xa: {  	[smem:$0x3FAC] =	sst s2  }
0xb: {  	[smem:$0x3FAD] =	sst s3  }
0xc: {  	[smem:$0x3FAE] =	sst s4  }
0xd: {  	[smem:$0x3FAF] =	sst s5  }
0xe: {  	[smem:$0x3FB0] =	sst s6  }
0xf: {  	[smem:$0x3FB1] =	sst s7  }
0x10: {  	[smem:$0x3FB2] =	sst s8  }
0x11: {  	[smem:$0x3FB3] =	sst s9;
	s0 =	simm.s32 @!p0 $0x0  }
0x12: {  	s1 =	sld [smem:$0x3F99];
	s0 =	simm.s32 @p0 $0x1  }
0x13: {  	[smem:$0x3FB4] =	sst s0;
	s0 =	simm.s32 @!p1 $0x0  }
0x14: {  	s2 =	sld [smem:$0x3F98];
	s0 =	simm.s32 @p1 $0x1  }
0x15: {  	[smem:$0x3FB5] =	sst s0;
	s0 =	simm.s32 @!p2 $0x0  }
0x16: {  	s3 =	sld [smem:$0x3FDB];
	s0 =	simm.s32 @p2 $0x1  }
0x17: {  	s4 =	simm.s32 $0x1BF5;
	[smem:$0x3FB7] =	sst s0  }
0x18: {  	s0 =	sld [smem:$0x3F9A];
	_ =	swait.ge [sflag:s4], $0x0  }
0x19: {  	s7 =	sld [smem:$0x3F9B]  }
0x1a: {  	s8 =	sadd.s32 $0xFFFFE003, lr  }
0x1b: {  	s9 =	sadd.s32 $0xFFFFFEF7, lr;
	s5 =	simm.s32 $0xFFFFFFFF;
	p2 =	slt.u32 s8, $0xFFFFF086  }
0x1c: {  	p1 =	slt.u32 s9, $0xF7A;
	s5 =	simm.s32 @!p2 $0x0  }
0x1d: {  	s5 =	simm.s32 @p1 $0x1;
	p0 =	seq.s32 s7, s2  }
0x1e: {  	s7 =	smul.u32 @!p0 $0xF7A, s2;
	p2 =	seq.s32 @!p0 s5, $0x0  }
0x1f: {  	s9 =	smul.u32 $0xF7A, s1;
	s8 =	simm.s32 @!p0 $0x1BF5;
	p2 =	por !p2, p0  }
0x20: {  	[sflag:s8] =	ssyncset.s32 @!p0 $0xFFFFF086;
	s6 =	sadd.s32 @!p0 s3, s7;
	s7 =	simm.s32 @!p0 $0x108  }
0x21: {  	s3 =	sadd.s32 s3, s9;
	s6 =	sadd.s32 @!p0 $0x88, s6;
	s7 =	simm.s32 @p2 $0x1082  }
0x22: {  	[simem:s7], [sflag:s8] =	dma.local @!p0 [hbm:s6], $0xF7A  }
0x23: {  	s9 =	sor.u32 $0xD0000000, s2;
	s6 =	simm.s32 $0x108;
	_ =	swait.ge @!p0 [sflag:s8], $0x0  }
0x24: {  	s3 =	sadd.s32 $0x88, s3;
	s6 =	simm.s32 @!p1 $0x1082;
	[sflag:s4] =	ssyncset.s32 $0xFFFFF086  }
0x25: {  	[simem:s6], [sflag:s4] =	dma.local [hbm:s3], $0xF7A  }
0x26: {  	[smem:$0x3F9B] =	sst s1;
	(tag) =	ssettag s2;
	_ =	strace s9  }
0x27: {  	s1 =	sld [smem:$0x3FAB]  }
0x28: {  	s2 =	sld [smem:$0x3FAC]  }
0x29: {  	s4 =	sld [smem:$0x3FAE]  }
0x2a: {  	p0 =	seq.s32 s5, $0x0;
	s5 =	sld [smem:$0x3FAF]  }
0x2b: {  	s6 =	sld [smem:$0x3FB0]  }
0x2c: {  	s7 =	sld [smem:$0x3FB1]  }
0x2d: {  	s3 =	simm.s32 $0x108;
	s8 =	sld [smem:$0x3FB2]  }
0x2e: {  	s3 =	simm.s32 @!p0 $0x1082;
	s9 =	sld [smem:$0x3FB3]  }
0x2f: {  	lr =	sadd.s32 s0, s3;
	s0 =	sld [smem:$0x3FAA]  }
0x30: {  	s3 =	sld [smem:$0x3FAD]  }
0x31: {  	[smem:$0x3FB6] =	sst s10  }
0x32: {  	s10 =	sld [smem:$0x3FB4];
	_ =	sdelay $0x3  }
0x33: {  	p0 =	seq.s32 s10, $0x1;
	s10 =	sld [smem:$0x3FB6];
	_ =	sdelay $0x3  }
0x34: {  	[smem:$0x3FB6] =	sst s10  }
0x35: {  	s10 =	sld [smem:$0x3FB5];
	_ =	sdelay $0x3  }
0x36: {  	p1 =	seq.s32 s10, $0x1;
	s10 =	sld [smem:$0x3FB6];
	_ =	sdelay $0x3  }
0x37: {  	[smem:$0x3FB6] =	sst s10  }
0x38: {  	s10 =	sld [smem:$0x3FB7]  }
0x39: {  	_ = 	snop;
	(pc) =	sbr.ind lr, $3  }
0x3a: {  	_ = 	snop  }
0x3b: {  	_ = 	snop  }
0x3c: {  	p2 =	seq.s32 s10, $0x1;
	s10 =	sld [smem:$0x3FB6]  }
0x3d: {  	_ =	shalt  }
0x3e: {  	_ =	shalt  }
0x3f: {  	_ =	shalt  }
0x40: {  	_ =	shalt  }
0x41: {  	_ =	shalt  }
0x42: {  	_ =	shalt  }
0x43: {  	_ =	shalt  }
0x44: {  	_ =	shalt  }
0x45: {  	_ =	shalt  }
0x46: {  	_ =	shalt  }
0x47: {  	_ =	shalt  }
0x48: {  	_ =	shalt  }
0x49: {  	_ =	shalt  }
0x4a: {  	_ =	shalt  }
0x4b: {  	_ =	shalt  }
0x4c: {  	_ =	shalt  }
0x4d: {  	_ =	shalt  }
0x4e: {  	_ =	shalt  }
0x4f: {  	_ =	shalt  }
0x50: {  	_ =	shalt  }
0x51: {  	_ =	shalt  }
0x52: {  	_ =	shalt  }
0x53: {  	_ =	shalt  }
0x54: {  	_ =	shalt  }
0x55: {  	_ =	shalt  }
0x56: {  	_ =	shalt  }
0x57: {  	_ =	shalt  }
0x58: {  	_ =	shalt  }
0x59: {  	_ =	shalt  }
0x5a: {  	_ =	shalt  }
0x5b: {  	_ =	shalt  }
0x5c: {  	_ =	shalt  }
0x5d: {  	_ =	shalt  }
0x5e: {  	_ =	shalt  }
0x5f: {  	_ =	shalt  }
0x60: {  	_ =	shalt  }
0x61: {  	_ =	shalt  }
0x62: {  	_ =	shalt  }
0x63: {  	_ =	shalt  }
0x64: {  	_ =	shalt  }
0x65: {  	_ =	shalt  }
0x66: {  	_ =	shalt  }
0x67: {  	_ =	shalt  }
0x68: {  	_ =	shalt  }
0x69: {  	_ =	shalt  }
0x6a: {  	_ =	shalt  }
0x6b: {  	_ =	shalt  }
0x6c: {  	_ =	shalt  }
0x6d: {  	_ =	shalt  }
0x6e: {  	_ =	shalt  }
0x6f: {  	_ =	shalt  }
0x70: {  	_ =	shalt  }
0x71: {  	_ =	shalt  }
0x72: {  	_ =	shalt  }
0x73: {  	_ =	shalt  }
0x74: {  	_ =	shalt  }
0x75: {  	_ =	shalt  }
0x76: {  	_ =	shalt  }
0x77: {  	_ =	shalt  }
0x78: {  	_ =	shalt  }
0x79: {  	_ =	shalt  }
0x7a: {  	_ =	shalt  }
0x7b: {  	_ =	shalt  }
0x7c: {  	_ =	shalt  }
0x7d: {  	_ =	shalt  }
0x7e: {  	_ =	shalt  }
0x7f: {  	_ =	shalt  }
0x80: {  	_ =	shalt  }
0x81: {  	_ =	shalt  }
0x82: {  	_ =	shalt  }
0x83: {  	_ =	shalt  }
0x84: {  	_ =	shalt  }
0x85: {  	_ =	shalt  }
0x86: {  	_ =	shalt  }
0x87: {  	_ =	shalt  }
.Lfunc_end0:
.L_simem_size_0:
called_computation.1_lowered:
.L_overlay_start_0:
0x88: {  	s2 =	sld [smem:$0x3FD9]  }
0x89: {  	s3 =	sld [smem:$0x3FFE];
	_ =	sdelay $0x1  }
0x8a: {  	s1 =	srdreg.scid  }
0x8b: {  	s0 =	sand.u32 $0x1, s1  }
0x8c: {  	s17 =	sshll.u32 s0, $0xA;
	s2 =	sadd.s32 s3, s2  }
0x8d: {  	s2 =	sadd.s32 s2, s17  }
0x8e: {  	[smem:$0x3FC2] =	sst s2  }
0x8f: {  	_ = 	snop  }
0x90: {  	s2 =	sld [smem:$0x3FD0];
	(tm) =	ssettm $0x1  }
0x91: {  	s18 =	sld [smem:$0x3FFB];
	_ =	sdelay $0x3  }
0x92: {  	_ =	strace s18  }
0x93: {  	s3 =	sld [smem:$0x3FFC];
	_ =	sdelay $0x3  }
0x94: {  	_ =	strace s3  }
0x95: {  	s3 =	sld [smem:$0x3FFD];
	_ =	sdelay $0x3  }
0x96: {  	_ =	strace s3  }
0x97: {  	_ =	strace $0x8FFFFFFF  }
0x98: {  	s19 =	sld [smem:$0x3FDB];
	_ =	sdelay $0x1  }
0x99: {  	s4 =	simm.s32 $_scs_section_size  }
0x9a: {  	s5 =	simm.s32 $_size__tile_overlayer_lowered;
	s6 =	simm.s32 $_tile_overlayer_lowered  }
0x9b: {  	s22 =	simm.s32 $0x1BFF;
	s21 =	sshll.u32 s6, $0x1;
	s3 =	sadd.s32 s4, s19  }
0x9c: {  	s7 =	simm.s32 $0x0;
	s20 =	sshll.u32 s5, $0x1;
	s5 =	sadd.s32 s21, s3  }
0x9d: {  	[timem:s7], [sflag:s22] =	dma.local [hbm:s5], s20  }
0x9e: {  	_ =	swait.ge [sflag:s22], s20  }
0x9f: {  	s4 =	ssub.s32 $0x0, s20;
	[sflag:s22] =	ssyncset.done $0x0  }
0xa0: {  	[sflag:s22] =	ssyncadd.s32 s4;
	_ =	sdelay $0x1  }
0xa1: {  	s23 =	simm.s32 $0x1B8B  }
0xa2: {  	_ =	swait.ge [sflag:s23], $0x1  }
0xa3: {  	[sflag:s23] =	ssyncset.done $0x0  }
0xa4: {  	s25 =	simm.s32 $0x1B8E;
	s24 =	sld [smem:$0x3FFE];
	[sflag:s23] =	ssyncadd.s32 $0xFFFFFFFF  }
0xa5: {  	s26 =	simm.s32 $execute0_lowered;
	[smem:$0x3FD2] =	sst s25  }
0xa6: {  	s5 =	sshll.u32 s26, $0x1;
	_ =	strace $0x80000049;
	[dreg:$0x1] =	wrdreg $0xFFFFFFFF  }
0xa7: {  	s28 =	simm.s32 $_size_execute0_lowered;
	s3 =	sadd.s32 s3, s5;
	[dreg:$0x0] =	wrdreg $0x0  }
0xa8: {  	s5 =	sshll.u32 s28, $0x1;
	[dreg:$0x2] =	wrdreg s3  }
0xa9: {  	[dreg:$0x3] =	wrdreg s5  }
0xaa: {  	[dreg:$0x4] =	wrdreg $0xC0  }
0xab: {  	_ =	task [dreg:s7], $0x5FFFF  }
0xac: {  	[dreg:$0x1] =	wrdreg $0xFFFFFFFF  }
0xad: {  	[dreg:$0x0] =	wrdreg $0x60  }
0xae: {  	[dreg:$0x2] =	wrdreg s2  }
0xaf: {  	[dreg:$0x3] =	wrdreg s24  }
0xb0: {  	[dreg:$0x4] =	wrdreg $0x0  }
0xb1: {  	[dreg:$0x5] =	wrdreg $0x9  }
0xb2: {  	_ =	task.clear_ibuf [dreg:s7], $0x6FFFF;
	_ =	strace $0x90000049  }
0xb3: {  	s29 =	simm.s32 $0x9;
	_ =	strace $0x8000004B  }
0xb4: {  	_ =	swait.ge [sflag:s29], $0x1  }
0xb5: {  	[sflag:s29] =	ssyncadd.s32 $0xFFFFFFFF  }
0xb6: {  	_ =	strace $0x9000004B  }
0xb7: {  	_ =	sfence  }
0xb8: {  	s30 =	sld [smem:$0x0];
	_ =	sdelay $0x2  }
0xb9: {  	s31 =	sshll.u32 s1, $0xD;
	s1 =	sshrl.u32 s1, $0x2  }
0xba: {  	s3 =	sand.u32 $0x4000, s31;
	s1 =	sadd.s32 s1, s30  }
0xbb: {  	s0 =	sor.u32 s3, s0;
	s1 =	sshll.u32 s1, $0x11  }
0xbc: {  	s0 =	sor.u32 s1, s0  }
0xbd: {  	s0 =	sadd.s32 $0x8F2B, s0  }
0xbe: {  	[sflag:s0] =	ssyncadd.remote.s32 $0x1  }
0xbf: {  	_ =	sfence.sel $0xFFFF  }
0xc0: {  	[dreg:$0x0] =	wrdreg $0xFFFFFFFF;
	(pc) =	sbr.abs _section_cstart, $3  }
0xc1: {  	[dreg:$0x1] =	wrdreg $0xFFFFFFFF  }
0xc2: {  	_ =	task.clear_ibuf [dreg:s7], $0x2FFFF;
	_ =	strace $0x9FFFFFFF  }
0xc3: {  	(tm) =	ssettm $0x7FFFFFFF  }
tec
execute0_lowered:
.L_overlay_start_1:
0x0: {  	(tag) =	ssettag $0x1  }
0x1: {  	s0 =	srdreg.scid;
	s1 =	simm.s32 $0x0  }
0x2: {  	s2 =	stileid.u32;
	s30 =	rddreg [dreg:$0x1];
	s8 =	sand.u32 $0x1, s0  }
0x3: {  	s0 =	sshll.u32 s8, $0x4;
	s3 =	ssub.s32 $0x2, s8;
	s10 =	smul.u32 $0x9C400, s8  }
0x4: {  	s0 =	sor.u32 s2, s0;
	s4 =	sshrl.u32 s3, $0x1;
	s2 =	smul.u32 $0x9C00, s2  }
0x5: {  	[smem:$0x7FF] =	sst s1;
	s0 =	smul.u32 $0x4E2, s0;
	s14 =	ssub.s32 s3, s4  }
0x6: {  	[smem:$0x7F9] =	sst s14;
	s3 =	sadd.s32 $0xC00, s2;
	s4 =	sadd.s32 $0x1800, s2  }
0x7: {  	s5 =	sadd.s32 $0x2400, s2;
	s6 =	sadd.s32 $0x3000, s2;
	s7 =	sadd.s32 $0x3C00, s2  }
0x8: {  	s8 =	sadd.s32 $0x4800, s2;
	s9 =	sadd.s32 $0x5400, s2;
	s12 =	sadd.s32 $0x6000, s2  }
0x9: {  	s13 =	sadd.s32 $0x6C00, s2;
	s14 =	sadd.s32 $0x7800, s2;
	s11 =	sadd.s32 s2, s10  }
0xa: {  	s24 =	sadd.s32 $0x8400, s2;
	s26 =	sadd.s32 $0x9000, s2;
	[smem:$0x7EB] =	sst s0  }
0xb: {  	s31 =	sshrl.u32 s11, $0x3;
	s15 =	sadd.s32 s10, s3;
	s28 =	sadd.s32 s10, s24  }
0xc: {  	s16 =	sadd.s32 s10, s4;
	s29 =	sshrl.u32 s28, $0x3;
	s28 =	sadd.s32 s10, s26  }
0xd: {  	s17 =	sadd.s32 s10, s5;
	s0 =	sshrl.u32 s28, $0x3;
	s28 =	sadd.s32 $0x9E600, s30  }
0xe: {  	s18 =	sadd.s32 s10, s6;
	s15 =	sshrl.u32 s15, $0x3;
	s1 =	sadd.s32 s28, s31  }
0xf: {  	s11 =	sadd.s32 $0x77400, s30;
	[dreg:$0x4] =	wrdreg s1;
	s1 =	sadd.s32 s28, s15  }
0x10: {  	s16 =	sshrl.u32 s16, $0x3;
	s15 =	sadd.s32 s11, s15;
	[dreg:$0x5] =	wrdreg s1  }
0x11: {  	s19 =	sadd.s32 s10, s7;
	s1 =	sadd.s32 s28, s16;
	[dreg:$0x13] =	wrdreg s15  }
0x12: {  	s18 =	sshrl.u32 s18, $0x3;
	s16 =	sadd.s32 s11, s16;
	[dreg:$0x6] =	wrdreg s1  }
0x13: {  	s17 =	sshrl.u32 s17, $0x3;
	s15 =	sadd.s32 s11, s18;
	[dreg:$0x14] =	wrdreg s16  }
0x14: {  	s20 =	sadd.s32 s10, s8;
	s1 =	sadd.s32 s28, s17;
	[dreg:$0x16] =	wrdreg s15  }
0x15: {  	s19 =	sshrl.u32 s19, $0x3;
	s17 =	sadd.s32 s11, s17;
	[dreg:$0x7] =	wrdreg s1  }
0x16: {  	s21 =	sadd.s32 s10, s9;
	s16 =	sadd.s32 s11, s19;
	[dreg:$0x15] =	wrdreg s17  }
0x17: {  	s20 =	sshrl.u32 s20, $0x3;
	s1 =	sadd.s32 s28, s18;
	[dreg:$0x17] =	wrdreg s16  }
0x18: {  	s21 =	sshrl.u32 s21, $0x3;
	s17 =	sadd.s32 s11, s20;
	[dreg:$0x8] =	wrdreg s1  }
0x19: {  	s22 =	sadd.s32 s10, s12;
	s18 =	sadd.s32 s11, s21;
	[dreg:$0x18] =	wrdreg s17  }
0x1a: {  	s22 =	sshrl.u32 s22, $0x3;
	s1 =	sadd.s32 s28, s19;
	[dreg:$0x19] =	wrdreg s18  }
0x1b: {  	s23 =	sadd.s32 s10, s13;
	s19 =	sadd.s32 s11, s22;
	[dreg:$0x9] =	wrdreg s1  }
0x1c: {  	s23 =	sshrl.u32 s23, $0x3;
	s1 =	sadd.s32 s28, s20;
	[dreg:$0x1a] =	wrdreg s19  }
0x1d: {  	s25 =	sadd.s32 s10, s14;
	s20 =	sadd.s32 s11, s23;
	[dreg:$0xa] =	wrdreg s1  }
0x1e: {  	s25 =	sshrl.u32 s25, $0x3;
	s1 =	sadd.s32 s28, s21;
	[dreg:$0x1b] =	wrdreg s20  }
0x1f: {  	s21 =	sadd.s32 s11, s25;
	[dreg:$0xb] =	wrdreg s1  }
0x20: {  	s1 =	sadd.s32 s28, s22;
	[dreg:$0x1c] =	wrdreg s21  }
0x21: {  	s10 =	sshrl.u32 s10, $0x3;
	s22 =	sadd.s32 s11, s29;
	[dreg:$0xc] =	wrdreg s1  }
0x22: {  	s10 =	sadd.s32 $0x13800, s10;
	s1 =	sadd.s32 s28, s23;
	[dreg:$0x1d] =	wrdreg s22  }
0x23: {  	s23 =	sadd.s32 s11, s10;
	[dreg:$0xd] =	wrdreg s1  }
0x24: {  	s1 =	sadd.s32 s28, s25;
	[dreg:$0x1f] =	wrdreg s23  }
0x25: {  	[dreg:$0xe] =	wrdreg s1;
	s1 =	sadd.s32 s28, s29  }
0x26: {  	[dreg:$0xf] =	wrdreg s1;
	s1 =	sadd.s32 s28, s0  }
0x27: {  	[dreg:$0x10] =	wrdreg s1  }
0x28: {  	s0 =	sadd.s32 s11, s0;
	s1 =	sadd.s32 s28, s10;
	s28 =	rddreg [dreg:$0x0]  }
0x29: {  	[dreg:$0x1e] =	wrdreg s0  }
0x2a: {  	[dreg:$0x11] =	wrdreg s1  }
0x2b: {  	s1 =	sadd.s32 s11, s31;
	s31 =	rddreg [dreg:$0x2]  }
0x2c: {  	[dreg:$0x12] =	wrdreg s1;
	s4 =	sadd.s32 s4, s31  }
0x2d: {  	s10 =	sadd.s32 s5, s31;
	_ =	strace $0x8000004A;
	[smem:$0x7EE] =	sst s4  }
0x2e: {  	s16 =	sadd.s32 s6, s31;
	[smem:$0x7EF] =	sst s10  }
0x2f: {  	s17 =	sadd.s32 s7, s31;
	[smem:$0x7F0] =	sst s16  }
0x30: {  	s18 =	sadd.s32 s8, s31;
	[smem:$0x7F1] =	sst s17  }
0x31: {  	s19 =	sadd.s32 s9, s31;
	[smem:$0x7F2] =	sst s18  }
0x32: {  	s20 =	sadd.s32 s12, s31;
	[smem:$0x7F3] =	sst s19  }
0x33: {  	s21 =	sadd.s32 s13, s31;
	[smem:$0x7F4] =	sst s20  }
0x34: {  	s22 =	sadd.s32 s14, s31;
	[smem:$0x7F5] =	sst s21  }
0x35: {  	s23 =	sadd.s32 s24, s31;
	[smem:$0x7F6] =	sst s22  }
0x36: {  	s29 =	simm.s32 $0x0;
	[smem:$0x7F7] =	sst s23  }
0x37: {  	s1 =	sadd.s32 $0x63A00, s30;
	s24 =	sadd.s32 s26, s31;
	s25 =	sld [smem:$0x7EB]  }
0x38: {  	s11 =	sadd.s32 s2, s31;
	s15 =	sadd.s32 s3, s31;
	[smem:$0x7F8] =	sst s24  }
0x39: {  	s26 =	stileid.u32;
	s12 =	simm.s32 $0xEA10;
	[smem:$0x7FC] =	sst s11  }
0x3a: {  	p0 =	sne.s32 s26, $0xF;
	[smem:$0x7FD] =	sst s15;
	s0 =	sadd.s32 s25, s30  }
0x3b: {  	s16 =	simm.s32 $0x9C40;
	s25 =	sld [smem:$0x7F9];
	s30 =	sadd.s32 $0x1C00, s0  }
0x3c: {  	s20 =	simm.s32 $0x2;
	s0 =	sadd.s32 $0xBA00, s0;
	[smem:$0x7EC] =	sst s30  }
0x3d: {  	s21 =	simm.s32 $0x11260;
	[smem:$0x7ED] =	sst s0;
	s30 =	sadd.s32 $0x9C000, s31  }
0x3e: {  	s22 =	simm.s32 $0x50;
	s0 =	smax.u32 s25, $0x1;
	[smem:$0x7FB] =	sst s30  }
0x3f: {  	v0 =	vimm.f32 $0.0e+00;
	s17 =	simm.s32 $0xEA60;
	s24 =	simm.s32 $0x1;
	[smem:$0x7FA] =	sst s0  }
.LBB2_1:
0x40: {  	s2 =	simm.s32 $0x100;
	s0 =	simm.s32 $0x0  }
.LBB2_2:
0x41: {  	p1 =	sne.s32 s2, $0x2F00;
	[tilespmem:s0+$0x11290] =	vst v0;
	s3 =	smov.u32 s2;
	s2 =	sadd.s32 $0x100, s2  }
.Ltmp0:
0x42: {  	[tilespmem:s0+$0x11280] =	vst v0;
	(pc) =	sbr.rel @p1 .LBB2_2-.Ltmp0, $3  }
0x43: {  	[tilespmem:s0+$0x11260] =	vst v0  }
0x44: {  	[tilespmem:s0+$0x11270] =	vst v0;
	_ =	sdelay $0x1  }
0x45: {  	s0 =	sshra.s32 s3, $0x2  }
0x46: {  	[tilespmem:s0+$0x11290] =	vst v0  }
0x47: {  	[tilespmem:s0+$0x11280] =	vst v0;
	s2 =	sld [smem:$0x7EC]  }
0x48: {  	[tilespmem:s0+$0x11260] =	vst v0  }
0x49: {  	[tilespmem:s0+$0x11270] =	vst v0;
	s26 =	simm.s32 $0x0  }
0x4a: {  	[tilespmem:s16], [sflag:$0x2] =	stream.linear.gather [hbm4b:s2+s26], $0x2710, $0x38;
	[tilespmem:$0x11E60] =	vst v63  }
0x4b: {  	_ =	swait.ge [sflag:s20], $0x2710  }
0x4c: {  	s30 =	sld [smem:$0x7ED]  }
0x4d: {  	[sflag:s20] =	ssyncset.done $0x0  }
0x4e: {  	s3 =	simm.s32 $0xC350;
	[sflag:s20] =	ssyncadd.s32 $0xFFFFD8F0  }
0x4f: {  	[tilespmem:s3], [sflag:$0x2] =	stream.linear.gather [hbm4b:s30+s26], $0x2710, $0x38;
	[tilespmem:$0x11E60] =	vst v63  }
0x50: {  	_ =	swait.ge [sflag:s20], $0x2710  }
0x51: {  	[sflag:s20] =	ssyncset.done $0x0  }
0x52: {  	[sflag:s20] =	ssyncadd.s32 $0xFFFFD8F0  }
0x53: {  	[spmem:s11] =	stream.linear.scatter [tilespmem:s21], [sflag:$0x2], $0xC00, $0x38;
	[tilespmem:$0x11E60] =	vst v63  }
0x54: {  	_ =	swait.ge [sflag:s20], $0xC00  }
0x55: {  	[sflag:s20] =	ssyncset.done $0x0  }
0x56: {  	[sflag:s20] =	ssyncadd.s32 $0xFFFFF400  }
0x57: {  	[spmem:s15] =	stream.linear.scatter [tilespmem:s21], [sflag:$0x2], $0xC00, $0x38;
	[tilespmem:$0x11E60] =	vst v63  }
0x58: {  	_ =	swait.ge [sflag:s20], $0xC00  }
0x59: {  	s4 =	sld [smem:$0x7EE]  }
0x5a: {  	[sflag:s20] =	ssyncset.done $0x0  }
0x5b: {  	[sflag:s20] =	ssyncadd.s32 $0xFFFFF400  }
0x5c: {  	[spmem:s4] =	stream.linear.scatter [tilespmem:s21], [sflag:$0x2], $0xC00, $0x38;
	[tilespmem:$0x11E60] =	vst v63  }
0x5d: {  	_ =	swait.ge [sflag:s20], $0xC00  }
0x5e: {  	s5 =	sld [smem:$0x7EF]  }
0x5f: {  	[sflag:s20] =	ssyncset.done $0x0  }
0x60: {  	[sflag:s20] =	ssyncadd.s32 $0xFFFFF400  }
0x61: {  	[spmem:s5] =	stream.linear.scatter [tilespmem:s21], [sflag:$0x2], $0xC00, $0x38;
	[tilespmem:$0x11E60] =	vst v63  }
0x62: {  	_ =	swait.ge [sflag:s20], $0xC00  }
0x63: {  	s6 =	sld [smem:$0x7F0]  }
0x64: {  	[sflag:s20] =	ssyncset.done $0x0  }
0x65: {  	[sflag:s20] =	ssyncadd.s32 $0xFFFFF400  }
0x66: {  	[spmem:s6] =	stream.linear.scatter [tilespmem:s21], [sflag:$0x2], $0xC00, $0x38;
	[tilespmem:$0x11E60] =	vst v63  }
0x67: {  	_ =	swait.ge [sflag:s20], $0xC00  }
0x68: {  	s7 =	sld [smem:$0x7F1]  }
0x69: {  	[sflag:s20] =	ssyncset.done $0x0  }
0x6a: {  	[sflag:s20] =	ssyncadd.s32 $0xFFFFF400  }
0x6b: {  	[spmem:s7] =	stream.linear.scatter [tilespmem:s21], [sflag:$0x2], $0xC00, $0x38;
	[tilespmem:$0x11E60] =	vst v63  }
0x6c: {  	_ =	swait.ge [sflag:s20], $0xC00  }
0x6d: {  	s8 =	sld [smem:$0x7F2]  }
0x6e: {  	[sflag:s20] =	ssyncset.done $0x0  }
0x6f: {  	[sflag:s20] =	ssyncadd.s32 $0xFFFFF400  }
0x70: {  	[spmem:s8] =	stream.linear.scatter [tilespmem:s21], [sflag:$0x2], $0xC00, $0x38;
	[tilespmem:$0x11E60] =	vst v63  }
0x71: {  	_ =	swait.ge [sflag:s20], $0xC00  }
0x72: {  	s9 =	sld [smem:$0x7F3]  }
0x73: {  	[sflag:s20] =	ssyncset.done $0x0  }
0x74: {  	[sflag:s20] =	ssyncadd.s32 $0xFFFFF400  }
0x75: {  	[spmem:s9] =	stream.linear.scatter [tilespmem:s21], [sflag:$0x2], $0xC00, $0x38;
	[tilespmem:$0x11E60] =	vst v63  }
0x76: {  	_ =	swait.ge [sflag:s20], $0xC00  }
0x77: {  	s10 =	sld [smem:$0x7F4]  }
0x78: {  	[sflag:s20] =	ssyncset.done $0x0  }
0x79: {  	[sflag:s20] =	ssyncadd.s32 $0xFFFFF400  }
0x7a: {  	[spmem:s10] =	stream.linear.scatter [tilespmem:s21], [sflag:$0x2], $0xC00, $0x38;
	[tilespmem:$0x11E60] =	vst v63  }
0x7b: {  	_ =	swait.ge [sflag:s20], $0xC00  }
0x7c: {  	s13 =	sld [smem:$0x7F5]  }
0x7d: {  	[sflag:s20] =	ssyncset.done $0x0  }
0x7e: {  	[sflag:s20] =	ssyncadd.s32 $0xFFFFF400  }
0x7f: {  	[spmem:s13] =	stream.linear.scatter [tilespmem:s21], [sflag:$0x2], $0xC00, $0x38;
	[tilespmem:$0x11E60] =	vst v63  }
0x80: {  	_ =	swait.ge [sflag:s20], $0xC00  }
0x81: {  	s14 =	sld [smem:$0x7F6]  }
0x82: {  	[sflag:s20] =	ssyncset.done $0x0  }
0x83: {  	[sflag:s20] =	ssyncadd.s32 $0xFFFFF400  }
0x84: {  	[spmem:s14] =	stream.linear.scatter [tilespmem:s21], [sflag:$0x2], $0xC00, $0x38;
	[tilespmem:$0x11E60] =	vst v63  }
0x85: {  	_ =	swait.ge [sflag:s20], $0xC00  }
0x86: {  	s18 =	sld [smem:$0x7F7]  }
0x87: {  	[sflag:s20] =	ssyncset.done $0x0  }
0x88: {  	[sflag:s20] =	ssyncadd.s32 $0xFFFFF400  }
0x89: {  	[spmem:s18] =	stream.linear.scatter [tilespmem:s21], [sflag:$0x2], $0xC00, $0x38;
	[tilespmem:$0x11E60] =	vst v63  }
0x8a: {  	_ =	swait.ge [sflag:s20], $0xC00  }
0x8b: {  	s19 =	sld [smem:$0x7F8]  }
0x8c: {  	[sflag:s20] =	ssyncset.done $0x0  }
0x8d: {  	[sflag:s20] =	ssyncadd.s32 $0xFFFFF400  }
0x8e: {  	[spmem:s19] =	stream.linear.scatter [tilespmem:s21], [sflag:$0x2], $0xC00, $0x38;
	[tilespmem:$0x11E60] =	vst v63  }
0x8f: {  	_ =	swait.ge [sflag:s20], $0xC00  }
0x90: {  	s2 =	sld [smem:$0x7FB]  }
0x91: {  	[sflag:s20] =	ssyncset.done $0x0  }
0x92: {  	s0 =	simm.s32 @!p0 $0x11260;
	[sflag:s20] =	ssyncadd.s32 $0xFFFFF400  }
0x93: {  	[spmem:s2] =	stream.linear.scatter @!p0 [tilespmem:s0], [sflag:$0x2], $0x400, $0x38;
	[tilespmem:$0x11E60] =	vst v63  }
0x94: {  	s0 =	simm.s32 @!p0 $0x2  }
0x95: {  	_ =	swait.ge @!p0 [sflag:s0], $0x400  }
0x96: {  	s23 =	simm.s32 $0x1;
	[sflag:s0] =	ssyncset.done @!p0 $0x0  }
0x97: {  	[sflag:s0] =	ssyncadd.s32 @!p0 $0xFFFFFC00;
	s0 =	sand.u32 $0x1, s23  }
0x98: {  	[bflag:$0x0] =	sbarrier.arrive $0xFFFF;
	p1 =	seq.s32 s0, $0x1;
	s0 =	simm.s32 $0xFE60  }
0x99: {  	[tilespmem:s17], [sflag:$0x1] =	stream.indirect.gather [hbm4b:s28+s22], $0x40, s16, s22, $0xb8;
	[tilespmem:$0x11E60] =	vst v63  }
0x9a: {  	s25 =	simm.s32 $0x9C90;
	s0 =	simm.s32 @!p1 $0xEA60  }
0x9b: {  	[tilespmem:s0], [sflag:$0x1] =	stream.indirect.gather [hbm4b:s28+s22], $0x40, s25, s22, $0xb8;
	[tilespmem:$0x11E60] =	vst v63  }
0x9c: {  	s26 =	simm.s32 $0xC350;
	_ =	swait.ge [sflag:s24], $0x1400  }
0x9d: {  	s30 =	simm.s32 $0x2;
	s0 =	simm.s32 $0xEA60;
	[sflag:s24] =	ssyncset.done $0x0  }
0x9e: {  	s3 =	simm.s32 $0x3;
	s0 =	simm.s32 @!p1 $0xFE60;
	[sflag:s24] =	ssyncadd.s32 $0xFFFFEC00  }
0x9f: {  	[spmem:s31] =	stream.indirect.scatter.add.f32 [tilespmem:s0], [sflag:$0x2], $0x40, s26, s22, $0xb8;
	[tilespmem:$0x11E60] =	vst v63  }
0xa0: {  	s2 =	simm.s32 $0x9CE0;
	s0 =	sand.u32 $0x1, s30;
	_ =	swait.ge [sflag:s20], $0x1400  }
0xa1: {  	p1 =	seq.s32 s0, $0x1;
	s0 =	simm.s32 $0xC3A0;
	[sflag:s20] =	ssyncset.done $0x0  }
.LBB2_4:
0xa2: {  	s4 =	simm.s32 $0xFE60;
	[sflag:s20] =	ssyncadd.s32 $0xFFFFEC00  }
0xa3: {  	s5 =	smov.u32 s3;
	s6 =	sadd.s32 $0x1, s3;
	s4 =	simm.s32 @!p1 $0xEA60  }
0xa4: {  	[tilespmem:s4], [sflag:$0x1] =	stream.indirect.gather [hbm4b:s28+s22], $0x40, s2, s22, $0xb8;
	[tilespmem:$0x11E60] =	vst v63  }
0xa5: {  	p2 =	sne.s32 s3, $0x7C;
	_ =	swait.ge [sflag:s24], $0x1400  }
.Ltmp1:
0xa6: {  	s3 =	simm.s32 $0xEA60;
	[sflag:s24] =	ssyncset.done $0x0;
	(pc) =	sbr.rel @p2 .LBB2_4-.Ltmp1, $4  }
0xa7: {  	s3 =	simm.s32 @!p1 $0xFE60;
	s2 =	sadd.s32 $0x50, s2;
	[sflag:s24] =	ssyncadd.s32 $0xFFFFEC00  }
0xa8: {  	[spmem:s31] =	stream.indirect.scatter.add.f32 [tilespmem:s3], [sflag:$0x2], $0x40, s0, s22, $0xb8;
	[tilespmem:$0x11E60] =	vst v63  }
0xa9: {  	s3 =	sand.u32 $0x1, s5;
	s0 =	sadd.s32 $0x50, s0;
	_ =	swait.ge [sflag:s20], $0x1400  }
0xaa: {  	p1 =	seq.s32 s3, $0x1;
	s3 =	smov.u32 s6;
	[sflag:s20] =	ssyncset.done $0x0  }
0xab: {  	s3 =	simm.s32 $0xFE60  }
0xac: {  	[sflag:s20] =	ssyncadd.s32 $0xFFFFEC00;
	s3 =	simm.s32 @!p1 $0xEA60  }
0xad: {  	[tilespmem:s3], [sflag:$0x1] =	stream.indirect.gather [hbm4b:s28+s22], $0x40, s2, s22, $0xb8;
	[tilespmem:$0x11E60] =	vst v63  }
0xae: {  	_ =	swait.ge [sflag:s24], $0x1400  }
0xaf: {  	s2 =	simm.s32 $0xEA60;
	[sflag:s24] =	ssyncset.done $0x0  }
0xb0: {  	s2 =	simm.s32 @!p1 $0xFE60;
	[sflag:s24] =	ssyncadd.s32 $0xFFFFEC00  }
0xb1: {  	[spmem:s31] =	stream.indirect.scatter.add.f32 [tilespmem:s2], [sflag:$0x2], $0x40, s0, s22, $0xb8;
	[tilespmem:$0x11E60] =	vst v63  }
0xb2: {  	_ =	swait.ge [sflag:s20], $0x1400  }
0xb3: {  	[sflag:s20] =	ssyncset.done $0x0  }
0xb4: {  	[sflag:s20] =	ssyncadd.s32 $0xFFFFEC00  }
0xb5: {  	_ =	swait.ge [sflag:s24], $0x1400  }
0xb6: {  	[sflag:s24] =	ssyncset.done $0x0  }
0xb7: {  	[sflag:s24] =	ssyncadd.s32 $0xFFFFEC00  }
0xb8: {  	[spmem:s31] =	stream.indirect.scatter.add.f32 [tilespmem:s17], [sflag:$0x2], $0x40, s12, s22, $0xb8;
	[tilespmem:$0x11E60] =	vst v63  }
0xb9: {  	_ =	swait.ge [sflag:s20], $0x1400  }
0xba: {  	[sflag:s20] =	ssyncset.done $0x0  }
0xbb: {  	[sflag:s20] =	ssyncadd.s32 $0xFFFFEC00  }
0xbc: {  	s17 =	stileid.u32;
	[bflag:$0x0] =	sbarrier.arrive $0xFFFF  }
0xbd: {  	s18 =	sshrl.u32 s11, $0x3;
	s0 =	sshll.u32 s17, $0x6;
	s19 =	rddreg [dreg:$0x4]  }
0xbe: {  	s30 =	sor.u32 $0x1C02, s0;
	[smem:$0x7E4] =	sst s18  }
0xbf: {  	[hbm:s19], [sflag:s30] =	dma.local [spmem:s18], $0x180  }
0xc0: {  	_ =	swait.ge [sflag:s20], $0x180  }
0xc1: {  	s23 =	sshrl.u32 s15, $0x3;
	[sflag:s20] =	ssyncset.done $0x0;
	s25 =	rddreg [dreg:$0x5]  }
0xc2: {  	[smem:$0x7E5] =	sst s23;
	[sflag:s20] =	ssyncadd.s32 $0xFFFFFE80  }
0xc3: {  	[hbm:s25], [sflag:s30] =	dma.local [spmem:s23], $0x180  }
0xc4: {  	_ =	swait.ge [sflag:s20], $0x180  }
0xc5: {  	s12 =	sld [smem:$0x7EE];
	_ =	sdelay $0x2  }
0xc6: {  	[sflag:s20] =	ssyncset.done $0x0;
	s2 =	rddreg [dreg:$0x6];
	s26 =	sshrl.u32 s12, $0x3  }
0xc7: {  	[sflag:s20] =	ssyncadd.s32 $0xFFFFFE80;
	[smem:$0x7E6] =	sst s26  }
0xc8: {  	[hbm:s2], [sflag:s30] =	dma.local [spmem:s26], $0x180  }
0xc9: {  	_ =	swait.ge [sflag:s20], $0x180  }
0xca: {  	s13 =	sld [smem:$0x7EF];
	_ =	sdelay $0x2  }
0xcb: {  	[sflag:s20] =	ssyncset.done $0x0;
	s4 =	rddreg [dreg:$0x7];
	s3 =	sshrl.u32 s13, $0x3  }
0xcc: {  	[sflag:s20] =	ssyncadd.s32 $0xFFFFFE80;
	[smem:$0x7E7] =	sst s3  }
0xcd: {  	[hbm:s4], [sflag:s30] =	dma.local [spmem:s3], $0x180  }
0xce: {  	_ =	swait.ge [sflag:s20], $0x180  }
0xcf: {  	s14 =	sld [smem:$0x7F0];
	_ =	sdelay $0x2  }
0xd0: {  	[sflag:s20] =	ssyncset.done $0x0;
	s6 =	rddreg [dreg:$0x8];
	s5 =	sshrl.u32 s14, $0x3  }
0xd1: {  	[sflag:s20] =	ssyncadd.s32 $0xFFFFFE80;
	[smem:$0x7E8] =	sst s5  }
0xd2: {  	[hbm:s6], [sflag:s30] =	dma.local [spmem:s5], $0x180  }
0xd3: {  	_ =	swait.ge [sflag:s20], $0x180  }
0xd4: {  	s16 =	sld [smem:$0x7F1];
	_ =	sdelay $0x2  }
0xd5: {  	[sflag:s20] =	ssyncset.done $0x0;
	s8 =	rddreg [dreg:$0x9];
	s7 =	sshrl.u32 s16, $0x3  }
0xd6: {  	[sflag:s20] =	ssyncadd.s32 $0xFFFFFE80;
	[smem:$0x7E9] =	sst s7  }
0xd7: {  	[hbm:s8], [sflag:s30] =	dma.local [spmem:s7], $0x180  }
0xd8: {  	_ =	swait.ge [sflag:s20], $0x180  }
0xd9: {  	s18 =	sld [smem:$0x7F2];
	_ =	sdelay $0x2  }
0xda: {  	[sflag:s20] =	ssyncset.done $0x0;
	s10 =	rddreg [dreg:$0xa];
	s9 =	sshrl.u32 s18, $0x3  }
0xdb: {  	[sflag:s20] =	ssyncadd.s32 $0xFFFFFE80;
	[smem:$0x7EA] =	sst s9  }
0xdc: {  	[hbm:s10], [sflag:s30] =	dma.local [spmem:s9], $0x180  }
0xdd: {  	_ =	swait.ge [sflag:s20], $0x180  }
0xde: {  	s26 =	sld [smem:$0x7F3];
	_ =	sdelay $0x1  }
0xdf: {  	[sflag:s20] =	ssyncset.done $0x0  }
0xe0: {  	s17 =	rddreg [dreg:$0xb];
	[sflag:s20] =	ssyncadd.s32 $0xFFFFFE80;
	s23 =	sshrl.u32 s26, $0x3  }
0xe1: {  	[hbm:s17], [sflag:s30] =	dma.local [spmem:s23], $0x180  }
0xe2: {  	_ =	swait.ge [sflag:s20], $0x180  }
0xe3: {  	s0 =	sld [smem:$0x7F4];
	_ =	sdelay $0x1  }
0xe4: {  	[sflag:s20] =	ssyncset.done $0x0  }
0xe5: {  	s5 =	rddreg [dreg:$0xc];
	[sflag:s20] =	ssyncadd.s32 $0xFFFFFE80;
	s4 =	sshrl.u32 s0, $0x3  }
0xe6: {  	[hbm:s5], [sflag:s30] =	dma.local [spmem:s4], $0x180  }
0xe7: {  	_ =	swait.ge [sflag:s20], $0x180  }
0xe8: {  	s2 =	sld [smem:$0x7F5];
	_ =	sdelay $0x1  }
0xe9: {  	[sflag:s20] =	ssyncset.done $0x0  }
0xea: {  	s6 =	rddreg [dreg:$0xd];
	[sflag:s20] =	ssyncadd.s32 $0xFFFFFE80;
	s5 =	sshrl.u32 s2, $0x3  }
0xeb: {  	[hbm:s6], [sflag:s30] =	dma.local [spmem:s5], $0x180  }
0xec: {  	_ =	swait.ge [sflag:s20], $0x180  }
0xed: {  	s3 =	sld [smem:$0x7F6];
	_ =	sdelay $0x1  }
0xee: {  	[sflag:s20] =	ssyncset.done $0x0  }
0xef: {  	s7 =	rddreg [dreg:$0xe];
	[sflag:s20] =	ssyncadd.s32 $0xFFFFFE80;
	s6 =	sshrl.u32 s3, $0x3  }
0xf0: {  	[hbm:s7], [sflag:s30] =	dma.local [spmem:s6], $0x180  }
0xf1: {  	_ =	swait.ge [sflag:s20], $0x180  }
0xf2: {  	s17 =	sld [smem:$0x7F7];
	_ =	sdelay $0x1  }
0xf3: {  	[sflag:s20] =	ssyncset.done $0x0  }
0xf4: {  	s8 =	rddreg [dreg:$0xf];
	[sflag:s20] =	ssyncadd.s32 $0xFFFFFE80;
	s7 =	sshrl.u32 s17, $0x3  }
0xf5: {  	[hbm:s8], [sflag:s30] =	dma.local [spmem:s7], $0x180  }
0xf6: {  	_ =	swait.ge [sflag:s20], $0x180  }
0xf7: {  	s25 =	sld [smem:$0x7F8];
	_ =	sdelay $0x1  }
0xf8: {  	[sflag:s20] =	ssyncset.done $0x0  }
0xf9: {  	s9 =	rddreg [dreg:$0x10];
	[sflag:s20] =	ssyncadd.s32 $0xFFFFFE80;
	s8 =	sshrl.u32 s25, $0x3  }
0xfa: {  	[hbm:s9], [sflag:s30] =	dma.local [spmem:s8], $0x180  }
0xfb: {  	_ =	swait.ge [sflag:s20], $0x180  }
0xfc: {  	s19 =	sld [smem:$0x7FB];
	_ =	sdelay $0x1  }
0xfd: {  	[sflag:s20] =	ssyncset.done $0x0  }
0xfe: {  	s10 =	rddreg [dreg:$0x11];
	[sflag:s20] =	ssyncadd.s32 $0xFFFFFE80;
	s9 =	sshrl.u32 @!p0 s19, $0x3  }
0xff: {  	[hbm:s10], [sflag:s30] =	dma.local @!p0 [spmem:s9], $0x80  }
0x100: {  	s10 =	simm.s32 @!p0 $0x2  }
0x101: {  	_ =	swait.ge @!p0 [sflag:s10], $0x80  }
0x102: {  	[sflag:s10] =	ssyncset.done @!p0 $0x0  }
0x103: {  	[sflag:s10] =	ssyncadd.s32 @!p0 $0xFFFFFF80  }
0x104: {  	[spmem:s11] =	stream.linear.scatter [tilespmem:s21], [sflag:$0x2], $0xC00, $0x38;
	[tilespmem:$0x11E60] =	vst v63  }
0x105: {  	_ =	swait.ge [sflag:s20], $0xC00  }
0x106: {  	[sflag:s20] =	ssyncset.done $0x0  }
0x107: {  	[sflag:s20] =	ssyncadd.s32 $0xFFFFF400  }
0x108: {  	[spmem:s15] =	stream.linear.scatter [tilespmem:s21], [sflag:$0x2], $0xC00, $0x38;
	[tilespmem:$0x11E60] =	vst v63  }
0x109: {  	_ =	swait.ge [sflag:s20], $0xC00  }
0x10a: {  	[sflag:s20] =	ssyncset.done $0x0  }
0x10b: {  	[sflag:s20] =	ssyncadd.s32 $0xFFFFF400  }
0x10c: {  	[spmem:s12] =	stream.linear.scatter [tilespmem:s21], [sflag:$0x2], $0xC00, $0x38;
	[tilespmem:$0x11E60] =	vst v63  }
0x10d: {  	_ =	swait.ge [sflag:s20], $0xC00  }
0x10e: {  	[sflag:s20] =	ssyncset.done $0x0  }
0x10f: {  	[sflag:s20] =	ssyncadd.s32 $0xFFFFF400  }
0x110: {  	[spmem:s13] =	stream.linear.scatter [tilespmem:s21], [sflag:$0x2], $0xC00, $0x38;
	[tilespmem:$0x11E60] =	vst v63  }
0x111: {  	_ =	swait.ge [sflag:s20], $0xC00  }
0x112: {  	[sflag:s20] =	ssyncset.done $0x0  }
0x113: {  	[sflag:s20] =	ssyncadd.s32 $0xFFFFF400  }
0x114: {  	[spmem:s14] =	stream.linear.scatter [tilespmem:s21], [sflag:$0x2], $0xC00, $0x38;
	[tilespmem:$0x11E60] =	vst v63  }
0x115: {  	_ =	swait.ge [sflag:s20], $0xC00  }
0x116: {  	[sflag:s20] =	ssyncset.done $0x0  }
0x117: {  	[sflag:s20] =	ssyncadd.s32 $0xFFFFF400  }
0x118: {  	[spmem:s16] =	stream.linear.scatter [tilespmem:s21], [sflag:$0x2], $0xC00, $0x38;
	[tilespmem:$0x11E60] =	vst v63  }
0x119: {  	_ =	swait.ge [sflag:s20], $0xC00  }
0x11a: {  	[sflag:s20] =	ssyncset.done $0x0  }
0x11b: {  	[sflag:s20] =	ssyncadd.s32 $0xFFFFF400  }
0x11c: {  	[spmem:s18] =	stream.linear.scatter [tilespmem:s21], [sflag:$0x2], $0xC00, $0x38;
	[tilespmem:$0x11E60] =	vst v63  }
0x11d: {  	_ =	swait.ge [sflag:s20], $0xC00  }
0x11e: {  	[sflag:s20] =	ssyncset.done $0x0  }
0x11f: {  	[sflag:s20] =	ssyncadd.s32 $0xFFFFF400  }
0x120: {  	[spmem:s26] =	stream.linear.scatter [tilespmem:s21], [sflag:$0x2], $0xC00, $0x38;
	[tilespmem:$0x11E60] =	vst v63  }
0x121: {  	_ =	swait.ge [sflag:s20], $0xC00  }
0x122: {  	[sflag:s20] =	ssyncset.done $0x0  }
0x123: {  	[sflag:s20] =	ssyncadd.s32 $0xFFFFF400  }
0x124: {  	[spmem:s0] =	stream.linear.scatter [tilespmem:s21], [sflag:$0x2], $0xC00, $0x38;
	[tilespmem:$0x11E60] =	vst v63  }
0x125: {  	_ =	swait.ge [sflag:s20], $0xC00  }
0x126: {  	[sflag:s20] =	ssyncset.done $0x0  }
0x127: {  	[sflag:s20] =	ssyncadd.s32 $0xFFFFF400  }
0x128: {  	[spmem:s2] =	stream.linear.scatter [tilespmem:s21], [sflag:$0x2], $0xC00, $0x38;
	[tilespmem:$0x11E60] =	vst v63  }
0x129: {  	_ =	swait.ge [sflag:s20], $0xC00  }
0x12a: {  	[sflag:s20] =	ssyncset.done $0x0  }
0x12b: {  	[sflag:s20] =	ssyncadd.s32 $0xFFFFF400  }
0x12c: {  	[spmem:s3] =	stream.linear.scatter [tilespmem:s21], [sflag:$0x2], $0xC00, $0x38;
	[tilespmem:$0x11E60] =	vst v63  }
0x12d: {  	_ =	swait.ge [sflag:s20], $0xC00  }
0x12e: {  	[sflag:s20] =	ssyncset.done $0x0  }
0x12f: {  	[sflag:s20] =	ssyncadd.s32 $0xFFFFF400  }
0x130: {  	[spmem:s17] =	stream.linear.scatter [tilespmem:s21], [sflag:$0x2], $0xC00, $0x38;
	[tilespmem:$0x11E60] =	vst v63  }
0x131: {  	_ =	swait.ge [sflag:s20], $0xC00  }
0x132: {  	[sflag:s20] =	ssyncset.done $0x0  }
0x133: {  	[sflag:s20] =	ssyncadd.s32 $0xFFFFF400  }
0x134: {  	[spmem:s25] =	stream.linear.scatter [tilespmem:s21], [sflag:$0x2], $0xC00, $0x38;
	[tilespmem:$0x11E60] =	vst v63  }
0x135: {  	_ =	swait.ge [sflag:s20], $0xC00  }
0x136: {  	[sflag:s20] =	ssyncset.done $0x0  }
0x137: {  	s11 =	simm.s32 @!p0 $0x11260;
	[sflag:s20] =	ssyncadd.s32 $0xFFFFF400  }
0x138: {  	[spmem:s19] =	stream.linear.scatter @!p0 [tilespmem:s11], [sflag:$0x2], $0x400, $0x38;
	[tilespmem:$0x11E60] =	vst v63  }
0x139: {  	_ =	swait.ge @!p0 [sflag:s10], $0x400  }
0x13a: {  	s16 =	simm.s32 $0x9C40;
	s18 =	simm.s32 $0x1;
	[sflag:s10] =	ssyncset.done @!p0 $0x0  }
0x13b: {  	s17 =	simm.s32 $0xEA60;
	[sflag:s10] =	ssyncadd.s32 @!p0 $0xFFFFFC00;
	s10 =	sand.u32 $0x1, s18  }
0x13c: {  	[bflag:$0x0] =	sbarrier.arrive $0xFFFF;
	p1 =	seq.s32 s10, $0x1;
	s10 =	simm.s32 $0xFE60  }
0x13d: {  	[tilespmem:s17], [sflag:$0x1] =	stream.indirect.gather [hbm4b:s1+s22], $0x40, s16, s22, $0xb8;
	[tilespmem:$0x11E60] =	vst v63  }
0x13e: {  	s19 =	simm.s32 $0x9C90;
	s10 =	simm.s32 @!p1 $0xEA60  }
0x13f: {  	[tilespmem:s10], [sflag:$0x1] =	stream.indirect.gather [hbm4b:s1+s22], $0x40, s19, s22, $0xb8;
	[tilespmem:$0x11E60] =	vst v63  }
0x140: {  	s12 =	simm.s32 $0x3;
	_ =	swait.ge [sflag:s24], $0x1400  }
0x141: {  	s26 =	simm.s32 $0x2;
	s10 =	simm.s32 $0xEA60;
	[sflag:s24] =	ssyncset.done $0x0  }
0x142: {  	s25 =	simm.s32 $0xC350;
	s10 =	simm.s32 @!p1 $0xFE60;
	[sflag:s24] =	ssyncadd.s32 $0xFFFFEC00  }
0x143: {  	[spmem:s31] =	stream.indirect.scatter.add.f32 [tilespmem:s10], [sflag:$0x2], $0x40, s25, s22, $0xb8;
	[tilespmem:$0x11E60] =	vst v63  }
0x144: {  	s11 =	simm.s32 $0x9CE0;
	s10 =	sand.u32 $0x1, s26;
	_ =	swait.ge [sflag:s20], $0x1400  }
0x145: {  	p1 =	seq.s32 s10, $0x1;
	s10 =	simm.s32 $0xC3A0;
	[sflag:s20] =	ssyncset.done $0x0  }
.LBB2_6:
0x146: {  	s13 =	simm.s32 $0xFE60;
	[sflag:s20] =	ssyncadd.s32 $0xFFFFEC00  }
0x147: {  	s14 =	smov.u32 s12;
	s15 =	sadd.s32 $0x1, s12;
	s13 =	simm.s32 @!p1 $0xEA60  }
0x148: {  	[tilespmem:s13], [sflag:$0x1] =	stream.indirect.gather [hbm4b:s1+s22], $0x40, s11, s22, $0xb8;
	[tilespmem:$0x11E60] =	vst v63  }
0x149: {  	p2 =	sne.s32 s12, $0x7C;
	_ =	swait.ge [sflag:s24], $0x1400  }
.Ltmp2:
0x14a: {  	s12 =	simm.s32 $0xEA60;
	[sflag:s24] =	ssyncset.done $0x0;
	(pc) =	sbr.rel @p2 .LBB2_6-.Ltmp2, $4  }
0x14b: {  	s12 =	simm.s32 @!p1 $0xFE60;
	s11 =	sadd.s32 $0x50, s11;
	[sflag:s24] =	ssyncadd.s32 $0xFFFFEC00  }
0x14c: {  	[spmem:s31] =	stream.indirect.scatter.add.f32 [tilespmem:s12], [sflag:$0x2], $0x40, s10, s22, $0xb8;
	[tilespmem:$0x11E60] =	vst v63  }
0x14d: {  	s12 =	sand.u32 $0x1, s14;
	s10 =	sadd.s32 $0x50, s10;
	_ =	swait.ge [sflag:s20], $0x1400  }
0x14e: {  	p1 =	seq.s32 s12, $0x1;
	s12 =	smov.u32 s15;
	[sflag:s20] =	ssyncset.done $0x0  }
0x14f: {  	s12 =	simm.s32 $0xFE60  }
0x150: {  	[sflag:s20] =	ssyncadd.s32 $0xFFFFEC00;
	s12 =	simm.s32 @!p1 $0xEA60  }
0x151: {  	[tilespmem:s12], [sflag:$0x1] =	stream.indirect.gather [hbm4b:s1+s22], $0x40, s11, s22, $0xb8;
	[tilespmem:$0x11E60] =	vst v63  }
0x152: {  	_ =	swait.ge [sflag:s24], $0x1400  }
0x153: {  	s11 =	simm.s32 $0xEA60;
	[sflag:s24] =	ssyncset.done $0x0  }
0x154: {  	s11 =	simm.s32 @!p1 $0xFE60;
	[sflag:s24] =	ssyncadd.s32 $0xFFFFEC00  }
0x155: {  	[spmem:s31] =	stream.indirect.scatter.add.f32 [tilespmem:s11], [sflag:$0x2], $0x40, s10, s22, $0xb8;
	[tilespmem:$0x11E60] =	vst v63  }
0x156: {  	_ =	swait.ge [sflag:s20], $0x1400  }
0x157: {  	[sflag:s20] =	ssyncset.done $0x0  }
0x158: {  	[sflag:s20] =	ssyncadd.s32 $0xFFFFEC00  }
0x159: {  	_ =	swait.ge [sflag:s24], $0x1400  }
0x15a: {  	[sflag:s24] =	ssyncset.done $0x0  }
0x15b: {  	s12 =	simm.s32 $0xEA10;
	[sflag:s24] =	ssyncadd.s32 $0xFFFFEC00  }
0x15c: {  	[spmem:s31] =	stream.indirect.scatter.add.f32 [tilespmem:s17], [sflag:$0x2], $0x40, s12, s22, $0xb8;
	[tilespmem:$0x11E60] =	vst v63  }
0x15d: {  	_ =	swait.ge [sflag:s20], $0x1400  }
0x15e: {  	[sflag:s20] =	ssyncset.done $0x0  }
0x15f: {  	[sflag:s20] =	ssyncadd.s32 $0xFFFFEC00  }
0x160: {  	[bflag:$0x0] =	sbarrier.arrive $0xFFFF  }
0x161: {  	s0 =	sld [smem:$0x7E4];
	_ =	sdelay $0x1  }
0x162: {  	s14 =	rddreg [dreg:$0x12]  }
0x163: {  	[hbm:s14], [sflag:s30] =	dma.local [spmem:s0], $0x180  }
0x164: {  	_ =	swait.ge [sflag:s20], $0x180  }
0x165: {  	s18 =	sld [smem:$0x7E5]  }
0x166: {  	[sflag:s20] =	ssyncset.done $0x0  }
0x167: {  	s15 =	rddreg [dreg:$0x13];
	[sflag:s20] =	ssyncadd.s32 $0xFFFFFE80  }
0x168: {  	[hbm:s15], [sflag:s30] =	dma.local [spmem:s18], $0x180  }
0x169: {  	_ =	swait.ge [sflag:s20], $0x180  }
0x16a: {  	s2 =	sld [smem:$0x7E6]  }
0x16b: {  	[sflag:s20] =	ssyncset.done $0x0  }
0x16c: {  	s19 =	rddreg [dreg:$0x14];
	[sflag:s20] =	ssyncadd.s32 $0xFFFFFE80  }
0x16d: {  	[hbm:s19], [sflag:s30] =	dma.local [spmem:s2], $0x180  }
0x16e: {  	_ =	swait.ge [sflag:s20], $0x180  }
0x16f: {  	s26 =	sld [smem:$0x7E7]  }
0x170: {  	[sflag:s20] =	ssyncset.done $0x0  }
0x171: {  	s25 =	rddreg [dreg:$0x15];
	[sflag:s20] =	ssyncadd.s32 $0xFFFFFE80  }
0x172: {  	[hbm:s25], [sflag:s30] =	dma.local [spmem:s26], $0x180  }
0x173: {  	_ =	swait.ge [sflag:s20], $0x180  }
0x174: {  	s3 =	sld [smem:$0x7E8]  }
0x175: {  	[sflag:s20] =	ssyncset.done $0x0  }
0x176: {  	s2 =	rddreg [dreg:$0x16];
	[sflag:s20] =	ssyncadd.s32 $0xFFFFFE80  }
0x177: {  	[hbm:s2], [sflag:s30] =	dma.local [spmem:s3], $0x180  }
0x178: {  	_ =	swait.ge [sflag:s20], $0x180  }
0x179: {  	s11 =	sld [smem:$0x7E9]  }
0x17a: {  	[sflag:s20] =	ssyncset.done $0x0  }
0x17b: {  	s10 =	rddreg [dreg:$0x17];
	[sflag:s20] =	ssyncadd.s32 $0xFFFFFE80  }
0x17c: {  	[hbm:s10], [sflag:s30] =	dma.local [spmem:s11], $0x180  }
0x17d: {  	_ =	swait.ge [sflag:s20], $0x180  }
0x17e: {  	s14 =	sld [smem:$0x7EA]  }
0x17f: {  	[sflag:s20] =	ssyncset.done $0x0  }
0x180: {  	s13 =	rddreg [dreg:$0x18];
	[sflag:s20] =	ssyncadd.s32 $0xFFFFFE80  }
0x181: {  	[hbm:s13], [sflag:s30] =	dma.local [spmem:s14], $0x180  }
0x182: {  	_ =	swait.ge [sflag:s20], $0x180  }
0x183: {  	[sflag:s20] =	ssyncset.done $0x0  }
0x184: {  	s15 =	rddreg [dreg:$0x19];
	[sflag:s20] =	ssyncadd.s32 $0xFFFFFE80  }
0x185: {  	[hbm:s15], [sflag:s30] =	dma.local [spmem:s23], $0x180  }
0x186: {  	_ =	swait.ge [sflag:s20], $0x180  }
0x187: {  	[sflag:s20] =	ssyncset.done $0x0  }
0x188: {  	s18 =	rddreg [dreg:$0x1a];
	[sflag:s20] =	ssyncadd.s32 $0xFFFFFE80  }
0x189: {  	[hbm:s18], [sflag:s30] =	dma.local [spmem:s4], $0x180  }
0x18a: {  	_ =	swait.ge [sflag:s20], $0x180  }
0x18b: {  	[sflag:s20] =	ssyncset.done $0x0  }
0x18c: {  	s19 =	rddreg [dreg:$0x1b];
	[sflag:s20] =	ssyncadd.s32 $0xFFFFFE80  }
0x18d: {  	[hbm:s19], [sflag:s30] =	dma.local [spmem:s5], $0x180  }
0x18e: {  	_ =	swait.ge [sflag:s20], $0x180  }
0x18f: {  	[sflag:s20] =	ssyncset.done $0x0  }
0x190: {  	s23 =	rddreg [dreg:$0x1c];
	[sflag:s20] =	ssyncadd.s32 $0xFFFFFE80  }
0x191: {  	[hbm:s23], [sflag:s30] =	dma.local [spmem:s6], $0x180  }
0x192: {  	_ =	swait.ge [sflag:s20], $0x180  }
0x193: {  	[sflag:s20] =	ssyncset.done $0x0  }
0x194: {  	s25 =	rddreg [dreg:$0x1d];
	[sflag:s20] =	ssyncadd.s32 $0xFFFFFE80  }
0x195: {  	[hbm:s25], [sflag:s30] =	dma.local [spmem:s7], $0x180  }
0x196: {  	_ =	swait.ge [sflag:s20], $0x180  }
0x197: {  	[sflag:s20] =	ssyncset.done $0x0  }
0x198: {  	s26 =	rddreg [dreg:$0x1e];
	[sflag:s20] =	ssyncadd.s32 $0xFFFFFE80  }
0x199: {  	[hbm:s26], [sflag:s30] =	dma.local [spmem:s8], $0x180  }
0x19a: {  	_ =	swait.ge [sflag:s20], $0x180  }
0x19b: {  	[sflag:s20] =	ssyncset.done $0x0  }
0x19c: {  	s0 =	rddreg [dreg:$0x1f];
	[sflag:s20] =	ssyncadd.s32 $0xFFFFFE80  }
0x19d: {  	[hbm:s0], [sflag:s30] =	dma.local @!p0 [spmem:s9], $0x80  }
0x19e: {  	s0 =	simm.s32 @!p0 $0x2  }
0x19f: {  	_ =	swait.ge @!p0 [sflag:s0], $0x80  }
0x1a0: {  	s30 =	sld [smem:$0x7FA];
	_ =	sdelay $0x1  }
0x1a1: {  	s29 =	sadd.s32 $0x1, s29  }
0x1a2: {  	p1 =	sne.s32 s29, s30  }
.Ltmp3:
0x1a3: {  	_ = 	snop;
	(pc) =	sbr.rel @p1 .LBB2_1-.Ltmp3, $3  }
0x1a4: {  	_ =	sdelay $0x1  }
0x1a5: {  	[sflag:s0] =	ssyncset.done @!p0 $0x0;
	s11 =	sld [smem:$0x7FC]  }
0x1a6: {  	s15 =	sld [smem:$0x7FD];
	[sflag:s0] =	ssyncadd.s32 @!p0 $0xFFFFFF80  }
0x1a7: {  	_ =	sfence.sel $0x180000  }
0x1a8: {  	[bflag:$0x0] =	sbarrier.arrive $0xFFFF  }
0x1a9: {  	_ =	strace $0x9000004A  }
0x1aa: {  	s0 =	stileid.u32;
	[bflag:$0x2] =	sbarrier.arrive $0xFFFF  }
0x1ab: {  	p0 =	sne.s32 s0, $0x0;
	s0 =	rddreg [dreg:$0x3]  }
0x1ac: {  	s0 =	sadd.s32 @!p0 $0x100000, s0  }
0x1ad: {  	[sflag:s0] =	ssyncadd.tile.s32 @!p0 $0x1;
	_ =	shalt  }
.Lfunc_end2:
_tile_overlayer_lowered:
.L_overlay_start_2:
0x1ae: {  	(tag) =	ssettag $0x2  }
0x1af: {  	s0 =	rddreg [dreg:$0x0];
	s2 =	stileid.u32  }
0x1b0: {  	s1 =	rddreg [dreg:$0x1];
	p0 =	sne.s32 s2, $0x0  }
0x1b1: {  	s3 =	rddreg [dreg:$0x2];
	[bflag:$0x3] =	sbarrier.arrive $0xFFFF;
	s2 =	simm.s32 @!p0 $0x1C02  }
0x1b2: {  	[timem:s3], [sflag:s2] =	dma.local @!p0 [hbm:s0], s1  }
0x1b3: {  	s0 =	simm.s32 @!p0 $0x2  }
0x1b4: {  	_ =	swait.ge @!p0 [sflag:s0], s1  }
0x1b5: {  	s1 =	ssub.s32 @!p0 $0x0, s1;
	[sflag:s0] =	ssyncset.done @!p0 $0x0  }
0x1b6: {  	[sflag:s0] =	ssyncadd.s32 @!p0 s1  }
0x1b7: {  	[bflag:$0x3] =	sbarrier.arrive $0xFFFF  }
0x1b8: {  	_ =	shalt  }

// kernel: kernel.14.cloned.1.call-start
scs
__scs_entry_jumppad:
0x0: {  	(pc) =	sbr.rel $0x88, $3  }
0x1: {  	(tag) =	ssettag $0x0;
	lr =	simm.s32 $0x1  }
0x2: {  	[smem:$0x3F9B] =	sst lr;
	_ =	strace $0xD0000000  }
0x3: {  	_ = 	snop  }
0x4: {  	_ = 	snop  }
0x5: {  	_ = 	snop  }
0x6: {  	_ = 	snop  }
0x7: {  	_ = 	snop  }
__scs_overlays_trampoline_lowered:
0x8: {  	[smem:$0x3FAA] =	sst s0  }
0x9: {  	[smem:$0x3FAB] =	sst s1  }
0xa: {  	[smem:$0x3FAC] =	sst s2  }
0xb: {  	[smem:$0x3FAD] =	sst s3  }
0xc: {  	[smem:$0x3FAE] =	sst s4  }
0xd: {  	[smem:$0x3FAF] =	sst s5  }
0xe: {  	[smem:$0x3FB0] =	sst s6  }
0xf: {  	[smem:$0x3FB1] =	sst s7  }
0x10: {  	[smem:$0x3FB2] =	sst s8  }
0x11: {  	[smem:$0x3FB3] =	sst s9;
	s0 =	simm.s32 @!p0 $0x0  }
0x12: {  	s1 =	sld [smem:$0x3F99];
	s0 =	simm.s32 @p0 $0x1  }
0x13: {  	[smem:$0x3FB4] =	sst s0;
	s0 =	simm.s32 @!p1 $0x0  }
0x14: {  	s2 =	sld [smem:$0x3F98];
	s0 =	simm.s32 @p1 $0x1  }
0x15: {  	[smem:$0x3FB5] =	sst s0;
	s0 =	simm.s32 @!p2 $0x0  }
0x16: {  	s3 =	sld [smem:$0x3FDB];
	s0 =	simm.s32 @p2 $0x1  }
0x17: {  	s4 =	simm.s32 $0x1BF5;
	[smem:$0x3FB7] =	sst s0  }
0x18: {  	s0 =	sld [smem:$0x3F9A];
	_ =	swait.ge [sflag:s4], $0x0  }
0x19: {  	s7 =	sld [smem:$0x3F9B]  }
0x1a: {  	s8 =	sadd.s32 $0xFFFFE003, lr  }
0x1b: {  	s9 =	sadd.s32 $0xFFFFFEF7, lr;
	s5 =	simm.s32 $0xFFFFFFFF;
	p2 =	slt.u32 s8, $0xFFFFF086  }
0x1c: {  	p1 =	slt.u32 s9, $0xF7A;
	s5 =	simm.s32 @!p2 $0x0  }
0x1d: {  	s5 =	simm.s32 @p1 $0x1;
	p0 =	seq.s32 s7, s2  }
0x1e: {  	s7 =	smul.u32 @!p0 $0xF7A, s2;
	p2 =	seq.s32 @!p0 s5, $0x0  }
0x1f: {  	s9 =	smul.u32 $0xF7A, s1;
	s8 =	simm.s32 @!p0 $0x1BF5;
	p2 =	por !p2, p0  }
0x20: {  	[sflag:s8] =	ssyncset.s32 @!p0 $0xFFFFF086;
	s6 =	sadd.s32 @!p0 s3, s7;
	s7 =	simm.s32 @!p0 $0x108  }
0x21: {  	s3 =	sadd.s32 s3, s9;
	s6 =	sadd.s32 @!p0 $0x88, s6;
	s7 =	simm.s32 @p2 $0x1082  }
0x22: {  	[simem:s7], [sflag:s8] =	dma.local @!p0 [hbm:s6], $0xF7A  }
0x23: {  	s9 =	sor.u32 $0xD0000000, s2;
	s6 =	simm.s32 $0x108;
	_ =	swait.ge @!p0 [sflag:s8], $0x0  }
0x24: {  	s3 =	sadd.s32 $0x88, s3;
	s6 =	simm.s32 @!p1 $0x1082;
	[sflag:s4] =	ssyncset.s32 $0xFFFFF086  }
0x25: {  	[simem:s6], [sflag:s4] =	dma.local [hbm:s3], $0xF7A  }
0x26: {  	[smem:$0x3F9B] =	sst s1;
	(tag) =	ssettag s2;
	_ =	strace s9  }
0x27: {  	s1 =	sld [smem:$0x3FAB]  }
0x28: {  	s2 =	sld [smem:$0x3FAC]  }
0x29: {  	s4 =	sld [smem:$0x3FAE]  }
0x2a: {  	p0 =	seq.s32 s5, $0x0;
	s5 =	sld [smem:$0x3FAF]  }
0x2b: {  	s6 =	sld [smem:$0x3FB0]  }
0x2c: {  	s7 =	sld [smem:$0x3FB1]  }
0x2d: {  	s3 =	simm.s32 $0x108;
	s8 =	sld [smem:$0x3FB2]  }
0x2e: {  	s3 =	simm.s32 @!p0 $0x1082;
	s9 =	sld [smem:$0x3FB3]  }
0x2f: {  	lr =	sadd.s32 s0, s3;
	s0 =	sld [smem:$0x3FAA]  }
0x30: {  	s3 =	sld [smem:$0x3FAD]  }
0x31: {  	[smem:$0x3FB6] =	sst s10  }
0x32: {  	s10 =	sld [smem:$0x3FB4];
	_ =	sdelay $0x3  }
0x33: {  	p0 =	seq.s32 s10, $0x1;
	s10 =	sld [smem:$0x3FB6];
	_ =	sdelay $0x3  }
0x34: {  	[smem:$0x3FB6] =	sst s10  }
0x35: {  	s10 =	sld [smem:$0x3FB5];
	_ =	sdelay $0x3  }
0x36: {  	p1 =	seq.s32 s10, $0x1;
	s10 =	sld [smem:$0x3FB6];
	_ =	sdelay $0x3  }
0x37: {  	[smem:$0x3FB6] =	sst s10  }
0x38: {  	s10 =	sld [smem:$0x3FB7]  }
0x39: {  	_ = 	snop;
	(pc) =	sbr.ind lr, $3  }
0x3a: {  	_ = 	snop  }
0x3b: {  	_ = 	snop  }
0x3c: {  	p2 =	seq.s32 s10, $0x1;
	s10 =	sld [smem:$0x3FB6]  }
0x3d: {  	_ =	shalt  }
0x3e: {  	_ =	shalt  }
0x3f: {  	_ =	shalt  }
0x40: {  	_ =	shalt  }
0x41: {  	_ =	shalt  }
0x42: {  	_ =	shalt  }
0x43: {  	_ =	shalt  }
0x44: {  	_ =	shalt  }
0x45: {  	_ =	shalt  }
0x46: {  	_ =	shalt  }
0x47: {  	_ =	shalt  }
0x48: {  	_ =	shalt  }
0x49: {  	_ =	shalt  }
0x4a: {  	_ =	shalt  }
0x4b: {  	_ =	shalt  }
0x4c: {  	_ =	shalt  }
0x4d: {  	_ =	shalt  }
0x4e: {  	_ =	shalt  }
0x4f: {  	_ =	shalt  }
0x50: {  	_ =	shalt  }
0x51: {  	_ =	shalt  }
0x52: {  	_ =	shalt  }
0x53: {  	_ =	shalt  }
0x54: {  	_ =	shalt  }
0x55: {  	_ =	shalt  }
0x56: {  	_ =	shalt  }
0x57: {  	_ =	shalt  }
0x58: {  	_ =	shalt  }
0x59: {  	_ =	shalt  }
0x5a: {  	_ =	shalt  }
0x5b: {  	_ =	shalt  }
0x5c: {  	_ =	shalt  }
0x5d: {  	_ =	shalt  }
0x5e: {  	_ =	shalt  }
0x5f: {  	_ =	shalt  }
0x60: {  	_ =	shalt  }
0x61: {  	_ =	shalt  }
0x62: {  	_ =	shalt  }
0x63: {  	_ =	shalt  }
0x64: {  	_ =	shalt  }
0x65: {  	_ =	shalt  }
0x66: {  	_ =	shalt  }
0x67: {  	_ =	shalt  }
0x68: {  	_ =	shalt  }
0x69: {  	_ =	shalt  }
0x6a: {  	_ =	shalt  }
0x6b: {  	_ =	shalt  }
0x6c: {  	_ =	shalt  }
0x6d: {  	_ =	shalt  }
0x6e: {  	_ =	shalt  }
0x6f: {  	_ =	shalt  }
0x70: {  	_ =	shalt  }
0x71: {  	_ =	shalt  }
0x72: {  	_ =	shalt  }
0x73: {  	_ =	shalt  }
0x74: {  	_ =	shalt  }
0x75: {  	_ =	shalt  }
0x76: {  	_ =	shalt  }
0x77: {  	_ =	shalt  }
0x78: {  	_ =	shalt  }
0x79: {  	_ =	shalt  }
0x7a: {  	_ =	shalt  }
0x7b: {  	_ =	shalt  }
0x7c: {  	_ =	shalt  }
0x7d: {  	_ =	shalt  }
0x7e: {  	_ =	shalt  }
0x7f: {  	_ =	shalt  }
0x80: {  	_ =	shalt  }
0x81: {  	_ =	shalt  }
0x82: {  	_ =	shalt  }
0x83: {  	_ =	shalt  }
0x84: {  	_ =	shalt  }
0x85: {  	_ =	shalt  }
0x86: {  	_ =	shalt  }
0x87: {  	_ =	shalt  }
.Lfunc_end0:
.L_simem_size_0:
called_computation.2_lowered:
.L_overlay_start_0:
0x88: {  	s2 =	sld [smem:$0x3FD9]  }
0x89: {  	s3 =	sld [smem:$0x3FFE];
	_ =	sdelay $0x1  }
0x8a: {  	s1 =	srdreg.scid  }
0x8b: {  	s0 =	sand.u32 $0x1, s1  }
0x8c: {  	s17 =	sshll.u32 s0, $0xA;
	s2 =	sadd.s32 s3, s2  }
0x8d: {  	s2 =	sadd.s32 s2, s17  }
0x8e: {  	[smem:$0x3FC2] =	sst s2  }
0x8f: {  	_ = 	snop  }
0x90: {  	s2 =	sld [smem:$0x3FD0];
	(tm) =	ssettm $0x1  }
0x91: {  	s18 =	sld [smem:$0x3FFB];
	_ =	sdelay $0x3  }
0x92: {  	_ =	strace s18  }
0x93: {  	s3 =	sld [smem:$0x3FFC];
	_ =	sdelay $0x3  }
0x94: {  	_ =	strace s3  }
0x95: {  	s3 =	sld [smem:$0x3FFD];
	_ =	sdelay $0x3  }
0x96: {  	_ =	strace s3  }
0x97: {  	_ =	strace $0x8FFFFFFF  }
0x98: {  	s19 =	sld [smem:$0x3FDB];
	_ =	sdelay $0x1  }
0x99: {  	s4 =	simm.s32 $_scs_section_size  }
0x9a: {  	s5 =	simm.s32 $_size__tile_overlayer_lowered;
	s6 =	simm.s32 $_tile_overlayer_lowered  }
0x9b: {  	s22 =	simm.s32 $0x1BFF;
	s21 =	sshll.u32 s6, $0x1;
	s3 =	sadd.s32 s4, s19  }
0x9c: {  	s7 =	simm.s32 $0x0;
	s20 =	sshll.u32 s5, $0x1;
	s5 =	sadd.s32 s21, s3  }
0x9d: {  	[timem:s7], [sflag:s22] =	dma.local [hbm:s5], s20  }
0x9e: {  	_ =	swait.ge [sflag:s22], s20  }
0x9f: {  	s4 =	ssub.s32 $0x0, s20;
	[sflag:s22] =	ssyncset.done $0x0  }
0xa0: {  	[sflag:s22] =	ssyncadd.s32 s4;
	_ =	sdelay $0x1  }
0xa1: {  	s23 =	simm.s32 $0x1B8B  }
0xa2: {  	_ =	swait.ge [sflag:s23], $0x1  }
0xa3: {  	[sflag:s23] =	ssyncset.done $0x0  }
0xa4: {  	s25 =	simm.s32 $0x1B8E;
	s24 =	sld [smem:$0x3FFE];
	[sflag:s23] =	ssyncadd.s32 $0xFFFFFFFF  }
0xa5: {  	s26 =	simm.s32 $execute0_lowered;
	[smem:$0x3FD2] =	sst s25  }
0xa6: {  	s5 =	sshll.u32 s26, $0x1;
	_ =	strace $0x8000004C;
	[dreg:$0x1] =	wrdreg $0xFFFFFFFF  }
0xa7: {  	s28 =	simm.s32 $_size_execute0_lowered;
	s3 =	sadd.s32 s3, s5;
	[dreg:$0x0] =	wrdreg $0x0  }
0xa8: {  	s5 =	sshll.u32 s28, $0x1;
	[dreg:$0x2] =	wrdreg s3  }
0xa9: {  	[dreg:$0x3] =	wrdreg s5  }
0xaa: {  	[dreg:$0x4] =	wrdreg $0xC0  }
0xab: {  	_ =	task [dreg:s7], $0x5FFFF  }
0xac: {  	[dreg:$0x1] =	wrdreg $0xFFFFFFFF  }
0xad: {  	[dreg:$0x0] =	wrdreg $0x60  }
0xae: {  	[dreg:$0x2] =	wrdreg s2  }
0xaf: {  	[dreg:$0x3] =	wrdreg s24  }
0xb0: {  	[dreg:$0x4] =	wrdreg $0x0  }
0xb1: {  	[dreg:$0x5] =	wrdreg $0x9  }
0xb2: {  	_ =	task.clear_ibuf [dreg:s7], $0x6FFFF;
	_ =	strace $0x9000004C  }
0xb3: {  	s29 =	simm.s32 $0x9;
	_ =	strace $0x8000004E  }
0xb4: {  	_ =	swait.ge [sflag:s29], $0x1  }
0xb5: {  	[sflag:s29] =	ssyncadd.s32 $0xFFFFFFFF  }
0xb6: {  	_ =	strace $0x9000004E  }
0xb7: {  	_ =	sfence  }
0xb8: {  	s30 =	sld [smem:$0x0];
	_ =	sdelay $0x2  }
0xb9: {  	s31 =	sshll.u32 s1, $0xD;
	s1 =	sshrl.u32 s1, $0x2  }
0xba: {  	s3 =	sand.u32 $0x4000, s31;
	s1 =	sadd.s32 s1, s30  }
0xbb: {  	s0 =	sor.u32 s3, s0;
	s1 =	sshll.u32 s1, $0x11  }
0xbc: {  	s0 =	sor.u32 s1, s0  }
0xbd: {  	s0 =	sadd.s32 $0x8F2B, s0  }
0xbe: {  	[sflag:s0] =	ssyncadd.remote.s32 $0x1  }
0xbf: {  	_ =	sfence.sel $0xFFFF  }
0xc0: {  	[dreg:$0x0] =	wrdreg $0xFFFFFFFF;
	(pc) =	sbr.abs _section_cstart, $3  }
0xc1: {  	[dreg:$0x1] =	wrdreg $0xFFFFFFFF  }
0xc2: {  	_ =	task.clear_ibuf [dreg:s7], $0x2FFFF;
	_ =	strace $0x9FFFFFFF  }
0xc3: {  	(tm) =	ssettm $0x7FFFFFFF  }
tec
execute0_lowered:
.L_overlay_start_1:
0x0: {  	(tag) =	ssettag $0x1  }
0x1: {  	s0 =	srdreg.scid  }
0x2: {  	s3 =	sand.u32 $0x1, s0  }
0x3: {  	s18 =	stileid.u32;
	s0 =	sshll.u32 s3, $0x4  }
0x4: {  	s0 =	sor.u32 s18, s0  }
0x5: {  	s2 =	rddreg [dreg:$0x1];
	s4 =	simm.s32 $0x0;
	s1 =	smul.u32 $0x4E2, s0  }
0x6: {  	[smem:$0x7FF] =	sst s4;
	s15 =	ssub.s32 $0x2, s3;
	s0 =	smul.u32 $0x9C00, s18  }
0x7: {  	s5 =	sadd.s32 $0x63A00, s2;
	s3 =	smul.u32 $0x9C400, s3;
	s16 =	sshrl.u32 s15, $0x1  }
0x8: {  	s19 =	sadd.s32 s1, s2;
	s2 =	ssub.s32 s15, s16;
	s21 =	sadd.s32 $0xC00, s0  }
0x9: {  	s6 =	sadd.s32 $0x1800, s0;
	s7 =	sadd.s32 $0x2400, s0;
	s8 =	sadd.s32 $0x3000, s0  }
0xa: {  	s9 =	sadd.s32 $0x3C00, s0;
	s10 =	sadd.s32 $0x4800, s0;
	s11 =	sadd.s32 $0x5400, s0  }
0xb: {  	s12 =	sadd.s32 $0x6000, s0;
	s14 =	sadd.s32 $0x6C00, s0;
	s13 =	sadd.s32 s0, s3  }
0xc: {  	s15 =	sadd.s32 $0x7800, s0;
	s13 =	sshrl.u32 s13, $0x3;
	s16 =	sadd.s32 s3, s21  }
0xd: {  	s22 =	sadd.s32 s3, s6;
	s25 =	sadd.s32 s3, s7;
	s4 =	sadd.s32 s3, s8  }
0xe: {  	s17 =	sadd.s32 s5, s13;
	s20 =	sshrl.u32 s16, $0x3;
	s24 =	sshrl.u32 s22, $0x3  }
0xf: {  	s1 =	sshrl.u32 s25, $0x3;
	s22 =	sadd.s32 s3, s9;
	s13 =	rddreg [dreg:$0x0]  }
0x10: {  	s25 =	sadd.s32 s3, s10;
	[dreg:$0x4] =	wrdreg s17;
	s23 =	sadd.s32 s5, s20  }
0x11: {  	s26 =	sadd.s32 s5, s24;
	s17 =	sadd.s32 s5, s1;
	s20 =	sshrl.u32 s4, $0x3  }
0x12: {  	s24 =	sshrl.u32 s22, $0x3;
	s1 =	sshrl.u32 s25, $0x3;
	[dreg:$0x5] =	wrdreg s23  }
0x13: {  	s4 =	sadd.s32 s3, s11;
	s22 =	sadd.s32 s3, s12;
	[dreg:$0x6] =	wrdreg s26  }
0x14: {  	s25 =	sadd.s32 s3, s14;
	[dreg:$0x7] =	wrdreg s17;
	s23 =	sadd.s32 s5, s20  }
0x15: {  	s26 =	sadd.s32 s5, s24;
	s17 =	sadd.s32 s5, s1;
	[dreg:$0x8] =	wrdreg s23  }
0x16: {  	s20 =	sshrl.u32 s4, $0x3;
	s24 =	sshrl.u32 s22, $0x3;
	[dreg:$0x9] =	wrdreg s26  }
0x17: {  	s1 =	sshrl.u32 s25, $0x3;
	s4 =	sadd.s32 s3, s15;
	[dreg:$0xa] =	wrdreg s17  }
0x18: {  	s23 =	sadd.s32 s5, s20;
	s26 =	sadd.s32 s5, s24;
	s17 =	sadd.s32 s5, s1  }
0x19: {  	s20 =	sshrl.u32 s4, $0x3;
	s1 =	sadd.s32 $0x8400, s0;
	[dreg:$0xb] =	wrdreg s23  }
0x1a: {  	s4 =	sadd.s32 $0x9000, s0;
	[dreg:$0xc] =	wrdreg s26;
	s23 =	sadd.s32 s3, s1  }
0x1b: {  	[dreg:$0xd] =	wrdreg s17;
	s22 =	sadd.s32 s5, s20;
	s24 =	sshrl.u32 s23, $0x3  }
0x1c: {  	s17 =	sadd.s32 s3, s4;
	[dreg:$0xe] =	wrdreg s22;
	s16 =	sadd.s32 s5, s24  }
0x1d: {  	p0 =	sne.s32 s18, $0xF;
	s17 =	sshrl.u32 s17, $0x3;
	[dreg:$0xf] =	wrdreg s16  }
0x1e: {  	s2 =	smax.u32 s2, $0x1;
	s17 =	sadd.s32 s5, s17;
	s16 =	rddreg [dreg:$0x2]  }
0x1f: {  	s25 =	sadd.s32 $0x1C00, s19;
	s3 =	sshrl.u32 s3, $0x3;
	[dreg:$0x10] =	wrdreg s17  }
0x20: {  	s26 =	sadd.s32 $0xBA00, s19;
	_ =	strace $0x8000004D;
	[dreg:$0x11] =	wrdreg s25  }
0x21: {  	s3 =	sadd.s32 s5, s3;
	s5 =	simm.s32 $0x2;
	[dreg:$0x12] =	wrdreg s26  }
0x22: {  	s20 =	sadd.s32 s0, s16;
	s21 =	sadd.s32 s21, s16;
	s22 =	sadd.s32 s6, s16  }
0x23: {  	s23 =	sadd.s32 s7, s16;
	s24 =	sadd.s32 s8, s16;
	s25 =	sadd.s32 s9, s16  }
0x24: {  	s26 =	sadd.s32 s10, s16;
	s28 =	sadd.s32 s11, s16;
	s29 =	sadd.s32 s12, s16  }
0x25: {  	s30 =	sadd.s32 s14, s16;
	s31 =	sadd.s32 s15, s16;
	s14 =	sadd.s32 s1, s16  }
0x26: {  	s0 =	sadd.s32 s4, s16;
	s1 =	sadd.s32 $0x13800, s3;
	s3 =	sadd.s32 $0x9C000, s16  }
0x27: {  	s4 =	simm.s32 $0x9C40;
	s6 =	simm.s32 $0x11260;
	s7 =	simm.s32 $0x50  }
0x28: {  	v0 =	vimm.f32 $0.0e+00;
	s8 =	simm.s32 $0xEA60;
	s9 =	simm.s32 $0x1;
	s10 =	simm.s32 $0x0  }
.LBB2_1:
0x29: {  	s12 =	simm.s32 $0x100;
	s11 =	simm.s32 $0x0  }
.LBB2_2:
0x2a: {  	p1 =	sne.s32 s12, $0x2F00;
	[tilespmem:s11+$0x11290] =	vst v0;
	s15 =	smov.u32 s12;
	s12 =	sadd.s32 $0x100, s12  }
.Ltmp0:
0x2b: {  	[tilespmem:s11+$0x11280] =	vst v0;
	(pc) =	sbr.rel @p1 .LBB2_2-.Ltmp0, $3  }
0x2c: {  	[tilespmem:s11+$0x11260] =	vst v0  }
0x2d: {  	[tilespmem:s11+$0x11270] =	vst v0;
	_ =	sdelay $0x1  }
0x2e: {  	s11 =	sshra.s32 s15, $0x2  }
0x2f: {  	[tilespmem:s11+$0x11290] =	vst v0  }
0x30: {  	[tilespmem:s11+$0x11280] =	vst v0  }
0x31: {  	[tilespmem:s11+$0x11260] =	vst v0  }
0x32: {  	[tilespmem:s11+$0x11270] =	vst v0;
	s18 =	simm.s32 $0x0;
	s12 =	rddreg [dreg:$0x11]  }
0x33: {  	[tilespmem:s4], [sflag:$0x2] =	stream.linear.gather [hbm4b:s12+s18], $0x2710, $0x38;
	[tilespmem:$0x11E60] =	vst v63  }
0x34: {  	_ =	swait.ge [sflag:s5], $0x2710  }
0x35: {  	[sflag:s5] =	ssyncset.done $0x0  }
0x36: {  	s15 =	simm.s32 $0xC350;
	s19 =	rddreg [dreg:$0x12];
	[sflag:s5] =	ssyncadd.s32 $0xFFFFD8F0  }
0x37: {  	[tilespmem:s15], [sflag:$0x2] =	stream.linear.gather [hbm4b:s19+s18], $0x2710, $0x38;
	[tilespmem:$0x11E60] =	vst v63  }
0x38: {  	_ =	swait.ge [sflag:s5], $0x2710  }
0x39: {  	[sflag:s5] =	ssyncset.done $0x0  }
0x3a: {  	[sflag:s5] =	ssyncadd.s32 $0xFFFFD8F0  }
0x3b: {  	[spmem:s20] =	stream.linear.scatter [tilespmem:s6], [sflag:$0x2], $0xC00, $0x38;
	[tilespmem:$0x11E60] =	vst v63  }
0x3c: {  	_ =	swait.ge [sflag:s5], $0xC00  }
0x3d: {  	[sflag:s5] =	ssyncset.done $0x0  }
0x3e: {  	[sflag:s5] =	ssyncadd.s32 $0xFFFFF400  }
0x3f: {  	[spmem:s21] =	stream.linear.scatter [tilespmem:s6], [sflag:$0x2], $0xC00, $0x38;
	[tilespmem:$0x11E60] =	vst v63  }
0x40: {  	_ =	swait.ge [sflag:s5], $0xC00  }
0x41: {  	[sflag:s5] =	ssyncset.done $0x0  }
0x42: {  	[sflag:s5] =	ssyncadd.s32 $0xFFFFF400  }
0x43: {  	[spmem:s22] =	stream.linear.scatter [tilespmem:s6], [sflag:$0x2], $0xC00, $0x38;
	[tilespmem:$0x11E60] =	vst v63  }
0x44: {  	_ =	swait.ge [sflag:s5], $0xC00  }
0x45: {  	[sflag:s5] =	ssyncset.done $0x0  }
0x46: {  	[sflag:s5] =	ssyncadd.s32 $0xFFFFF400  }
0x47: {  	[spmem:s23] =	stream.linear.scatter [tilespmem:s6], [sflag:$0x2], $0xC00, $0x38;
	[tilespmem:$0x11E60] =	vst v63  }
0x48: {  	_ =	swait.ge [sflag:s5], $0xC00  }
0x49: {  	[sflag:s5] =	ssyncset.done $0x0  }
0x4a: {  	[sflag:s5] =	ssyncadd.s32 $0xFFFFF400  }
0x4b: {  	[spmem:s24] =	stream.linear.scatter [tilespmem:s6], [sflag:$0x2], $0xC00, $0x38;
	[tilespmem:$0x11E60] =	vst v63  }
0x4c: {  	_ =	swait.ge [sflag:s5], $0xC00  }
0x4d: {  	[sflag:s5] =	ssyncset.done $0x0  }
0x4e: {  	[sflag:s5] =	ssyncadd.s32 $0xFFFFF400  }
0x4f: {  	[spmem:s25] =	stream.linear.scatter [tilespmem:s6], [sflag:$0x2], $0xC00, $0x38;
	[tilespmem:$0x11E60] =	vst v63  }
0x50: {  	_ =	swait.ge [sflag:s5], $0xC00  }
0x51: {  	[sflag:s5] =	ssyncset.done $0x0  }
0x52: {  	[sflag:s5] =	ssyncadd.s32 $0xFFFFF400  }
0x53: {  	[spmem:s26] =	stream.linear.scatter [tilespmem:s6], [sflag:$0x2], $0xC00, $0x38;
	[tilespmem:$0x11E60] =	vst v63  }
0x54: {  	_ =	swait.ge [sflag:s5], $0xC00  }
0x55: {  	[sflag:s5] =	ssyncset.done $0x0  }
0x56: {  	[sflag:s5] =	ssyncadd.s32 $0xFFFFF400  }
0x57: {  	[spmem:s28] =	stream.linear.scatter [tilespmem:s6], [sflag:$0x2], $0xC00, $0x38;
	[tilespmem:$0x11E60] =	vst v63  }
0x58: {  	_ =	swait.ge [sflag:s5], $0xC00  }
0x59: {  	[sflag:s5] =	ssyncset.done $0x0  }
0x5a: {  	[sflag:s5] =	ssyncadd.s32 $0xFFFFF400  }
0x5b: {  	[spmem:s29] =	stream.linear.scatter [tilespmem:s6], [sflag:$0x2], $0xC00, $0x38;
	[tilespmem:$0x11E60] =	vst v63  }
0x5c: {  	_ =	swait.ge [sflag:s5], $0xC00  }
0x5d: {  	[sflag:s5] =	ssyncset.done $0x0  }
0x5e: {  	[sflag:s5] =	ssyncadd.s32 $0xFFFFF400  }
0x5f: {  	[spmem:s30] =	stream.linear.scatter [tilespmem:s6], [sflag:$0x2], $0xC00, $0x38;
	[tilespmem:$0x11E60] =	vst v63  }
0x60: {  	_ =	swait.ge [sflag:s5], $0xC00  }
0x61: {  	[sflag:s5] =	ssyncset.done $0x0  }
0x62: {  	[sflag:s5] =	ssyncadd.s32 $0xFFFFF400  }
0x63: {  	[spmem:s31] =	stream.linear.scatter [tilespmem:s6], [sflag:$0x2], $0xC00, $0x38;
	[tilespmem:$0x11E60] =	vst v63  }
0x64: {  	_ =	swait.ge [sflag:s5], $0xC00  }
0x65: {  	[sflag:s5] =	ssyncset.done $0x0  }
0x66: {  	[sflag:s5] =	ssyncadd.s32 $0xFFFFF400  }
0x67: {  	[spmem:s14] =	stream.linear.scatter [tilespmem:s6], [sflag:$0x2], $0xC00, $0x38;
	[tilespmem:$0x11E60] =	vst v63  }
0x68: {  	_ =	swait.ge [sflag:s5], $0xC00  }
0x69: {  	[sflag:s5] =	ssyncset.done $0x0  }
0x6a: {  	[sflag:s5] =	ssyncadd.s32 $0xFFFFF400  }
0x6b: {  	[spmem:s0] =	stream.linear.scatter [tilespmem:s6], [sflag:$0x2], $0xC00, $0x38;
	[tilespmem:$0x11E60] =	vst v63  }
0x6c: {  	_ =	swait.ge [sflag:s5], $0xC00  }
0x6d: {  	[sflag:s5] =	ssyncset.done $0x0  }
0x6e: {  	s11 =	simm.s32 @!p0 $0x11260;
	[sflag:s5] =	ssyncadd.s32 $0xFFFFF400  }
0x6f: {  	[spmem:s3] =	stream.linear.scatter @!p0 [tilespmem:s11], [sflag:$0x2], $0x400, $0x38;
	[tilespmem:$0x11E60] =	vst v63  }
0x70: {  	s11 =	simm.s32 @!p0 $0x2  }
0x71: {  	_ =	swait.ge @!p0 [sflag:s11], $0x400  }
0x72: {  	s15 =	simm.s32 $0x1;
	[sflag:s11] =	ssyncset.done @!p0 $0x0  }
0x73: {  	[sflag:s11] =	ssyncadd.s32 @!p0 $0xFFFFFC00;
	s11 =	sand.u32 $0x1, s15  }
0x74: {  	[bflag:$0x0] =	sbarrier.arrive $0xFFFF;
	p1 =	seq.s32 s11, $0x1;
	s11 =	simm.s32 $0xFE60  }
0x75: {  	[tilespmem:s8], [sflag:$0x1] =	stream.indirect.gather [hbm4b:s13+s7], $0x40, s4, s7, $0xb8;
	[tilespmem:$0x11E60] =	vst v63  }
0x76: {  	s17 =	simm.s32 $0x9C90;
	s11 =	simm.s32 @!p1 $0xEA60  }
0x77: {  	[tilespmem:s11], [sflag:$0x1] =	stream.indirect.gather [hbm4b:s13+s7], $0x40, s17, s7, $0xb8;
	[tilespmem:$0x11E60] =	vst v63  }
0x78: {  	s12 =	simm.s32 $0x9CE0;
	_ =	swait.ge [sflag:s9], $0x1400  }
0x79: {  	s18 =	simm.s32 $0xC350;
	s11 =	simm.s32 $0xEA60;
	[sflag:s9] =	ssyncset.done $0x0  }
0x7a: {  	s19 =	simm.s32 $0x2;
	s11 =	simm.s32 @!p1 $0xFE60;
	[sflag:s9] =	ssyncadd.s32 $0xFFFFEC00  }
0x7b: {  	[spmem:s16] =	stream.indirect.scatter.add.f32 [tilespmem:s11], [sflag:$0x2], $0x40, s18, s7, $0xb8;
	[tilespmem:$0x11E60] =	vst v63  }
0x7c: {  	s15 =	simm.s32 $0x3;
	s11 =	sand.u32 $0x1, s19;
	_ =	swait.ge [sflag:s5], $0x1400  }
0x7d: {  	p1 =	seq.s32 s11, $0x1;
	s11 =	simm.s32 $0xC3A0;
	[sflag:s5] =	ssyncset.done $0x0  }
.LBB2_4:
0x7e: {  	s17 =	simm.s32 $0xFE60;
	[sflag:s5] =	ssyncadd.s32 $0xFFFFEC00  }
0x7f: {  	s18 =	smov.u32 s15;
	s19 =	sadd.s32 $0x1, s15;
	s17 =	simm.s32 @!p1 $0xEA60  }
0x80: {  	[tilespmem:s17], [sflag:$0x1] =	stream.indirect.gather [hbm4b:s13+s7], $0x40, s12, s7, $0xb8;
	[tilespmem:$0x11E60] =	vst v63  }
0x81: {  	p2 =	sne.s32 s15, $0x7C;
	_ =	swait.ge [sflag:s9], $0x1400  }
.Ltmp1:
0x82: {  	s15 =	simm.s32 $0xEA60;
	[sflag:s9] =	ssyncset.done $0x0;
	(pc) =	sbr.rel @p2 .LBB2_4-.Ltmp1, $4  }
0x83: {  	s15 =	simm.s32 @!p1 $0xFE60;
	s12 =	sadd.s32 $0x50, s12;
	[sflag:s9] =	ssyncadd.s32 $0xFFFFEC00  }
0x84: {  	[spmem:s16] =	stream.indirect.scatter.add.f32 [tilespmem:s15], [sflag:$0x2], $0x40, s11, s7, $0xb8;
	[tilespmem:$0x11E60] =	vst v63  }
0x85: {  	s15 =	sand.u32 $0x1, s18;
	s11 =	sadd.s32 $0x50, s11;
	_ =	swait.ge [sflag:s5], $0x1400  }
0x86: {  	p1 =	seq.s32 s15, $0x1;
	s15 =	smov.u32 s19;
	[sflag:s5] =	ssyncset.done $0x0  }
0x87: {  	s15 =	simm.s32 $0xFE60  }
0x88: {  	[sflag:s5] =	ssyncadd.s32 $0xFFFFEC00;
	s15 =	simm.s32 @!p1 $0xEA60  }
0x89: {  	[tilespmem:s15], [sflag:$0x1] =	stream.indirect.gather [hbm4b:s13+s7], $0x40, s12, s7, $0xb8;
	[tilespmem:$0x11E60] =	vst v63  }
0x8a: {  	_ =	swait.ge [sflag:s9], $0x1400  }
0x8b: {  	s12 =	simm.s32 $0xEA60;
	[sflag:s9] =	ssyncset.done $0x0  }
0x8c: {  	s12 =	simm.s32 @!p1 $0xFE60;
	[sflag:s9] =	ssyncadd.s32 $0xFFFFEC00  }
0x8d: {  	[spmem:s16] =	stream.indirect.scatter.add.f32 [tilespmem:s12], [sflag:$0x2], $0x40, s11, s7, $0xb8;
	[tilespmem:$0x11E60] =	vst v63  }
0x8e: {  	_ =	swait.ge [sflag:s5], $0x1400  }
0x8f: {  	[sflag:s5] =	ssyncset.done $0x0  }
0x90: {  	[sflag:s5] =	ssyncadd.s32 $0xFFFFEC00  }
0x91: {  	_ =	swait.ge [sflag:s9], $0x1400  }
0x92: {  	[sflag:s9] =	ssyncset.done $0x0  }
0x93: {  	s15 =	simm.s32 $0xEA10;
	[sflag:s9] =	ssyncadd.s32 $0xFFFFEC00  }
0x94: {  	[spmem:s16] =	stream.indirect.scatter.add.f32 [tilespmem:s8], [sflag:$0x2], $0x40, s15, s7, $0xb8;
	[tilespmem:$0x11E60] =	vst v63  }
0x95: {  	_ =	swait.ge [sflag:s5], $0x1400  }
0x96: {  	[sflag:s5] =	ssyncset.done $0x0  }
0x97: {  	s17 =	stileid.u32;
	[sflag:s5] =	ssyncadd.s32 $0xFFFFEC00  }
0x98: {  	s11 =	sshll.u32 s17, $0x6;
	[bflag:$0x0] =	sbarrier.arrive $0xFFFF  }
0x99: {  	s18 =	sshrl.u32 s20, $0x3;
	s11 =	sor.u32 $0x1C02, s11;
	s19 =	rddreg [dreg:$0x4]  }
0x9a: {  	[hbm:s19], [sflag:s11] =	dma.local [spmem:s18], $0x180  }
0x9b: {  	_ =	swait.ge [sflag:s5], $0x180  }
0x9c: {  	[sflag:s5] =	ssyncset.done $0x0  }
0x9d: {  	s15 =	sshrl.u32 s21, $0x3;
	s17 =	rddreg [dreg:$0x5];
	[sflag:s5] =	ssyncadd.s32 $0xFFFFFE80  }
0x9e: {  	[hbm:s17], [sflag:s11] =	dma.local [spmem:s15], $0x180  }
0x9f: {  	_ =	swait.ge [sflag:s5], $0x180  }
0xa0: {  	[sflag:s5] =	ssyncset.done $0x0  }
0xa1: {  	s18 =	sshrl.u32 s22, $0x3;
	s19 =	rddreg [dreg:$0x6];
	[sflag:s5] =	ssyncadd.s32 $0xFFFFFE80  }
0xa2: {  	[hbm:s19], [sflag:s11] =	dma.local [spmem:s18], $0x180  }
0xa3: {  	_ =	swait.ge [sflag:s5], $0x180  }
0xa4: {  	[sflag:s5] =	ssyncset.done $0x0  }
0xa5: {  	s15 =	sshrl.u32 s23, $0x3;
	s17 =	rddreg [dreg:$0x7];
	[sflag:s5] =	ssyncadd.s32 $0xFFFFFE80  }
0xa6: {  	[hbm:s17], [sflag:s11] =	dma.local [spmem:s15], $0x180  }
0xa7: {  	_ =	swait.ge [sflag:s5], $0x180  }
0xa8: {  	[sflag:s5] =	ssyncset.done $0x0  }
0xa9: {  	s18 =	sshrl.u32 s24, $0x3;
	s19 =	rddreg [dreg:$0x8];
	[sflag:s5] =	ssyncadd.s32 $0xFFFFFE80  }
0xaa: {  	[hbm:s19], [sflag:s11] =	dma.local [spmem:s18], $0x180  }
0xab: {  	_ =	swait.ge [sflag:s5], $0x180  }
0xac: {  	[sflag:s5] =	ssyncset.done $0x0  }
0xad: {  	s15 =	sshrl.u32 s25, $0x3;
	s17 =	rddreg [dreg:$0x9];
	[sflag:s5] =	ssyncadd.s32 $0xFFFFFE80  }
0xae: {  	[hbm:s17], [sflag:s11] =	dma.local [spmem:s15], $0x180  }
0xaf: {  	_ =	swait.ge [sflag:s5], $0x180  }
0xb0: {  	[sflag:s5] =	ssyncset.done $0x0  }
0xb1: {  	s18 =	sshrl.u32 s26, $0x3;
	s19 =	rddreg [dreg:$0xa];
	[sflag:s5] =	ssyncadd.s32 $0xFFFFFE80  }
0xb2: {  	[hbm:s19], [sflag:s11] =	dma.local [spmem:s18], $0x180  }
0xb3: {  	_ =	swait.ge [sflag:s5], $0x180  }
0xb4: {  	[sflag:s5] =	ssyncset.done $0x0  }
0xb5: {  	s15 =	sshrl.u32 s28, $0x3;
	s17 =	rddreg [dreg:$0xb];
	[sflag:s5] =	ssyncadd.s32 $0xFFFFFE80  }
0xb6: {  	[hbm:s17], [sflag:s11] =	dma.local [spmem:s15], $0x180  }
0xb7: {  	_ =	swait.ge [sflag:s5], $0x180  }
0xb8: {  	[sflag:s5] =	ssyncset.done $0x0  }
0xb9: {  	s18 =	sshrl.u32 s29, $0x3;
	s19 =	rddreg [dreg:$0xc];
	[sflag:s5] =	ssyncadd.s32 $0xFFFFFE80  }
0xba: {  	[hbm:s19], [sflag:s11] =	dma.local [spmem:s18], $0x180  }
0xbb: {  	_ =	swait.ge [sflag:s5], $0x180  }
0xbc: {  	[sflag:s5] =	ssyncset.done $0x0  }
0xbd: {  	s15 =	sshrl.u32 s30, $0x3;
	s17 =	rddreg [dreg:$0xd];
	[sflag:s5] =	ssyncadd.s32 $0xFFFFFE80  }
0xbe: {  	[hbm:s17], [sflag:s11] =	dma.local [spmem:s15], $0x180  }
0xbf: {  	_ =	swait.ge [sflag:s5], $0x180  }
0xc0: {  	[sflag:s5] =	ssyncset.done $0x0  }
0xc1: {  	s18 =	sshrl.u32 s31, $0x3;
	s19 =	rddreg [dreg:$0xe];
	[sflag:s5] =	ssyncadd.s32 $0xFFFFFE80  }
0xc2: {  	[hbm:s19], [sflag:s11] =	dma.local [spmem:s18], $0x180  }
0xc3: {  	_ =	swait.ge [sflag:s5], $0x180  }
0xc4: {  	[sflag:s5] =	ssyncset.done $0x0  }
0xc5: {  	s15 =	sshrl.u32 s14, $0x3;
	s17 =	rddreg [dreg:$0xf];
	[sflag:s5] =	ssyncadd.s32 $0xFFFFFE80  }
0xc6: {  	[hbm:s17], [sflag:s11] =	dma.local [spmem:s15], $0x180  }
0xc7: {  	_ =	swait.ge [sflag:s5], $0x180  }
0xc8: {  	[sflag:s5] =	ssyncset.done $0x0  }
0xc9: {  	s18 =	sshrl.u32 s0, $0x3;
	s19 =	rddreg [dreg:$0x10];
	[sflag:s5] =	ssyncadd.s32 $0xFFFFFE80  }
0xca: {  	[hbm:s19], [sflag:s11] =	dma.local [spmem:s18], $0x180  }
0xcb: {  	_ =	swait.ge [sflag:s5], $0x180  }
0xcc: {  	s10 =	sadd.s32 $0x1, s10;
	[sflag:s5] =	ssyncset.done $0x0  }
0xcd: {  	p1 =	sne.s32 s10, s2;
	s12 =	sshrl.u32 @!p0 s3, $0x3;
	[sflag:s5] =	ssyncadd.s32 $0xFFFFFE80  }
0xce: {  	[hbm:s1], [sflag:s11] =	dma.local @!p0 [spmem:s12], $0x80  }
.Ltmp2:
0xcf: {  	_ = 	snop;
	(pc) =	sbr.rel @p1 .LBB2_1-.Ltmp2, $4  }
0xd0: {  	s11 =	simm.s32 @!p0 $0x2  }
0xd1: {  	_ =	swait.ge @!p0 [sflag:s11], $0x80  }
0xd2: {  	[sflag:s11] =	ssyncset.done @!p0 $0x0  }
0xd3: {  	[sflag:s11] =	ssyncadd.s32 @!p0 $0xFFFFFF80  }
0xd4: {  	_ =	sfence.sel $0x180000  }
0xd5: {  	[bflag:$0x0] =	sbarrier.arrive $0xFFFF  }
0xd6: {  	_ =	strace $0x9000004D  }
0xd7: {  	s0 =	stileid.u32;
	[bflag:$0x2] =	sbarrier.arrive $0xFFFF  }
0xd8: {  	p0 =	sne.s32 s0, $0x0;
	s0 =	rddreg [dreg:$0x3]  }
0xd9: {  	s0 =	sadd.s32 @!p0 $0x100000, s0  }
0xda: {  	[sflag:s0] =	ssyncadd.tile.s32 @!p0 $0x1;
	_ =	shalt  }
.Lfunc_end2:
_tile_overlayer_lowered:
.L_overlay_start_2:
0xdb: {  	(tag) =	ssettag $0x2  }
0xdc: {  	s0 =	rddreg [dreg:$0x0];
	s2 =	stileid.u32  }
0xdd: {  	s1 =	rddreg [dreg:$0x1];
	p0 =	sne.s32 s2, $0x0  }
0xde: {  	s3 =	rddreg [dreg:$0x2];
	[bflag:$0x3] =	sbarrier.arrive $0xFFFF;
	s2 =	simm.s32 @!p0 $0x1C02  }
0xdf: {  	[timem:s3], [sflag:s2] =	dma.local @!p0 [hbm:s0], s1  }
0xe0: {  	s0 =	simm.s32 @!p0 $0x2  }
0xe1: {  	_ =	swait.ge @!p0 [sflag:s0], s1  }
0xe2: {  	s1 =	ssub.s32 @!p0 $0x0, s1;
	[sflag:s0] =	ssyncset.done @!p0 $0x0  }
0xe3: {  	[sflag:s0] =	ssyncadd.s32 @!p0 s1  }
0xe4: {  	[bflag:$0x3] =	sbarrier.arrive $0xFFFF  }
0xe5: {  	_ =	shalt  }

// kernel: kernel.8.cloned.1.call-start
scs
__scs_entry_jumppad:
0x0: {  	(pc) =	sbr.rel $0x88, $3  }
0x1: {  	(tag) =	ssettag $0x0;
	lr =	simm.s32 $0x1  }
0x2: {  	[smem:$0x3F9B] =	sst lr;
	_ =	strace $0xD0000000  }
0x3: {  	_ = 	snop  }
0x4: {  	_ = 	snop  }
0x5: {  	_ = 	snop  }
0x6: {  	_ = 	snop  }
0x7: {  	_ = 	snop  }
__scs_overlays_trampoline_lowered:
0x8: {  	[smem:$0x3FAA] =	sst s0  }
0x9: {  	[smem:$0x3FAB] =	sst s1  }
0xa: {  	[smem:$0x3FAC] =	sst s2  }
0xb: {  	[smem:$0x3FAD] =	sst s3  }
0xc: {  	[smem:$0x3FAE] =	sst s4  }
0xd: {  	[smem:$0x3FAF] =	sst s5  }
0xe: {  	[smem:$0x3FB0] =	sst s6  }
0xf: {  	[smem:$0x3FB1] =	sst s7  }
0x10: {  	[smem:$0x3FB2] =	sst s8  }
0x11: {  	[smem:$0x3FB3] =	sst s9;
	s0 =	simm.s32 @!p0 $0x0  }
0x12: {  	s1 =	sld [smem:$0x3F99];
	s0 =	simm.s32 @p0 $0x1  }
0x13: {  	[smem:$0x3FB4] =	sst s0;
	s0 =	simm.s32 @!p1 $0x0  }
0x14: {  	s2 =	sld [smem:$0x3F98];
	s0 =	simm.s32 @p1 $0x1  }
0x15: {  	[smem:$0x3FB5] =	sst s0;
	s0 =	simm.s32 @!p2 $0x0  }
0x16: {  	s3 =	sld [smem:$0x3FDB];
	s0 =	simm.s32 @p2 $0x1  }
0x17: {  	s4 =	simm.s32 $0x1BF5;
	[smem:$0x3FB7] =	sst s0  }
0x18: {  	s0 =	sld [smem:$0x3F9A];
	_ =	swait.ge [sflag:s4], $0x0  }
0x19: {  	s7 =	sld [smem:$0x3F9B]  }
0x1a: {  	s8 =	sadd.s32 $0xFFFFE003, lr  }
0x1b: {  	s9 =	sadd.s32 $0xFFFFFEF7, lr;
	s5 =	simm.s32 $0xFFFFFFFF;
	p2 =	slt.u32 s8, $0xFFFFF086  }
0x1c: {  	p1 =	slt.u32 s9, $0xF7A;
	s5 =	simm.s32 @!p2 $0x0  }
0x1d: {  	s5 =	simm.s32 @p1 $0x1;
	p0 =	seq.s32 s7, s2  }
0x1e: {  	s7 =	smul.u32 @!p0 $0xF7A, s2;
	p2 =	seq.s32 @!p0 s5, $0x0  }
0x1f: {  	s9 =	smul.u32 $0xF7A, s1;
	s8 =	simm.s32 @!p0 $0x1BF5;
	p2 =	por !p2, p0  }
0x20: {  	[sflag:s8] =	ssyncset.s32 @!p0 $0xFFFFF086;
	s6 =	sadd.s32 @!p0 s3, s7;
	s7 =	simm.s32 @!p0 $0x108  }
0x21: {  	s3 =	sadd.s32 s3, s9;
	s6 =	sadd.s32 @!p0 $0x88, s6;
	s7 =	simm.s32 @p2 $0x1082  }
0x22: {  	[simem:s7], [sflag:s8] =	dma.local @!p0 [hbm:s6], $0xF7A  }
0x23: {  	s9 =	sor.u32 $0xD0000000, s2;
	s6 =	simm.s32 $0x108;
	_ =	swait.ge @!p0 [sflag:s8], $0x0  }
0x24: {  	s3 =	sadd.s32 $0x88, s3;
	s6 =	simm.s32 @!p1 $0x1082;
	[sflag:s4] =	ssyncset.s32 $0xFFFFF086  }
0x25: {  	[simem:s6], [sflag:s4] =	dma.local [hbm:s3], $0xF7A  }
0x26: {  	[smem:$0x3F9B] =	sst s1;
	(tag) =	ssettag s2;
	_ =	strace s9  }
0x27: {  	s1 =	sld [smem:$0x3FAB]  }
0x28: {  	s2 =	sld [smem:$0x3FAC]  }
0x29: {  	s4 =	sld [smem:$0x3FAE]  }
0x2a: {  	p0 =	seq.s32 s5, $0x0;
	s5 =	sld [smem:$0x3FAF]  }
0x2b: {  	s6 =	sld [smem:$0x3FB0]  }
0x2c: {  	s7 =	sld [smem:$0x3FB1]  }
0x2d: {  	s3 =	simm.s32 $0x108;
	s8 =	sld [smem:$0x3FB2]  }
0x2e: {  	s3 =	simm.s32 @!p0 $0x1082;
	s9 =	sld [smem:$0x3FB3]  }
0x2f: {  	lr =	sadd.s32 s0, s3;
	s0 =	sld [smem:$0x3FAA]  }
0x30: {  	s3 =	sld [smem:$0x3FAD]  }
0x31: {  	[smem:$0x3FB6] =	sst s10  }
0x32: {  	s10 =	sld [smem:$0x3FB4];
	_ =	sdelay $0x3  }
0x33: {  	p0 =	seq.s32 s10, $0x1;
	s10 =	sld [smem:$0x3FB6];
	_ =	sdelay $0x3  }
0x34: {  	[smem:$0x3FB6] =	sst s10  }
0x35: {  	s10 =	sld [smem:$0x3FB5];
	_ =	sdelay $0x3  }
0x36: {  	p1 =	seq.s32 s10, $0x1;
	s10 =	sld [smem:$0x3FB6];
	_ =	sdelay $0x3  }
0x37: {  	[smem:$0x3FB6] =	sst s10  }
0x38: {  	s10 =	sld [smem:$0x3FB7]  }
0x39: {  	_ = 	snop;
	(pc) =	sbr.ind lr, $3  }
0x3a: {  	_ = 	snop  }
0x3b: {  	_ = 	snop  }
0x3c: {  	p2 =	seq.s32 s10, $0x1;
	s10 =	sld [smem:$0x3FB6]  }
0x3d: {  	_ =	shalt  }
0x3e: {  	_ =	shalt  }
0x3f: {  	_ =	shalt  }
0x40: {  	_ =	shalt  }
0x41: {  	_ =	shalt  }
0x42: {  	_ =	shalt  }
0x43: {  	_ =	shalt  }
0x44: {  	_ =	shalt  }
0x45: {  	_ =	shalt  }
0x46: {  	_ =	shalt  }
0x47: {  	_ =	shalt  }
0x48: {  	_ =	shalt  }
0x49: {  	_ =	shalt  }
0x4a: {  	_ =	shalt  }
0x4b: {  	_ =	shalt  }
0x4c: {  	_ =	shalt  }
0x4d: {  	_ =	shalt  }
0x4e: {  	_ =	shalt  }
0x4f: {  	_ =	shalt  }
0x50: {  	_ =	shalt  }
0x51: {  	_ =	shalt  }
0x52: {  	_ =	shalt  }
0x53: {  	_ =	shalt  }
0x54: {  	_ =	shalt  }
0x55: {  	_ =	shalt  }
0x56: {  	_ =	shalt  }
0x57: {  	_ =	shalt  }
0x58: {  	_ =	shalt  }
0x59: {  	_ =	shalt  }
0x5a: {  	_ =	shalt  }
0x5b: {  	_ =	shalt  }
0x5c: {  	_ =	shalt  }
0x5d: {  	_ =	shalt  }
0x5e: {  	_ =	shalt  }
0x5f: {  	_ =	shalt  }
0x60: {  	_ =	shalt  }
0x61: {  	_ =	shalt  }
0x62: {  	_ =	shalt  }
0x63: {  	_ =	shalt  }
0x64: {  	_ =	shalt  }
0x65: {  	_ =	shalt  }
0x66: {  	_ =	shalt  }
0x67: {  	_ =	shalt  }
0x68: {  	_ =	shalt  }
0x69: {  	_ =	shalt  }
0x6a: {  	_ =	shalt  }
0x6b: {  	_ =	shalt  }
0x6c: {  	_ =	shalt  }
0x6d: {  	_ =	shalt  }
0x6e: {  	_ =	shalt  }
0x6f: {  	_ =	shalt  }
0x70: {  	_ =	shalt  }
0x71: {  	_ =	shalt  }
0x72: {  	_ =	shalt  }
0x73: {  	_ =	shalt  }
0x74: {  	_ =	shalt  }
0x75: {  	_ =	shalt  }
0x76: {  	_ =	shalt  }
0x77: {  	_ =	shalt  }
0x78: {  	_ =	shalt  }
0x79: {  	_ =	shalt  }
0x7a: {  	_ =	shalt  }
0x7b: {  	_ =	shalt  }
0x7c: {  	_ =	shalt  }
0x7d: {  	_ =	shalt  }
0x7e: {  	_ =	shalt  }
0x7f: {  	_ =	shalt  }
0x80: {  	_ =	shalt  }
0x81: {  	_ =	shalt  }
0x82: {  	_ =	shalt  }
0x83: {  	_ =	shalt  }
0x84: {  	_ =	shalt  }
0x85: {  	_ =	shalt  }
0x86: {  	_ =	shalt  }
0x87: {  	_ =	shalt  }
.Lfunc_end0:
.L_simem_size_0:
called_computation_lowered:
.L_overlay_start_0:
0x88: {  	s2 =	sld [smem:$0x3FD9]  }
0x89: {  	s3 =	sld [smem:$0x3FFE];
	_ =	sdelay $0x1  }
0x8a: {  	s1 =	srdreg.scid  }
0x8b: {  	s0 =	sand.u32 $0x1, s1  }
0x8c: {  	s17 =	sshll.u32 s0, $0xA;
	s2 =	sadd.s32 s3, s2  }
0x8d: {  	s2 =	sadd.s32 s2, s17  }
0x8e: {  	[smem:$0x3FC2] =	sst s2  }
0x8f: {  	_ = 	snop  }
0x90: {  	s2 =	sld [smem:$0x3FD0];
	(tm) =	ssettm $0x1  }
0x91: {  	s18 =	sld [smem:$0x3FFB];
	_ =	sdelay $0x3  }
0x92: {  	_ =	strace s18  }
0x93: {  	s3 =	sld [smem:$0x3FFC];
	_ =	sdelay $0x3  }
0x94: {  	_ =	strace s3  }
0x95: {  	s3 =	sld [smem:$0x3FFD];
	_ =	sdelay $0x3  }
0x96: {  	_ =	strace s3  }
0x97: {  	_ =	strace $0x8FFFFFFF  }
0x98: {  	s19 =	sld [smem:$0x3FDB];
	_ =	sdelay $0x1  }
0x99: {  	s4 =	simm.s32 $_scs_section_size  }
0x9a: {  	s5 =	simm.s32 $_size__tile_overlayer_lowered;
	s6 =	simm.s32 $_tile_overlayer_lowered  }
0x9b: {  	s22 =	simm.s32 $0x1BFF;
	s21 =	sshll.u32 s6, $0x1;
	s3 =	sadd.s32 s4, s19  }
0x9c: {  	s7 =	simm.s32 $0x0;
	s20 =	sshll.u32 s5, $0x1;
	s5 =	sadd.s32 s21, s3  }
0x9d: {  	[timem:s7], [sflag:s22] =	dma.local [hbm:s5], s20  }
0x9e: {  	_ =	swait.ge [sflag:s22], s20  }
0x9f: {  	s4 =	ssub.s32 $0x0, s20;
	[sflag:s22] =	ssyncset.done $0x0  }
0xa0: {  	[sflag:s22] =	ssyncadd.s32 s4;
	_ =	sdelay $0x1  }
0xa1: {  	s23 =	simm.s32 $0x1B8B  }
0xa2: {  	_ =	swait.ge [sflag:s23], $0x1  }
0xa3: {  	[sflag:s23] =	ssyncset.done $0x0  }
0xa4: {  	s25 =	simm.s32 $0x1B8E;
	s24 =	sld [smem:$0x3FFE];
	[sflag:s23] =	ssyncadd.s32 $0xFFFFFFFF  }
0xa5: {  	s26 =	simm.s32 $execute0_lowered;
	[smem:$0x3FD2] =	sst s25  }
0xa6: {  	s5 =	sshll.u32 s26, $0x1;
	_ =	strace $0x80000046;
	[dreg:$0x1] =	wrdreg $0xFFFFFFFF  }
0xa7: {  	s28 =	simm.s32 $_size_execute0_lowered;
	s3 =	sadd.s32 s3, s5;
	[dreg:$0x0] =	wrdreg $0x0  }
0xa8: {  	s5 =	sshll.u32 s28, $0x1;
	[dreg:$0x2] =	wrdreg s3  }
0xa9: {  	[dreg:$0x3] =	wrdreg s5  }
0xaa: {  	[dreg:$0x4] =	wrdreg $0xC0  }
0xab: {  	_ =	task [dreg:s7], $0x5FFFF  }
0xac: {  	[dreg:$0x1] =	wrdreg $0xFFFFFFFF  }
0xad: {  	[dreg:$0x0] =	wrdreg $0x60  }
0xae: {  	[dreg:$0x2] =	wrdreg s24  }
0xaf: {  	[dreg:$0x3] =	wrdreg s2  }
0xb0: {  	[dreg:$0x4] =	wrdreg $0x0  }
0xb1: {  	[dreg:$0x5] =	wrdreg $0x9  }
0xb2: {  	_ =	task.clear_ibuf [dreg:s7], $0x6FFFF;
	_ =	strace $0x90000046  }
0xb3: {  	s29 =	simm.s32 $0x9;
	_ =	strace $0x80000048  }
0xb4: {  	_ =	swait.ge [sflag:s29], $0x1  }
0xb5: {  	[sflag:s29] =	ssyncadd.s32 $0xFFFFFFFF  }
0xb6: {  	_ =	strace $0x90000048  }
0xb7: {  	_ =	sfence  }
0xb8: {  	s30 =	sld [smem:$0x0];
	_ =	sdelay $0x2  }
0xb9: {  	s31 =	sshll.u32 s1, $0xD;
	s1 =	sshrl.u32 s1, $0x2  }
0xba: {  	s3 =	sand.u32 $0x4000, s31;
	s1 =	sadd.s32 s1, s30  }
0xbb: {  	s0 =	sor.u32 s3, s0;
	s1 =	sshll.u32 s1, $0x11  }
0xbc: {  	s0 =	sor.u32 s1, s0  }
0xbd: {  	s0 =	sadd.s32 $0x8F2B, s0  }
0xbe: {  	[sflag:s0] =	ssyncadd.remote.s32 $0x1  }
0xbf: {  	_ =	sfence.sel $0xFFFF  }
0xc0: {  	[dreg:$0x0] =	wrdreg $0xFFFFFFFF;
	(pc) =	sbr.abs _section_cstart, $3  }
0xc1: {  	[dreg:$0x1] =	wrdreg $0xFFFFFFFF  }
0xc2: {  	_ =	task.clear_ibuf [dreg:s7], $0x2FFFF;
	_ =	strace $0x9FFFFFFF  }
0xc3: {  	(tm) =	ssettm $0x7FFFFFFF  }
tec
execute0_lowered:
.L_overlay_start_1:
0x0: {  	(tag) =	ssettag $0x1  }
0x1: {  	s0 =	srdreg.scid  }
0x2: {  	s2 =	rddreg [dreg:$0x0];
	s4 =	sand.u32 $0x1, s0  }
0x3: {  	s6 =	stileid.u32;
	s3 =	rddreg [dreg:$0x1];
	s0 =	sshll.u32 s4, $0x4  }
0x4: {  	s1 =	simm.s32 $0x0;
	s0 =	sor.u32 s6, s0;
	s6 =	smul.u32 $0x2700, s6  }
0x5: {  	[smem:$0x7FF] =	sst s1;
	s5 =	ssub.s32 $0x2, s4;
	s4 =	smul.u32 $0x27100, s4  }
0x6: {  	s15 =	sshrl.u32 s5, $0x1;
	s0 =	smul.u32 $0x4E2, s0;
	s7 =	sadd.s32 $0x600, s6  }
0x7: {  	s8 =	sadd.s32 $0x900, s6;
	s14 =	sadd.s32 $0xC00, s6;
	s22 =	sadd.s32 $0xF00, s6  }
0x8: {  	s23 =	sadd.s32 $0x1200, s6;
	s24 =	sadd.s32 $0x1500, s6;
	s25 =	sadd.s32 $0x1800, s6  }
0x9: {  	s26 =	sadd.s32 $0x1B00, s6;
	s9 =	sadd.s32 s6, s4;
	s28 =	sadd.s32 $0x1E00, s6  }
0xa: {  	s29 =	sadd.s32 $0x2100, s6;
	s30 =	sadd.s32 $0x2400, s6;
	s0 =	sadd.s32 s0, s2  }
0xb: {  	s2 =	ssub.s32 s5, s15;
	s5 =	sadd.s32 $0x300, s6;
	s9 =	sshrl.u32 s9, $0x3  }
0xc: {  	s11 =	sadd.s32 s4, s7;
	s19 =	sadd.s32 s4, s8;
	s20 =	sadd.s32 s4, s14  }
0xd: {  	s21 =	sadd.s32 s4, s22;
	s10 =	sadd.s32 s4, s5;
	s9 =	sadd.s32 s3, s9  }
0xe: {  	s17 =	sshrl.u32 s11, $0x3;
	s12 =	sshrl.u32 s20, $0x3;
	s13 =	sshrl.u32 s21, $0x3  }
0xf: {  	s21 =	sadd.s32 s4, s26;
	s31 =	sadd.s32 $0xBA00, s0;
	s0 =	smax.u32 s2, $0x1  }
0x10: {  	[dreg:$0x4] =	wrdreg s9;
	s16 =	sshrl.u32 s10, $0x3;
	s18 =	sadd.s32 s3, s17  }
0x11: {  	s15 =	sadd.s32 s3, s13;
	s17 =	sadd.s32 s4, s24;
	s11 =	sshrl.u32 s21, $0x3  }
0x12: {  	s13 =	sadd.s32 s4, s29;
	s9 =	sadd.s32 s3, s16;
	[dreg:$0x6] =	wrdreg s18  }
0x13: {  	[dreg:$0x9] =	wrdreg s15;
	s16 =	sadd.s32 s4, s23;
	s18 =	sadd.s32 s4, s25  }
0x14: {  	s11 =	sadd.s32 s3, s11;
	s13 =	sshrl.u32 s13, $0x3;
	s15 =	sadd.s32 s4, s30  }
0x15: {  	[dreg:$0x5] =	wrdreg s9;
	s9 =	sshrl.u32 s19, $0x3;
	s19 =	sshrl.u32 s17, $0x3  }
0x16: {  	s20 =	sshrl.u32 s18, $0x3;
	s13 =	sadd.s32 s3, s13;
	s9 =	sadd.s32 s3, s9  }
0x17: {  	s10 =	sadd.s32 s3, s20;
	[dreg:$0x7] =	wrdreg s9;
	s9 =	sadd.s32 s3, s12  }
0x18: {  	s12 =	sadd.s32 s4, s28;
	s4 =	sshrl.u32 s4, $0x3;
	[dreg:$0x8] =	wrdreg s9  }
0x19: {  	s9 =	sshrl.u32 s16, $0x3;
	s12 =	sshrl.u32 s12, $0x3;
	s16 =	sshrl.u32 s15, $0x3  }
0x1a: {  	s15 =	rddreg [dreg:$0x2];
	s9 =	sadd.s32 s3, s9;
	s12 =	sadd.s32 s3, s12  }
0x1b: {  	s16 =	sadd.s32 s3, s16;
	s17 =	sadd.s32 s6, s15;
	s18 =	sadd.s32 s5, s15  }
0x1c: {  	s20 =	sadd.s32 s8, s15;
	s21 =	sadd.s32 s14, s15;
	s22 =	sadd.s32 s22, s15  }
0x1d: {  	s23 =	sadd.s32 s23, s15;
	s24 =	sadd.s32 s24, s15;
	s25 =	sadd.s32 s25, s15  }
0x1e: {  	s26 =	sadd.s32 s26, s15;
	s28 =	sadd.s32 s28, s15;
	s29 =	sadd.s32 s29, s15  }
0x1f: {  	s30 =	sadd.s32 s30, s15;
	s2 =	sadd.s32 $0x27000, s15;
	s5 =	simm.s32 $0x50  }
0x20: {  	s6 =	simm.s32 $0x4E20;
	[dreg:$0xa] =	wrdreg s9;
	s9 =	sadd.s32 s3, s19  }
0x21: {  	s3 =	sadd.s32 s3, s4;
	s19 =	sadd.s32 s7, s15;
	s4 =	simm.s32 $0x1  }
0x22: {  	[dreg:$0xb] =	wrdreg s9;
	s14 =	sadd.s32 $0x4E00, s3;
	s9 =	stileid.u32  }
0x23: {  	v0 =	vimm.f32 $0.0e+00;
	v1 =	vimm.f32 $1.000000000e+00;
	s3 =	simm.s32 $0x5320;
	_ =	strace $0x80000047;
	p0 =	sne.s32 s9, $0xF  }
.LBB2_1:
0x24: {  	[tilespmem:$0x5320] =	vst v0  }
0x25: {  	[tilespmem:$0x5330] =	vst v0  }
0x26: {  	[tilespmem:$0x5340] =	vst v0  }
0x27: {  	[tilespmem:$0x5350] =	vst v0  }
0x28: {  	[tilespmem:$0x5360] =	vst v0  }
0x29: {  	[tilespmem:$0x5370] =	vst v0  }
0x2a: {  	[tilespmem:$0x5380] =	vst v0  }
0x2b: {  	[tilespmem:$0x5390] =	vst v0  }
0x2c: {  	[tilespmem:$0x53A0] =	vst v0  }
0x2d: {  	[tilespmem:$0x53B0] =	vst v0  }
0x2e: {  	[tilespmem:$0x53C0] =	vst v0  }
0x2f: {  	[tilespmem:$0x53D0] =	vst v0  }
0x30: {  	[tilespmem:$0x53E0] =	vst v0  }
0x31: {  	[tilespmem:$0x53F0] =	vst v0  }
0x32: {  	[tilespmem:$0x5400] =	vst v0  }
0x33: {  	[tilespmem:$0x5410] =	vst v0  }
0x34: {  	[tilespmem:$0x5420] =	vst v0  }
0x35: {  	[tilespmem:$0x5430] =	vst v0  }
0x36: {  	[tilespmem:$0x5440] =	vst v0  }
0x37: {  	[tilespmem:$0x5450] =	vst v0  }
0x38: {  	[tilespmem:$0x5460] =	vst v0  }
0x39: {  	[tilespmem:$0x5470] =	vst v0  }
0x3a: {  	[tilespmem:$0x5480] =	vst v0  }
0x3b: {  	[tilespmem:$0x5490] =	vst v0  }
0x3c: {  	[tilespmem:$0x54A0] =	vst v0  }
0x3d: {  	[tilespmem:$0x54B0] =	vst v0  }
0x3e: {  	[tilespmem:$0x54C0] =	vst v0  }
0x3f: {  	[tilespmem:$0x54D0] =	vst v0  }
0x40: {  	[tilespmem:$0x54E0] =	vst v0  }
0x41: {  	[tilespmem:$0x54F0] =	vst v0  }
0x42: {  	[tilespmem:$0x5500] =	vst v0  }
0x43: {  	[tilespmem:$0x5510] =	vst v0  }
0x44: {  	[tilespmem:$0x5520] =	vst v0  }
0x45: {  	[tilespmem:$0x5530] =	vst v0  }
0x46: {  	[tilespmem:$0x5540] =	vst v0  }
0x47: {  	[tilespmem:$0x5550] =	vst v0  }
0x48: {  	[tilespmem:$0x5560] =	vst v0  }
0x49: {  	[tilespmem:$0x5570] =	vst v0  }
0x4a: {  	[tilespmem:$0x5580] =	vst v0  }
0x4b: {  	[tilespmem:$0x5590] =	vst v0  }
0x4c: {  	[tilespmem:$0x55A0] =	vst v0  }
0x4d: {  	[tilespmem:$0x55B0] =	vst v0  }
0x4e: {  	[tilespmem:$0x55C0] =	vst v0  }
0x4f: {  	[tilespmem:$0x55D0] =	vst v0  }
0x50: {  	[tilespmem:$0x55E0] =	vst v0  }
0x51: {  	[tilespmem:$0x55F0] =	vst v0  }
0x52: {  	[tilespmem:$0x5600] =	vst v0  }
0x53: {  	[tilespmem:$0x5610] =	vst v0;
	s7 =	simm.s32 $0x40;
	s8 =	simm.s32 $0x0  }
.LBB2_2:
0x54: {  	p1 =	sne.s32 s7, $0x13C0;
	[tilespmem:s8+$0x4E20] =	vst v1;
	s8 =	smov.u32 s7;
	s7 =	sadd.s32 $0x40, s7  }
.Ltmp0:
0x55: {  	(pc) =	sbr.rel @p1 .LBB2_2-.Ltmp0, $2  }
0x56: {  	_ =	sdelay $0x2  }
0x57: {  	s8 =	sshra.s32 s8, $0x2  }
0x58: {  	[tilespmem:s8+$0x4E20] =	vst v1  }
0x59: {  	[spmem:s17] =	stream.linear.scatter [tilespmem:s3], [sflag:$0x1], $0x300, $0x38;
	[tilespmem:$0x5620] =	vst v63  }
0x5a: {  	_ =	swait.ge [sflag:s4], $0x300  }
0x5b: {  	[sflag:s4] =	ssyncset.done $0x0  }
0x5c: {  	[sflag:s4] =	ssyncadd.s32 $0xFFFFFD00  }
0x5d: {  	[spmem:s18] =	stream.linear.scatter [tilespmem:s3], [sflag:$0x1], $0x300, $0x38;
	[tilespmem:$0x5620] =	vst v63  }
0x5e: {  	_ =	swait.ge [sflag:s4], $0x300  }
0x5f: {  	[sflag:s4] =	ssyncset.done $0x0  }
0x60: {  	[sflag:s4] =	ssyncadd.s32 $0xFFFFFD00  }
0x61: {  	[spmem:s19] =	stream.linear.scatter [tilespmem:s3], [sflag:$0x1], $0x300, $0x38;
	[tilespmem:$0x5620] =	vst v63  }
0x62: {  	_ =	swait.ge [sflag:s4], $0x300  }
0x63: {  	[sflag:s4] =	ssyncset.done $0x0  }
0x64: {  	[sflag:s4] =	ssyncadd.s32 $0xFFFFFD00  }
0x65: {  	[spmem:s20] =	stream.linear.scatter [tilespmem:s3], [sflag:$0x1], $0x300, $0x38;
	[tilespmem:$0x5620] =	vst v63  }
0x66: {  	_ =	swait.ge [sflag:s4], $0x300  }
0x67: {  	[sflag:s4] =	ssyncset.done $0x0  }
0x68: {  	[sflag:s4] =	ssyncadd.s32 $0xFFFFFD00  }
0x69: {  	[spmem:s21] =	stream.linear.scatter [tilespmem:s3], [sflag:$0x1], $0x300, $0x38;
	[tilespmem:$0x5620] =	vst v63  }
0x6a: {  	_ =	swait.ge [sflag:s4], $0x300  }
0x6b: {  	[sflag:s4] =	ssyncset.done $0x0  }
0x6c: {  	[sflag:s4] =	ssyncadd.s32 $0xFFFFFD00  }
0x6d: {  	[spmem:s22] =	stream.linear.scatter [tilespmem:s3], [sflag:$0x1], $0x300, $0x38;
	[tilespmem:$0x5620] =	vst v63  }
0x6e: {  	_ =	swait.ge [sflag:s4], $0x300  }
0x6f: {  	[sflag:s4] =	ssyncset.done $0x0  }
0x70: {  	[sflag:s4] =	ssyncadd.s32 $0xFFFFFD00  }
0x71: {  	[spmem:s23] =	stream.linear.scatter [tilespmem:s3], [sflag:$0x1], $0x300, $0x38;
	[tilespmem:$0x5620] =	vst v63  }
0x72: {  	_ =	swait.ge [sflag:s4], $0x300  }
0x73: {  	[sflag:s4] =	ssyncset.done $0x0  }
0x74: {  	[sflag:s4] =	ssyncadd.s32 $0xFFFFFD00  }
0x75: {  	[spmem:s24] =	stream.linear.scatter [tilespmem:s3], [sflag:$0x1], $0x300, $0x38;
	[tilespmem:$0x5620] =	vst v63  }
0x76: {  	_ =	swait.ge [sflag:s4], $0x300  }
0x77: {  	[sflag:s4] =	ssyncset.done $0x0  }
0x78: {  	[sflag:s4] =	ssyncadd.s32 $0xFFFFFD00  }
0x79: {  	[spmem:s25] =	stream.linear.scatter [tilespmem:s3], [sflag:$0x1], $0x300, $0x38;
	[tilespmem:$0x5620] =	vst v63  }
0x7a: {  	_ =	swait.ge [sflag:s4], $0x300  }
0x7b: {  	[sflag:s4] =	ssyncset.done $0x0  }
0x7c: {  	[sflag:s4] =	ssyncadd.s32 $0xFFFFFD00  }
0x7d: {  	[spmem:s26] =	stream.linear.scatter [tilespmem:s3], [sflag:$0x1], $0x300, $0x38;
	[tilespmem:$0x5620] =	vst v63  }
0x7e: {  	_ =	swait.ge [sflag:s4], $0x300  }
0x7f: {  	[sflag:s4] =	ssyncset.done $0x0  }
0x80: {  	[sflag:s4] =	ssyncadd.s32 $0xFFFFFD00  }
0x81: {  	[spmem:s28] =	stream.linear.scatter [tilespmem:s3], [sflag:$0x1], $0x300, $0x38;
	[tilespmem:$0x5620] =	vst v63  }
0x82: {  	_ =	swait.ge [sflag:s4], $0x300  }
0x83: {  	[sflag:s4] =	ssyncset.done $0x0  }
0x84: {  	[sflag:s4] =	ssyncadd.s32 $0xFFFFFD00  }
0x85: {  	[spmem:s29] =	stream.linear.scatter [tilespmem:s3], [sflag:$0x1], $0x300, $0x38;
	[tilespmem:$0x5620] =	vst v63  }
0x86: {  	_ =	swait.ge [sflag:s4], $0x300  }
0x87: {  	[sflag:s4] =	ssyncset.done $0x0  }
0x88: {  	[sflag:s4] =	ssyncadd.s32 $0xFFFFFD00  }
0x89: {  	[spmem:s30] =	stream.linear.scatter [tilespmem:s3], [sflag:$0x1], $0x300, $0x38;
	[tilespmem:$0x5620] =	vst v63  }
0x8a: {  	_ =	swait.ge [sflag:s4], $0x300  }
0x8b: {  	[sflag:s4] =	ssyncset.done $0x0  }
0x8c: {  	s7 =	simm.s32 @!p0 $0x5320;
	[sflag:s4] =	ssyncadd.s32 $0xFFFFFD00  }
0x8d: {  	[spmem:s2] =	stream.linear.scatter @!p0 [tilespmem:s7], [sflag:$0x1], $0x100, $0x38;
	[tilespmem:$0x5620] =	vst v63  }
0x8e: {  	s7 =	simm.s32 @!p0 $0x1  }
0x8f: {  	_ =	swait.ge @!p0 [sflag:s7], $0x100  }
0x90: {  	[sflag:s7] =	ssyncset.done @!p0 $0x0  }
0x91: {  	s8 =	simm.s32 $0x0;
	s9 =	simm.s32 $0x2710;
	[sflag:s7] =	ssyncadd.s32 @!p0 $0xFFFFFF00  }
0x92: {  	[tilespmem:s9], [sflag:$0x1] =	stream.linear.gather [hbm4b:s31+s8], $0x2710, $0x38;
	[tilespmem:$0x5620] =	vst v63  }
0x93: {  	_ =	swait.ge [sflag:s4], $0x2710  }
0x94: {  	[sflag:s4] =	ssyncset.done $0x0  }
0x95: {  	[sflag:s4] =	ssyncadd.s32 $0xFFFFD8F0  }
0x96: {  	s9 =	simm.s32 $0x2710;
	[bflag:$0x0] =	sbarrier.arrive $0xFFFF  }
0x97: {  	[spmem:s15] =	stream.indirect.scatter.add.f32 [tilespmem:s6], [sflag:$0x1], $0x10, s9, s5, $0xb8;
	[tilespmem:$0x5620] =	vst v63  }
0x98: {  	s7 =	simm.s32 $0x140;
	_ =	swait.ge [sflag:s4], $0x500  }
.LBB2_4:
0x99: {  	s8 =	sshra.s32 s7, $0x2;
	[sflag:s4] =	ssyncset.done $0x0;
	p1 =	sne.s32 s7, $0x9B00  }
.Ltmp1:
0x9a: {  	s8 =	sadd.s32 $0x2710, s8;
	[sflag:s4] =	ssyncadd.s32 $0xFFFFFB00;
	(pc) =	sbr.rel @p1 .LBB2_4-.Ltmp1, $3  }
0x9b: {  	[spmem:s15] =	stream.indirect.scatter.add.f32 [tilespmem:s6], [sflag:$0x1], $0x10, s8, s5, $0xb8;
	[tilespmem:$0x5620] =	vst v63  }
0x9c: {  	s7 =	sadd.s32 $0x140, s7;
	_ =	sdelay $0x1  }
0x9d: {  	_ =	swait.ge [sflag:s4], $0x500  }
0x9e: {  	[sflag:s4] =	ssyncset.done $0x0  }
0x9f: {  	s7 =	stileid.u32;
	[sflag:s4] =	ssyncadd.s32 $0xFFFFFB00  }
0xa0: {  	s7 =	sshll.u32 s7, $0x6;
	[bflag:$0x0] =	sbarrier.arrive $0xFFFF  }
0xa1: {  	s8 =	sshrl.u32 s17, $0x3;
	s7 =	sor.u32 $0x1C01, s7;
	s9 =	rddreg [dreg:$0x4]  }
0xa2: {  	[hbm:s9], [sflag:s7] =	dma.local [spmem:s8], $0x60  }
0xa3: {  	_ =	swait.ge [sflag:s4], $0x60  }
0xa4: {  	[sflag:s4] =	ssyncset.done $0x0  }
0xa5: {  	s8 =	sshrl.u32 s18, $0x3;
	s9 =	rddreg [dreg:$0x5];
	[sflag:s4] =	ssyncadd.s32 $0xFFFFFFA0  }
0xa6: {  	[hbm:s9], [sflag:s7] =	dma.local [spmem:s8], $0x60  }
0xa7: {  	_ =	swait.ge [sflag:s4], $0x60  }
0xa8: {  	[sflag:s4] =	ssyncset.done $0x0  }
0xa9: {  	s8 =	sshrl.u32 s19, $0x3;
	s9 =	rddreg [dreg:$0x6];
	[sflag:s4] =	ssyncadd.s32 $0xFFFFFFA0  }
0xaa: {  	[hbm:s9], [sflag:s7] =	dma.local [spmem:s8], $0x60  }
0xab: {  	_ =	swait.ge [sflag:s4], $0x60  }
0xac: {  	[sflag:s4] =	ssyncset.done $0x0  }
0xad: {  	s8 =	sshrl.u32 s20, $0x3;
	s9 =	rddreg [dreg:$0x7];
	[sflag:s4] =	ssyncadd.s32 $0xFFFFFFA0  }
0xae: {  	[hbm:s9], [sflag:s7] =	dma.local [spmem:s8], $0x60  }
0xaf: {  	_ =	swait.ge [sflag:s4], $0x60  }
0xb0: {  	[sflag:s4] =	ssyncset.done $0x0  }
0xb1: {  	s8 =	sshrl.u32 s21, $0x3;
	s9 =	rddreg [dreg:$0x8];
	[sflag:s4] =	ssyncadd.s32 $0xFFFFFFA0  }
0xb2: {  	[hbm:s9], [sflag:s7] =	dma.local [spmem:s8], $0x60  }
0xb3: {  	_ =	swait.ge [sflag:s4], $0x60  }
0xb4: {  	[sflag:s4] =	ssyncset.done $0x0  }
0xb5: {  	s8 =	sshrl.u32 s22, $0x3;
	s9 =	rddreg [dreg:$0x9];
	[sflag:s4] =	ssyncadd.s32 $0xFFFFFFA0  }
0xb6: {  	[hbm:s9], [sflag:s7] =	dma.local [spmem:s8], $0x60  }
0xb7: {  	_ =	swait.ge [sflag:s4], $0x60  }
0xb8: {  	[sflag:s4] =	ssyncset.done $0x0  }
0xb9: {  	s8 =	sshrl.u32 s23, $0x3;
	s9 =	rddreg [dreg:$0xa];
	[sflag:s4] =	ssyncadd.s32 $0xFFFFFFA0  }
0xba: {  	[hbm:s9], [sflag:s7] =	dma.local [spmem:s8], $0x60  }
0xbb: {  	_ =	swait.ge [sflag:s4], $0x60  }
0xbc: {  	[sflag:s4] =	ssyncset.done $0x0  }
0xbd: {  	s8 =	sshrl.u32 s24, $0x3;
	s9 =	rddreg [dreg:$0xb];
	[sflag:s4] =	ssyncadd.s32 $0xFFFFFFA0  }
0xbe: {  	[hbm:s9], [sflag:s7] =	dma.local [spmem:s8], $0x60  }
0xbf: {  	_ =	swait.ge [sflag:s4], $0x60  }
0xc0: {  	[sflag:s4] =	ssyncset.done $0x0  }
0xc1: {  	s9 =	sshrl.u32 s25, $0x3;
	[sflag:s4] =	ssyncadd.s32 $0xFFFFFFA0  }
0xc2: {  	[hbm:s10], [sflag:s7] =	dma.local [spmem:s9], $0x60  }
0xc3: {  	_ =	swait.ge [sflag:s4], $0x60  }
0xc4: {  	[sflag:s4] =	ssyncset.done $0x0  }
0xc5: {  	s9 =	sshrl.u32 s26, $0x3;
	[sflag:s4] =	ssyncadd.s32 $0xFFFFFFA0  }
0xc6: {  	[hbm:s11], [sflag:s7] =	dma.local [spmem:s9], $0x60  }
0xc7: {  	_ =	swait.ge [sflag:s4], $0x60  }
0xc8: {  	[sflag:s4] =	ssyncset.done $0x0  }
0xc9: {  	s9 =	sshrl.u32 s28, $0x3;
	[sflag:s4] =	ssyncadd.s32 $0xFFFFFFA0  }
0xca: {  	[hbm:s12], [sflag:s7] =	dma.local [spmem:s9], $0x60  }
0xcb: {  	_ =	swait.ge [sflag:s4], $0x60  }
0xcc: {  	[sflag:s4] =	ssyncset.done $0x0  }
0xcd: {  	s9 =	sshrl.u32 s29, $0x3;
	[sflag:s4] =	ssyncadd.s32 $0xFFFFFFA0  }
0xce: {  	[hbm:s13], [sflag:s7] =	dma.local [spmem:s9], $0x60  }
0xcf: {  	_ =	swait.ge [sflag:s4], $0x60  }
0xd0: {  	[sflag:s4] =	ssyncset.done $0x0  }
0xd1: {  	s9 =	sshrl.u32 s30, $0x3;
	[sflag:s4] =	ssyncadd.s32 $0xFFFFFFA0  }
0xd2: {  	[hbm:s16], [sflag:s7] =	dma.local [spmem:s9], $0x60  }
0xd3: {  	_ =	swait.ge [sflag:s4], $0x60  }
0xd4: {  	s1 =	sadd.s32 $0x1, s1;
	[sflag:s4] =	ssyncset.done $0x0  }
0xd5: {  	p1 =	sne.s32 s1, s0;
	s8 =	sshrl.u32 @!p0 s2, $0x3;
	[sflag:s4] =	ssyncadd.s32 $0xFFFFFFA0  }
0xd6: {  	[hbm:s14], [sflag:s7] =	dma.local @!p0 [spmem:s8], $0x20  }
.Ltmp2:
0xd7: {  	_ = 	snop;
	(pc) =	sbr.rel @p1 .LBB2_1-.Ltmp2, $4  }
0xd8: {  	s7 =	simm.s32 @!p0 $0x1  }
0xd9: {  	_ =	swait.ge @!p0 [sflag:s7], $0x20  }
0xda: {  	[sflag:s7] =	ssyncset.done @!p0 $0x0  }
0xdb: {  	[sflag:s7] =	ssyncadd.s32 @!p0 $0xFFFFFFE0  }
0xdc: {  	_ =	sfence.sel $0x180000  }
0xdd: {  	[bflag:$0x0] =	sbarrier.arrive $0xFFFF  }
0xde: {  	_ =	strace $0x90000047  }
0xdf: {  	s0 =	stileid.u32;
	[bflag:$0x2] =	sbarrier.arrive $0xFFFF  }
0xe0: {  	p0 =	sne.s32 s0, $0x0;
	s0 =	rddreg [dreg:$0x3]  }
0xe1: {  	s0 =	sadd.s32 @!p0 $0x100000, s0  }
0xe2: {  	[sflag:s0] =	ssyncadd.tile.s32 @!p0 $0x1;
	_ =	shalt  }
.Lfunc_end2:
_tile_overlayer_lowered:
.L_overlay_start_2:
0xe3: {  	(tag) =	ssettag $0x2  }
0xe4: {  	s0 =	rddreg [dreg:$0x0];
	s2 =	stileid.u32  }
0xe5: {  	s1 =	rddreg [dreg:$0x1];
	p0 =	sne.s32 s2, $0x0  }
0xe6: {  	s3 =	rddreg [dreg:$0x2];
	[bflag:$0x3] =	sbarrier.arrive $0xFFFF;
	s2 =	simm.s32 @!p0 $0x1C01  }
0xe7: {  	[timem:s3], [sflag:s2] =	dma.local @!p0 [hbm:s0], s1  }
0xe8: {  	s0 =	simm.s32 @!p0 $0x1  }
0xe9: {  	_ =	swait.ge @!p0 [sflag:s0], s1  }
0xea: {  	s1 =	ssub.s32 @!p0 $0x0, s1;
	[sflag:s0] =	ssyncset.done @!p0 $0x0  }
0xeb: {  	[sflag:s0] =	ssyncadd.s32 @!p0 s1  }
0xec: {  	[bflag:$0x3] =	sbarrier.arrive $0xFFFF  }
0xed: {  	_ =	shalt  }

</sc_bundles>
